<compile_context>
chip_gen: v7x
topology: tpu7x:2x2x1
jax: 0.10.2.dev20260603
libtpu: 0.0.44.dev20260713+nightly
codegen_flags: <defaults>
</compile_context>

<pallas_src>
import functools

import jax
import jax.numpy as jnp
from jax import lax
from jax.experimental import pallas as pl
from jax.experimental.pallas import tpu as pltpu
from jax.experimental.pallas import tpu_sc as plsc

N = 10000
NPAD = 10240
NR = 5120
NACC = 5248
D = 256
DH = 128
NCB = 2
EH = 80000
EPT = 5120
NCH = 40
C = 128
RROWS = 400


def _rsqrt_newton(v):
    i = lax.bitcast_convert_type(v, jnp.int32)
    i = jnp.int32(0x5F3759DF) - (i >> 1)
    y = lax.bitcast_convert_type(i, jnp.float32)
    for _ in range(3):
        y = y * (1.5 - 0.5 * v * y * y)
    return y


def _sc_body(src_hbm, dst_hbm, et_hbm, x0_hbm, x1_hbm, nrel0_hbm, nrel1_hbm,
             agg_hbm,
             src_i, dst_i, et_i, dst2_i, norm_i, nsv, ndv, xrows,
             ones_v, zdeg, deg_sp, acc_sp, sem):
    s = lax.axis_index("s")

    zeros16 = jnp.zeros((16,), jnp.float32)

    def _ov(i, _):
        ones_v[pl.ds(i * 16, 16)] = zeros16 + 1.0
        return 0
    lax.fori_loop(0, C // 16, _ov, 0)

    h = lax.axis_index("c")
    pltpu.sync_copy(src_hbm.at[h, s], src_i)
    pltpu.sync_copy(dst_hbm.at[h, s], dst_i)
    pltpu.sync_copy(et_hbm.at[h, s], et_i)

    def _zv(i, _):
        zdeg[pl.ds(i * 16, 16)] = zeros16
        return 0
    lax.fori_loop(0, 640 // 16, _zv, 0)

    pltpu.sync_copy(zdeg, deg_sp.at[pl.ds(s * 640, 640)])
    plsc.subcore_barrier()

    def _dega(ch, _):
        pltpu.sync_copy(ones_v, deg_sp.at[dst_i.at[ch]], add=True)
        return 0
    lax.fori_loop(0, NCH, _dega, 0)
    plsc.subcore_barrier()

    pltpu.sync_copy(deg_sp.at[pl.ds(s * 640, 640)], zdeg)
    plsc.subcore_barrier()

    def _newt(i, _):
        v = zdeg[pl.ds(i * 16, 16)]
        live = v >= 0.5
        y = _rsqrt_newton(jnp.maximum(v, 1.0))
        zdeg[pl.ds(i * 16, 16)] = jnp.where(live, y, 0.0)
        return 0
    lax.fori_loop(0, 640 // 16, _newt, 0)
    pltpu.sync_copy(zdeg, deg_sp.at[pl.ds(s * 640, 640)])
    plsc.subcore_barrier()

    def _norm(ch, _):
        pltpu.async_copy(deg_sp.at[src_i.at[ch]], nsv, sem).wait()
        pltpu.async_copy(deg_sp.at[dst_i.at[ch]], ndv, sem).wait()
        for j in range(8):
            norm_i[ch, pl.ds(j * 16, 16)] = (
                nsv[pl.ds(j * 16, 16)] * ndv[pl.ds(j * 16, 16)])
        return 0
    lax.fori_loop(0, NCH, _norm, 0)

    for cb in range(NCB):
        xh = (x0_hbm, x1_hbm)[cb]
        nrelh = (nrel0_hbm, nrel1_hbm)[cb]

        def _pass(p, _0):
            lo = p * NR

            def _remap(i, _):
                ch = i // 8
                j = i % 8
                dv = dst_i[ch, pl.ds(j * 16, 16)] - lo
                ok = (dv >= 0) & (dv < NR)
                dst2_i[ch, pl.ds(j * 16, 16)] = jnp.where(ok, dv, NR)
                return 0
            lax.fori_loop(0, NCH * 8, _remap, 0)

            def _zx(i, _):
                xrows[i // 8, pl.ds((i % 8) * 16, 16)] = zeros16
                return 0
            lax.fori_loop(0, C * 8, _zx, 0)
            pltpu.sync_copy(xrows, acc_sp.at[pl.ds(s * C, C)])
            pltpu.sync_copy(xrows, acc_sp.at[pl.ds((s + 16) * C, C)])

            @pl.when(s < 9)
            def _():
                pltpu.sync_copy(xrows, acc_sp.at[pl.ds((s + 32) * C, C)])
            plsc.subcore_barrier()

            def _chunk(ch, _):
                pltpu.async_copy(xh.at[src_i.at[ch]], xrows, sem).wait()
                pltpu.async_copy(nrelh.at[et_i.at[ch]], xrows, sem,
                                 add=True).wait()

                def _grp(g, _2):
                    nv = norm_i[ch, pl.ds(g * 16, 16)]
                    for eo in range(16):
                        nrm = nv[eo]
                        row = g * 16 + eo
                        for j in range(8):
                            xv = xrows[row, pl.ds(j * 16, 16)]
                            xrows[row, pl.ds(j * 16, 16)] = xv * nrm
                    return 0
                lax.fori_loop(0, 8, _grp, 0)

                pltpu.sync_copy(xrows, acc_sp.at[dst2_i.at[ch]], add=True)
                return 0
            lax.fori_loop(0, NCH, _chunk, 0)
            plsc.subcore_barrier()

            pltpu.sync_copy(
                acc_sp.at[pl.ds(s * 320, 320)],
                agg_hbm.at[h, cb, pl.ds(lo + s * 320, 320)])
            plsc.subcore_barrier()
            return 0
        lax.fori_loop(0, 2, _pass, 0)


def _tc_node_body(ain_ref, aout_ref, x_ref, win_ref, wout_ref, wloop_ref,
                  lr_ref, b_ref, out_ref):
    acc = jnp.dot(ain_ref[...], win_ref[...],
                  preferred_element_type=jnp.float32)
    acc += jnp.dot(aout_ref[...], wout_ref[...],
                   preferred_element_type=jnp.float32)
    acc += jnp.dot(x_ref[...] - lr_ref[...], wloop_ref[...],
                   preferred_element_type=jnp.float32)
    out_ref[...] = jnp.tanh(acc * (1.0 / 3.0) + b_ref[...])


def _tc_rel_body(rel_ref, w_ref, out_ref):
    out_ref[...] = jnp.dot(rel_ref[...], w_ref[...],
                           preferred_element_type=jnp.float32)


def kernel(x, edge_index, edge_type, rel_embed, loop_rel, W_in, W_out,
           W_loop, W_rel, bias):
    half = EH

    def prep(idx, pad):
        a = idx.reshape(2, 16, EH // 16)
        p = jnp.full((2, 16, EPT - EH // 16), pad, jnp.int32)
        return jnp.concatenate([a, p], axis=-1).reshape(2, 16, NCH, C)

    src_a = prep(edge_index[0].reshape(2, half), 0)
    dst_a = prep(edge_index[1].reshape(2, half), N)
    et_a = prep(edge_type.reshape(2, half), 0)

    xs = [x[:, i * DH:(i + 1) * DH] for i in range(NCB)]
    nrel = -rel_embed
    rels = [nrel[:, i * DH:(i + 1) * DH] for i in range(NCB)]

    sc = functools.partial(
        pl.kernel,
        out_type=jax.ShapeDtypeStruct((2, NCB, NPAD, DH), jnp.float32),
        mesh=plsc.VectorSubcoreMesh(core_axis_name="c", subcore_axis_name="s"),
        scratch_types=[
            pltpu.VMEM((NCH, C), jnp.int32),
            pltpu.VMEM((NCH, C), jnp.int32),
            pltpu.VMEM((NCH, C), jnp.int32),
            pltpu.VMEM((NCH, C), jnp.int32),
            pltpu.VMEM((NCH, C), jnp.float32),
            pltpu.VMEM((C,), jnp.float32),
            pltpu.VMEM((C,), jnp.float32),
            pltpu.VMEM((C, DH), jnp.float32),
            pltpu.VMEM((C,), jnp.float32),
            pltpu.VMEM((640,), jnp.float32),
            pltpu.VMEM_SHARED((NPAD,), jnp.float32),
            pltpu.VMEM_SHARED((NACC, DH), jnp.float32),
            pltpu.SemaphoreType.DMA,
        ],
    )(_sc_body)
    agg = sc(src_a, dst_a, et_a, *xs, *rels)

    agg_in = jnp.concatenate([agg[0, i, :N] for i in range(NCB)], axis=-1)
    agg_out = jnp.concatenate([agg[1, i, :N] for i in range(NCB)], axis=-1)

    B = 1000
    out = pl.pallas_call(
        _tc_node_body,
        grid=(N // B,),
        in_specs=[
            pl.BlockSpec((B, D), lambda i: (i, 0)),
            pl.BlockSpec((B, D), lambda i: (i, 0)),
            pl.BlockSpec((B, D), lambda i: (i, 0)),
            pl.BlockSpec((D, D), lambda i: (0, 0)),
            pl.BlockSpec((D, D), lambda i: (0, 0)),
            pl.BlockSpec((D, D), lambda i: (0, 0)),
            pl.BlockSpec((1, D), lambda i: (0, 0)),
            pl.BlockSpec((1, D), lambda i: (0, 0)),
        ],
        out_specs=pl.BlockSpec((B, D), lambda i: (i, 0)),
        out_shape=jax.ShapeDtypeStruct((N, D), jnp.float32),
    )(agg_in, agg_out, x, W_in, W_out, W_loop, loop_rel,
      bias.reshape(1, D))

    r_out = pl.pallas_call(
        _tc_rel_body,
        out_shape=jax.ShapeDtypeStruct((RROWS, D), jnp.float32),
    )(rel_embed, W_rel)

    return out, r_out

# --- scband reference (transcript-rebuilt; emitter-appended) ---
"""Pipeline reference for scband-comp-gcn-conv-e-13503377179029 (READ-ONLY COPY).

The authoritative reference and input builder live on the scoring server;
editing this copy changes nothing except your own understanding.
"""

import jax, jax.numpy as jnp
import numpy as np

N = 10000   # num entities
E = 160000  # num edges (first half 'in' direction, second half 'out')
D = 256     # embed dim
R = 200     # num relations (rel_embed has 2R rows: forward + inverse)


def setup_inputs(seed: int = 0) -> dict:
    key = jax.random.key(seed)
    ks = jax.random.split(key, 10)
    x = jax.random.normal(ks[0], (N, D), dtype=jnp.float32)
    edge_index = jax.random.randint(ks[1], (2, E), 0, N, dtype=jnp.int32)
    edge_type = jax.random.randint(ks[2], (E,), 0, 2 * R, dtype=jnp.int32)
    rel_embed = jax.random.normal(ks[3], (2 * R, D), dtype=jnp.float32) * 0.1
    loop_rel = jax.random.normal(ks[4], (1, D), dtype=jnp.float32) * 0.1
    sc = 1.0 / np.sqrt(D)
    W_in = jax.random.normal(ks[5], (D, D), dtype=jnp.float32) * sc
    W_out = jax.random.normal(ks[6], (D, D), dtype=jnp.float32) * sc
    W_loop = jax.random.normal(ks[7], (D, D), dtype=jnp.float32) * sc
    W_rel = jax.random.normal(ks[8], (D, D), dtype=jnp.float32) * sc
    bias = jnp.zeros((D,), dtype=jnp.float32)
    return {"x": x, "edge_index": edge_index, "edge_type": edge_type,
            "rel_embed": rel_embed, "loop_rel": loop_rel,
            "W_in": W_in, "W_out": W_out, "W_loop": W_loop,
            "W_rel": W_rel, "bias": bias}


def reference(x, edge_index, edge_type, rel_embed, loop_rel, W_in, W_out, W_loop, W_rel, bias):
    half = E // 2
    src = edge_index[0]
    dst = edge_index[1]
    rel_all = jnp.concatenate([rel_embed, loop_rel], axis=0)

    def prop(s, d, et, W):
        # symmetric degree normalization (CompGCN compute_norm)
        ones = jnp.ones(d.shape[0], dtype=x.dtype)
        deg = jax.ops.segment_sum(ones, d, num_segments=N)
        deg_inv = jnp.where(deg > 0, deg ** -0.5, 0.0)
        norm = deg_inv[d] * deg_inv[s]
        # composition op 'sub': phi(e_s, e_r) = e_s - e_r, then linear transform
        m = (x[s] - rel_all[et]) @ W
        # scatter-add aggregation to destination nodes
        return jax.ops.segment_sum(m * norm[:, None], d, num_segments=N)

    in_res = prop(src[:half], dst[:half], edge_type[:half], W_in)
    out_res = prop(src[half:], dst[half:], edge_type[half:], W_out)
    loop_res = (x - rel_all[-1]) @ W_loop
    out = in_res * (1.0 / 3.0) + out_res * (1.0 / 3.0) + loop_res * (1.0 / 3.0) + bias
    out = jnp.tanh(out)
    r_out = rel_all[:-1] @ W_rel
    return out, r_out

if __name__ == "__main__":
    import jax
    _d = setup_inputs()
    print(jax.jit(kernel)(*tuple(_d.values())))

</pallas_src>

<mosaic_0001>
#map = affine_map<(d0, d1) -> (0, 0, 0, 0)>
#map1 = affine_map<(d0, d1) -> (0, 0)>
module attributes {stable_mosaic.version = 14 : i64} {
  func.func @_sc_body(%arg0: i32, %arg1: i32, %arg2: memref<2x16x40x128xi32, #tpu.memory_space<hbm>>, %arg3: memref<2x16x40x128xi32, #tpu.memory_space<hbm>>, %arg4: memref<2x16x40x128xi32, #tpu.memory_space<hbm>>, %arg5: memref<10000x128xf32, #tpu.memory_space<hbm>>, %arg6: memref<10000x128xf32, #tpu.memory_space<hbm>>, %arg7: memref<400x128xf32, #tpu.memory_space<hbm>>, %arg8: memref<400x128xf32, #tpu.memory_space<hbm>>, %arg9: memref<2x2x10240x128xf32, #tpu.memory_space<hbm>>, %arg10: memref<40x128xi32, #tpu.memory_space<vmem>>, %arg11: memref<40x128xi32, #tpu.memory_space<vmem>>, %arg12: memref<40x128xi32, #tpu.memory_space<vmem>>, %arg13: memref<40x128xi32, #tpu.memory_space<vmem>>, %arg14: memref<40x128xf32, #tpu.memory_space<vmem>>, %arg15: memref<128xf32, #tpu.memory_space<vmem>>, %arg16: memref<128xf32, #tpu.memory_space<vmem>>, %arg17: memref<128x128xf32, #tpu.memory_space<vmem>>, %arg18: memref<128xf32, #tpu.memory_space<vmem>>, %arg19: memref<640xf32, #tpu.memory_space<vmem>>, %arg20: memref<10240xf32, #tpu.memory_space<vmem_shared>>, %arg21: memref<5248x128xf32, #tpu.memory_space<vmem_shared>>, %arg22: memref<!tpu.dma_semaphore, #tpu.memory_space<semaphore_mem>>) attributes {dimension_semantics = [#tpu.dimension_semantics<core_parallel>, #tpu.dimension_semantics<subcore_parallel>], iteration_bounds = array<i64: 2, 16>, scalar_prefetch = 0 : i64, scratch_operands = 13 : i64, tpu.core_type = #tpu.core_type<sc_vector_subcore>, window_params = [{transform_indices = #map}, {transform_indices = #map}, {transform_indices = #map}, {transform_indices = #map1}, {transform_indices = #map1}, {transform_indices = #map1}, {transform_indices = #map1}, {transform_indices = #map}]} {
    %broadcast_in_dim3A = arith.constant 0.000000e+00 : f32
    %broadcast_in_dim3A_0 = vector.broadcast %broadcast_in_dim3A : f32 to vector<16xf32>
    %scan3A = arith.constant 0 : i32
    %scan3A_1 = arith.constant 0 : i32
    %scan3A_2 = arith.constant 8 : i32
    %scan3A_3 = arith.addi %scan3A_1, %scan3A_2 : i32
    %scan3A_4 = arith.constant 1 : i32
    %scan3A_5 = scf.for %scan3A_57 = %scan3A_1 to %scan3A_3 step %scan3A_4 iter_args(%scan3A_58 = %scan3A) -> (i32)  : i32 {
      %add3A = arith.constant 1.000000e+00 : f32
      %add3A_59 = vector.broadcast %add3A : f32 to vector<16xf32>
      %add3A_60 = arith.addf %broadcast_in_dim3A_0, %add3A_59 : vector<16xf32>
      %mul3A_61 = arith.constant 16 : i32
      %mul3A_62 = arith.muli %scan3A_57, %mul3A_61 : i32
      %swap3A = arith.index_cast %mul3A_62 : i32 to index
      %swap3A_63 = tpu.vector_load %arg18[%swap3A] {strides = array<i32>} : memref<128xf32, #tpu.memory_space<vmem>>, vector<16xf32>,
      %swap3A_64 = vector.shape_cast %swap3A_63 : vector<16xf32> to vector<16xf32>
      %swap3A_65 = vector.shape_cast %add3A_60 : vector<16xf32> to vector<16xf32>
      tpu.vector_store %arg18[%swap3A], %swap3A_65 {strides = array<i32>} : memref<128xf32, #tpu.memory_space<vmem>>, vector<16xf32>,
      %scan3A_66 = arith.constant 0 : i32
      scf.yield %scan3A_66 : i32
    }
    %scan3A_6 = arith.constant 8 : i32
    "tpu.region"() ({
      %run_scoped3A = tpu.sem_alloc : memref<!tpu.dma_semaphore, #tpu.memory_space<semaphore_mem>>
      %dma_start3A = arith.constant 0 : i32
      %dma_start3A_57 = arith.constant 0 : i32
      %dma_start3A_58 = tpu.memref_slice %arg2[%arg0, %arg1, %dma_start3A, %dma_start3A_57] : memref<2x16x40x128xi32, #tpu.memory_space<hbm>> -> memref<1x1x40x128xi32, #tpu.memory_space<hbm>>
      %dma_start3A_59 = tpu.memref_squeeze %dma_start3A_58 : memref<1x1x40x128xi32, #tpu.memory_space<hbm>> -> memref<40x128xi32, #tpu.memory_space<hbm>>
      %dma_start3A_60 = arith.constant 0 : i32
      %dma_start3A_61 = arith.constant 0 : i32
      %dma_start3A_62 = tpu.memref_slice %arg2[%arg0, %arg1, %dma_start3A_60, %dma_start3A_61] : memref<2x16x40x128xi32, #tpu.memory_space<hbm>> -> memref<1x1x40x128xi32, #tpu.memory_space<hbm>>
      %dma_start3A_63 = tpu.memref_squeeze %dma_start3A_62 : memref<1x1x40x128xi32, #tpu.memory_space<hbm>> -> memref<40x128xi32, #tpu.memory_space<hbm>>
      tpu.enqueue_dma source(%dma_start3A_63 : memref<40x128xi32, #tpu.memory_space<hbm>>) target(%arg10 : memref<40x128xi32, #tpu.memory_space<vmem>>) target_semaphore(%run_scoped3A : memref<!tpu.dma_semaphore, #tpu.memory_space<semaphore_mem>>)
      %dma_wait3A = arith.constant 0 : i32
      %dma_wait3A_64 = arith.constant 0 : i32
      %dma_wait3A_65 = tpu.memref_slice %arg2[%arg0, %arg1, %dma_wait3A, %dma_wait3A_64] : memref<2x16x40x128xi32, #tpu.memory_space<hbm>> -> memref<1x1x40x128xi32, #tpu.memory_space<hbm>>
      %dma_wait3A_66 = tpu.memref_squeeze %dma_wait3A_65 : memref<1x1x40x128xi32, #tpu.memory_space<hbm>> -> memref<40x128xi32, #tpu.memory_space<hbm>>
      %dma_wait3A_67 = arith.constant 0 : i32
      %dma_wait3A_68 = arith.constant 0 : i32
      %dma_wait3A_69 = tpu.memref_slice %arg2[%arg0, %arg1, %dma_wait3A_67, %dma_wait3A_68] : memref<2x16x40x128xi32, #tpu.memory_space<hbm>> -> memref<1x1x40x128xi32, #tpu.memory_space<hbm>>
      %dma_wait3A_70 = tpu.memref_squeeze %dma_wait3A_69 : memref<1x1x40x128xi32, #tpu.memory_space<hbm>> -> memref<40x128xi32, #tpu.memory_space<hbm>>
      tpu.wait_dma2 semaphore(%run_scoped3A : memref<!tpu.dma_semaphore, #tpu.memory_space<semaphore_mem>>) src(%dma_wait3A_70 : memref<40x128xi32, #tpu.memory_space<hbm>>) dst(%arg10 : memref<40x128xi32, #tpu.memory_space<vmem>>)
      tpu.yield
    }) : () -> ()
    "tpu.region"() ({
      %run_scoped3A = tpu.sem_alloc : memref<!tpu.dma_semaphore, #tpu.memory_space<semaphore_mem>>
      %dma_start3A = arith.constant 0 : i32
      %dma_start3A_57 = arith.constant 0 : i32
      %dma_start3A_58 = tpu.memref_slice %arg3[%arg0, %arg1, %dma_start3A, %dma_start3A_57] : memref<2x16x40x128xi32, #tpu.memory_space<hbm>> -> memref<1x1x40x128xi32, #tpu.memory_space<hbm>>
      %dma_start3A_59 = tpu.memref_squeeze %dma_start3A_58 : memref<1x1x40x128xi32, #tpu.memory_space<hbm>> -> memref<40x128xi32, #tpu.memory_space<hbm>>
      %dma_start3A_60 = arith.constant 0 : i32
      %dma_start3A_61 = arith.constant 0 : i32
      %dma_start3A_62 = tpu.memref_slice %arg3[%arg0, %arg1, %dma_start3A_60, %dma_start3A_61] : memref<2x16x40x128xi32, #tpu.memory_space<hbm>> -> memref<1x1x40x128xi32, #tpu.memory_space<hbm>>
      %dma_start3A_63 = tpu.memref_squeeze %dma_start3A_62 : memref<1x1x40x128xi32, #tpu.memory_space<hbm>> -> memref<40x128xi32, #tpu.memory_space<hbm>>
      tpu.enqueue_dma source(%dma_start3A_63 : memref<40x128xi32, #tpu.memory_space<hbm>>) target(%arg11 : memref<40x128xi32, #tpu.memory_space<vmem>>) target_semaphore(%run_scoped3A : memref<!tpu.dma_semaphore, #tpu.memory_space<semaphore_mem>>)
      %dma_wait3A = arith.constant 0 : i32
      %dma_wait3A_64 = arith.constant 0 : i32
      %dma_wait3A_65 = tpu.memref_slice %arg3[%arg0, %arg1, %dma_wait3A, %dma_wait3A_64] : memref<2x16x40x128xi32, #tpu.memory_space<hbm>> -> memref<1x1x40x128xi32, #tpu.memory_space<hbm>>
      %dma_wait3A_66 = tpu.memref_squeeze %dma_wait3A_65 : memref<1x1x40x128xi32, #tpu.memory_space<hbm>> -> memref<40x128xi32, #tpu.memory_space<hbm>>
      %dma_wait3A_67 = arith.constant 0 : i32
      %dma_wait3A_68 = arith.constant 0 : i32
      %dma_wait3A_69 = tpu.memref_slice %arg3[%arg0, %arg1, %dma_wait3A_67, %dma_wait3A_68] : memref<2x16x40x128xi32, #tpu.memory_space<hbm>> -> memref<1x1x40x128xi32, #tpu.memory_space<hbm>>
      %dma_wait3A_70 = tpu.memref_squeeze %dma_wait3A_69 : memref<1x1x40x128xi32, #tpu.memory_space<hbm>> -> memref<40x128xi32, #tpu.memory_space<hbm>>
      tpu.wait_dma2 semaphore(%run_scoped3A : memref<!tpu.dma_semaphore, #tpu.memory_space<semaphore_mem>>) src(%dma_wait3A_70 : memref<40x128xi32, #tpu.memory_space<hbm>>) dst(%arg11 : memref<40x128xi32, #tpu.memory_space<vmem>>)
      tpu.yield
    }) : () -> ()
    "tpu.region"() ({
      %run_scoped3A = tpu.sem_alloc : memref<!tpu.dma_semaphore, #tpu.memory_space<semaphore_mem>>
      %dma_start3A = arith.constant 0 : i32
      %dma_start3A_57 = arith.constant 0 : i32
      %dma_start3A_58 = tpu.memref_slice %arg4[%arg0, %arg1, %dma_start3A, %dma_start3A_57] : memref<2x16x40x128xi32, #tpu.memory_space<hbm>> -> memref<1x1x40x128xi32, #tpu.memory_space<hbm>>
      %dma_start3A_59 = tpu.memref_squeeze %dma_start3A_58 : memref<1x1x40x128xi32, #tpu.memory_space<hbm>> -> memref<40x128xi32, #tpu.memory_space<hbm>>
      %dma_start3A_60 = arith.constant 0 : i32
      %dma_start3A_61 = arith.constant 0 : i32
      %dma_start3A_62 = tpu.memref_slice %arg4[%arg0, %arg1, %dma_start3A_60, %dma_start3A_61] : memref<2x16x40x128xi32, #tpu.memory_space<hbm>> -> memref<1x1x40x128xi32, #tpu.memory_space<hbm>>
      %dma_start3A_63 = tpu.memref_squeeze %dma_start3A_62 : memref<1x1x40x128xi32, #tpu.memory_space<hbm>> -> memref<40x128xi32, #tpu.memory_space<hbm>>
      tpu.enqueue_dma source(%dma_start3A_63 : memref<40x128xi32, #tpu.memory_space<hbm>>) target(%arg12 : memref<40x128xi32, #tpu.memory_space<vmem>>) target_semaphore(%run_scoped3A : memref<!tpu.dma_semaphore, #tpu.memory_space<semaphore_mem>>)
      %dma_wait3A = arith.constant 0 : i32
      %dma_wait3A_64 = arith.constant 0 : i32
      %dma_wait3A_65 = tpu.memref_slice %arg4[%arg0, %arg1, %dma_wait3A, %dma_wait3A_64] : memref<2x16x40x128xi32, #tpu.memory_space<hbm>> -> memref<1x1x40x128xi32, #tpu.memory_space<hbm>>
      %dma_wait3A_66 = tpu.memref_squeeze %dma_wait3A_65 : memref<1x1x40x128xi32, #tpu.memory_space<hbm>> -> memref<40x128xi32, #tpu.memory_space<hbm>>
      %dma_wait3A_67 = arith.constant 0 : i32
      %dma_wait3A_68 = arith.constant 0 : i32
      %dma_wait3A_69 = tpu.memref_slice %arg4[%arg0, %arg1, %dma_wait3A_67, %dma_wait3A_68] : memref<2x16x40x128xi32, #tpu.memory_space<hbm>> -> memref<1x1x40x128xi32, #tpu.memory_space<hbm>>
      %dma_wait3A_70 = tpu.memref_squeeze %dma_wait3A_69 : memref<1x1x40x128xi32, #tpu.memory_space<hbm>> -> memref<40x128xi32, #tpu.memory_space<hbm>>
      tpu.wait_dma2 semaphore(%run_scoped3A : memref<!tpu.dma_semaphore, #tpu.memory_space<semaphore_mem>>) src(%dma_wait3A_70 : memref<40x128xi32, #tpu.memory_space<hbm>>) dst(%arg12 : memref<40x128xi32, #tpu.memory_space<vmem>>)
      tpu.yield
    }) : () -> ()
    %scan3A_7 = arith.constant 0 : i32
    %scan3A_8 = arith.constant 0 : i32
    %scan3A_9 = arith.constant 40 : i32
    %scan3A_10 = arith.addi %scan3A_8, %scan3A_9 : i32
    %scan3A_11 = arith.constant 1 : i32
    %scan3A_12 = scf.for %scan3A_57 = %scan3A_8 to %scan3A_10 step %scan3A_11 iter_args(%scan3A_58 = %scan3A_7) -> (i32)  : i32 {
      %mul3A_59 = arith.constant 16 : i32
      %mul3A_60 = arith.muli %scan3A_57, %mul3A_59 : i32
      %swap3A = arith.index_cast %mul3A_60 : i32 to index
      %swap3A_61 = tpu.vector_load %arg19[%swap3A] {strides = array<i32>} : memref<640xf32, #tpu.memory_space<vmem>>, vector<16xf32>,
      %swap3A_62 = vector.shape_cast %swap3A_61 : vector<16xf32> to vector<16xf32>
      %swap3A_63 = vector.shape_cast %broadcast_in_dim3A_0 : vector<16xf32> to vector<16xf32>
      tpu.vector_store %arg19[%swap3A], %swap3A_63 {strides = array<i32>} : memref<640xf32, #tpu.memory_space<vmem>>, vector<16xf32>,
      %scan3A_64 = arith.constant 0 : i32
      scf.yield %scan3A_64 : i32
    }
    %scan3A_13 = arith.constant 40 : i32
    %mul3A = arith.constant 640 : i32
    %mul3A_14 = arith.muli %arg1, %mul3A : i32
    "tpu.region"() ({
      %run_scoped3A = tpu.sem_alloc : memref<!tpu.dma_semaphore, #tpu.memory_space<semaphore_mem>>
      %dma_start3A = tpu.memref_slice %arg20[%mul3A_14] : memref<10240xf32, #tpu.memory_space<vmem_shared>> -> memref<640xf32, #tpu.memory_space<vmem_shared>>
      %dma_start3A_57 = tpu.memref_slice %arg20[%mul3A_14] : memref<10240xf32, #tpu.memory_space<vmem_shared>> -> memref<640xf32, #tpu.memory_space<vmem_shared>>
      tpu.enqueue_dma source(%arg19 : memref<640xf32, #tpu.memory_space<vmem>>) target(%dma_start3A_57 : memref<640xf32, #tpu.memory_space<vmem_shared>>) target_semaphore(%run_scoped3A : memref<!tpu.dma_semaphore, #tpu.memory_space<semaphore_mem>>)
      %dma_wait3A = tpu.memref_slice %arg20[%mul3A_14] : memref<10240xf32, #tpu.memory_space<vmem_shared>> -> memref<640xf32, #tpu.memory_space<vmem_shared>>
      %dma_wait3A_58 = tpu.memref_slice %arg20[%mul3A_14] : memref<10240xf32, #tpu.memory_space<vmem_shared>> -> memref<640xf32, #tpu.memory_space<vmem_shared>>
      tpu.wait_dma2 semaphore(%run_scoped3A : memref<!tpu.dma_semaphore, #tpu.memory_space<semaphore_mem>>) src(%arg19 : memref<640xf32, #tpu.memory_space<vmem>>) dst(%dma_wait3A_58 : memref<640xf32, #tpu.memory_space<vmem_shared>>)
      tpu.yield
    }) : () -> ()
    %barrier3A = arith.constant 0 : index
    tpu.barrier barrier_id(%barrier3A)
    %scan3A_15 = arith.constant 0 : i32
    %scan3A_16 = arith.constant 0 : i32
    %scan3A_17 = arith.constant 40 : i32
    %scan3A_18 = arith.addi %scan3A_16, %scan3A_17 : i32
    %scan3A_19 = arith.constant 1 : i32
    %scan3A_20 = scf.for %scan3A_57 = %scan3A_16 to %scan3A_18 step %scan3A_19 iter_args(%scan3A_58 = %scan3A_15) -> (i32)  : i32 {
      "tpu.region"() ({
        %run_scoped3A = tpu.sem_alloc : memref<!tpu.dma_semaphore, #tpu.memory_space<semaphore_mem>>
        %dma_start3A = arith.constant 0 : i32
        %dma_start3A_60 = tpu.memref_slice %arg11[%scan3A_57, %dma_start3A] : memref<40x128xi32, #tpu.memory_space<vmem>> -> memref<1x128xi32, #tpu.memory_space<vmem>>
        %dma_start3A_61 = tpu.memref_squeeze %dma_start3A_60 : memref<1x128xi32, #tpu.memory_space<vmem>> -> memref<128xi32, #tpu.memory_space<vmem>>
        %dma_start3A_62 = arith.constant 0 : i32
        %dma_start3A_63 = tpu.memref_slice %arg20[%dma_start3A_62] : memref<10240xf32, #tpu.memory_space<vmem_shared>> -> memref<10240xf32, #tpu.memory_space<vmem_shared>>
        tpu.enqueue_indirect_dma source(%arg18 : memref<128xf32, #tpu.memory_space<vmem>>) target(%dma_start3A_63 : memref<10240xf32, #tpu.memory_space<vmem_shared>>) offsets(%dma_start3A_61 : memref<128xi32, #tpu.memory_space<vmem>>) semaphore(%run_scoped3A : memref<!tpu.dma_semaphore, #tpu.memory_space<semaphore_mem>>) {add = true}
        %dma_wait3A = arith.constant 0 : i32
        %dma_wait3A_64 = tpu.memref_slice %arg11[%scan3A_57, %dma_wait3A] : memref<40x128xi32, #tpu.memory_space<vmem>> -> memref<1x128xi32, #tpu.memory_space<vmem>>
        %dma_wait3A_65 = tpu.memref_squeeze %dma_wait3A_64 : memref<1x128xi32, #tpu.memory_space<vmem>> -> memref<128xi32, #tpu.memory_space<vmem>>
        %dma_wait3A_66 = arith.constant 0 : i32
        %dma_wait3A_67 = tpu.memref_slice %arg20[%dma_wait3A_66] : memref<10240xf32, #tpu.memory_space<vmem_shared>> -> memref<10240xf32, #tpu.memory_space<vmem_shared>>
        tpu.wait_indirect_dma semaphore(%run_scoped3A : memref<!tpu.dma_semaphore, #tpu.memory_space<semaphore_mem>>) src(%arg18 : memref<128xf32, #tpu.memory_space<vmem>>) dst(%dma_wait3A_67 : memref<10240xf32, #tpu.memory_space<vmem_shared>>)
        tpu.yield
      }) : () -> ()
      %scan3A_59 = arith.constant 0 : i32
      scf.yield %scan3A_59 : i32
    }
    %scan3A_21 = arith.constant 40 : i32
    %barrier3A_22 = arith.constant 0 : index
    tpu.barrier barrier_id(%barrier3A_22)
    %mul3A_23 = arith.constant 640 : i32
    %mul3A_24 = arith.muli %arg1, %mul3A_23 : i32
    "tpu.region"() ({
      %run_scoped3A = tpu.sem_alloc : memref<!tpu.dma_semaphore, #tpu.memory_space<semaphore_mem>>
      %dma_start3A = tpu.memref_slice %arg20[%mul3A_24] : memref<10240xf32, #tpu.memory_space<vmem_shared>> -> memref<640xf32, #tpu.memory_space<vmem_shared>>
      %dma_start3A_57 = tpu.memref_slice %arg20[%mul3A_24] : memref<10240xf32, #tpu.memory_space<vmem_shared>> -> memref<640xf32, #tpu.memory_space<vmem_shared>>
      tpu.enqueue_dma source(%dma_start3A_57 : memref<640xf32, #tpu.memory_space<vmem_shared>>) target(%arg19 : memref<640xf32, #tpu.memory_space<vmem>>) target_semaphore(%run_scoped3A : memref<!tpu.dma_semaphore, #tpu.memory_space<semaphore_mem>>)
      %dma_wait3A = tpu.memref_slice %arg20[%mul3A_24] : memref<10240xf32, #tpu.memory_space<vmem_shared>> -> memref<640xf32, #tpu.memory_space<vmem_shared>>
      %dma_wait3A_58 = tpu.memref_slice %arg20[%mul3A_24] : memref<10240xf32, #tpu.memory_space<vmem_shared>> -> memref<640xf32, #tpu.memory_space<vmem_shared>>
      tpu.wait_dma2 semaphore(%run_scoped3A : memref<!tpu.dma_semaphore, #tpu.memory_space<semaphore_mem>>) src(%dma_wait3A_58 : memref<640xf32, #tpu.memory_space<vmem_shared>>) dst(%arg19 : memref<640xf32, #tpu.memory_space<vmem>>)
      tpu.yield
    }) : () -> ()
    %barrier3A_25 = arith.constant 0 : index
    tpu.barrier barrier_id(%barrier3A_25)
    %scan3A_26 = arith.constant 0 : i32
    %scan3A_27 = arith.constant 0 : i32
    %scan3A_28 = arith.constant 40 : i32
    %scan3A_29 = arith.addi %scan3A_27, %scan3A_28 : i32
    %scan3A_30 = arith.constant 1 : i32
    %scan3A_31 = scf.for %scan3A_57 = %scan3A_27 to %scan3A_29 step %scan3A_30 iter_args(%scan3A_58 = %scan3A_26) -> (i32)  : i32 {
      %mul3A_59 = arith.constant 16 : i32
      %mul3A_60 = arith.muli %scan3A_57, %mul3A_59 : i32
      %get3A = arith.index_cast %mul3A_60 : i32 to index
      %get3A_61 = tpu.vector_load %arg19[%get3A] {strides = array<i32>} : memref<640xf32, #tpu.memory_space<vmem>>, vector<16xf32>,
      %get3A_62 = vector.shape_cast %get3A_61 : vector<16xf32> to vector<16xf32>
      %ge3A = arith.constant 5.000000e-01 : f32
      %ge3A_63 = vector.broadcast %ge3A : f32 to vector<16xf32>
      %ge3A_64 = arith.cmpf oge, %get3A_62, %ge3A_63 : vector<16xf32>
      %max3A = arith.constant 1.000000e+00 : f32
      %max3A_65 = vector.broadcast %max3A : f32 to vector<16xf32>
      %max3A_66 = arith.maximumf %get3A_62, %max3A_65 : vector<16xf32>
      %bitcast_convert_type3A = tpu.bitcast %max3A_66 : vector<16xf32> -> vector<16xi32>
      %shift_right_arithmetic3A = arith.constant 1 : i32
      %shift_right_arithmetic3A_67 = vector.broadcast %shift_right_arithmetic3A : i32 to vector<16xi32>
      %shift_right_arithmetic3A_68 = arith.shrsi %bitcast_convert_type3A, %shift_right_arithmetic3A_67 : vector<16xi32>
      %sub3A = arith.constant 1597463007 : i32
      %sub3A_69 = vector.broadcast %sub3A : i32 to vector<16xi32>
      %sub3A_70 = arith.subi %sub3A_69, %shift_right_arithmetic3A_68 : vector<16xi32>
      %bitcast_convert_type3A_71 = tpu.bitcast %sub3A_70 : vector<16xi32> -> vector<16xf32>
      %mul3A_72 = arith.constant 5.000000e-01 : f32
      %mul3A_73 = vector.broadcast %mul3A_72 : f32 to vector<16xf32>
      %mul3A_74 = arith.mulf %mul3A_73, %max3A_66 : vector<16xf32>
      %mul3A_75 = arith.mulf %mul3A_74, %bitcast_convert_type3A_71 : vector<16xf32>
      %mul3A_76 = arith.mulf %mul3A_75, %bitcast_convert_type3A_71 : vector<16xf32>
      %sub3A_77 = arith.constant 1.500000e+00 : f32
      %sub3A_78 = vector.broadcast %sub3A_77 : f32 to vector<16xf32>
      %sub3A_79 = arith.subf %sub3A_78, %mul3A_76 : vector<16xf32>
      %mul3A_80 = arith.mulf %bitcast_convert_type3A_71, %sub3A_79 : vector<16xf32>
      %mul3A_81 = arith.constant 5.000000e-01 : f32
      %mul3A_82 = vector.broadcast %mul3A_81 : f32 to vector<16xf32>
      %mul3A_83 = arith.mulf %mul3A_82, %max3A_66 : vector<16xf32>
      %mul3A_84 = arith.mulf %mul3A_83, %mul3A_80 : vector<16xf32>
      %mul3A_85 = arith.mulf %mul3A_84, %mul3A_80 : vector<16xf32>
      %sub3A_86 = arith.constant 1.500000e+00 : f32
      %sub3A_87 = vector.broadcast %sub3A_86 : f32 to vector<16xf32>
      %sub3A_88 = arith.subf %sub3A_87, %mul3A_85 : vector<16xf32>
      %mul3A_89 = arith.mulf %mul3A_80, %sub3A_88 : vector<16xf32>
      %mul3A_90 = arith.constant 5.000000e-01 : f32
      %mul3A_91 = vector.broadcast %mul3A_90 : f32 to vector<16xf32>
      %mul3A_92 = arith.mulf %mul3A_91, %max3A_66 : vector<16xf32>
      %mul3A_93 = arith.mulf %mul3A_92, %mul3A_89 : vector<16xf32>
      %mul3A_94 = arith.mulf %mul3A_93, %mul3A_89 : vector<16xf32>
      %sub3A_95 = arith.constant 1.500000e+00 : f32
      %sub3A_96 = vector.broadcast %sub3A_95 : f32 to vector<16xf32>
      %sub3A_97 = arith.subf %sub3A_96, %mul3A_94 : vector<16xf32>
      %mul3A_98 = arith.mulf %mul3A_89, %sub3A_97 : vector<16xf32>
      %jit3A = arith.constant 0.000000e+00 : f32
      %broadcast_in_dim3A_99 = vector.broadcast %jit3A : f32 to vector<16xf32>
      %select_n3A = arith.select %ge3A_64, %mul3A_98, %broadcast_in_dim3A_99 : vector<16xi1>, vector<16xf32>
      %mul3A_100 = arith.constant 16 : i32
      %mul3A_101 = arith.muli %scan3A_57, %mul3A_100 : i32
      %swap3A = arith.index_cast %mul3A_101 : i32 to index
      %swap3A_102 = tpu.vector_load %arg19[%swap3A] {strides = array<i32>} : memref<640xf32, #tpu.memory_space<vmem>>, vector<16xf32>,
      %swap3A_103 = vector.shape_cast %swap3A_102 : vector<16xf32> to vector<16xf32>
      %swap3A_104 = vector.shape_cast %select_n3A : vector<16xf32> to vector<16xf32>
      tpu.vector_store %arg19[%swap3A], %swap3A_104 {strides = array<i32>} : memref<640xf32, #tpu.memory_space<vmem>>, vector<16xf32>,
      %scan3A_105 = arith.constant 0 : i32
      scf.yield %scan3A_105 : i32
    }
    %scan3A_32 = arith.constant 40 : i32
    %mul3A_33 = arith.constant 640 : i32
    %mul3A_34 = arith.muli %arg1, %mul3A_33 : i32
    "tpu.region"() ({
      %run_scoped3A = tpu.sem_alloc : memref<!tpu.dma_semaphore, #tpu.memory_space<semaphore_mem>>
      %dma_start3A = tpu.memref_slice %arg20[%mul3A_34] : memref<10240xf32, #tpu.memory_space<vmem_shared>> -> memref<640xf32, #tpu.memory_space<vmem_shared>>
      %dma_start3A_57 = tpu.memref_slice %arg20[%mul3A_34] : memref<10240xf32, #tpu.memory_space<vmem_shared>> -> memref<640xf32, #tpu.memory_space<vmem_shared>>
      tpu.enqueue_dma source(%arg19 : memref<640xf32, #tpu.memory_space<vmem>>) target(%dma_start3A_57 : memref<640xf32, #tpu.memory_space<vmem_shared>>) target_semaphore(%run_scoped3A : memref<!tpu.dma_semaphore, #tpu.memory_space<semaphore_mem>>)
      %dma_wait3A = tpu.memref_slice %arg20[%mul3A_34] : memref<10240xf32, #tpu.memory_space<vmem_shared>> -> memref<640xf32, #tpu.memory_space<vmem_shared>>
      %dma_wait3A_58 = tpu.memref_slice %arg20[%mul3A_34] : memref<10240xf32, #tpu.memory_space<vmem_shared>> -> memref<640xf32, #tpu.memory_space<vmem_shared>>
      tpu.wait_dma2 semaphore(%run_scoped3A : memref<!tpu.dma_semaphore, #tpu.memory_space<semaphore_mem>>) src(%arg19 : memref<640xf32, #tpu.memory_space<vmem>>) dst(%dma_wait3A_58 : memref<640xf32, #tpu.memory_space<vmem_shared>>)
      tpu.yield
    }) : () -> ()
    %barrier3A_35 = arith.constant 0 : index
    tpu.barrier barrier_id(%barrier3A_35)
    %scan3A_36 = arith.constant 0 : i32
    %scan3A_37 = arith.constant 0 : i32
    %scan3A_38 = arith.constant 40 : i32
    %scan3A_39 = arith.addi %scan3A_37, %scan3A_38 : i32
    %scan3A_40 = arith.constant 1 : i32
    %scan3A_41 = scf.for %scan3A_57 = %scan3A_37 to %scan3A_39 step %scan3A_40 iter_args(%scan3A_58 = %scan3A_36) -> (i32)  : i32 {
      %dma_start3A = arith.constant 0 : i32
      %dma_start3A_59 = tpu.memref_slice %arg10[%scan3A_57, %dma_start3A] : memref<40x128xi32, #tpu.memory_space<vmem>> -> memref<1x128xi32, #tpu.memory_space<vmem>>
      %dma_start3A_60 = tpu.memref_squeeze %dma_start3A_59 : memref<1x128xi32, #tpu.memory_space<vmem>> -> memref<128xi32, #tpu.memory_space<vmem>>
      %dma_start3A_61 = arith.constant 0 : i32
      %dma_start3A_62 = tpu.memref_slice %arg20[%dma_start3A_61] : memref<10240xf32, #tpu.memory_space<vmem_shared>> -> memref<10240xf32, #tpu.memory_space<vmem_shared>>
      tpu.enqueue_indirect_dma source(%dma_start3A_62 : memref<10240xf32, #tpu.memory_space<vmem_shared>>) target(%arg15 : memref<128xf32, #tpu.memory_space<vmem>>) offsets(%dma_start3A_60 : memref<128xi32, #tpu.memory_space<vmem>>) semaphore(%arg22 : memref<!tpu.dma_semaphore, #tpu.memory_space<semaphore_mem>>)
      %dma_wait3A = arith.constant 0 : i32
      %dma_wait3A_63 = tpu.memref_slice %arg10[%scan3A_57, %dma_wait3A] : memref<40x128xi32, #tpu.memory_space<vmem>> -> memref<1x128xi32, #tpu.memory_space<vmem>>
      %dma_wait3A_64 = tpu.memref_squeeze %dma_wait3A_63 : memref<1x128xi32, #tpu.memory_space<vmem>> -> memref<128xi32, #tpu.memory_space<vmem>>
      %dma_wait3A_65 = arith.constant 0 : i32
      %dma_wait3A_66 = tpu.memref_slice %arg20[%dma_wait3A_65] : memref<10240xf32, #tpu.memory_space<vmem_shared>> -> memref<10240xf32, #tpu.memory_space<vmem_shared>>
      tpu.wait_indirect_dma semaphore(%arg22 : memref<!tpu.dma_semaphore, #tpu.memory_space<semaphore_mem>>) src(%dma_wait3A_66 : memref<10240xf32, #tpu.memory_space<vmem_shared>>) dst(%arg15 : memref<128xf32, #tpu.memory_space<vmem>>)
      %dma_start3A_67 = arith.constant 0 : i32
      %dma_start3A_68 = tpu.memref_slice %arg11[%scan3A_57, %dma_start3A_67] : memref<40x128xi32, #tpu.memory_space<vmem>> -> memref<1x128xi32, #tpu.memory_space<vmem>>
      %dma_start3A_69 = tpu.memref_squeeze %dma_start3A_68 : memref<1x128xi32, #tpu.memory_space<vmem>> -> memref<128xi32, #tpu.memory_space<vmem>>
      %dma_start3A_70 = arith.constant 0 : i32
      %dma_start3A_71 = tpu.memref_slice %arg20[%dma_start3A_70] : memref<10240xf32, #tpu.memory_space<vmem_shared>> -> memref<10240xf32, #tpu.memory_space<vmem_shared>>
      tpu.enqueue_indirect_dma source(%dma_start3A_71 : memref<10240xf32, #tpu.memory_space<vmem_shared>>) target(%arg16 : memref<128xf32, #tpu.memory_space<vmem>>) offsets(%dma_start3A_69 : memref<128xi32, #tpu.memory_space<vmem>>) semaphore(%arg22 : memref<!tpu.dma_semaphore, #tpu.memory_space<semaphore_mem>>)
      %dma_wait3A_72 = arith.constant 0 : i32
      %dma_wait3A_73 = tpu.memref_slice %arg11[%scan3A_57, %dma_wait3A_72] : memref<40x128xi32, #tpu.memory_space<vmem>> -> memref<1x128xi32, #tpu.memory_space<vmem>>
      %dma_wait3A_74 = tpu.memref_squeeze %dma_wait3A_73 : memref<1x128xi32, #tpu.memory_space<vmem>> -> memref<128xi32, #tpu.memory_space<vmem>>
      %dma_wait3A_75 = arith.constant 0 : i32
      %dma_wait3A_76 = tpu.memref_slice %arg20[%dma_wait3A_75] : memref<10240xf32, #tpu.memory_space<vmem_shared>> -> memref<10240xf32, #tpu.memory_space<vmem_shared>>
      tpu.wait_indirect_dma semaphore(%arg22 : memref<!tpu.dma_semaphore, #tpu.memory_space<semaphore_mem>>) src(%dma_wait3A_76 : memref<10240xf32, #tpu.memory_space<vmem_shared>>) dst(%arg16 : memref<128xf32, #tpu.memory_space<vmem>>)
      %get3A = arith.constant 0 : index
      %get3A_77 = tpu.vector_load %arg15[%get3A] {strides = array<i32>} : memref<128xf32, #tpu.memory_space<vmem>>, vector<16xf32>,
      %get3A_78 = vector.shape_cast %get3A_77 : vector<16xf32> to vector<16xf32>
      %get3A_79 = arith.constant 0 : index
      %get3A_80 = tpu.vector_load %arg16[%get3A_79] {strides = array<i32>} : memref<128xf32, #tpu.memory_space<vmem>>, vector<16xf32>,
      %get3A_81 = vector.shape_cast %get3A_80 : vector<16xf32> to vector<16xf32>
      %mul3A_82 = arith.mulf %get3A_78, %get3A_81 : vector<16xf32>
      %swap3A = arith.index_cast %scan3A_57 : i32 to index
      %swap3A_83 = arith.constant 0 : index
      %swap3A_84 = tpu.vector_load %arg14[%swap3A, %swap3A_83] {strides = array<i32>} : memref<40x128xf32, #tpu.memory_space<vmem>>, vector<1x16xf32>,
      %swap3A_85 = vector.shape_cast %swap3A_84 : vector<1x16xf32> to vector<16xf32>
      %swap3A_86 = vector.shape_cast %mul3A_82 : vector<16xf32> to vector<1x16xf32>
      tpu.vector_store %arg14[%swap3A, %swap3A_83], %swap3A_86 {strides = array<i32>} : memref<40x128xf32, #tpu.memory_space<vmem>>, vector<1x16xf32>,
      %get3A_87 = arith.constant 16 : index
      %get3A_88 = tpu.vector_load %arg15[%get3A_87] {strides = array<i32>} : memref<128xf32, #tpu.memory_space<vmem>>, vector<16xf32>,
      %get3A_89 = vector.shape_cast %get3A_88 : vector<16xf32> to vector<16xf32>
      %get3A_90 = arith.constant 16 : index
      %get3A_91 = tpu.vector_load %arg16[%get3A_90] {strides = array<i32>} : memref<128xf32, #tpu.memory_space<vmem>>, vector<16xf32>,
      %get3A_92 = vector.shape_cast %get3A_91 : vector<16xf32> to vector<16xf32>
      %mul3A_93 = arith.mulf %get3A_89, %get3A_92 : vector<16xf32>
      %swap3A_94 = arith.index_cast %scan3A_57 : i32 to index
      %swap3A_95 = arith.constant 16 : index
      %swap3A_96 = tpu.vector_load %arg14[%swap3A_94, %swap3A_95] {strides = array<i32>} : memref<40x128xf32, #tpu.memory_space<vmem>>, vector<1x16xf32>,
      %swap3A_97 = vector.shape_cast %swap3A_96 : vector<1x16xf32> to vector<16xf32>
      %swap3A_98 = vector.shape_cast %mul3A_93 : vector<16xf32> to vector<1x16xf32>
      tpu.vector_store %arg14[%swap3A_94, %swap3A_95], %swap3A_98 {strides = array<i32>} : memref<40x128xf32, #tpu.memory_space<vmem>>, vector<1x16xf32>,
      %get3A_99 = arith.constant 32 : index
      %get3A_100 = tpu.vector_load %arg15[%get3A_99] {strides = array<i32>} : memref<128xf32, #tpu.memory_space<vmem>>, vector<16xf32>,
      %get3A_101 = vector.shape_cast %get3A_100 : vector<16xf32> to vector<16xf32>
      %get3A_102 = arith.constant 32 : index
      %get3A_103 = tpu.vector_load %arg16[%get3A_102] {strides = array<i32>} : memref<128xf32, #tpu.memory_space<vmem>>, vector<16xf32>,
      %get3A_104 = vector.shape_cast %get3A_103 : vector<16xf32> to vector<16xf32>
      %mul3A_105 = arith.mulf %get3A_101, %get3A_104 : vector<16xf32>
      %swap3A_106 = arith.index_cast %scan3A_57 : i32 to index
      %swap3A_107 = arith.constant 32 : index
      %swap3A_108 = tpu.vector_load %arg14[%swap3A_106, %swap3A_107] {strides = array<i32>} : memref<40x128xf32, #tpu.memory_space<vmem>>, vector<1x16xf32>,
      %swap3A_109 = vector.shape_cast %swap3A_108 : vector<1x16xf32> to vector<16xf32>
      %swap3A_110 = vector.shape_cast %mul3A_105 : vector<16xf32> to vector<1x16xf32>
      tpu.vector_store %arg14[%swap3A_106, %swap3A_107], %swap3A_110 {strides = array<i32>} : memref<40x128xf32, #tpu.memory_space<vmem>>, vector<1x16xf32>,
      %get3A_111 = arith.constant 48 : index
      %get3A_112 = tpu.vector_load %arg15[%get3A_111] {strides = array<i32>} : memref<128xf32, #tpu.memory_space<vmem>>, vector<16xf32>,
      %get3A_113 = vector.shape_cast %get3A_112 : vector<16xf32> to vector<16xf32>
      %get3A_114 = arith.constant 48 : index
      %get3A_115 = tpu.vector_load %arg16[%get3A_114] {strides = array<i32>} : memref<128xf32, #tpu.memory_space<vmem>>, vector<16xf32>,
      %get3A_116 = vector.shape_cast %get3A_115 : vector<16xf32> to vector<16xf32>
      %mul3A_117 = arith.mulf %get3A_113, %get3A_116 : vector<16xf32>
      %swap3A_118 = arith.index_cast %scan3A_57 : i32 to index
      %swap3A_119 = arith.constant 48 : index
      %swap3A_120 = tpu.vector_load %arg14[%swap3A_118, %swap3A_119] {strides = array<i32>} : memref<40x128xf32, #tpu.memory_space<vmem>>, vector<1x16xf32>,
      %swap3A_121 = vector.shape_cast %swap3A_120 : vector<1x16xf32> to vector<16xf32>
      %swap3A_122 = vector.shape_cast %mul3A_117 : vector<16xf32> to vector<1x16xf32>
      tpu.vector_store %arg14[%swap3A_118, %swap3A_119], %swap3A_122 {strides = array<i32>} : memref<40x128xf32, #tpu.memory_space<vmem>>, vector<1x16xf32>,
      %get3A_123 = arith.constant 64 : index
      %get3A_124 = tpu.vector_load %arg15[%get3A_123] {strides = array<i32>} : memref<128xf32, #tpu.memory_space<vmem>>, vector<16xf32>,
      %get3A_125 = vector.shape_cast %get3A_124 : vector<16xf32> to vector<16xf32>
      %get3A_126 = arith.constant 64 : index
      %get3A_127 = tpu.vector_load %arg16[%get3A_126] {strides = array<i32>} : memref<128xf32, #tpu.memory_space<vmem>>, vector<16xf32>,
      %get3A_128 = vector.shape_cast %get3A_127 : vector<16xf32> to vector<16xf32>
      %mul3A_129 = arith.mulf %get3A_125, %get3A_128 : vector<16xf32>
      %swap3A_130 = arith.index_cast %scan3A_57 : i32 to index
      %swap3A_131 = arith.constant 64 : index
      %swap3A_132 = tpu.vector_load %arg14[%swap3A_130, %swap3A_131] {strides = array<i32>} : memref<40x128xf32, #tpu.memory_space<vmem>>, vector<1x16xf32>,
      %swap3A_133 = vector.shape_cast %swap3A_132 : vector<1x16xf32> to vector<16xf32>
      %swap3A_134 = vector.shape_cast %mul3A_129 : vector<16xf32> to vector<1x16xf32>
      tpu.vector_store %arg14[%swap3A_130, %swap3A_131], %swap3A_134 {strides = array<i32>} : memref<40x128xf32, #tpu.memory_space<vmem>>, vector<1x16xf32>,
      %get3A_135 = arith.constant 80 : index
      %get3A_136 = tpu.vector_load %arg15[%get3A_135] {strides = array<i32>} : memref<128xf32, #tpu.memory_space<vmem>>, vector<16xf32>,
      %get3A_137 = vector.shape_cast %get3A_136 : vector<16xf32> to vector<16xf32>
      %get3A_138 = arith.constant 80 : index
      %get3A_139 = tpu.vector_load %arg16[%get3A_138] {strides = array<i32>} : memref<128xf32, #tpu.memory_space<vmem>>, vector<16xf32>,
      %get3A_140 = vector.shape_cast %get3A_139 : vector<16xf32> to vector<16xf32>
      %mul3A_141 = arith.mulf %get3A_137, %get3A_140 : vector<16xf32>
      %swap3A_142 = arith.index_cast %scan3A_57 : i32 to index
      %swap3A_143 = arith.constant 80 : index
      %swap3A_144 = tpu.vector_load %arg14[%swap3A_142, %swap3A_143] {strides = array<i32>} : memref<40x128xf32, #tpu.memory_space<vmem>>, vector<1x16xf32>,
      %swap3A_145 = vector.shape_cast %swap3A_144 : vector<1x16xf32> to vector<16xf32>
      %swap3A_146 = vector.shape_cast %mul3A_141 : vector<16xf32> to vector<1x16xf32>
      tpu.vector_store %arg14[%swap3A_142, %swap3A_143], %swap3A_146 {strides = array<i32>} : memref<40x128xf32, #tpu.memory_space<vmem>>, vector<1x16xf32>,
      %get3A_147 = arith.constant 96 : index
      %get3A_148 = tpu.vector_load %arg15[%get3A_147] {strides = array<i32>} : memref<128xf32, #tpu.memory_space<vmem>>, vector<16xf32>,
      %get3A_149 = vector.shape_cast %get3A_148 : vector<16xf32> to vector<16xf32>
      %get3A_150 = arith.constant 96 : index
      %get3A_151 = tpu.vector_load %arg16[%get3A_150] {strides = array<i32>} : memref<128xf32, #tpu.memory_space<vmem>>, vector<16xf32>,
      %get3A_152 = vector.shape_cast %get3A_151 : vector<16xf32> to vector<16xf32>
      %mul3A_153 = arith.mulf %get3A_149, %get3A_152 : vector<16xf32>
      %swap3A_154 = arith.index_cast %scan3A_57 : i32 to index
      %swap3A_155 = arith.constant 96 : index
      %swap3A_156 = tpu.vector_load %arg14[%swap3A_154, %swap3A_155] {strides = array<i32>} : memref<40x128xf32, #tpu.memory_space<vmem>>, vector<1x16xf32>,
      %swap3A_157 = vector.shape_cast %swap3A_156 : vector<1x16xf32> to vector<16xf32>
      %swap3A_158 = vector.shape_cast %mul3A_153 : vector<16xf32> to vector<1x16xf32>
      tpu.vector_store %arg14[%swap3A_154, %swap3A_155], %swap3A_158 {strides = array<i32>} : memref<40x128xf32, #tpu.memory_space<vmem>>, vector<1x16xf32>,
      %get3A_159 = arith.constant 112 : index
      %get3A_160 = tpu.vector_load %arg15[%get3A_159] {strides = array<i32>} : memref<128xf32, #tpu.memory_space<vmem>>, vector<16xf32>,
      %get3A_161 = vector.shape_cast %get3A_160 : vector<16xf32> to vector<16xf32>
      %get3A_162 = arith.constant 112 : index
      %get3A_163 = tpu.vector_load %arg16[%get3A_162] {strides = array<i32>} : memref<128xf32, #tpu.memory_space<vmem>>, vector<16xf32>,
      %get3A_164 = vector.shape_cast %get3A_163 : vector<16xf32> to vector<16xf32>
      %mul3A_165 = arith.mulf %get3A_161, %get3A_164 : vector<16xf32>
      %swap3A_166 = arith.index_cast %scan3A_57 : i32 to index
      %swap3A_167 = arith.constant 112 : index
      %swap3A_168 = tpu.vector_load %arg14[%swap3A_166, %swap3A_167] {strides = array<i32>} : memref<40x128xf32, #tpu.memory_space<vmem>>, vector<1x16xf32>,
      %swap3A_169 = vector.shape_cast %swap3A_168 : vector<1x16xf32> to vector<16xf32>
      %swap3A_170 = vector.shape_cast %mul3A_165 : vector<16xf32> to vector<1x16xf32>
      tpu.vector_store %arg14[%swap3A_166, %swap3A_167], %swap3A_170 {strides = array<i32>} : memref<40x128xf32, #tpu.memory_space<vmem>>, vector<1x16xf32>,
      %scan3A_171 = arith.constant 0 : i32
      scf.yield %scan3A_171 : i32
    }
    %scan3A_42 = arith.constant 40 : i32
    %scan3A_43 = arith.constant 0 : i32
    %scan3A_44 = arith.constant 0 : i32
    %scan3A_45 = arith.constant 2 : i32
    %scan3A_46 = arith.addi %scan3A_44, %scan3A_45 : i32
    %scan3A_47 = arith.constant 1 : i32
    %scan3A_48 = scf.for %scan3A_57 = %scan3A_44 to %scan3A_46 step %scan3A_47 iter_args(%scan3A_58 = %scan3A_43) -> (i32)  : i32 {
      %mul3A_59 = arith.constant 5120 : i32
      %mul3A_60 = arith.muli %scan3A_57, %mul3A_59 : i32
      %scan3A_61 = arith.constant 0 : i32
      %scan3A_62 = arith.constant 0 : i32
      %scan3A_63 = arith.constant 320 : i32
      %scan3A_64 = arith.addi %scan3A_62, %scan3A_63 : i32
      %scan3A_65 = arith.constant 1 : i32
      %scan3A_66 = scf.for %scan3A_98 = %scan3A_62 to %scan3A_64 step %scan3A_65 iter_args(%scan3A_99 = %scan3A_61) -> (i32)  : i32 {
        %jit3A = arith.constant 8 : i32
        %div3A = arith.divsi %scan3A_98, %jit3A : i32
        %sign3A = arith.constant 0 : i32
        %sign3A_100 = arith.cmpi sgt, %scan3A_98, %sign3A : i32
        %sign3A_101 = arith.extui %sign3A_100 : i1 to i32
        %sign3A_102 = arith.constant 0 : i32
        %sign3A_103 = arith.cmpi slt, %scan3A_98, %sign3A_102 : i32
        %sign3A_104 = arith.extui %sign3A_103 : i1 to i32
        %sign3A_105 = arith.subi %sign3A_101, %sign3A_104 : i32
        %sign3A_106 = arith.constant 0 : i32
        %sign3A_107 = arith.cmpi sgt, %jit3A, %sign3A_106 : i32
        %sign3A_108 = arith.extui %sign3A_107 : i1 to i32
        %sign3A_109 = arith.constant 0 : i32
        %sign3A_110 = arith.cmpi slt, %jit3A, %sign3A_109 : i32
        %sign3A_111 = arith.extui %sign3A_110 : i1 to i32
        %sign3A_112 = arith.subi %sign3A_108, %sign3A_111 : i32
        %ne3A = arith.cmpi ne, %sign3A_105, %sign3A_112 : i32
        %rem3A = arith.remsi %scan3A_98, %jit3A : i32
        %ne3A_113 = arith.constant 0 : i32
        %ne3A_114 = arith.cmpi ne, %rem3A, %ne3A_113 : i32
        %and3A = arith.andi %ne3A, %ne3A_114 : i1
        %sub3A = arith.constant 1 : i32
        %sub3A_115 = arith.subi %div3A, %sub3A : i32
        %select_n3A = arith.select %and3A, %sub3A_115, %div3A : i32
        %jit3A_116 = arith.constant 8 : i32
        %eq3A = arith.constant 0 : i32
        %eq3A_117 = arith.cmpi eq, %jit3A_116, %eq3A : i32
        %jit3A_118 = arith.constant 1 : i32
        %select_n3A_119 = arith.select %eq3A_117, %jit3A_118, %jit3A_116 : i32
        %rem3A_120 = arith.remsi %scan3A_98, %select_n3A_119 : i32
        %ne3A_121 = arith.constant 0 : i32
        %ne3A_122 = arith.cmpi ne, %rem3A_120, %ne3A_121 : i32
        %lt3A_123 = arith.constant 0 : i32
        %lt3A_124 = arith.cmpi slt, %rem3A_120, %lt3A_123 : i32
        %lt3A_125 = arith.constant 0 : i32
        %lt3A_126 = arith.cmpi slt, %select_n3A_119, %lt3A_125 : i32
        %ne3A_127 = arith.xori %lt3A_124, %lt3A_126 : i1
        %and3A_128 = arith.andi %ne3A_127, %ne3A_122 : i1
        %add3A_129 = arith.addi %rem3A_120, %select_n3A_119 : i32
        %select_n3A_130 = arith.select %and3A_128, %add3A_129, %rem3A_120 : i32
        %mul3A_131 = arith.constant 16 : i32
        %mul3A_132 = arith.muli %select_n3A_130, %mul3A_131 : i32
        %get3A = arith.index_cast %select_n3A : i32 to index
        %get3A_133 = arith.index_cast %mul3A_132 : i32 to index
        %get3A_134 = tpu.vector_load %arg11[%get3A, %get3A_133] {strides = array<i32>} : memref<40x128xi32, #tpu.memory_space<vmem>>, vector<1x16xi32>,
        %get3A_135 = vector.shape_cast %get3A_134 : vector<1x16xi32> to vector<16xi32>
        %sub3A_136 = vector.broadcast %mul3A_60 : i32 to vector<16xi32>
        %sub3A_137 = arith.subi %get3A_135, %sub3A_136 : vector<16xi32>
        %ge3A = arith.constant 0 : i32
        %ge3A_138 = vector.broadcast %ge3A : i32 to vector<16xi32>
        %ge3A_139 = arith.cmpi sge, %sub3A_137, %ge3A_138 : vector<16xi32>
        %lt3A_140 = arith.constant 5120 : i32
        %lt3A_141 = vector.broadcast %lt3A_140 : i32 to vector<16xi32>
        %lt3A_142 = arith.cmpi slt, %sub3A_137, %lt3A_141 : vector<16xi32>
        %and3A_143 = arith.andi %ge3A_139, %lt3A_142 : vector<16xi1>
        %jit3A_144 = arith.constant 5120 : i32
        %broadcast_in_dim3A_145 = vector.broadcast %jit3A_144 : i32 to vector<16xi32>
        %select_n3A_146 = arith.select %and3A_143, %sub3A_137, %broadcast_in_dim3A_145 : vector<16xi1>, vector<16xi32>
        %mul3A_147 = arith.constant 16 : i32
        %mul3A_148 = arith.muli %select_n3A_130, %mul3A_147 : i32
        %swap3A = arith.index_cast %select_n3A : i32 to index
        %swap3A_149 = arith.index_cast %mul3A_148 : i32 to index
        %swap3A_150 = tpu.vector_load %arg13[%swap3A, %swap3A_149] {strides = array<i32>} : memref<40x128xi32, #tpu.memory_space<vmem>>, vector<1x16xi32>,
        %swap3A_151 = vector.shape_cast %swap3A_150 : vector<1x16xi32> to vector<16xi32>
        %swap3A_152 = vector.shape_cast %select_n3A_146 : vector<16xi32> to vector<1x16xi32>
        tpu.vector_store %arg13[%swap3A, %swap3A_149], %swap3A_152 {strides = array<i32>} : memref<40x128xi32, #tpu.memory_space<vmem>>, vector<1x16xi32>,
        %scan3A_153 = arith.constant 0 : i32
        scf.yield %scan3A_153 : i32
      }
      %scan3A_67 = arith.constant 320 : i32
      %scan3A_68 = arith.constant 0 : i32
      %scan3A_69 = arith.constant 0 : i32
      %scan3A_70 = arith.constant 1024 : i32
      %scan3A_71 = arith.addi %scan3A_69, %scan3A_70 : i32
      %scan3A_72 = arith.constant 1 : i32
      %scan3A_73 = scf.for %scan3A_98 = %scan3A_69 to %scan3A_71 step %scan3A_72 iter_args(%scan3A_99 = %scan3A_68) -> (i32)  : i32 {
        %jit3A = arith.constant 8 : i32
        %div3A = arith.divsi %scan3A_98, %jit3A : i32
        %sign3A = arith.constant 0 : i32
        %sign3A_100 = arith.cmpi sgt, %scan3A_98, %sign3A : i32
        %sign3A_101 = arith.extui %sign3A_100 : i1 to i32
        %sign3A_102 = arith.constant 0 : i32
        %sign3A_103 = arith.cmpi slt, %scan3A_98, %sign3A_102 : i32
        %sign3A_104 = arith.extui %sign3A_103 : i1 to i32
        %sign3A_105 = arith.subi %sign3A_101, %sign3A_104 : i32
        %sign3A_106 = arith.constant 0 : i32
        %sign3A_107 = arith.cmpi sgt, %jit3A, %sign3A_106 : i32
        %sign3A_108 = arith.extui %sign3A_107 : i1 to i32
        %sign3A_109 = arith.constant 0 : i32
        %sign3A_110 = arith.cmpi slt, %jit3A, %sign3A_109 : i32
        %sign3A_111 = arith.extui %sign3A_110 : i1 to i32
        %sign3A_112 = arith.subi %sign3A_108, %sign3A_111 : i32
        %ne3A = arith.cmpi ne, %sign3A_105, %sign3A_112 : i32
        %rem3A = arith.remsi %scan3A_98, %jit3A : i32
        %ne3A_113 = arith.constant 0 : i32
        %ne3A_114 = arith.cmpi ne, %rem3A, %ne3A_113 : i32
        %and3A = arith.andi %ne3A, %ne3A_114 : i1
        %sub3A = arith.constant 1 : i32
        %sub3A_115 = arith.subi %div3A, %sub3A : i32
        %select_n3A = arith.select %and3A, %sub3A_115, %div3A : i32
        %jit3A_116 = arith.constant 8 : i32
        %eq3A = arith.constant 0 : i32
        %eq3A_117 = arith.cmpi eq, %jit3A_116, %eq3A : i32
        %jit3A_118 = arith.constant 1 : i32
        %select_n3A_119 = arith.select %eq3A_117, %jit3A_118, %jit3A_116 : i32
        %rem3A_120 = arith.remsi %scan3A_98, %select_n3A_119 : i32
        %ne3A_121 = arith.constant 0 : i32
        %ne3A_122 = arith.cmpi ne, %rem3A_120, %ne3A_121 : i32
        %lt3A_123 = arith.constant 0 : i32
        %lt3A_124 = arith.cmpi slt, %rem3A_120, %lt3A_123 : i32
        %lt3A_125 = arith.constant 0 : i32
        %lt3A_126 = arith.cmpi slt, %select_n3A_119, %lt3A_125 : i32
        %ne3A_127 = arith.xori %lt3A_124, %lt3A_126 : i1
        %and3A_128 = arith.andi %ne3A_127, %ne3A_122 : i1
        %add3A_129 = arith.addi %rem3A_120, %select_n3A_119 : i32
        %select_n3A_130 = arith.select %and3A_128, %add3A_129, %rem3A_120 : i32
        %mul3A_131 = arith.constant 16 : i32
        %mul3A_132 = arith.muli %select_n3A_130, %mul3A_131 : i32
        %swap3A = arith.index_cast %select_n3A : i32 to index
        %swap3A_133 = arith.index_cast %mul3A_132 : i32 to index
        %swap3A_134 = tpu.vector_load %arg17[%swap3A, %swap3A_133] {strides = array<i32>} : memref<128x128xf32, #tpu.memory_space<vmem>>, vector<1x16xf32>,
        %swap3A_135 = vector.shape_cast %swap3A_134 : vector<1x16xf32> to vector<16xf32>
        %swap3A_136 = vector.shape_cast %broadcast_in_dim3A_0 : vector<16xf32> to vector<1x16xf32>
        tpu.vector_store %arg17[%swap3A, %swap3A_133], %swap3A_136 {strides = array<i32>} : memref<128x128xf32, #tpu.memory_space<vmem>>, vector<1x16xf32>,
        %scan3A_137 = arith.constant 0 : i32
        scf.yield %scan3A_137 : i32
      }
      %scan3A_74 = arith.constant 1024 : i32
      %mul3A_75 = arith.constant 128 : i32
      %mul3A_76 = arith.muli %arg1, %mul3A_75 : i32
      "tpu.region"() ({
        %run_scoped3A_98 = tpu.sem_alloc : memref<!tpu.dma_semaphore, #tpu.memory_space<semaphore_mem>>
        %dma_start3A = arith.constant 0 : i32
        %dma_start3A_99 = tpu.memref_slice %arg21[%mul3A_76, %dma_start3A] : memref<5248x128xf32, #tpu.memory_space<vmem_shared>> -> memref<128x128xf32, #tpu.memory_space<vmem_shared>>
        %dma_start3A_100 = arith.constant 0 : i32
        %dma_start3A_101 = tpu.memref_slice %arg21[%mul3A_76, %dma_start3A_100] : memref<5248x128xf32, #tpu.memory_space<vmem_shared>> -> memref<128x128xf32, #tpu.memory_space<vmem_shared>>
        tpu.enqueue_dma source(%arg17 : memref<128x128xf32, #tpu.memory_space<vmem>>) target(%dma_start3A_101 : memref<128x128xf32, #tpu.memory_space<vmem_shared>>) target_semaphore(%run_scoped3A_98 : memref<!tpu.dma_semaphore, #tpu.memory_space<semaphore_mem>>)
        %dma_wait3A = arith.constant 0 : i32
        %dma_wait3A_102 = tpu.memref_slice %arg21[%mul3A_76, %dma_wait3A] : memref<5248x128xf32, #tpu.memory_space<vmem_shared>> -> memref<128x128xf32, #tpu.memory_space<vmem_shared>>
        %dma_wait3A_103 = arith.constant 0 : i32
        %dma_wait3A_104 = tpu.memref_slice %arg21[%mul3A_76, %dma_wait3A_103] : memref<5248x128xf32, #tpu.memory_space<vmem_shared>> -> memref<128x128xf32, #tpu.memory_space<vmem_shared>>
        tpu.wait_dma2 semaphore(%run_scoped3A_98 : memref<!tpu.dma_semaphore, #tpu.memory_space<semaphore_mem>>) src(%arg17 : memref<128x128xf32, #tpu.memory_space<vmem>>) dst(%dma_wait3A_104 : memref<128x128xf32, #tpu.memory_space<vmem_shared>>)
        tpu.yield
      }) : () -> ()
      %add3A = arith.constant 16 : i32
      %add3A_77 = arith.addi %arg1, %add3A : i32
      %mul3A_78 = arith.constant 128 : i32
      %mul3A_79 = arith.muli %add3A_77, %mul3A_78 : i32
      "tpu.region"() ({
        %run_scoped3A_98 = tpu.sem_alloc : memref<!tpu.dma_semaphore, #tpu.memory_space<semaphore_mem>>
        %dma_start3A = arith.constant 0 : i32
        %dma_start3A_99 = tpu.memref_slice %arg21[%mul3A_79, %dma_start3A] : memref<5248x128xf32, #tpu.memory_space<vmem_shared>> -> memref<128x128xf32, #tpu.memory_space<vmem_shared>>
        %dma_start3A_100 = arith.constant 0 : i32
        %dma_start3A_101 = tpu.memref_slice %arg21[%mul3A_79, %dma_start3A_100] : memref<5248x128xf32, #tpu.memory_space<vmem_shared>> -> memref<128x128xf32, #tpu.memory_space<vmem_shared>>
        tpu.enqueue_dma source(%arg17 : memref<128x128xf32, #tpu.memory_space<vmem>>) target(%dma_start3A_101 : memref<128x128xf32, #tpu.memory_space<vmem_shared>>) target_semaphore(%run_scoped3A_98 : memref<!tpu.dma_semaphore, #tpu.memory_space<semaphore_mem>>)
        %dma_wait3A = arith.constant 0 : i32
        %dma_wait3A_102 = tpu.memref_slice %arg21[%mul3A_79, %dma_wait3A] : memref<5248x128xf32, #tpu.memory_space<vmem_shared>> -> memref<128x128xf32, #tpu.memory_space<vmem_shared>>
        %dma_wait3A_103 = arith.constant 0 : i32
        %dma_wait3A_104 = tpu.memref_slice %arg21[%mul3A_79, %dma_wait3A_103] : memref<5248x128xf32, #tpu.memory_space<vmem_shared>> -> memref<128x128xf32, #tpu.memory_space<vmem_shared>>
        tpu.wait_dma2 semaphore(%run_scoped3A_98 : memref<!tpu.dma_semaphore, #tpu.memory_space<semaphore_mem>>) src(%arg17 : memref<128x128xf32, #tpu.memory_space<vmem>>) dst(%dma_wait3A_104 : memref<128x128xf32, #tpu.memory_space<vmem_shared>>)
        tpu.yield
      }) : () -> ()
      %lt3A = arith.constant 9 : i32
      %lt3A_80 = arith.cmpi slt, %arg1, %lt3A : i32
      %convert_element_type3A = arith.extui %lt3A_80 : i1 to i32
      %cond3A = arith.constant 0 : i32
      %cond3A_81 = arith.cmpi ne, %convert_element_type3A, %cond3A : i32
      scf.if %cond3A_81 {
        %add3A_98 = arith.constant 32 : i32
        %add3A_99 = arith.addi %arg1, %add3A_98 : i32
        %mul3A_100 = arith.constant 128 : i32
        %mul3A_101 = arith.muli %add3A_99, %mul3A_100 : i32
        "tpu.region"() ({
          %run_scoped3A_102 = tpu.sem_alloc : memref<!tpu.dma_semaphore, #tpu.memory_space<semaphore_mem>>
          %dma_start3A = arith.constant 0 : i32
          %dma_start3A_103 = tpu.memref_slice %arg21[%mul3A_101, %dma_start3A] : memref<5248x128xf32, #tpu.memory_space<vmem_shared>> -> memref<128x128xf32, #tpu.memory_space<vmem_shared>>
          %dma_start3A_104 = arith.constant 0 : i32
          %dma_start3A_105 = tpu.memref_slice %arg21[%mul3A_101, %dma_start3A_104] : memref<5248x128xf32, #tpu.memory_space<vmem_shared>> -> memref<128x128xf32, #tpu.memory_space<vmem_shared>>
          tpu.enqueue_dma source(%arg17 : memref<128x128xf32, #tpu.memory_space<vmem>>) target(%dma_start3A_105 : memref<128x128xf32, #tpu.memory_space<vmem_shared>>) target_semaphore(%run_scoped3A_102 : memref<!tpu.dma_semaphore, #tpu.memory_space<semaphore_mem>>)
          %dma_wait3A = arith.constant 0 : i32
          %dma_wait3A_106 = tpu.memref_slice %arg21[%mul3A_101, %dma_wait3A] : memref<5248x128xf32, #tpu.memory_space<vmem_shared>> -> memref<128x128xf32, #tpu.memory_space<vmem_shared>>
          %dma_wait3A_107 = arith.constant 0 : i32
          %dma_wait3A_108 = tpu.memref_slice %arg21[%mul3A_101, %dma_wait3A_107] : memref<5248x128xf32, #tpu.memory_space<vmem_shared>> -> memref<128x128xf32, #tpu.memory_space<vmem_shared>>
          tpu.wait_dma2 semaphore(%run_scoped3A_102 : memref<!tpu.dma_semaphore, #tpu.memory_space<semaphore_mem>>) src(%arg17 : memref<128x128xf32, #tpu.memory_space<vmem>>) dst(%dma_wait3A_108 : memref<128x128xf32, #tpu.memory_space<vmem_shared>>)
          tpu.yield
        }) : () -> ()
      } else {
      }
      %barrier3A_82 = arith.constant 0 : index
      tpu.barrier barrier_id(%barrier3A_82)
      %scan3A_83 = arith.constant 0 : i32
      %scan3A_84 = arith.constant 0 : i32
      %scan3A_85 = arith.constant 40 : i32
      %scan3A_86 = arith.addi %scan3A_84, %scan3A_85 : i32
      %scan3A_87 = arith.constant 1 : i32
      %scan3A_88 = scf.for %scan3A_98 = %scan3A_84 to %scan3A_86 step %scan3A_87 iter_args(%scan3A_99 = %scan3A_83) -> (i32)  : i32 {
        %dma_start3A = arith.constant 0 : i32
        %dma_start3A_100 = tpu.memref_slice %arg10[%scan3A_98, %dma_start3A] : memref<40x128xi32, #tpu.memory_space<vmem>> -> memref<1x128xi32, #tpu.memory_space<vmem>>
        %dma_start3A_101 = tpu.memref_squeeze %dma_start3A_100 : memref<1x128xi32, #tpu.memory_space<vmem>> -> memref<128xi32, #tpu.memory_space<vmem>>
        %dma_start3A_102 = arith.constant 0 : i32
        %dma_start3A_103 = arith.constant 0 : i32
        %dma_start3A_104 = tpu.memref_slice %arg5[%dma_start3A_102, %dma_start3A_103] : memref<10000x128xf32, #tpu.memory_space<hbm>> -> memref<10000x128xf32, #tpu.memory_space<hbm>>
        tpu.enqueue_indirect_dma source(%dma_start3A_104 : memref<10000x128xf32, #tpu.memory_space<hbm>>) target(%arg17 : memref<128x128xf32, #tpu.memory_space<vmem>>) offsets(%dma_start3A_101 : memref<128xi32, #tpu.memory_space<vmem>>) semaphore(%arg22 : memref<!tpu.dma_semaphore, #tpu.memory_space<semaphore_mem>>)
        %dma_wait3A = arith.constant 0 : i32
        %dma_wait3A_105 = tpu.memref_slice %arg10[%scan3A_98, %dma_wait3A] : memref<40x128xi32, #tpu.memory_space<vmem>> -> memref<1x128xi32, #tpu.memory_space<vmem>>
        %dma_wait3A_106 = tpu.memref_squeeze %dma_wait3A_105 : memref<1x128xi32, #tpu.memory_space<vmem>> -> memref<128xi32, #tpu.memory_space<vmem>>
        %dma_wait3A_107 = arith.constant 0 : i32
        %dma_wait3A_108 = arith.constant 0 : i32
        %dma_wait3A_109 = tpu.memref_slice %arg5[%dma_wait3A_107, %dma_wait3A_108] : memref<10000x128xf32, #tpu.memory_space<hbm>> -> memref<10000x128xf32, #tpu.memory_space<hbm>>
        tpu.wait_indirect_dma semaphore(%arg22 : memref<!tpu.dma_semaphore, #tpu.memory_space<semaphore_mem>>) src(%dma_wait3A_109 : memref<10000x128xf32, #tpu.memory_space<hbm>>) dst(%arg17 : memref<128x128xf32, #tpu.memory_space<vmem>>)
        %dma_start3A_110 = arith.constant 0 : i32
        %dma_start3A_111 = tpu.memref_slice %arg12[%scan3A_98, %dma_start3A_110] : memref<40x128xi32, #tpu.memory_space<vmem>> -> memref<1x128xi32, #tpu.memory_space<vmem>>
        %dma_start3A_112 = tpu.memref_squeeze %dma_start3A_111 : memref<1x128xi32, #tpu.memory_space<vmem>> -> memref<128xi32, #tpu.memory_space<vmem>>
        %dma_start3A_113 = arith.constant 0 : i32
        %dma_start3A_114 = arith.constant 0 : i32
        %dma_start3A_115 = tpu.memref_slice %arg7[%dma_start3A_113, %dma_start3A_114] : memref<400x128xf32, #tpu.memory_space<hbm>> -> memref<400x128xf32, #tpu.memory_space<hbm>>
        tpu.enqueue_indirect_dma source(%dma_start3A_115 : memref<400x128xf32, #tpu.memory_space<hbm>>) target(%arg17 : memref<128x128xf32, #tpu.memory_space<vmem>>) offsets(%dma_start3A_112 : memref<128xi32, #tpu.memory_space<vmem>>) semaphore(%arg22 : memref<!tpu.dma_semaphore, #tpu.memory_space<semaphore_mem>>) {add = true}
        %dma_wait3A_116 = arith.constant 0 : i32
        %dma_wait3A_117 = tpu.memref_slice %arg12[%scan3A_98, %dma_wait3A_116] : memref<40x128xi32, #tpu.memory_space<vmem>> -> memref<1x128xi32, #tpu.memory_space<vmem>>
        %dma_wait3A_118 = tpu.memref_squeeze %dma_wait3A_117 : memref<1x128xi32, #tpu.memory_space<vmem>> -> memref<128xi32, #tpu.memory_space<vmem>>
        %dma_wait3A_119 = arith.constant 0 : i32
        %dma_wait3A_120 = arith.constant 0 : i32
        %dma_wait3A_121 = tpu.memref_slice %arg7[%dma_wait3A_119, %dma_wait3A_120] : memref<400x128xf32, #tpu.memory_space<hbm>> -> memref<400x128xf32, #tpu.memory_space<hbm>>
        tpu.wait_indirect_dma semaphore(%arg22 : memref<!tpu.dma_semaphore, #tpu.memory_space<semaphore_mem>>) src(%dma_wait3A_121 : memref<400x128xf32, #tpu.memory_space<hbm>>) dst(%arg17 : memref<128x128xf32, #tpu.memory_space<vmem>>)
        %scan3A_122 = arith.constant 0 : i32
        %scan3A_123 = arith.constant 0 : i32
        %scan3A_124 = arith.constant 8 : i32
        %scan3A_125 = arith.addi %scan3A_123, %scan3A_124 : i32
        %scan3A_126 = arith.constant 1 : i32
        %scan3A_127 = scf.for %scan3A_130 = %scan3A_123 to %scan3A_125 step %scan3A_126 iter_args(%scan3A_131 = %scan3A_122) -> (i32)  : i32 {
          %mul3A_132 = arith.constant 16 : i32
          %mul3A_133 = arith.muli %scan3A_130, %mul3A_132 : i32
          %get3A = arith.index_cast %scan3A_98 : i32 to index
          %get3A_134 = arith.index_cast %mul3A_133 : i32 to index
          %get3A_135 = tpu.vector_load %arg14[%get3A, %get3A_134] {strides = array<i32>} : memref<40x128xf32, #tpu.memory_space<vmem>>, vector<1x16xf32>,
          %get3A_136 = vector.shape_cast %get3A_135 : vector<1x16xf32> to vector<16xf32>
          %slice3A = vector.extract_strided_slice %get3A_136 {offsets = [0], sizes = [1], strides = [1]} : vector<16xf32> to vector<1xf32>
          %squeeze3A = vector.extract %slice3A[0] : f32 from vector<1xf32>
          %mul3A_137 = arith.constant 16 : i32
          %mul3A_138 = arith.muli %scan3A_130, %mul3A_137 : i32
          %add3A_139 = arith.constant 0 : i32
          %add3A_140 = arith.addi %mul3A_138, %add3A_139 : i32
          %get3A_141 = arith.index_cast %add3A_140 : i32 to index
          %get3A_142 = arith.constant 0 : index
          %get3A_143 = tpu.vector_load %arg17[%get3A_141, %get3A_142] {strides = array<i32>} : memref<128x128xf32, #tpu.memory_space<vmem>>, vector<1x16xf32>,
          %get3A_144 = vector.shape_cast %get3A_143 : vector<1x16xf32> to vector<16xf32>
          %mul3A_145 = vector.broadcast %squeeze3A : f32 to vector<16xf32>
          %mul3A_146 = arith.mulf %get3A_144, %mul3A_145 : vector<16xf32>
          %swap3A = arith.index_cast %add3A_140 : i32 to index
          %swap3A_147 = arith.constant 0 : index
          %swap3A_148 = tpu.vector_load %arg17[%swap3A, %swap3A_147] {strides = array<i32>} : memref<128x128xf32, #tpu.memory_space<vmem>>, vector<1x16xf32>,
          %swap3A_149 = vector.shape_cast %swap3A_148 : vector<1x16xf32> to vector<16xf32>
          %swap3A_150 = vector.shape_cast %mul3A_146 : vector<16xf32> to vector<1x16xf32>
          tpu.vector_store %arg17[%swap3A, %swap3A_147], %swap3A_150 {strides = array<i32>} : memref<128x128xf32, #tpu.memory_space<vmem>>, vector<1x16xf32>,
          %get3A_151 = arith.index_cast %add3A_140 : i32 to index
          %get3A_152 = arith.constant 16 : index
          %get3A_153 = tpu.vector_load %arg17[%get3A_151, %get3A_152] {strides = array<i32>} : memref<128x128xf32, #tpu.memory_space<vmem>>, vector<1x16xf32>,
          %get3A_154 = vector.shape_cast %get3A_153 : vector<1x16xf32> to vector<16xf32>
          %mul3A_155 = vector.broadcast %squeeze3A : f32 to vector<16xf32>
          %mul3A_156 = arith.mulf %get3A_154, %mul3A_155 : vector<16xf32>
          %swap3A_157 = arith.index_cast %add3A_140 : i32 to index
          %swap3A_158 = arith.constant 16 : index
          %swap3A_159 = tpu.vector_load %arg17[%swap3A_157, %swap3A_158] {strides = array<i32>} : memref<128x128xf32, #tpu.memory_space<vmem>>, vector<1x16xf32>,
          %swap3A_160 = vector.shape_cast %swap3A_159 : vector<1x16xf32> to vector<16xf32>
          %swap3A_161 = vector.shape_cast %mul3A_156 : vector<16xf32> to vector<1x16xf32>
          tpu.vector_store %arg17[%swap3A_157, %swap3A_158], %swap3A_161 {strides = array<i32>} : memref<128x128xf32, #tpu.memory_space<vmem>>, vector<1x16xf32>,
          %get3A_162 = arith.index_cast %add3A_140 : i32 to index
          %get3A_163 = arith.constant 32 : index
          %get3A_164 = tpu.vector_load %arg17[%get3A_162, %get3A_163] {strides = array<i32>} : memref<128x128xf32, #tpu.memory_space<vmem>>, vector<1x16xf32>,
          %get3A_165 = vector.shape_cast %get3A_164 : vector<1x16xf32> to vector<16xf32>
          %mul3A_166 = vector.broadcast %squeeze3A : f32 to vector<16xf32>
          %mul3A_167 = arith.mulf %get3A_165, %mul3A_166 : vector<16xf32>
          %swap3A_168 = arith.index_cast %add3A_140 : i32 to index
          %swap3A_169 = arith.constant 32 : index
          %swap3A_170 = tpu.vector_load %arg17[%swap3A_168, %swap3A_169] {strides = array<i32>} : memref<128x128xf32, #tpu.memory_space<vmem>>, vector<1x16xf32>,
          %swap3A_171 = vector.shape_cast %swap3A_170 : vector<1x16xf32> to vector<16xf32>
          %swap3A_172 = vector.shape_cast %mul3A_167 : vector<16xf32> to vector<1x16xf32>
          tpu.vector_store %arg17[%swap3A_168, %swap3A_169], %swap3A_172 {strides = array<i32>} : memref<128x128xf32, #tpu.memory_space<vmem>>, vector<1x16xf32>,
          %get3A_173 = arith.index_cast %add3A_140 : i32 to index
          %get3A_174 = arith.constant 48 : index
          %get3A_175 = tpu.vector_load %arg17[%get3A_173, %get3A_174] {strides = array<i32>} : memref<128x128xf32, #tpu.memory_space<vmem>>, vector<1x16xf32>,
          %get3A_176 = vector.shape_cast %get3A_175 : vector<1x16xf32> to vector<16xf32>
          %mul3A_177 = vector.broadcast %squeeze3A : f32 to vector<16xf32>
          %mul3A_178 = arith.mulf %get3A_176, %mul3A_177 : vector<16xf32>
          %swap3A_179 = arith.index_cast %add3A_140 : i32 to index
          %swap3A_180 = arith.constant 48 : index
          %swap3A_181 = tpu.vector_load %arg17[%swap3A_179, %swap3A_180] {strides = array<i32>} : memref<128x128xf32, #tpu.memory_space<vmem>>, vector<1x16xf32>,
          %swap3A_182 = vector.shape_cast %swap3A_181 : vector<1x16xf32> to vector<16xf32>
          %swap3A_183 = vector.shape_cast %mul3A_178 : vector<16xf32> to vector<1x16xf32>
          tpu.vector_store %arg17[%swap3A_179, %swap3A_180], %swap3A_183 {strides = array<i32>} : memref<128x128xf32, #tpu.memory_space<vmem>>, vector<1x16xf32>,
          %get3A_184 = arith.index_cast %add3A_140 : i32 to index
          %get3A_185 = arith.constant 64 : index
          %get3A_186 = tpu.vector_load %arg17[%get3A_184, %get3A_185] {strides = array<i32>} : memref<128x128xf32, #tpu.memory_space<vmem>>, vector<1x16xf32>,
          %get3A_187 = vector.shape_cast %get3A_186 : vector<1x16xf32> to vector<16xf32>
          %mul3A_188 = vector.broadcast %squeeze3A : f32 to vector<16xf32>
          %mul3A_189 = arith.mulf %get3A_187, %mul3A_188 : vector<16xf32>
          %swap3A_190 = arith.index_cast %add3A_140 : i32 to index
          %swap3A_191 = arith.constant 64 : index
          %swap3A_192 = tpu.vector_load %arg17[%swap3A_190, %swap3A_191] {strides = array<i32>} : memref<128x128xf32, #tpu.memory_space<vmem>>, vector<1x16xf32>,
          %swap3A_193 = vector.shape_cast %swap3A_192 : vector<1x16xf32> to vector<16xf32>
          %swap3A_194 = vector.shape_cast %mul3A_189 : vector<16xf32> to vector<1x16xf32>
          tpu.vector_store %arg17[%swap3A_190, %swap3A_191], %swap3A_194 {strides = array<i32>} : memref<128x128xf32, #tpu.memory_space<vmem>>, vector<1x16xf32>,
          %get3A_195 = arith.index_cast %add3A_140 : i32 to index
          %get3A_196 = arith.constant 80 : index
          %get3A_197 = tpu.vector_load %arg17[%get3A_195, %get3A_196] {strides = array<i32>} : memref<128x128xf32, #tpu.memory_space<vmem>>, vector<1x16xf32>,
          %get3A_198 = vector.shape_cast %get3A_197 : vector<1x16xf32> to vector<16xf32>
          %mul3A_199 = vector.broadcast %squeeze3A : f32 to vector<16xf32>
          %mul3A_200 = arith.mulf %get3A_198, %mul3A_199 : vector<16xf32>
          %swap3A_201 = arith.index_cast %add3A_140 : i32 to index
          %swap3A_202 = arith.constant 80 : index
          %swap3A_203 = tpu.vector_load %arg17[%swap3A_201, %swap3A_202] {strides = array<i32>} : memref<128x128xf32, #tpu.memory_space<vmem>>, vector<1x16xf32>,
          %swap3A_204 = vector.shape_cast %swap3A_203 : vector<1x16xf32> to vector<16xf32>
          %swap3A_205 = vector.shape_cast %mul3A_200 : vector<16xf32> to vector<1x16xf32>
          tpu.vector_store %arg17[%swap3A_201, %swap3A_202], %swap3A_205 {strides = array<i32>} : memref<128x128xf32, #tpu.memory_space<vmem>>, vector<1x16xf32>,
          %get3A_206 = arith.index_cast %add3A_140 : i32 to index
          %get3A_207 = arith.constant 96 : index
          %get3A_208 = tpu.vector_load %arg17[%get3A_206, %get3A_207] {strides = array<i32>} : memref<128x128xf32, #tpu.memory_space<vmem>>, vector<1x16xf32>,
          %get3A_209 = vector.shape_cast %get3A_208 : vector<1x16xf32> to vector<16xf32>
          %mul3A_210 = vector.broadcast %squeeze3A : f32 to vector<16xf32>
          %mul3A_211 = arith.mulf %get3A_209, %mul3A_210 : vector<16xf32>
          %swap3A_212 = arith.index_cast %add3A_140 : i32 to index
          %swap3A_213 = arith.constant 96 : index
          %swap3A_214 = tpu.vector_load %arg17[%swap3A_212, %swap3A_213] {strides = array<i32>} : memref<128x128xf32, #tpu.memory_space<vmem>>, vector<1x16xf32>,
          %swap3A_215 = vector.shape_cast %swap3A_214 : vector<1x16xf32> to vector<16xf32>
          %swap3A_216 = vector.shape_cast %mul3A_211 : vector<16xf32> to vector<1x16xf32>
          tpu.vector_store %arg17[%swap3A_212, %swap3A_213], %swap3A_216 {strides = array<i32>} : memref<128x128xf32, #tpu.memory_space<vmem>>, vector<1x16xf32>,
          %get3A_217 = arith.index_cast %add3A_140 : i32 to index
          %get3A_218 = arith.constant 112 : index
          %get3A_219 = tpu.vector_load %arg17[%get3A_217, %get3A_218] {strides = array<i32>} : memref<128x128xf32, #tpu.memory_space<vmem>>, vector<1x16xf32>,
          %get3A_220 = vector.shape_cast %get3A_219 : vector<1x16xf32> to vector<16xf32>
          %mul3A_221 = vector.broadcast %squeeze3A : f32 to vector<16xf32>
          %mul3A_222 = arith.mulf %get3A_220, %mul3A_221 : vector<16xf32>
          %swap3A_223 = arith.index_cast %add3A_140 : i32 to index
          %swap3A_224 = arith.constant 112 : index
          %swap3A_225 = tpu.vector_load %arg17[%swap3A_223, %swap3A_224] {strides = array<i32>} : memref<128x128xf32, #tpu.memory_space<vmem>>, vector<1x16xf32>,
          %swap3A_226 = vector.shape_cast %swap3A_225 : vector<1x16xf32> to vector<16xf32>
          %swap3A_227 = vector.shape_cast %mul3A_222 : vector<16xf32> to vector<1x16xf32>
          tpu.vector_store %arg17[%swap3A_223, %swap3A_224], %swap3A_227 {strides = array<i32>} : memref<128x128xf32, #tpu.memory_space<vmem>>, vector<1x16xf32>,
          %slice3A_228 = vector.extract_strided_slice %get3A_136 {offsets = [1], sizes = [1], strides = [1]} : vector<16xf32> to vector<1xf32>
          %squeeze3A_229 = vector.extract %slice3A_228[0] : f32 from vector<1xf32>
          %mul3A_230 = arith.constant 16 : i32
          %mul3A_231 = arith.muli %scan3A_130, %mul3A_230 : i32
          %add3A_232 = arith.constant 1 : i32
          %add3A_233 = arith.addi %mul3A_231, %add3A_232 : i32
          %get3A_234 = arith.index_cast %add3A_233 : i32 to index
          %get3A_235 = arith.constant 0 : index
          %get3A_236 = tpu.vector_load %arg17[%get3A_234, %get3A_235] {strides = array<i32>} : memref<128x128xf32, #tpu.memory_space<vmem>>, vector<1x16xf32>,
          %get3A_237 = vector.shape_cast %get3A_236 : vector<1x16xf32> to vector<16xf32>
          %mul3A_238 = vector.broadcast %squeeze3A_229 : f32 to vector<16xf32>
          %mul3A_239 = arith.mulf %get3A_237, %mul3A_238 : vector<16xf32>
          %swap3A_240 = arith.index_cast %add3A_233 : i32 to index
          %swap3A_241 = arith.constant 0 : index
          %swap3A_242 = tpu.vector_load %arg17[%swap3A_240, %swap3A_241] {strides = array<i32>} : memref<128x128xf32, #tpu.memory_space<vmem>>, vector<1x16xf32>,
          %swap3A_243 = vector.shape_cast %swap3A_242 : vector<1x16xf32> to vector<16xf32>
          %swap3A_244 = vector.shape_cast %mul3A_239 : vector<16xf32> to vector<1x16xf32>
          tpu.vector_store %arg17[%swap3A_240, %swap3A_241], %swap3A_244 {strides = array<i32>} : memref<128x128xf32, #tpu.memory_space<vmem>>, vector<1x16xf32>,
          %get3A_245 = arith.index_cast %add3A_233 : i32 to index
          %get3A_246 = arith.constant 16 : index
          %get3A_247 = tpu.vector_load %arg17[%get3A_245, %get3A_246] {strides = array<i32>} : memref<128x128xf32, #tpu.memory_space<vmem>>, vector<1x16xf32>,
          %get3A_248 = vector.shape_cast %get3A_247 : vector<1x16xf32> to vector<16xf32>
          %mul3A_249 = vector.broadcast %squeeze3A_229 : f32 to vector<16xf32>
          %mul3A_250 = arith.mulf %get3A_248, %mul3A_249 : vector<16xf32>
          %swap3A_251 = arith.index_cast %add3A_233 : i32 to index
          %swap3A_252 = arith.constant 16 : index
          %swap3A_253 = tpu.vector_load %arg17[%swap3A_251, %swap3A_252] {strides = array<i32>} : memref<128x128xf32, #tpu.memory_space<vmem>>, vector<1x16xf32>,
          %swap3A_254 = vector.shape_cast %swap3A_253 : vector<1x16xf32> to vector<16xf32>
          %swap3A_255 = vector.shape_cast %mul3A_250 : vector<16xf32> to vector<1x16xf32>
          tpu.vector_store %arg17[%swap3A_251, %swap3A_252], %swap3A_255 {strides = array<i32>} : memref<128x128xf32, #tpu.memory_space<vmem>>, vector<1x16xf32>,
          %get3A_256 = arith.index_cast %add3A_233 : i32 to index
          %get3A_257 = arith.constant 32 : index
          %get3A_258 = tpu.vector_load %arg17[%get3A_256, %get3A_257] {strides = array<i32>} : memref<128x128xf32, #tpu.memory_space<vmem>>, vector<1x16xf32>,
          %get3A_259 = vector.shape_cast %get3A_258 : vector<1x16xf32> to vector<16xf32>
          %mul3A_260 = vector.broadcast %squeeze3A_229 : f32 to vector<16xf32>
          %mul3A_261 = arith.mulf %get3A_259, %mul3A_260 : vector<16xf32>
          %swap3A_262 = arith.index_cast %add3A_233 : i32 to index
          %swap3A_263 = arith.constant 32 : index
          %swap3A_264 = tpu.vector_load %arg17[%swap3A_262, %swap3A_263] {strides = array<i32>} : memref<128x128xf32, #tpu.memory_space<vmem>>, vector<1x16xf32>,
          %swap3A_265 = vector.shape_cast %swap3A_264 : vector<1x16xf32> to vector<16xf32>
          %swap3A_266 = vector.shape_cast %mul3A_261 : vector<16xf32> to vector<1x16xf32>
          tpu.vector_store %arg17[%swap3A_262, %swap3A_263], %swap3A_266 {strides = array<i32>} : memref<128x128xf32, #tpu.memory_space<vmem>>, vector<1x16xf32>,
          %get3A_267 = arith.index_cast %add3A_233 : i32 to index
          %get3A_268 = arith.constant 48 : index
          %get3A_269 = tpu.vector_load %arg17[%get3A_267, %get3A_268] {strides = array<i32>} : memref<128x128xf32, #tpu.memory_space<vmem>>, vector<1x16xf32>,
          %get3A_270 = vector.shape_cast %get3A_269 : vector<1x16xf32> to vector<16xf32>
          %mul3A_271 = vector.broadcast %squeeze3A_229 : f32 to vector<16xf32>
          %mul3A_272 = arith.mulf %get3A_270, %mul3A_271 : vector<16xf32>
          %swap3A_273 = arith.index_cast %add3A_233 : i32 to index
          %swap3A_274 = arith.constant 48 : index
          %swap3A_275 = tpu.vector_load %arg17[%swap3A_273, %swap3A_274] {strides = array<i32>} : memref<128x128xf32, #tpu.memory_space<vmem>>, vector<1x16xf32>,
          %swap3A_276 = vector.shape_cast %swap3A_275 : vector<1x16xf32> to vector<16xf32>
          %swap3A_277 = vector.shape_cast %mul3A_272 : vector<16xf32> to vector<1x16xf32>
          tpu.vector_store %arg17[%swap3A_273, %swap3A_274], %swap3A_277 {strides = array<i32>} : memref<128x128xf32, #tpu.memory_space<vmem>>, vector<1x16xf32>,
          %get3A_278 = arith.index_cast %add3A_233 : i32 to index
          %get3A_279 = arith.constant 64 : index
          %get3A_280 = tpu.vector_load %arg17[%get3A_278, %get3A_279] {strides = array<i32>} : memref<128x128xf32, #tpu.memory_space<vmem>>, vector<1x16xf32>,
          %get3A_281 = vector.shape_cast %get3A_280 : vector<1x16xf32> to vector<16xf32>
          %mul3A_282 = vector.broadcast %squeeze3A_229 : f32 to vector<16xf32>
          %mul3A_283 = arith.mulf %get3A_281, %mul3A_282 : vector<16xf32>
          %swap3A_284 = arith.index_cast %add3A_233 : i32 to index
          %swap3A_285 = arith.constant 64 : index
          %swap3A_286 = tpu.vector_load %arg17[%swap3A_284, %swap3A_285] {strides = array<i32>} : memref<128x128xf32, #tpu.memory_space<vmem>>, vector<1x16xf32>,
          %swap3A_287 = vector.shape_cast %swap3A_286 : vector<1x16xf32> to vector<16xf32>
          %swap3A_288 = vector.shape_cast %mul3A_283 : vector<16xf32> to vector<1x16xf32>
          tpu.vector_store %arg17[%swap3A_284, %swap3A_285], %swap3A_288 {strides = array<i32>} : memref<128x128xf32, #tpu.memory_space<vmem>>, vector<1x16xf32>,
          %get3A_289 = arith.index_cast %add3A_233 : i32 to index
          %get3A_290 = arith.constant 80 : index
          %get3A_291 = tpu.vector_load %arg17[%get3A_289, %get3A_290] {strides = array<i32>} : memref<128x128xf32, #tpu.memory_space<vmem>>, vector<1x16xf32>,
          %get3A_292 = vector.shape_cast %get3A_291 : vector<1x16xf32> to vector<16xf32>
          %mul3A_293 = vector.broadcast %squeeze3A_229 : f32 to vector<16xf32>
          %mul3A_294 = arith.mulf %get3A_292, %mul3A_293 : vector<16xf32>
          %swap3A_295 = arith.index_cast %add3A_233 : i32 to index
          %swap3A_296 = arith.constant 80 : index
          %swap3A_297 = tpu.vector_load %arg17[%swap3A_295, %swap3A_296] {strides = array<i32>} : memref<128x128xf32, #tpu.memory_space<vmem>>, vector<1x16xf32>,
          %swap3A_298 = vector.shape_cast %swap3A_297 : vector<1x16xf32> to vector<16xf32>
          %swap3A_299 = vector.shape_cast %mul3A_294 : vector<16xf32> to vector<1x16xf32>
          tpu.vector_store %arg17[%swap3A_295, %swap3A_296], %swap3A_299 {strides = array<i32>} : memref<128x128xf32, #tpu.memory_space<vmem>>, vector<1x16xf32>,
          %get3A_300 = arith.index_cast %add3A_233 : i32 to index
          %get3A_301 = arith.constant 96 : index
          %get3A_302 = tpu.vector_load %arg17[%get3A_300, %get3A_301] {strides = array<i32>} : memref<128x128xf32, #tpu.memory_space<vmem>>, vector<1x16xf32>,
          %get3A_303 = vector.shape_cast %get3A_302 : vector<1x16xf32> to vector<16xf32>
          %mul3A_304 = vector.broadcast %squeeze3A_229 : f32 to vector<16xf32>
          %mul3A_305 = arith.mulf %get3A_303, %mul3A_304 : vector<16xf32>
          %swap3A_306 = arith.index_cast %add3A_233 : i32 to index
          %swap3A_307 = arith.constant 96 : index
          %swap3A_308 = tpu.vector_load %arg17[%swap3A_306, %swap3A_307] {strides = array<i32>} : memref<128x128xf32, #tpu.memory_space<vmem>>, vector<1x16xf32>,
          %swap3A_309 = vector.shape_cast %swap3A_308 : vector<1x16xf32> to vector<16xf32>
          %swap3A_310 = vector.shape_cast %mul3A_305 : vector<16xf32> to vector<1x16xf32>
          tpu.vector_store %arg17[%swap3A_306, %swap3A_307], %swap3A_310 {strides = array<i32>} : memref<128x128xf32, #tpu.memory_space<vmem>>, vector<1x16xf32>,
          %get3A_311 = arith.index_cast %add3A_233 : i32 to index
          %get3A_312 = arith.constant 112 : index
          %get3A_313 = tpu.vector_load %arg17[%get3A_311, %get3A_312] {strides = array<i32>} : memref<128x128xf32, #tpu.memory_space<vmem>>, vector<1x16xf32>,
          %get3A_314 = vector.shape_cast %get3A_313 : vector<1x16xf32> to vector<16xf32>
          %mul3A_315 = vector.broadcast %squeeze3A_229 : f32 to vector<16xf32>
          %mul3A_316 = arith.mulf %get3A_314, %mul3A_315 : vector<16xf32>
          %swap3A_317 = arith.index_cast %add3A_233 : i32 to index
          %swap3A_318 = arith.constant 112 : index
          %swap3A_319 = tpu.vector_load %arg17[%swap3A_317, %swap3A_318] {strides = array<i32>} : memref<128x128xf32, #tpu.memory_space<vmem>>, vector<1x16xf32>,
          %swap3A_320 = vector.shape_cast %swap3A_319 : vector<1x16xf32> to vector<16xf32>
          %swap3A_321 = vector.shape_cast %mul3A_316 : vector<16xf32> to vector<1x16xf32>
          tpu.vector_store %arg17[%swap3A_317, %swap3A_318], %swap3A_321 {strides = array<i32>} : memref<128x128xf32, #tpu.memory_space<vmem>>, vector<1x16xf32>,
          %slice3A_322 = vector.extract_strided_slice %get3A_136 {offsets = [2], sizes = [1], strides = [1]} : vector<16xf32> to vector<1xf32>
          %squeeze3A_323 = vector.extract %slice3A_322[0] : f32 from vector<1xf32>
          %mul3A_324 = arith.constant 16 : i32
          %mul3A_325 = arith.muli %scan3A_130, %mul3A_324 : i32
          %add3A_326 = arith.constant 2 : i32
          %add3A_327 = arith.addi %mul3A_325, %add3A_326 : i32
          %get3A_328 = arith.index_cast %add3A_327 : i32 to index
          %get3A_329 = arith.constant 0 : index
          %get3A_330 = tpu.vector_load %arg17[%get3A_328, %get3A_329] {strides = array<i32>} : memref<128x128xf32, #tpu.memory_space<vmem>>, vector<1x16xf32>,
          %get3A_331 = vector.shape_cast %get3A_330 : vector<1x16xf32> to vector<16xf32>
          %mul3A_332 = vector.broadcast %squeeze3A_323 : f32 to vector<16xf32>
          %mul3A_333 = arith.mulf %get3A_331, %mul3A_332 : vector<16xf32>
          %swap3A_334 = arith.index_cast %add3A_327 : i32 to index
          %swap3A_335 = arith.constant 0 : index
          %swap3A_336 = tpu.vector_load %arg17[%swap3A_334, %swap3A_335] {strides = array<i32>} : memref<128x128xf32, #tpu.memory_space<vmem>>, vector<1x16xf32>,
          %swap3A_337 = vector.shape_cast %swap3A_336 : vector<1x16xf32> to vector<16xf32>
          %swap3A_338 = vector.shape_cast %mul3A_333 : vector<16xf32> to vector<1x16xf32>
          tpu.vector_store %arg17[%swap3A_334, %swap3A_335], %swap3A_338 {strides = array<i32>} : memref<128x128xf32, #tpu.memory_space<vmem>>, vector<1x16xf32>,
          %get3A_339 = arith.index_cast %add3A_327 : i32 to index
          %get3A_340 = arith.constant 16 : index
          %get3A_341 = tpu.vector_load %arg17[%get3A_339, %get3A_340] {strides = array<i32>} : memref<128x128xf32, #tpu.memory_space<vmem>>, vector<1x16xf32>,
          %get3A_342 = vector.shape_cast %get3A_341 : vector<1x16xf32> to vector<16xf32>
          %mul3A_343 = vector.broadcast %squeeze3A_323 : f32 to vector<16xf32>
          %mul3A_344 = arith.mulf %get3A_342, %mul3A_343 : vector<16xf32>
          %swap3A_345 = arith.index_cast %add3A_327 : i32 to index
          %swap3A_346 = arith.constant 16 : index
          %swap3A_347 = tpu.vector_load %arg17[%swap3A_345, %swap3A_346] {strides = array<i32>} : memref<128x128xf32, #tpu.memory_space<vmem>>, vector<1x16xf32>,
          %swap3A_348 = vector.shape_cast %swap3A_347 : vector<1x16xf32> to vector<16xf32>
          %swap3A_349 = vector.shape_cast %mul3A_344 : vector<16xf32> to vector<1x16xf32>
          tpu.vector_store %arg17[%swap3A_345, %swap3A_346], %swap3A_349 {strides = array<i32>} : memref<128x128xf32, #tpu.memory_space<vmem>>, vector<1x16xf32>,
          %get3A_350 = arith.index_cast %add3A_327 : i32 to index
          %get3A_351 = arith.constant 32 : index
          %get3A_352 = tpu.vector_load %arg17[%get3A_350, %get3A_351] {strides = array<i32>} : memref<128x128xf32, #tpu.memory_space<vmem>>, vector<1x16xf32>,
          %get3A_353 = vector.shape_cast %get3A_352 : vector<1x16xf32> to vector<16xf32>
          %mul3A_354 = vector.broadcast %squeeze3A_323 : f32 to vector<16xf32>
          %mul3A_355 = arith.mulf %get3A_353, %mul3A_354 : vector<16xf32>
          %swap3A_356 = arith.index_cast %add3A_327 : i32 to index
          %swap3A_357 = arith.constant 32 : index
          %swap3A_358 = tpu.vector_load %arg17[%swap3A_356, %swap3A_357] {strides = array<i32>} : memref<128x128xf32, #tpu.memory_space<vmem>>, vector<1x16xf32>,
          %swap3A_359 = vector.shape_cast %swap3A_358 : vector<1x16xf32> to vector<16xf32>
          %swap3A_360 = vector.shape_cast %mul3A_355 : vector<16xf32> to vector<1x16xf32>
          tpu.vector_store %arg17[%swap3A_356, %swap3A_357], %swap3A_360 {strides = array<i32>} : memref<128x128xf32, #tpu.memory_space<vmem>>, vector<1x16xf32>,
          %get3A_361 = arith.index_cast %add3A_327 : i32 to index
          %get3A_362 = arith.constant 48 : index
          %get3A_363 = tpu.vector_load %arg17[%get3A_361, %get3A_362] {strides = array<i32>} : memref<128x128xf32, #tpu.memory_space<vmem>>, vector<1x16xf32>,
          %get3A_364 = vector.shape_cast %get3A_363 : vector<1x16xf32> to vector<16xf32>
          %mul3A_365 = vector.broadcast %squeeze3A_323 : f32 to vector<16xf32>
          %mul3A_366 = arith.mulf %get3A_364, %mul3A_365 : vector<16xf32>
          %swap3A_367 = arith.index_cast %add3A_327 : i32 to index
          %swap3A_368 = arith.constant 48 : index
          %swap3A_369 = tpu.vector_load %arg17[%swap3A_367, %swap3A_368] {strides = array<i32>} : memref<128x128xf32, #tpu.memory_space<vmem>>, vector<1x16xf32>,
          %swap3A_370 = vector.shape_cast %swap3A_369 : vector<1x16xf32> to vector<16xf32>
          %swap3A_371 = vector.shape_cast %mul3A_366 : vector<16xf32> to vector<1x16xf32>
          tpu.vector_store %arg17[%swap3A_367, %swap3A_368], %swap3A_371 {strides = array<i32>} : memref<128x128xf32, #tpu.memory_space<vmem>>, vector<1x16xf32>,
          %get3A_372 = arith.index_cast %add3A_327 : i32 to index
          %get3A_373 = arith.constant 64 : index
          %get3A_374 = tpu.vector_load %arg17[%get3A_372, %get3A_373] {strides = array<i32>} : memref<128x128xf32, #tpu.memory_space<vmem>>, vector<1x16xf32>,
          %get3A_375 = vector.shape_cast %get3A_374 : vector<1x16xf32> to vector<16xf32>
          %mul3A_376 = vector.broadcast %squeeze3A_323 : f32 to vector<16xf32>
          %mul3A_377 = arith.mulf %get3A_375, %mul3A_376 : vector<16xf32>
          %swap3A_378 = arith.index_cast %add3A_327 : i32 to index
          %swap3A_379 = arith.constant 64 : index
          %swap3A_380 = tpu.vector_load %arg17[%swap3A_378, %swap3A_379] {strides = array<i32>} : memref<128x128xf32, #tpu.memory_space<vmem>>, vector<1x16xf32>,
          %swap3A_381 = vector.shape_cast %swap3A_380 : vector<1x16xf32> to vector<16xf32>
          %swap3A_382 = vector.shape_cast %mul3A_377 : vector<16xf32> to vector<1x16xf32>
          tpu.vector_store %arg17[%swap3A_378, %swap3A_379], %swap3A_382 {strides = array<i32>} : memref<128x128xf32, #tpu.memory_space<vmem>>, vector<1x16xf32>,
          %get3A_383 = arith.index_cast %add3A_327 : i32 to index
          %get3A_384 = arith.constant 80 : index
          %get3A_385 = tpu.vector_load %arg17[%get3A_383, %get3A_384] {strides = array<i32>} : memref<128x128xf32, #tpu.memory_space<vmem>>, vector<1x16xf32>,
          %get3A_386 = vector.shape_cast %get3A_385 : vector<1x16xf32> to vector<16xf32>
          %mul3A_387 = vector.broadcast %squeeze3A_323 : f32 to vector<16xf32>
          %mul3A_388 = arith.mulf %get3A_386, %mul3A_387 : vector<16xf32>
          %swap3A_389 = arith.index_cast %add3A_327 : i32 to index
          %swap3A_390 = arith.constant 80 : index
          %swap3A_391 = tpu.vector_load %arg17[%swap3A_389, %swap3A_390] {strides = array<i32>} : memref<128x128xf32, #tpu.memory_space<vmem>>, vector<1x16xf32>,
          %swap3A_392 = vector.shape_cast %swap3A_391 : vector<1x16xf32> to vector<16xf32>
          %swap3A_393 = vector.shape_cast %mul3A_388 : vector<16xf32> to vector<1x16xf32>
          tpu.vector_store %arg17[%swap3A_389, %swap3A_390], %swap3A_393 {strides = array<i32>} : memref<128x128xf32, #tpu.memory_space<vmem>>, vector<1x16xf32>,
          %get3A_394 = arith.index_cast %add3A_327 : i32 to index
          %get3A_395 = arith.constant 96 : index
          %get3A_396 = tpu.vector_load %arg17[%get3A_394, %get3A_395] {strides = array<i32>} : memref<128x128xf32, #tpu.memory_space<vmem>>, vector<1x16xf32>,
          %get3A_397 = vector.shape_cast %get3A_396 : vector<1x16xf32> to vector<16xf32>
          %mul3A_398 = vector.broadcast %squeeze3A_323 : f32 to vector<16xf32>
          %mul3A_399 = arith.mulf %get3A_397, %mul3A_398 : vector<16xf32>
          %swap3A_400 = arith.index_cast %add3A_327 : i32 to index
          %swap3A_401 = arith.constant 96 : index
          %swap3A_402 = tpu.vector_load %arg17[%swap3A_400, %swap3A_401] {strides = array<i32>} : memref<128x128xf32, #tpu.memory_space<vmem>>, vector<1x16xf32>,
          %swap3A_403 = vector.shape_cast %swap3A_402 : vector<1x16xf32> to vector<16xf32>
          %swap3A_404 = vector.shape_cast %mul3A_399 : vector<16xf32> to vector<1x16xf32>
          tpu.vector_store %arg17[%swap3A_400, %swap3A_401], %swap3A_404 {strides = array<i32>} : memref<128x128xf32, #tpu.memory_space<vmem>>, vector<1x16xf32>,
          %get3A_405 = arith.index_cast %add3A_327 : i32 to index
          %get3A_406 = arith.constant 112 : index
          %get3A_407 = tpu.vector_load %arg17[%get3A_405, %get3A_406] {strides = array<i32>} : memref<128x128xf32, #tpu.memory_space<vmem>>, vector<1x16xf32>,
          %get3A_408 = vector.shape_cast %get3A_407 : vector<1x16xf32> to vector<16xf32>
          %mul3A_409 = vector.broadcast %squeeze3A_323 : f32 to vector<16xf32>
          %mul3A_410 = arith.mulf %get3A_408, %mul3A_409 : vector<16xf32>
          %swap3A_411 = arith.index_cast %add3A_327 : i32 to index
          %swap3A_412 = arith.constant 112 : index
          %swap3A_413 = tpu.vector_load %arg17[%swap3A_411, %swap3A_412] {strides = array<i32>} : memref<128x128xf32, #tpu.memory_space<vmem>>, vector<1x16xf32>,
          %swap3A_414 = vector.shape_cast %swap3A_413 : vector<1x16xf32> to vector<16xf32>
          %swap3A_415 = vector.shape_cast %mul3A_410 : vector<16xf32> to vector<1x16xf32>
          tpu.vector_store %arg17[%swap3A_411, %swap3A_412], %swap3A_415 {strides = array<i32>} : memref<128x128xf32, #tpu.memory_space<vmem>>, vector<1x16xf32>,
          %slice3A_416 = vector.extract_strided_slice %get3A_136 {offsets = [3], sizes = [1], strides = [1]} : vector<16xf32> to vector<1xf32>
          %squeeze3A_417 = vector.extract %slice3A_416[0] : f32 from vector<1xf32>
          %mul3A_418 = arith.constant 16 : i32
          %mul3A_419 = arith.muli %scan3A_130, %mul3A_418 : i32
          %add3A_420 = arith.constant 3 : i32
          %add3A_421 = arith.addi %mul3A_419, %add3A_420 : i32
          %get3A_422 = arith.index_cast %add3A_421 : i32 to index
          %get3A_423 = arith.constant 0 : index
          %get3A_424 = tpu.vector_load %arg17[%get3A_422, %get3A_423] {strides = array<i32>} : memref<128x128xf32, #tpu.memory_space<vmem>>, vector<1x16xf32>,
          %get3A_425 = vector.shape_cast %get3A_424 : vector<1x16xf32> to vector<16xf32>
          %mul3A_426 = vector.broadcast %squeeze3A_417 : f32 to vector<16xf32>
          %mul3A_427 = arith.mulf %get3A_425, %mul3A_426 : vector<16xf32>
          %swap3A_428 = arith.index_cast %add3A_421 : i32 to index
          %swap3A_429 = arith.constant 0 : index
          %swap3A_430 = tpu.vector_load %arg17[%swap3A_428, %swap3A_429] {strides = array<i32>} : memref<128x128xf32, #tpu.memory_space<vmem>>, vector<1x16xf32>,
          %swap3A_431 = vector.shape_cast %swap3A_430 : vector<1x16xf32> to vector<16xf32>
          %swap3A_432 = vector.shape_cast %mul3A_427 : vector<16xf32> to vector<1x16xf32>
          tpu.vector_store %arg17[%swap3A_428, %swap3A_429], %swap3A_432 {strides = array<i32>} : memref<128x128xf32, #tpu.memory_space<vmem>>, vector<1x16xf32>,
          %get3A_433 = arith.index_cast %add3A_421 : i32 to index
          %get3A_434 = arith.constant 16 : index
          %get3A_435 = tpu.vector_load %arg17[%get3A_433, %get3A_434] {strides = array<i32>} : memref<128x128xf32, #tpu.memory_space<vmem>>, vector<1x16xf32>,
          %get3A_436 = vector.shape_cast %get3A_435 : vector<1x16xf32> to vector<16xf32>
          %mul3A_437 = vector.broadcast %squeeze3A_417 : f32 to vector<16xf32>
          %mul3A_438 = arith.mulf %get3A_436, %mul3A_437 : vector<16xf32>
          %swap3A_439 = arith.index_cast %add3A_421 : i32 to index
          %swap3A_440 = arith.constant 16 : index
          %swap3A_441 = tpu.vector_load %arg17[%swap3A_439, %swap3A_440] {strides = array<i32>} : memref<128x128xf32, #tpu.memory_space<vmem>>, vector<1x16xf32>,
          %swap3A_442 = vector.shape_cast %swap3A_441 : vector<1x16xf32> to vector<16xf32>
          %swap3A_443 = vector.shape_cast %mul3A_438 : vector<16xf32> to vector<1x16xf32>
          tpu.vector_store %arg17[%swap3A_439, %swap3A_440], %swap3A_443 {strides = array<i32>} : memref<128x128xf32, #tpu.memory_space<vmem>>, vector<1x16xf32>,
          %get3A_444 = arith.index_cast %add3A_421 : i32 to index
          %get3A_445 = arith.constant 32 : index
          %get3A_446 = tpu.vector_load %arg17[%get3A_444, %get3A_445] {strides = array<i32>} : memref<128x128xf32, #tpu.memory_space<vmem>>, vector<1x16xf32>,
          %get3A_447 = vector.shape_cast %get3A_446 : vector<1x16xf32> to vector<16xf32>
          %mul3A_448 = vector.broadcast %squeeze3A_417 : f32 to vector<16xf32>
          %mul3A_449 = arith.mulf %get3A_447, %mul3A_448 : vector<16xf32>
          %swap3A_450 = arith.index_cast %add3A_421 : i32 to index
          %swap3A_451 = arith.constant 32 : index
          %swap3A_452 = tpu.vector_load %arg17[%swap3A_450, %swap3A_451] {strides = array<i32>} : memref<128x128xf32, #tpu.memory_space<vmem>>, vector<1x16xf32>,
          %swap3A_453 = vector.shape_cast %swap3A_452 : vector<1x16xf32> to vector<16xf32>
          %swap3A_454 = vector.shape_cast %mul3A_449 : vector<16xf32> to vector<1x16xf32>
          tpu.vector_store %arg17[%swap3A_450, %swap3A_451], %swap3A_454 {strides = array<i32>} : memref<128x128xf32, #tpu.memory_space<vmem>>, vector<1x16xf32>,
          %get3A_455 = arith.index_cast %add3A_421 : i32 to index
          %get3A_456 = arith.constant 48 : index
          %get3A_457 = tpu.vector_load %arg17[%get3A_455, %get3A_456] {strides = array<i32>} : memref<128x128xf32, #tpu.memory_space<vmem>>, vector<1x16xf32>,
          %get3A_458 = vector.shape_cast %get3A_457 : vector<1x16xf32> to vector<16xf32>
          %mul3A_459 = vector.broadcast %squeeze3A_417 : f32 to vector<16xf32>
          %mul3A_460 = arith.mulf %get3A_458, %mul3A_459 : vector<16xf32>
          %swap3A_461 = arith.index_cast %add3A_421 : i32 to index
          %swap3A_462 = arith.constant 48 : index
          %swap3A_463 = tpu.vector_load %arg17[%swap3A_461, %swap3A_462] {strides = array<i32>} : memref<128x128xf32, #tpu.memory_space<vmem>>, vector<1x16xf32>,
          %swap3A_464 = vector.shape_cast %swap3A_463 : vector<1x16xf32> to vector<16xf32>
          %swap3A_465 = vector.shape_cast %mul3A_460 : vector<16xf32> to vector<1x16xf32>
          tpu.vector_store %arg17[%swap3A_461, %swap3A_462], %swap3A_465 {strides = array<i32>} : memref<128x128xf32, #tpu.memory_space<vmem>>, vector<1x16xf32>,
          %get3A_466 = arith.index_cast %add3A_421 : i32 to index
          %get3A_467 = arith.constant 64 : index
          %get3A_468 = tpu.vector_load %arg17[%get3A_466, %get3A_467] {strides = array<i32>} : memref<128x128xf32, #tpu.memory_space<vmem>>, vector<1x16xf32>,
          %get3A_469 = vector.shape_cast %get3A_468 : vector<1x16xf32> to vector<16xf32>
          %mul3A_470 = vector.broadcast %squeeze3A_417 : f32 to vector<16xf32>
          %mul3A_471 = arith.mulf %get3A_469, %mul3A_470 : vector<16xf32>
          %swap3A_472 = arith.index_cast %add3A_421 : i32 to index
          %swap3A_473 = arith.constant 64 : index
          %swap3A_474 = tpu.vector_load %arg17[%swap3A_472, %swap3A_473] {strides = array<i32>} : memref<128x128xf32, #tpu.memory_space<vmem>>, vector<1x16xf32>,
          %swap3A_475 = vector.shape_cast %swap3A_474 : vector<1x16xf32> to vector<16xf32>
          %swap3A_476 = vector.shape_cast %mul3A_471 : vector<16xf32> to vector<1x16xf32>
          tpu.vector_store %arg17[%swap3A_472, %swap3A_473], %swap3A_476 {strides = array<i32>} : memref<128x128xf32, #tpu.memory_space<vmem>>, vector<1x16xf32>,
          %get3A_477 = arith.index_cast %add3A_421 : i32 to index
          %get3A_478 = arith.constant 80 : index
          %get3A_479 = tpu.vector_load %arg17[%get3A_477, %get3A_478] {strides = array<i32>} : memref<128x128xf32, #tpu.memory_space<vmem>>, vector<1x16xf32>,
          %get3A_480 = vector.shape_cast %get3A_479 : vector<1x16xf32> to vector<16xf32>
          %mul3A_481 = vector.broadcast %squeeze3A_417 : f32 to vector<16xf32>
          %mul3A_482 = arith.mulf %get3A_480, %mul3A_481 : vector<16xf32>
          %swap3A_483 = arith.index_cast %add3A_421 : i32 to index
          %swap3A_484 = arith.constant 80 : index
          %swap3A_485 = tpu.vector_load %arg17[%swap3A_483, %swap3A_484] {strides = array<i32>} : memref<128x128xf32, #tpu.memory_space<vmem>>, vector<1x16xf32>,
          %swap3A_486 = vector.shape_cast %swap3A_485 : vector<1x16xf32> to vector<16xf32>
          %swap3A_487 = vector.shape_cast %mul3A_482 : vector<16xf32> to vector<1x16xf32>
          tpu.vector_store %arg17[%swap3A_483, %swap3A_484], %swap3A_487 {strides = array<i32>} : memref<128x128xf32, #tpu.memory_space<vmem>>, vector<1x16xf32>,
          %get3A_488 = arith.index_cast %add3A_421 : i32 to index
          %get3A_489 = arith.constant 96 : index
          %get3A_490 = tpu.vector_load %arg17[%get3A_488, %get3A_489] {strides = array<i32>} : memref<128x128xf32, #tpu.memory_space<vmem>>, vector<1x16xf32>,
          %get3A_491 = vector.shape_cast %get3A_490 : vector<1x16xf32> to vector<16xf32>
          %mul3A_492 = vector.broadcast %squeeze3A_417 : f32 to vector<16xf32>
          %mul3A_493 = arith.mulf %get3A_491, %mul3A_492 : vector<16xf32>
          %swap3A_494 = arith.index_cast %add3A_421 : i32 to index
          %swap3A_495 = arith.constant 96 : index
          %swap3A_496 = tpu.vector_load %arg17[%swap3A_494, %swap3A_495] {strides = array<i32>} : memref<128x128xf32, #tpu.memory_space<vmem>>, vector<1x16xf32>,
          %swap3A_497 = vector.shape_cast %swap3A_496 : vector<1x16xf32> to vector<16xf32>
          %swap3A_498 = vector.shape_cast %mul3A_493 : vector<16xf32> to vector<1x16xf32>
          tpu.vector_store %arg17[%swap3A_494, %swap3A_495], %swap3A_498 {strides = array<i32>} : memref<128x128xf32, #tpu.memory_space<vmem>>, vector<1x16xf32>,
          %get3A_499 = arith.index_cast %add3A_421 : i32 to index
          %get3A_500 = arith.constant 112 : index
          %get3A_501 = tpu.vector_load %arg17[%get3A_499, %get3A_500] {strides = array<i32>} : memref<128x128xf32, #tpu.memory_space<vmem>>, vector<1x16xf32>,
          %get3A_502 = vector.shape_cast %get3A_501 : vector<1x16xf32> to vector<16xf32>
          %mul3A_503 = vector.broadcast %squeeze3A_417 : f32 to vector<16xf32>
          %mul3A_504 = arith.mulf %get3A_502, %mul3A_503 : vector<16xf32>
          %swap3A_505 = arith.index_cast %add3A_421 : i32 to index
          %swap3A_506 = arith.constant 112 : index
          %swap3A_507 = tpu.vector_load %arg17[%swap3A_505, %swap3A_506] {strides = array<i32>} : memref<128x128xf32, #tpu.memory_space<vmem>>, vector<1x16xf32>,
          %swap3A_508 = vector.shape_cast %swap3A_507 : vector<1x16xf32> to vector<16xf32>
          %swap3A_509 = vector.shape_cast %mul3A_504 : vector<16xf32> to vector<1x16xf32>
          tpu.vector_store %arg17[%swap3A_505, %swap3A_506], %swap3A_509 {strides = array<i32>} : memref<128x128xf32, #tpu.memory_space<vmem>>, vector<1x16xf32>,
          %slice3A_510 = vector.extract_strided_slice %get3A_136 {offsets = [4], sizes = [1], strides = [1]} : vector<16xf32> to vector<1xf32>
          %squeeze3A_511 = vector.extract %slice3A_510[0] : f32 from vector<1xf32>
          %mul3A_512 = arith.constant 16 : i32
          %mul3A_513 = arith.muli %scan3A_130, %mul3A_512 : i32
          %add3A_514 = arith.constant 4 : i32
          %add3A_515 = arith.addi %mul3A_513, %add3A_514 : i32
          %get3A_516 = arith.index_cast %add3A_515 : i32 to index
          %get3A_517 = arith.constant 0 : index
          %get3A_518 = tpu.vector_load %arg17[%get3A_516, %get3A_517] {strides = array<i32>} : memref<128x128xf32, #tpu.memory_space<vmem>>, vector<1x16xf32>,
          %get3A_519 = vector.shape_cast %get3A_518 : vector<1x16xf32> to vector<16xf32>
          %mul3A_520 = vector.broadcast %squeeze3A_511 : f32 to vector<16xf32>
          %mul3A_521 = arith.mulf %get3A_519, %mul3A_520 : vector<16xf32>
          %swap3A_522 = arith.index_cast %add3A_515 : i32 to index
          %swap3A_523 = arith.constant 0 : index
          %swap3A_524 = tpu.vector_load %arg17[%swap3A_522, %swap3A_523] {strides = array<i32>} : memref<128x128xf32, #tpu.memory_space<vmem>>, vector<1x16xf32>,
          %swap3A_525 = vector.shape_cast %swap3A_524 : vector<1x16xf32> to vector<16xf32>
          %swap3A_526 = vector.shape_cast %mul3A_521 : vector<16xf32> to vector<1x16xf32>
          tpu.vector_store %arg17[%swap3A_522, %swap3A_523], %swap3A_526 {strides = array<i32>} : memref<128x128xf32, #tpu.memory_space<vmem>>, vector<1x16xf32>,
          %get3A_527 = arith.index_cast %add3A_515 : i32 to index
          %get3A_528 = arith.constant 16 : index
          %get3A_529 = tpu.vector_load %arg17[%get3A_527, %get3A_528] {strides = array<i32>} : memref<128x128xf32, #tpu.memory_space<vmem>>, vector<1x16xf32>,
          %get3A_530 = vector.shape_cast %get3A_529 : vector<1x16xf32> to vector<16xf32>
          %mul3A_531 = vector.broadcast %squeeze3A_511 : f32 to vector<16xf32>
          %mul3A_532 = arith.mulf %get3A_530, %mul3A_531 : vector<16xf32>
          %swap3A_533 = arith.index_cast %add3A_515 : i32 to index
          %swap3A_534 = arith.constant 16 : index
          %swap3A_535 = tpu.vector_load %arg17[%swap3A_533, %swap3A_534] {strides = array<i32>} : memref<128x128xf32, #tpu.memory_space<vmem>>, vector<1x16xf32>,
          %swap3A_536 = vector.shape_cast %swap3A_535 : vector<1x16xf32> to vector<16xf32>
          %swap3A_537 = vector.shape_cast %mul3A_532 : vector<16xf32> to vector<1x16xf32>
          tpu.vector_store %arg17[%swap3A_533, %swap3A_534], %swap3A_537 {strides = array<i32>} : memref<128x128xf32, #tpu.memory_space<vmem>>, vector<1x16xf32>,
          %get3A_538 = arith.index_cast %add3A_515 : i32 to index
          %get3A_539 = arith.constant 32 : index
          %get3A_540 = tpu.vector_load %arg17[%get3A_538, %get3A_539] {strides = array<i32>} : memref<128x128xf32, #tpu.memory_space<vmem>>, vector<1x16xf32>,
          %get3A_541 = vector.shape_cast %get3A_540 : vector<1x16xf32> to vector<16xf32>
          %mul3A_542 = vector.broadcast %squeeze3A_511 : f32 to vector<16xf32>
          %mul3A_543 = arith.mulf %get3A_541, %mul3A_542 : vector<16xf32>
          %swap3A_544 = arith.index_cast %add3A_515 : i32 to index
          %swap3A_545 = arith.constant 32 : index
          %swap3A_546 = tpu.vector_load %arg17[%swap3A_544, %swap3A_545] {strides = array<i32>} : memref<128x128xf32, #tpu.memory_space<vmem>>, vector<1x16xf32>,
          %swap3A_547 = vector.shape_cast %swap3A_546 : vector<1x16xf32> to vector<16xf32>
          %swap3A_548 = vector.shape_cast %mul3A_543 : vector<16xf32> to vector<1x16xf32>
          tpu.vector_store %arg17[%swap3A_544, %swap3A_545], %swap3A_548 {strides = array<i32>} : memref<128x128xf32, #tpu.memory_space<vmem>>, vector<1x16xf32>,
          %get3A_549 = arith.index_cast %add3A_515 : i32 to index
          %get3A_550 = arith.constant 48 : index
          %get3A_551 = tpu.vector_load %arg17[%get3A_549, %get3A_550] {strides = array<i32>} : memref<128x128xf32, #tpu.memory_space<vmem>>, vector<1x16xf32>,
          %get3A_552 = vector.shape_cast %get3A_551 : vector<1x16xf32> to vector<16xf32>
          %mul3A_553 = vector.broadcast %squeeze3A_511 : f32 to vector<16xf32>
          %mul3A_554 = arith.mulf %get3A_552, %mul3A_553 : vector<16xf32>
          %swap3A_555 = arith.index_cast %add3A_515 : i32 to index
          %swap3A_556 = arith.constant 48 : index
          %swap3A_557 = tpu.vector_load %arg17[%swap3A_555, %swap3A_556] {strides = array<i32>} : memref<128x128xf32, #tpu.memory_space<vmem>>, vector<1x16xf32>,
          %swap3A_558 = vector.shape_cast %swap3A_557 : vector<1x16xf32> to vector<16xf32>
          %swap3A_559 = vector.shape_cast %mul3A_554 : vector<16xf32> to vector<1x16xf32>
          tpu.vector_store %arg17[%swap3A_555, %swap3A_556], %swap3A_559 {strides = array<i32>} : memref<128x128xf32, #tpu.memory_space<vmem>>, vector<1x16xf32>,
          %get3A_560 = arith.index_cast %add3A_515 : i32 to index
          %get3A_561 = arith.constant 64 : index
          %get3A_562 = tpu.vector_load %arg17[%get3A_560, %get3A_561] {strides = array<i32>} : memref<128x128xf32, #tpu.memory_space<vmem>>, vector<1x16xf32>,
          %get3A_563 = vector.shape_cast %get3A_562 : vector<1x16xf32> to vector<16xf32>
          %mul3A_564 = vector.broadcast %squeeze3A_511 : f32 to vector<16xf32>
          %mul3A_565 = arith.mulf %get3A_563, %mul3A_564 : vector<16xf32>
          %swap3A_566 = arith.index_cast %add3A_515 : i32 to index
          %swap3A_567 = arith.constant 64 : index
          %swap3A_568 = tpu.vector_load %arg17[%swap3A_566, %swap3A_567] {strides = array<i32>} : memref<128x128xf32, #tpu.memory_space<vmem>>, vector<1x16xf32>,
          %swap3A_569 = vector.shape_cast %swap3A_568 : vector<1x16xf32> to vector<16xf32>
          %swap3A_570 = vector.shape_cast %mul3A_565 : vector<16xf32> to vector<1x16xf32>
          tpu.vector_store %arg17[%swap3A_566, %swap3A_567], %swap3A_570 {strides = array<i32>} : memref<128x128xf32, #tpu.memory_space<vmem>>, vector<1x16xf32>,
          %get3A_571 = arith.index_cast %add3A_515 : i32 to index
          %get3A_572 = arith.constant 80 : index
          %get3A_573 = tpu.vector_load %arg17[%get3A_571, %get3A_572] {strides = array<i32>} : memref<128x128xf32, #tpu.memory_space<vmem>>, vector<1x16xf32>,
          %get3A_574 = vector.shape_cast %get3A_573 : vector<1x16xf32> to vector<16xf32>
          %mul3A_575 = vector.broadcast %squeeze3A_511 : f32 to vector<16xf32>
          %mul3A_576 = arith.mulf %get3A_574, %mul3A_575 : vector<16xf32>
          %swap3A_577 = arith.index_cast %add3A_515 : i32 to index
          %swap3A_578 = arith.constant 80 : index
          %swap3A_579 = tpu.vector_load %arg17[%swap3A_577, %swap3A_578] {strides = array<i32>} : memref<128x128xf32, #tpu.memory_space<vmem>>, vector<1x16xf32>,
          %swap3A_580 = vector.shape_cast %swap3A_579 : vector<1x16xf32> to vector<16xf32>
          %swap3A_581 = vector.shape_cast %mul3A_576 : vector<16xf32> to vector<1x16xf32>
          tpu.vector_store %arg17[%swap3A_577, %swap3A_578], %swap3A_581 {strides = array<i32>} : memref<128x128xf32, #tpu.memory_space<vmem>>, vector<1x16xf32>,
          %get3A_582 = arith.index_cast %add3A_515 : i32 to index
          %get3A_583 = arith.constant 96 : index
          %get3A_584 = tpu.vector_load %arg17[%get3A_582, %get3A_583] {strides = array<i32>} : memref<128x128xf32, #tpu.memory_space<vmem>>, vector<1x16xf32>,
          %get3A_585 = vector.shape_cast %get3A_584 : vector<1x16xf32> to vector<16xf32>
          %mul3A_586 = vector.broadcast %squeeze3A_511 : f32 to vector<16xf32>
          %mul3A_587 = arith.mulf %get3A_585, %mul3A_586 : vector<16xf32>
          %swap3A_588 = arith.index_cast %add3A_515 : i32 to index
          %swap3A_589 = arith.constant 96 : index
          %swap3A_590 = tpu.vector_load %arg17[%swap3A_588, %swap3A_589] {strides = array<i32>} : memref<128x128xf32, #tpu.memory_space<vmem>>, vector<1x16xf32>,
          %swap3A_591 = vector.shape_cast %swap3A_590 : vector<1x16xf32> to vector<16xf32>
          %swap3A_592 = vector.shape_cast %mul3A_587 : vector<16xf32> to vector<1x16xf32>
          tpu.vector_store %arg17[%swap3A_588, %swap3A_589], %swap3A_592 {strides = array<i32>} : memref<128x128xf32, #tpu.memory_space<vmem>>, vector<1x16xf32>,
          %get3A_593 = arith.index_cast %add3A_515 : i32 to index
          %get3A_594 = arith.constant 112 : index
          %get3A_595 = tpu.vector_load %arg17[%get3A_593, %get3A_594] {strides = array<i32>} : memref<128x128xf32, #tpu.memory_space<vmem>>, vector<1x16xf32>,
          %get3A_596 = vector.shape_cast %get3A_595 : vector<1x16xf32> to vector<16xf32>
          %mul3A_597 = vector.broadcast %squeeze3A_511 : f32 to vector<16xf32>
          %mul3A_598 = arith.mulf %get3A_596, %mul3A_597 : vector<16xf32>
          %swap3A_599 = arith.index_cast %add3A_515 : i32 to index
          %swap3A_600 = arith.constant 112 : index
          %swap3A_601 = tpu.vector_load %arg17[%swap3A_599, %swap3A_600] {strides = array<i32>} : memref<128x128xf32, #tpu.memory_space<vmem>>, vector<1x16xf32>,
          %swap3A_602 = vector.shape_cast %swap3A_601 : vector<1x16xf32> to vector<16xf32>
          %swap3A_603 = vector.shape_cast %mul3A_598 : vector<16xf32> to vector<1x16xf32>
          tpu.vector_store %arg17[%swap3A_599, %swap3A_600], %swap3A_603 {strides = array<i32>} : memref<128x128xf32, #tpu.memory_space<vmem>>, vector<1x16xf32>,
          %slice3A_604 = vector.extract_strided_slice %get3A_136 {offsets = [5], sizes = [1], strides = [1]} : vector<16xf32> to vector<1xf32>
          %squeeze3A_605 = vector.extract %slice3A_604[0] : f32 from vector<1xf32>
          %mul3A_606 = arith.constant 16 : i32
          %mul3A_607 = arith.muli %scan3A_130, %mul3A_606 : i32
          %add3A_608 = arith.constant 5 : i32
          %add3A_609 = arith.addi %mul3A_607, %add3A_608 : i32
          %get3A_610 = arith.index_cast %add3A_609 : i32 to index
          %get3A_611 = arith.constant 0 : index
          %get3A_612 = tpu.vector_load %arg17[%get3A_610, %get3A_611] {strides = array<i32>} : memref<128x128xf32, #tpu.memory_space<vmem>>, vector<1x16xf32>,
          %get3A_613 = vector.shape_cast %get3A_612 : vector<1x16xf32> to vector<16xf32>
          %mul3A_614 = vector.broadcast %squeeze3A_605 : f32 to vector<16xf32>
          %mul3A_615 = arith.mulf %get3A_613, %mul3A_614 : vector<16xf32>
          %swap3A_616 = arith.index_cast %add3A_609 : i32 to index
          %swap3A_617 = arith.constant 0 : index
          %swap3A_618 = tpu.vector_load %arg17[%swap3A_616, %swap3A_617] {strides = array<i32>} : memref<128x128xf32, #tpu.memory_space<vmem>>, vector<1x16xf32>,
          %swap3A_619 = vector.shape_cast %swap3A_618 : vector<1x16xf32> to vector<16xf32>
          %swap3A_620 = vector.shape_cast %mul3A_615 : vector<16xf32> to vector<1x16xf32>
          tpu.vector_store %arg17[%swap3A_616, %swap3A_617], %swap3A_620 {strides = array<i32>} : memref<128x128xf32, #tpu.memory_space<vmem>>, vector<1x16xf32>,
          %get3A_621 = arith.index_cast %add3A_609 : i32 to index
          %get3A_622 = arith.constant 16 : index
          %get3A_623 = tpu.vector_load %arg17[%get3A_621, %get3A_622] {strides = array<i32>} : memref<128x128xf32, #tpu.memory_space<vmem>>, vector<1x16xf32>,
          %get3A_624 = vector.shape_cast %get3A_623 : vector<1x16xf32> to vector<16xf32>
          %mul3A_625 = vector.broadcast %squeeze3A_605 : f32 to vector<16xf32>
          %mul3A_626 = arith.mulf %get3A_624, %mul3A_625 : vector<16xf32>
          %swap3A_627 = arith.index_cast %add3A_609 : i32 to index
          %swap3A_628 = arith.constant 16 : index
          %swap3A_629 = tpu.vector_load %arg17[%swap3A_627, %swap3A_628] {strides = array<i32>} : memref<128x128xf32, #tpu.memory_space<vmem>>, vector<1x16xf32>,
          %swap3A_630 = vector.shape_cast %swap3A_629 : vector<1x16xf32> to vector<16xf32>
          %swap3A_631 = vector.shape_cast %mul3A_626 : vector<16xf32> to vector<1x16xf32>
          tpu.vector_store %arg17[%swap3A_627, %swap3A_628], %swap3A_631 {strides = array<i32>} : memref<128x128xf32, #tpu.memory_space<vmem>>, vector<1x16xf32>,
          %get3A_632 = arith.index_cast %add3A_609 : i32 to index
          %get3A_633 = arith.constant 32 : index
          %get3A_634 = tpu.vector_load %arg17[%get3A_632, %get3A_633] {strides = array<i32>} : memref<128x128xf32, #tpu.memory_space<vmem>>, vector<1x16xf32>,
          %get3A_635 = vector.shape_cast %get3A_634 : vector<1x16xf32> to vector<16xf32>
          %mul3A_636 = vector.broadcast %squeeze3A_605 : f32 to vector<16xf32>
          %mul3A_637 = arith.mulf %get3A_635, %mul3A_636 : vector<16xf32>
          %swap3A_638 = arith.index_cast %add3A_609 : i32 to index
          %swap3A_639 = arith.constant 32 : index
          %swap3A_640 = tpu.vector_load %arg17[%swap3A_638, %swap3A_639] {strides = array<i32>} : memref<128x128xf32, #tpu.memory_space<vmem>>, vector<1x16xf32>,
          %swap3A_641 = vector.shape_cast %swap3A_640 : vector<1x16xf32> to vector<16xf32>
          %swap3A_642 = vector.shape_cast %mul3A_637 : vector<16xf32> to vector<1x16xf32>
          tpu.vector_store %arg17[%swap3A_638, %swap3A_639], %swap3A_642 {strides = array<i32>} : memref<128x128xf32, #tpu.memory_space<vmem>>, vector<1x16xf32>,
          %get3A_643 = arith.index_cast %add3A_609 : i32 to index
          %get3A_644 = arith.constant 48 : index
          %get3A_645 = tpu.vector_load %arg17[%get3A_643, %get3A_644] {strides = array<i32>} : memref<128x128xf32, #tpu.memory_space<vmem>>, vector<1x16xf32>,
          %get3A_646 = vector.shape_cast %get3A_645 : vector<1x16xf32> to vector<16xf32>
          %mul3A_647 = vector.broadcast %squeeze3A_605 : f32 to vector<16xf32>
          %mul3A_648 = arith.mulf %get3A_646, %mul3A_647 : vector<16xf32>
          %swap3A_649 = arith.index_cast %add3A_609 : i32 to index
          %swap3A_650 = arith.constant 48 : index
          %swap3A_651 = tpu.vector_load %arg17[%swap3A_649, %swap3A_650] {strides = array<i32>} : memref<128x128xf32, #tpu.memory_space<vmem>>, vector<1x16xf32>,
          %swap3A_652 = vector.shape_cast %swap3A_651 : vector<1x16xf32> to vector<16xf32>
          %swap3A_653 = vector.shape_cast %mul3A_648 : vector<16xf32> to vector<1x16xf32>
          tpu.vector_store %arg17[%swap3A_649, %swap3A_650], %swap3A_653 {strides = array<i32>} : memref<128x128xf32, #tpu.memory_space<vmem>>, vector<1x16xf32>,
          %get3A_654 = arith.index_cast %add3A_609 : i32 to index
          %get3A_655 = arith.constant 64 : index
          %get3A_656 = tpu.vector_load %arg17[%get3A_654, %get3A_655] {strides = array<i32>} : memref<128x128xf32, #tpu.memory_space<vmem>>, vector<1x16xf32>,
          %get3A_657 = vector.shape_cast %get3A_656 : vector<1x16xf32> to vector<16xf32>
          %mul3A_658 = vector.broadcast %squeeze3A_605 : f32 to vector<16xf32>
          %mul3A_659 = arith.mulf %get3A_657, %mul3A_658 : vector<16xf32>
          %swap3A_660 = arith.index_cast %add3A_609 : i32 to index
          %swap3A_661 = arith.constant 64 : index
          %swap3A_662 = tpu.vector_load %arg17[%swap3A_660, %swap3A_661] {strides = array<i32>} : memref<128x128xf32, #tpu.memory_space<vmem>>, vector<1x16xf32>,
          %swap3A_663 = vector.shape_cast %swap3A_662 : vector<1x16xf32> to vector<16xf32>
          %swap3A_664 = vector.shape_cast %mul3A_659 : vector<16xf32> to vector<1x16xf32>
          tpu.vector_store %arg17[%swap3A_660, %swap3A_661], %swap3A_664 {strides = array<i32>} : memref<128x128xf32, #tpu.memory_space<vmem>>, vector<1x16xf32>,
          %get3A_665 = arith.index_cast %add3A_609 : i32 to index
          %get3A_666 = arith.constant 80 : index
          %get3A_667 = tpu.vector_load %arg17[%get3A_665, %get3A_666] {strides = array<i32>} : memref<128x128xf32, #tpu.memory_space<vmem>>, vector<1x16xf32>,
          %get3A_668 = vector.shape_cast %get3A_667 : vector<1x16xf32> to vector<16xf32>
          %mul3A_669 = vector.broadcast %squeeze3A_605 : f32 to vector<16xf32>
          %mul3A_670 = arith.mulf %get3A_668, %mul3A_669 : vector<16xf32>
          %swap3A_671 = arith.index_cast %add3A_609 : i32 to index
          %swap3A_672 = arith.constant 80 : index
          %swap3A_673 = tpu.vector_load %arg17[%swap3A_671, %swap3A_672] {strides = array<i32>} : memref<128x128xf32, #tpu.memory_space<vmem>>, vector<1x16xf32>,
          %swap3A_674 = vector.shape_cast %swap3A_673 : vector<1x16xf32> to vector<16xf32>
          %swap3A_675 = vector.shape_cast %mul3A_670 : vector<16xf32> to vector<1x16xf32>
          tpu.vector_store %arg17[%swap3A_671, %swap3A_672], %swap3A_675 {strides = array<i32>} : memref<128x128xf32, #tpu.memory_space<vmem>>, vector<1x16xf32>,
          %get3A_676 = arith.index_cast %add3A_609 : i32 to index
          %get3A_677 = arith.constant 96 : index
          %get3A_678 = tpu.vector_load %arg17[%get3A_676, %get3A_677] {strides = array<i32>} : memref<128x128xf32, #tpu.memory_space<vmem>>, vector<1x16xf32>,
          %get3A_679 = vector.shape_cast %get3A_678 : vector<1x16xf32> to vector<16xf32>
          %mul3A_680 = vector.broadcast %squeeze3A_605 : f32 to vector<16xf32>
          %mul3A_681 = arith.mulf %get3A_679, %mul3A_680 : vector<16xf32>
          %swap3A_682 = arith.index_cast %add3A_609 : i32 to index
          %swap3A_683 = arith.constant 96 : index
          %swap3A_684 = tpu.vector_load %arg17[%swap3A_682, %swap3A_683] {strides = array<i32>} : memref<128x128xf32, #tpu.memory_space<vmem>>, vector<1x16xf32>,
          %swap3A_685 = vector.shape_cast %swap3A_684 : vector<1x16xf32> to vector<16xf32>
          %swap3A_686 = vector.shape_cast %mul3A_681 : vector<16xf32> to vector<1x16xf32>
          tpu.vector_store %arg17[%swap3A_682, %swap3A_683], %swap3A_686 {strides = array<i32>} : memref<128x128xf32, #tpu.memory_space<vmem>>, vector<1x16xf32>,
          %get3A_687 = arith.index_cast %add3A_609 : i32 to index
          %get3A_688 = arith.constant 112 : index
          %get3A_689 = tpu.vector_load %arg17[%get3A_687, %get3A_688] {strides = array<i32>} : memref<128x128xf32, #tpu.memory_space<vmem>>, vector<1x16xf32>,
          %get3A_690 = vector.shape_cast %get3A_689 : vector<1x16xf32> to vector<16xf32>
          %mul3A_691 = vector.broadcast %squeeze3A_605 : f32 to vector<16xf32>
          %mul3A_692 = arith.mulf %get3A_690, %mul3A_691 : vector<16xf32>
          %swap3A_693 = arith.index_cast %add3A_609 : i32 to index
          %swap3A_694 = arith.constant 112 : index
          %swap3A_695 = tpu.vector_load %arg17[%swap3A_693, %swap3A_694] {strides = array<i32>} : memref<128x128xf32, #tpu.memory_space<vmem>>, vector<1x16xf32>,
          %swap3A_696 = vector.shape_cast %swap3A_695 : vector<1x16xf32> to vector<16xf32>
          %swap3A_697 = vector.shape_cast %mul3A_692 : vector<16xf32> to vector<1x16xf32>
          tpu.vector_store %arg17[%swap3A_693, %swap3A_694], %swap3A_697 {strides = array<i32>} : memref<128x128xf32, #tpu.memory_space<vmem>>, vector<1x16xf32>,
          %slice3A_698 = vector.extract_strided_slice %get3A_136 {offsets = [6], sizes = [1], strides = [1]} : vector<16xf32> to vector<1xf32>
          %squeeze3A_699 = vector.extract %slice3A_698[0] : f32 from vector<1xf32>
          %mul3A_700 = arith.constant 16 : i32
          %mul3A_701 = arith.muli %scan3A_130, %mul3A_700 : i32
          %add3A_702 = arith.constant 6 : i32
          %add3A_703 = arith.addi %mul3A_701, %add3A_702 : i32
          %get3A_704 = arith.index_cast %add3A_703 : i32 to index
          %get3A_705 = arith.constant 0 : index
          %get3A_706 = tpu.vector_load %arg17[%get3A_704, %get3A_705] {strides = array<i32>} : memref<128x128xf32, #tpu.memory_space<vmem>>, vector<1x16xf32>,
          %get3A_707 = vector.shape_cast %get3A_706 : vector<1x16xf32> to vector<16xf32>
          %mul3A_708 = vector.broadcast %squeeze3A_699 : f32 to vector<16xf32>
          %mul3A_709 = arith.mulf %get3A_707, %mul3A_708 : vector<16xf32>
          %swap3A_710 = arith.index_cast %add3A_703 : i32 to index
          %swap3A_711 = arith.constant 0 : index
          %swap3A_712 = tpu.vector_load %arg17[%swap3A_710, %swap3A_711] {strides = array<i32>} : memref<128x128xf32, #tpu.memory_space<vmem>>, vector<1x16xf32>,
          %swap3A_713 = vector.shape_cast %swap3A_712 : vector<1x16xf32> to vector<16xf32>
          %swap3A_714 = vector.shape_cast %mul3A_709 : vector<16xf32> to vector<1x16xf32>
          tpu.vector_store %arg17[%swap3A_710, %swap3A_711], %swap3A_714 {strides = array<i32>} : memref<128x128xf32, #tpu.memory_space<vmem>>, vector<1x16xf32>,
          %get3A_715 = arith.index_cast %add3A_703 : i32 to index
          %get3A_716 = arith.constant 16 : index
          %get3A_717 = tpu.vector_load %arg17[%get3A_715, %get3A_716] {strides = array<i32>} : memref<128x128xf32, #tpu.memory_space<vmem>>, vector<1x16xf32>,
          %get3A_718 = vector.shape_cast %get3A_717 : vector<1x16xf32> to vector<16xf32>
          %mul3A_719 = vector.broadcast %squeeze3A_699 : f32 to vector<16xf32>
          %mul3A_720 = arith.mulf %get3A_718, %mul3A_719 : vector<16xf32>
          %swap3A_721 = arith.index_cast %add3A_703 : i32 to index
          %swap3A_722 = arith.constant 16 : index
          %swap3A_723 = tpu.vector_load %arg17[%swap3A_721, %swap3A_722] {strides = array<i32>} : memref<128x128xf32, #tpu.memory_space<vmem>>, vector<1x16xf32>,
          %swap3A_724 = vector.shape_cast %swap3A_723 : vector<1x16xf32> to vector<16xf32>
          %swap3A_725 = vector.shape_cast %mul3A_720 : vector<16xf32> to vector<1x16xf32>
          tpu.vector_store %arg17[%swap3A_721, %swap3A_722], %swap3A_725 {strides = array<i32>} : memref<128x128xf32, #tpu.memory_space<vmem>>, vector<1x16xf32>,
          %get3A_726 = arith.index_cast %add3A_703 : i32 to index
          %get3A_727 = arith.constant 32 : index
          %get3A_728 = tpu.vector_load %arg17[%get3A_726, %get3A_727] {strides = array<i32>} : memref<128x128xf32, #tpu.memory_space<vmem>>, vector<1x16xf32>,
          %get3A_729 = vector.shape_cast %get3A_728 : vector<1x16xf32> to vector<16xf32>
          %mul3A_730 = vector.broadcast %squeeze3A_699 : f32 to vector<16xf32>
          %mul3A_731 = arith.mulf %get3A_729, %mul3A_730 : vector<16xf32>
          %swap3A_732 = arith.index_cast %add3A_703 : i32 to index
          %swap3A_733 = arith.constant 32 : index
          %swap3A_734 = tpu.vector_load %arg17[%swap3A_732, %swap3A_733] {strides = array<i32>} : memref<128x128xf32, #tpu.memory_space<vmem>>, vector<1x16xf32>,
          %swap3A_735 = vector.shape_cast %swap3A_734 : vector<1x16xf32> to vector<16xf32>
          %swap3A_736 = vector.shape_cast %mul3A_731 : vector<16xf32> to vector<1x16xf32>
          tpu.vector_store %arg17[%swap3A_732, %swap3A_733], %swap3A_736 {strides = array<i32>} : memref<128x128xf32, #tpu.memory_space<vmem>>, vector<1x16xf32>,
          %get3A_737 = arith.index_cast %add3A_703 : i32 to index
          %get3A_738 = arith.constant 48 : index
          %get3A_739 = tpu.vector_load %arg17[%get3A_737, %get3A_738] {strides = array<i32>} : memref<128x128xf32, #tpu.memory_space<vmem>>, vector<1x16xf32>,
          %get3A_740 = vector.shape_cast %get3A_739 : vector<1x16xf32> to vector<16xf32>
          %mul3A_741 = vector.broadcast %squeeze3A_699 : f32 to vector<16xf32>
          %mul3A_742 = arith.mulf %get3A_740, %mul3A_741 : vector<16xf32>
          %swap3A_743 = arith.index_cast %add3A_703 : i32 to index
          %swap3A_744 = arith.constant 48 : index
          %swap3A_745 = tpu.vector_load %arg17[%swap3A_743, %swap3A_744] {strides = array<i32>} : memref<128x128xf32, #tpu.memory_space<vmem>>, vector<1x16xf32>,
          %swap3A_746 = vector.shape_cast %swap3A_745 : vector<1x16xf32> to vector<16xf32>
          %swap3A_747 = vector.shape_cast %mul3A_742 : vector<16xf32> to vector<1x16xf32>
          tpu.vector_store %arg17[%swap3A_743, %swap3A_744], %swap3A_747 {strides = array<i32>} : memref<128x128xf32, #tpu.memory_space<vmem>>, vector<1x16xf32>,
          %get3A_748 = arith.index_cast %add3A_703 : i32 to index
          %get3A_749 = arith.constant 64 : index
          %get3A_750 = tpu.vector_load %arg17[%get3A_748, %get3A_749] {strides = array<i32>} : memref<128x128xf32, #tpu.memory_space<vmem>>, vector<1x16xf32>,
          %get3A_751 = vector.shape_cast %get3A_750 : vector<1x16xf32> to vector<16xf32>
          %mul3A_752 = vector.broadcast %squeeze3A_699 : f32 to vector<16xf32>
          %mul3A_753 = arith.mulf %get3A_751, %mul3A_752 : vector<16xf32>
          %swap3A_754 = arith.index_cast %add3A_703 : i32 to index
          %swap3A_755 = arith.constant 64 : index
          %swap3A_756 = tpu.vector_load %arg17[%swap3A_754, %swap3A_755] {strides = array<i32>} : memref<128x128xf32, #tpu.memory_space<vmem>>, vector<1x16xf32>,
          %swap3A_757 = vector.shape_cast %swap3A_756 : vector<1x16xf32> to vector<16xf32>
          %swap3A_758 = vector.shape_cast %mul3A_753 : vector<16xf32> to vector<1x16xf32>
          tpu.vector_store %arg17[%swap3A_754, %swap3A_755], %swap3A_758 {strides = array<i32>} : memref<128x128xf32, #tpu.memory_space<vmem>>, vector<1x16xf32>,
          %get3A_759 = arith.index_cast %add3A_703 : i32 to index
          %get3A_760 = arith.constant 80 : index
          %get3A_761 = tpu.vector_load %arg17[%get3A_759, %get3A_760] {strides = array<i32>} : memref<128x128xf32, #tpu.memory_space<vmem>>, vector<1x16xf32>,
          %get3A_762 = vector.shape_cast %get3A_761 : vector<1x16xf32> to vector<16xf32>
          %mul3A_763 = vector.broadcast %squeeze3A_699 : f32 to vector<16xf32>
          %mul3A_764 = arith.mulf %get3A_762, %mul3A_763 : vector<16xf32>
          %swap3A_765 = arith.index_cast %add3A_703 : i32 to index
          %swap3A_766 = arith.constant 80 : index
          %swap3A_767 = tpu.vector_load %arg17[%swap3A_765, %swap3A_766] {strides = array<i32>} : memref<128x128xf32, #tpu.memory_space<vmem>>, vector<1x16xf32>,
          %swap3A_768 = vector.shape_cast %swap3A_767 : vector<1x16xf32> to vector<16xf32>
          %swap3A_769 = vector.shape_cast %mul3A_764 : vector<16xf32> to vector<1x16xf32>
          tpu.vector_store %arg17[%swap3A_765, %swap3A_766], %swap3A_769 {strides = array<i32>} : memref<128x128xf32, #tpu.memory_space<vmem>>, vector<1x16xf32>,
          %get3A_770 = arith.index_cast %add3A_703 : i32 to index
          %get3A_771 = arith.constant 96 : index
          %get3A_772 = tpu.vector_load %arg17[%get3A_770, %get3A_771] {strides = array<i32>} : memref<128x128xf32, #tpu.memory_space<vmem>>, vector<1x16xf32>,
          %get3A_773 = vector.shape_cast %get3A_772 : vector<1x16xf32> to vector<16xf32>
          %mul3A_774 = vector.broadcast %squeeze3A_699 : f32 to vector<16xf32>
          %mul3A_775 = arith.mulf %get3A_773, %mul3A_774 : vector<16xf32>
          %swap3A_776 = arith.index_cast %add3A_703 : i32 to index
          %swap3A_777 = arith.constant 96 : index
          %swap3A_778 = tpu.vector_load %arg17[%swap3A_776, %swap3A_777] {strides = array<i32>} : memref<128x128xf32, #tpu.memory_space<vmem>>, vector<1x16xf32>,
          %swap3A_779 = vector.shape_cast %swap3A_778 : vector<1x16xf32> to vector<16xf32>
          %swap3A_780 = vector.shape_cast %mul3A_775 : vector<16xf32> to vector<1x16xf32>
          tpu.vector_store %arg17[%swap3A_776, %swap3A_777], %swap3A_780 {strides = array<i32>} : memref<128x128xf32, #tpu.memory_space<vmem>>, vector<1x16xf32>,
          %get3A_781 = arith.index_cast %add3A_703 : i32 to index
          %get3A_782 = arith.constant 112 : index
          %get3A_783 = tpu.vector_load %arg17[%get3A_781, %get3A_782] {strides = array<i32>} : memref<128x128xf32, #tpu.memory_space<vmem>>, vector<1x16xf32>,
          %get3A_784 = vector.shape_cast %get3A_783 : vector<1x16xf32> to vector<16xf32>
          %mul3A_785 = vector.broadcast %squeeze3A_699 : f32 to vector<16xf32>
          %mul3A_786 = arith.mulf %get3A_784, %mul3A_785 : vector<16xf32>
          %swap3A_787 = arith.index_cast %add3A_703 : i32 to index
          %swap3A_788 = arith.constant 112 : index
          %swap3A_789 = tpu.vector_load %arg17[%swap3A_787, %swap3A_788] {strides = array<i32>} : memref<128x128xf32, #tpu.memory_space<vmem>>, vector<1x16xf32>,
          %swap3A_790 = vector.shape_cast %swap3A_789 : vector<1x16xf32> to vector<16xf32>
          %swap3A_791 = vector.shape_cast %mul3A_786 : vector<16xf32> to vector<1x16xf32>
          tpu.vector_store %arg17[%swap3A_787, %swap3A_788], %swap3A_791 {strides = array<i32>} : memref<128x128xf32, #tpu.memory_space<vmem>>, vector<1x16xf32>,
          %slice3A_792 = vector.extract_strided_slice %get3A_136 {offsets = [7], sizes = [1], strides = [1]} : vector<16xf32> to vector<1xf32>
          %squeeze3A_793 = vector.extract %slice3A_792[0] : f32 from vector<1xf32>
          %mul3A_794 = arith.constant 16 : i32
          %mul3A_795 = arith.muli %scan3A_130, %mul3A_794 : i32
          %add3A_796 = arith.constant 7 : i32
          %add3A_797 = arith.addi %mul3A_795, %add3A_796 : i32
          %get3A_798 = arith.index_cast %add3A_797 : i32 to index
          %get3A_799 = arith.constant 0 : index
          %get3A_800 = tpu.vector_load %arg17[%get3A_798, %get3A_799] {strides = array<i32>} : memref<128x128xf32, #tpu.memory_space<vmem>>, vector<1x16xf32>,
          %get3A_801 = vector.shape_cast %get3A_800 : vector<1x16xf32> to vector<16xf32>
          %mul3A_802 = vector.broadcast %squeeze3A_793 : f32 to vector<16xf32>
          %mul3A_803 = arith.mulf %get3A_801, %mul3A_802 : vector<16xf32>
          %swap3A_804 = arith.index_cast %add3A_797 : i32 to index
          %swap3A_805 = arith.constant 0 : index
          %swap3A_806 = tpu.vector_load %arg17[%swap3A_804, %swap3A_805] {strides = array<i32>} : memref<128x128xf32, #tpu.memory_space<vmem>>, vector<1x16xf32>,
          %swap3A_807 = vector.shape_cast %swap3A_806 : vector<1x16xf32> to vector<16xf32>
          %swap3A_808 = vector.shape_cast %mul3A_803 : vector<16xf32> to vector<1x16xf32>
          tpu.vector_store %arg17[%swap3A_804, %swap3A_805], %swap3A_808 {strides = array<i32>} : memref<128x128xf32, #tpu.memory_space<vmem>>, vector<1x16xf32>,
          %get3A_809 = arith.index_cast %add3A_797 : i32 to index
          %get3A_810 = arith.constant 16 : index
          %get3A_811 = tpu.vector_load %arg17[%get3A_809, %get3A_810] {strides = array<i32>} : memref<128x128xf32, #tpu.memory_space<vmem>>, vector<1x16xf32>,
          %get3A_812 = vector.shape_cast %get3A_811 : vector<1x16xf32> to vector<16xf32>
          %mul3A_813 = vector.broadcast %squeeze3A_793 : f32 to vector<16xf32>
          %mul3A_814 = arith.mulf %get3A_812, %mul3A_813 : vector<16xf32>
          %swap3A_815 = arith.index_cast %add3A_797 : i32 to index
          %swap3A_816 = arith.constant 16 : index
          %swap3A_817 = tpu.vector_load %arg17[%swap3A_815, %swap3A_816] {strides = array<i32>} : memref<128x128xf32, #tpu.memory_space<vmem>>, vector<1x16xf32>,
          %swap3A_818 = vector.shape_cast %swap3A_817 : vector<1x16xf32> to vector<16xf32>
          %swap3A_819 = vector.shape_cast %mul3A_814 : vector<16xf32> to vector<1x16xf32>
          tpu.vector_store %arg17[%swap3A_815, %swap3A_816], %swap3A_819 {strides = array<i32>} : memref<128x128xf32, #tpu.memory_space<vmem>>, vector<1x16xf32>,
          %get3A_820 = arith.index_cast %add3A_797 : i32 to index
          %get3A_821 = arith.constant 32 : index
          %get3A_822 = tpu.vector_load %arg17[%get3A_820, %get3A_821] {strides = array<i32>} : memref<128x128xf32, #tpu.memory_space<vmem>>, vector<1x16xf32>,
          %get3A_823 = vector.shape_cast %get3A_822 : vector<1x16xf32> to vector<16xf32>
          %mul3A_824 = vector.broadcast %squeeze3A_793 : f32 to vector<16xf32>
          %mul3A_825 = arith.mulf %get3A_823, %mul3A_824 : vector<16xf32>
          %swap3A_826 = arith.index_cast %add3A_797 : i32 to index
          %swap3A_827 = arith.constant 32 : index
          %swap3A_828 = tpu.vector_load %arg17[%swap3A_826, %swap3A_827] {strides = array<i32>} : memref<128x128xf32, #tpu.memory_space<vmem>>, vector<1x16xf32>,
          %swap3A_829 = vector.shape_cast %swap3A_828 : vector<1x16xf32> to vector<16xf32>
          %swap3A_830 = vector.shape_cast %mul3A_825 : vector<16xf32> to vector<1x16xf32>
          tpu.vector_store %arg17[%swap3A_826, %swap3A_827], %swap3A_830 {strides = array<i32>} : memref<128x128xf32, #tpu.memory_space<vmem>>, vector<1x16xf32>,
          %get3A_831 = arith.index_cast %add3A_797 : i32 to index
          %get3A_832 = arith.constant 48 : index
          %get3A_833 = tpu.vector_load %arg17[%get3A_831, %get3A_832] {strides = array<i32>} : memref<128x128xf32, #tpu.memory_space<vmem>>, vector<1x16xf32>,
          %get3A_834 = vector.shape_cast %get3A_833 : vector<1x16xf32> to vector<16xf32>
          %mul3A_835 = vector.broadcast %squeeze3A_793 : f32 to vector<16xf32>
          %mul3A_836 = arith.mulf %get3A_834, %mul3A_835 : vector<16xf32>
          %swap3A_837 = arith.index_cast %add3A_797 : i32 to index
          %swap3A_838 = arith.constant 48 : index
          %swap3A_839 = tpu.vector_load %arg17[%swap3A_837, %swap3A_838] {strides = array<i32>} : memref<128x128xf32, #tpu.memory_space<vmem>>, vector<1x16xf32>,
          %swap3A_840 = vector.shape_cast %swap3A_839 : vector<1x16xf32> to vector<16xf32>
          %swap3A_841 = vector.shape_cast %mul3A_836 : vector<16xf32> to vector<1x16xf32>
          tpu.vector_store %arg17[%swap3A_837, %swap3A_838], %swap3A_841 {strides = array<i32>} : memref<128x128xf32, #tpu.memory_space<vmem>>, vector<1x16xf32>,
          %get3A_842 = arith.index_cast %add3A_797 : i32 to index
          %get3A_843 = arith.constant 64 : index
          %get3A_844 = tpu.vector_load %arg17[%get3A_842, %get3A_843] {strides = array<i32>} : memref<128x128xf32, #tpu.memory_space<vmem>>, vector<1x16xf32>,
          %get3A_845 = vector.shape_cast %get3A_844 : vector<1x16xf32> to vector<16xf32>
          %mul3A_846 = vector.broadcast %squeeze3A_793 : f32 to vector<16xf32>
          %mul3A_847 = arith.mulf %get3A_845, %mul3A_846 : vector<16xf32>
          %swap3A_848 = arith.index_cast %add3A_797 : i32 to index
          %swap3A_849 = arith.constant 64 : index
          %swap3A_850 = tpu.vector_load %arg17[%swap3A_848, %swap3A_849] {strides = array<i32>} : memref<128x128xf32, #tpu.memory_space<vmem>>, vector<1x16xf32>,
          %swap3A_851 = vector.shape_cast %swap3A_850 : vector<1x16xf32> to vector<16xf32>
          %swap3A_852 = vector.shape_cast %mul3A_847 : vector<16xf32> to vector<1x16xf32>
          tpu.vector_store %arg17[%swap3A_848, %swap3A_849], %swap3A_852 {strides = array<i32>} : memref<128x128xf32, #tpu.memory_space<vmem>>, vector<1x16xf32>,
          %get3A_853 = arith.index_cast %add3A_797 : i32 to index
          %get3A_854 = arith.constant 80 : index
          %get3A_855 = tpu.vector_load %arg17[%get3A_853, %get3A_854] {strides = array<i32>} : memref<128x128xf32, #tpu.memory_space<vmem>>, vector<1x16xf32>,
          %get3A_856 = vector.shape_cast %get3A_855 : vector<1x16xf32> to vector<16xf32>
          %mul3A_857 = vector.broadcast %squeeze3A_793 : f32 to vector<16xf32>
          %mul3A_858 = arith.mulf %get3A_856, %mul3A_857 : vector<16xf32>
          %swap3A_859 = arith.index_cast %add3A_797 : i32 to index
          %swap3A_860 = arith.constant 80 : index
          %swap3A_861 = tpu.vector_load %arg17[%swap3A_859, %swap3A_860] {strides = array<i32>} : memref<128x128xf32, #tpu.memory_space<vmem>>, vector<1x16xf32>,
          %swap3A_862 = vector.shape_cast %swap3A_861 : vector<1x16xf32> to vector<16xf32>
          %swap3A_863 = vector.shape_cast %mul3A_858 : vector<16xf32> to vector<1x16xf32>
          tpu.vector_store %arg17[%swap3A_859, %swap3A_860], %swap3A_863 {strides = array<i32>} : memref<128x128xf32, #tpu.memory_space<vmem>>, vector<1x16xf32>,
          %get3A_864 = arith.index_cast %add3A_797 : i32 to index
          %get3A_865 = arith.constant 96 : index
          %get3A_866 = tpu.vector_load %arg17[%get3A_864, %get3A_865] {strides = array<i32>} : memref<128x128xf32, #tpu.memory_space<vmem>>, vector<1x16xf32>,
          %get3A_867 = vector.shape_cast %get3A_866 : vector<1x16xf32> to vector<16xf32>
          %mul3A_868 = vector.broadcast %squeeze3A_793 : f32 to vector<16xf32>
          %mul3A_869 = arith.mulf %get3A_867, %mul3A_868 : vector<16xf32>
          %swap3A_870 = arith.index_cast %add3A_797 : i32 to index
          %swap3A_871 = arith.constant 96 : index
          %swap3A_872 = tpu.vector_load %arg17[%swap3A_870, %swap3A_871] {strides = array<i32>} : memref<128x128xf32, #tpu.memory_space<vmem>>, vector<1x16xf32>,
          %swap3A_873 = vector.shape_cast %swap3A_872 : vector<1x16xf32> to vector<16xf32>
          %swap3A_874 = vector.shape_cast %mul3A_869 : vector<16xf32> to vector<1x16xf32>
          tpu.vector_store %arg17[%swap3A_870, %swap3A_871], %swap3A_874 {strides = array<i32>} : memref<128x128xf32, #tpu.memory_space<vmem>>, vector<1x16xf32>,
          %get3A_875 = arith.index_cast %add3A_797 : i32 to index
          %get3A_876 = arith.constant 112 : index
          %get3A_877 = tpu.vector_load %arg17[%get3A_875, %get3A_876] {strides = array<i32>} : memref<128x128xf32, #tpu.memory_space<vmem>>, vector<1x16xf32>,
          %get3A_878 = vector.shape_cast %get3A_877 : vector<1x16xf32> to vector<16xf32>
          %mul3A_879 = vector.broadcast %squeeze3A_793 : f32 to vector<16xf32>
          %mul3A_880 = arith.mulf %get3A_878, %mul3A_879 : vector<16xf32>
          %swap3A_881 = arith.index_cast %add3A_797 : i32 to index
          %swap3A_882 = arith.constant 112 : index
          %swap3A_883 = tpu.vector_load %arg17[%swap3A_881, %swap3A_882] {strides = array<i32>} : memref<128x128xf32, #tpu.memory_space<vmem>>, vector<1x16xf32>,
          %swap3A_884 = vector.shape_cast %swap3A_883 : vector<1x16xf32> to vector<16xf32>
          %swap3A_885 = vector.shape_cast %mul3A_880 : vector<16xf32> to vector<1x16xf32>
          tpu.vector_store %arg17[%swap3A_881, %swap3A_882], %swap3A_885 {strides = array<i32>} : memref<128x128xf32, #tpu.memory_space<vmem>>, vector<1x16xf32>,
          %slice3A_886 = vector.extract_strided_slice %get3A_136 {offsets = [8], sizes = [1], strides = [1]} : vector<16xf32> to vector<1xf32>
          %squeeze3A_887 = vector.extract %slice3A_886[0] : f32 from vector<1xf32>
          %mul3A_888 = arith.constant 16 : i32
          %mul3A_889 = arith.muli %scan3A_130, %mul3A_888 : i32
          %add3A_890 = arith.constant 8 : i32
          %add3A_891 = arith.addi %mul3A_889, %add3A_890 : i32
          %get3A_892 = arith.index_cast %add3A_891 : i32 to index
          %get3A_893 = arith.constant 0 : index
          %get3A_894 = tpu.vector_load %arg17[%get3A_892, %get3A_893] {strides = array<i32>} : memref<128x128xf32, #tpu.memory_space<vmem>>, vector<1x16xf32>,
          %get3A_895 = vector.shape_cast %get3A_894 : vector<1x16xf32> to vector<16xf32>
          %mul3A_896 = vector.broadcast %squeeze3A_887 : f32 to vector<16xf32>
          %mul3A_897 = arith.mulf %get3A_895, %mul3A_896 : vector<16xf32>
          %swap3A_898 = arith.index_cast %add3A_891 : i32 to index
          %swap3A_899 = arith.constant 0 : index
          %swap3A_900 = tpu.vector_load %arg17[%swap3A_898, %swap3A_899] {strides = array<i32>} : memref<128x128xf32, #tpu.memory_space<vmem>>, vector<1x16xf32>,
          %swap3A_901 = vector.shape_cast %swap3A_900 : vector<1x16xf32> to vector<16xf32>
          %swap3A_902 = vector.shape_cast %mul3A_897 : vector<16xf32> to vector<1x16xf32>
          tpu.vector_store %arg17[%swap3A_898, %swap3A_899], %swap3A_902 {strides = array<i32>} : memref<128x128xf32, #tpu.memory_space<vmem>>, vector<1x16xf32>,
          %get3A_903 = arith.index_cast %add3A_891 : i32 to index
          %get3A_904 = arith.constant 16 : index
          %get3A_905 = tpu.vector_load %arg17[%get3A_903, %get3A_904] {strides = array<i32>} : memref<128x128xf32, #tpu.memory_space<vmem>>, vector<1x16xf32>,
          %get3A_906 = vector.shape_cast %get3A_905 : vector<1x16xf32> to vector<16xf32>
          %mul3A_907 = vector.broadcast %squeeze3A_887 : f32 to vector<16xf32>
          %mul3A_908 = arith.mulf %get3A_906, %mul3A_907 : vector<16xf32>
          %swap3A_909 = arith.index_cast %add3A_891 : i32 to index
          %swap3A_910 = arith.constant 16 : index
          %swap3A_911 = tpu.vector_load %arg17[%swap3A_909, %swap3A_910] {strides = array<i32>} : memref<128x128xf32, #tpu.memory_space<vmem>>, vector<1x16xf32>,
          %swap3A_912 = vector.shape_cast %swap3A_911 : vector<1x16xf32> to vector<16xf32>
          %swap3A_913 = vector.shape_cast %mul3A_908 : vector<16xf32> to vector<1x16xf32>
          tpu.vector_store %arg17[%swap3A_909, %swap3A_910], %swap3A_913 {strides = array<i32>} : memref<128x128xf32, #tpu.memory_space<vmem>>, vector<1x16xf32>,
          %get3A_914 = arith.index_cast %add3A_891 : i32 to index
          %get3A_915 = arith.constant 32 : index
          %get3A_916 = tpu.vector_load %arg17[%get3A_914, %get3A_915] {strides = array<i32>} : memref<128x128xf32, #tpu.memory_space<vmem>>, vector<1x16xf32>,
          %get3A_917 = vector.shape_cast %get3A_916 : vector<1x16xf32> to vector<16xf32>
          %mul3A_918 = vector.broadcast %squeeze3A_887 : f32 to vector<16xf32>
          %mul3A_919 = arith.mulf %get3A_917, %mul3A_918 : vector<16xf32>
          %swap3A_920 = arith.index_cast %add3A_891 : i32 to index
          %swap3A_921 = arith.constant 32 : index
          %swap3A_922 = tpu.vector_load %arg17[%swap3A_920, %swap3A_921] {strides = array<i32>} : memref<128x128xf32, #tpu.memory_space<vmem>>, vector<1x16xf32>,
          %swap3A_923 = vector.shape_cast %swap3A_922 : vector<1x16xf32> to vector<16xf32>
          %swap3A_924 = vector.shape_cast %mul3A_919 : vector<16xf32> to vector<1x16xf32>
          tpu.vector_store %arg17[%swap3A_920, %swap3A_921], %swap3A_924 {strides = array<i32>} : memref<128x128xf32, #tpu.memory_space<vmem>>, vector<1x16xf32>,
          %get3A_925 = arith.index_cast %add3A_891 : i32 to index
          %get3A_926 = arith.constant 48 : index
          %get3A_927 = tpu.vector_load %arg17[%get3A_925, %get3A_926] {strides = array<i32>} : memref<128x128xf32, #tpu.memory_space<vmem>>, vector<1x16xf32>,
          %get3A_928 = vector.shape_cast %get3A_927 : vector<1x16xf32> to vector<16xf32>
          %mul3A_929 = vector.broadcast %squeeze3A_887 : f32 to vector<16xf32>
          %mul3A_930 = arith.mulf %get3A_928, %mul3A_929 : vector<16xf32>
          %swap3A_931 = arith.index_cast %add3A_891 : i32 to index
          %swap3A_932 = arith.constant 48 : index
          %swap3A_933 = tpu.vector_load %arg17[%swap3A_931, %swap3A_932] {strides = array<i32>} : memref<128x128xf32, #tpu.memory_space<vmem>>, vector<1x16xf32>,
          %swap3A_934 = vector.shape_cast %swap3A_933 : vector<1x16xf32> to vector<16xf32>
          %swap3A_935 = vector.shape_cast %mul3A_930 : vector<16xf32> to vector<1x16xf32>
          tpu.vector_store %arg17[%swap3A_931, %swap3A_932], %swap3A_935 {strides = array<i32>} : memref<128x128xf32, #tpu.memory_space<vmem>>, vector<1x16xf32>,
          %get3A_936 = arith.index_cast %add3A_891 : i32 to index
          %get3A_937 = arith.constant 64 : index
          %get3A_938 = tpu.vector_load %arg17[%get3A_936, %get3A_937] {strides = array<i32>} : memref<128x128xf32, #tpu.memory_space<vmem>>, vector<1x16xf32>,
          %get3A_939 = vector.shape_cast %get3A_938 : vector<1x16xf32> to vector<16xf32>
          %mul3A_940 = vector.broadcast %squeeze3A_887 : f32 to vector<16xf32>
          %mul3A_941 = arith.mulf %get3A_939, %mul3A_940 : vector<16xf32>
          %swap3A_942 = arith.index_cast %add3A_891 : i32 to index
          %swap3A_943 = arith.constant 64 : index
          %swap3A_944 = tpu.vector_load %arg17[%swap3A_942, %swap3A_943] {strides = array<i32>} : memref<128x128xf32, #tpu.memory_space<vmem>>, vector<1x16xf32>,
          %swap3A_945 = vector.shape_cast %swap3A_944 : vector<1x16xf32> to vector<16xf32>
          %swap3A_946 = vector.shape_cast %mul3A_941 : vector<16xf32> to vector<1x16xf32>
          tpu.vector_store %arg17[%swap3A_942, %swap3A_943], %swap3A_946 {strides = array<i32>} : memref<128x128xf32, #tpu.memory_space<vmem>>, vector<1x16xf32>,
          %get3A_947 = arith.index_cast %add3A_891 : i32 to index
          %get3A_948 = arith.constant 80 : index
          %get3A_949 = tpu.vector_load %arg17[%get3A_947, %get3A_948] {strides = array<i32>} : memref<128x128xf32, #tpu.memory_space<vmem>>, vector<1x16xf32>,
          %get3A_950 = vector.shape_cast %get3A_949 : vector<1x16xf32> to vector<16xf32>
          %mul3A_951 = vector.broadcast %squeeze3A_887 : f32 to vector<16xf32>
          %mul3A_952 = arith.mulf %get3A_950, %mul3A_951 : vector<16xf32>
          %swap3A_953 = arith.index_cast %add3A_891 : i32 to index
          %swap3A_954 = arith.constant 80 : index
          %swap3A_955 = tpu.vector_load %arg17[%swap3A_953, %swap3A_954] {strides = array<i32>} : memref<128x128xf32, #tpu.memory_space<vmem>>, vector<1x16xf32>,
          %swap3A_956 = vector.shape_cast %swap3A_955 : vector<1x16xf32> to vector<16xf32>
          %swap3A_957 = vector.shape_cast %mul3A_952 : vector<16xf32> to vector<1x16xf32>
          tpu.vector_store %arg17[%swap3A_953, %swap3A_954], %swap3A_957 {strides = array<i32>} : memref<128x128xf32, #tpu.memory_space<vmem>>, vector<1x16xf32>,
          %get3A_958 = arith.index_cast %add3A_891 : i32 to index
          %get3A_959 = arith.constant 96 : index
          %get3A_960 = tpu.vector_load %arg17[%get3A_958, %get3A_959] {strides = array<i32>} : memref<128x128xf32, #tpu.memory_space<vmem>>, vector<1x16xf32>,
          %get3A_961 = vector.shape_cast %get3A_960 : vector<1x16xf32> to vector<16xf32>
          %mul3A_962 = vector.broadcast %squeeze3A_887 : f32 to vector<16xf32>
          %mul3A_963 = arith.mulf %get3A_961, %mul3A_962 : vector<16xf32>
          %swap3A_964 = arith.index_cast %add3A_891 : i32 to index
          %swap3A_965 = arith.constant 96 : index
          %swap3A_966 = tpu.vector_load %arg17[%swap3A_964, %swap3A_965] {strides = array<i32>} : memref<128x128xf32, #tpu.memory_space<vmem>>, vector<1x16xf32>,
          %swap3A_967 = vector.shape_cast %swap3A_966 : vector<1x16xf32> to vector<16xf32>
          %swap3A_968 = vector.shape_cast %mul3A_963 : vector<16xf32> to vector<1x16xf32>
          tpu.vector_store %arg17[%swap3A_964, %swap3A_965], %swap3A_968 {strides = array<i32>} : memref<128x128xf32, #tpu.memory_space<vmem>>, vector<1x16xf32>,
          %get3A_969 = arith.index_cast %add3A_891 : i32 to index
          %get3A_970 = arith.constant 112 : index
          %get3A_971 = tpu.vector_load %arg17[%get3A_969, %get3A_970] {strides = array<i32>} : memref<128x128xf32, #tpu.memory_space<vmem>>, vector<1x16xf32>,
          %get3A_972 = vector.shape_cast %get3A_971 : vector<1x16xf32> to vector<16xf32>
          %mul3A_973 = vector.broadcast %squeeze3A_887 : f32 to vector<16xf32>
          %mul3A_974 = arith.mulf %get3A_972, %mul3A_973 : vector<16xf32>
          %swap3A_975 = arith.index_cast %add3A_891 : i32 to index
          %swap3A_976 = arith.constant 112 : index
          %swap3A_977 = tpu.vector_load %arg17[%swap3A_975, %swap3A_976] {strides = array<i32>} : memref<128x128xf32, #tpu.memory_space<vmem>>, vector<1x16xf32>,
          %swap3A_978 = vector.shape_cast %swap3A_977 : vector<1x16xf32> to vector<16xf32>
          %swap3A_979 = vector.shape_cast %mul3A_974 : vector<16xf32> to vector<1x16xf32>
          tpu.vector_store %arg17[%swap3A_975, %swap3A_976], %swap3A_979 {strides = array<i32>} : memref<128x128xf32, #tpu.memory_space<vmem>>, vector<1x16xf32>,
          %slice3A_980 = vector.extract_strided_slice %get3A_136 {offsets = [9], sizes = [1], strides = [1]} : vector<16xf32> to vector<1xf32>
          %squeeze3A_981 = vector.extract %slice3A_980[0] : f32 from vector<1xf32>
          %mul3A_982 = arith.constant 16 : i32
          %mul3A_983 = arith.muli %scan3A_130, %mul3A_982 : i32
          %add3A_984 = arith.constant 9 : i32
          %add3A_985 = arith.addi %mul3A_983, %add3A_984 : i32
          %get3A_986 = arith.index_cast %add3A_985 : i32 to index
          %get3A_987 = arith.constant 0 : index
          %get3A_988 = tpu.vector_load %arg17[%get3A_986, %get3A_987] {strides = array<i32>} : memref<128x128xf32, #tpu.memory_space<vmem>>, vector<1x16xf32>,
          %get3A_989 = vector.shape_cast %get3A_988 : vector<1x16xf32> to vector<16xf32>
          %mul3A_990 = vector.broadcast %squeeze3A_981 : f32 to vector<16xf32>
          %mul3A_991 = arith.mulf %get3A_989, %mul3A_990 : vector<16xf32>
          %swap3A_992 = arith.index_cast %add3A_985 : i32 to index
          %swap3A_993 = arith.constant 0 : index
          %swap3A_994 = tpu.vector_load %arg17[%swap3A_992, %swap3A_993] {strides = array<i32>} : memref<128x128xf32, #tpu.memory_space<vmem>>, vector<1x16xf32>,
          %swap3A_995 = vector.shape_cast %swap3A_994 : vector<1x16xf32> to vector<16xf32>
          %swap3A_996 = vector.shape_cast %mul3A_991 : vector<16xf32> to vector<1x16xf32>
          tpu.vector_store %arg17[%swap3A_992, %swap3A_993], %swap3A_996 {strides = array<i32>} : memref<128x128xf32, #tpu.memory_space<vmem>>, vector<1x16xf32>,
          %get3A_997 = arith.index_cast %add3A_985 : i32 to index
          %get3A_998 = arith.constant 16 : index
          %get3A_999 = tpu.vector_load %arg17[%get3A_997, %get3A_998] {strides = array<i32>} : memref<128x128xf32, #tpu.memory_space<vmem>>, vector<1x16xf32>,
          %get3A_1000 = vector.shape_cast %get3A_999 : vector<1x16xf32> to vector<16xf32>
          %mul3A_1001 = vector.broadcast %squeeze3A_981 : f32 to vector<16xf32>
          %mul3A_1002 = arith.mulf %get3A_1000, %mul3A_1001 : vector<16xf32>
          %swap3A_1003 = arith.index_cast %add3A_985 : i32 to index
          %swap3A_1004 = arith.constant 16 : index
          %swap3A_1005 = tpu.vector_load %arg17[%swap3A_1003, %swap3A_1004] {strides = array<i32>} : memref<128x128xf32, #tpu.memory_space<vmem>>, vector<1x16xf32>,
          %swap3A_1006 = vector.shape_cast %swap3A_1005 : vector<1x16xf32> to vector<16xf32>
          %swap3A_1007 = vector.shape_cast %mul3A_1002 : vector<16xf32> to vector<1x16xf32>
          tpu.vector_store %arg17[%swap3A_1003, %swap3A_1004], %swap3A_1007 {strides = array<i32>} : memref<128x128xf32, #tpu.memory_space<vmem>>, vector<1x16xf32>,
          %get3A_1008 = arith.index_cast %add3A_985 : i32 to index
          %get3A_1009 = arith.constant 32 : index
          %get3A_1010 = tpu.vector_load %arg17[%get3A_1008, %get3A_1009] {strides = array<i32>} : memref<128x128xf32, #tpu.memory_space<vmem>>, vector<1x16xf32>,
          %get3A_1011 = vector.shape_cast %get3A_1010 : vector<1x16xf32> to vector<16xf32>
          %mul3A_1012 = vector.broadcast %squeeze3A_981 : f32 to vector<16xf32>
          %mul3A_1013 = arith.mulf %get3A_1011, %mul3A_1012 : vector<16xf32>
          %swap3A_1014 = arith.index_cast %add3A_985 : i32 to index
          %swap3A_1015 = arith.constant 32 : index
          %swap3A_1016 = tpu.vector_load %arg17[%swap3A_1014, %swap3A_1015] {strides = array<i32>} : memref<128x128xf32, #tpu.memory_space<vmem>>, vector<1x16xf32>,
          %swap3A_1017 = vector.shape_cast %swap3A_1016 : vector<1x16xf32> to vector<16xf32>
          %swap3A_1018 = vector.shape_cast %mul3A_1013 : vector<16xf32> to vector<1x16xf32>
          tpu.vector_store %arg17[%swap3A_1014, %swap3A_1015], %swap3A_1018 {strides = array<i32>} : memref<128x128xf32, #tpu.memory_space<vmem>>, vector<1x16xf32>,
          %get3A_1019 = arith.index_cast %add3A_985 : i32 to index
          %get3A_1020 = arith.constant 48 : index
          %get3A_1021 = tpu.vector_load %arg17[%get3A_1019, %get3A_1020] {strides = array<i32>} : memref<128x128xf32, #tpu.memory_space<vmem>>, vector<1x16xf32>,
          %get3A_1022 = vector.shape_cast %get3A_1021 : vector<1x16xf32> to vector<16xf32>
          %mul3A_1023 = vector.broadcast %squeeze3A_981 : f32 to vector<16xf32>
          %mul3A_1024 = arith.mulf %get3A_1022, %mul3A_1023 : vector<16xf32>
          %swap3A_1025 = arith.index_cast %add3A_985 : i32 to index
          %swap3A_1026 = arith.constant 48 : index
          %swap3A_1027 = tpu.vector_load %arg17[%swap3A_1025, %swap3A_1026] {strides = array<i32>} : memref<128x128xf32, #tpu.memory_space<vmem>>, vector<1x16xf32>,
          %swap3A_1028 = vector.shape_cast %swap3A_1027 : vector<1x16xf32> to vector<16xf32>
          %swap3A_1029 = vector.shape_cast %mul3A_1024 : vector<16xf32> to vector<1x16xf32>
          tpu.vector_store %arg17[%swap3A_1025, %swap3A_1026], %swap3A_1029 {strides = array<i32>} : memref<128x128xf32, #tpu.memory_space<vmem>>, vector<1x16xf32>,
          %get3A_1030 = arith.index_cast %add3A_985 : i32 to index
          %get3A_1031 = arith.constant 64 : index
          %get3A_1032 = tpu.vector_load %arg17[%get3A_1030, %get3A_1031] {strides = array<i32>} : memref<128x128xf32, #tpu.memory_space<vmem>>, vector<1x16xf32>,
          %get3A_1033 = vector.shape_cast %get3A_1032 : vector<1x16xf32> to vector<16xf32>
          %mul3A_1034 = vector.broadcast %squeeze3A_981 : f32 to vector<16xf32>
          %mul3A_1035 = arith.mulf %get3A_1033, %mul3A_1034 : vector<16xf32>
          %swap3A_1036 = arith.index_cast %add3A_985 : i32 to index
          %swap3A_1037 = arith.constant 64 : index
          %swap3A_1038 = tpu.vector_load %arg17[%swap3A_1036, %swap3A_1037] {strides = array<i32>} : memref<128x128xf32, #tpu.memory_space<vmem>>, vector<1x16xf32>,
          %swap3A_1039 = vector.shape_cast %swap3A_1038 : vector<1x16xf32> to vector<16xf32>
          %swap3A_1040 = vector.shape_cast %mul3A_1035 : vector<16xf32> to vector<1x16xf32>
          tpu.vector_store %arg17[%swap3A_1036, %swap3A_1037], %swap3A_1040 {strides = array<i32>} : memref<128x128xf32, #tpu.memory_space<vmem>>, vector<1x16xf32>,
          %get3A_1041 = arith.index_cast %add3A_985 : i32 to index
          %get3A_1042 = arith.constant 80 : index
          %get3A_1043 = tpu.vector_load %arg17[%get3A_1041, %get3A_1042] {strides = array<i32>} : memref<128x128xf32, #tpu.memory_space<vmem>>, vector<1x16xf32>,
          %get3A_1044 = vector.shape_cast %get3A_1043 : vector<1x16xf32> to vector<16xf32>
          %mul3A_1045 = vector.broadcast %squeeze3A_981 : f32 to vector<16xf32>
          %mul3A_1046 = arith.mulf %get3A_1044, %mul3A_1045 : vector<16xf32>
          %swap3A_1047 = arith.index_cast %add3A_985 : i32 to index
          %swap3A_1048 = arith.constant 80 : index
          %swap3A_1049 = tpu.vector_load %arg17[%swap3A_1047, %swap3A_1048] {strides = array<i32>} : memref<128x128xf32, #tpu.memory_space<vmem>>, vector<1x16xf32>,
          %swap3A_1050 = vector.shape_cast %swap3A_1049 : vector<1x16xf32> to vector<16xf32>
          %swap3A_1051 = vector.shape_cast %mul3A_1046 : vector<16xf32> to vector<1x16xf32>
          tpu.vector_store %arg17[%swap3A_1047, %swap3A_1048], %swap3A_1051 {strides = array<i32>} : memref<128x128xf32, #tpu.memory_space<vmem>>, vector<1x16xf32>,
          %get3A_1052 = arith.index_cast %add3A_985 : i32 to index
          %get3A_1053 = arith.constant 96 : index
          %get3A_1054 = tpu.vector_load %arg17[%get3A_1052, %get3A_1053] {strides = array<i32>} : memref<128x128xf32, #tpu.memory_space<vmem>>, vector<1x16xf32>,
          %get3A_1055 = vector.shape_cast %get3A_1054 : vector<1x16xf32> to vector<16xf32>
          %mul3A_1056 = vector.broadcast %squeeze3A_981 : f32 to vector<16xf32>
          %mul3A_1057 = arith.mulf %get3A_1055, %mul3A_1056 : vector<16xf32>
          %swap3A_1058 = arith.index_cast %add3A_985 : i32 to index
          %swap3A_1059 = arith.constant 96 : index
          %swap3A_1060 = tpu.vector_load %arg17[%swap3A_1058, %swap3A_1059] {strides = array<i32>} : memref<128x128xf32, #tpu.memory_space<vmem>>, vector<1x16xf32>,
          %swap3A_1061 = vector.shape_cast %swap3A_1060 : vector<1x16xf32> to vector<16xf32>
          %swap3A_1062 = vector.shape_cast %mul3A_1057 : vector<16xf32> to vector<1x16xf32>
          tpu.vector_store %arg17[%swap3A_1058, %swap3A_1059], %swap3A_1062 {strides = array<i32>} : memref<128x128xf32, #tpu.memory_space<vmem>>, vector<1x16xf32>,
          %get3A_1063 = arith.index_cast %add3A_985 : i32 to index
          %get3A_1064 = arith.constant 112 : index
          %get3A_1065 = tpu.vector_load %arg17[%get3A_1063, %get3A_1064] {strides = array<i32>} : memref<128x128xf32, #tpu.memory_space<vmem>>, vector<1x16xf32>,
          %get3A_1066 = vector.shape_cast %get3A_1065 : vector<1x16xf32> to vector<16xf32>
          %mul3A_1067 = vector.broadcast %squeeze3A_981 : f32 to vector<16xf32>
          %mul3A_1068 = arith.mulf %get3A_1066, %mul3A_1067 : vector<16xf32>
          %swap3A_1069 = arith.index_cast %add3A_985 : i32 to index
          %swap3A_1070 = arith.constant 112 : index
          %swap3A_1071 = tpu.vector_load %arg17[%swap3A_1069, %swap3A_1070] {strides = array<i32>} : memref<128x128xf32, #tpu.memory_space<vmem>>, vector<1x16xf32>,
          %swap3A_1072 = vector.shape_cast %swap3A_1071 : vector<1x16xf32> to vector<16xf32>
          %swap3A_1073 = vector.shape_cast %mul3A_1068 : vector<16xf32> to vector<1x16xf32>
          tpu.vector_store %arg17[%swap3A_1069, %swap3A_1070], %swap3A_1073 {strides = array<i32>} : memref<128x128xf32, #tpu.memory_space<vmem>>, vector<1x16xf32>,
          %slice3A_1074 = vector.extract_strided_slice %get3A_136 {offsets = [10], sizes = [1], strides = [1]} : vector<16xf32> to vector<1xf32>
          %squeeze3A_1075 = vector.extract %slice3A_1074[0] : f32 from vector<1xf32>
          %mul3A_1076 = arith.constant 16 : i32
          %mul3A_1077 = arith.muli %scan3A_130, %mul3A_1076 : i32
          %add3A_1078 = arith.constant 10 : i32
          %add3A_1079 = arith.addi %mul3A_1077, %add3A_1078 : i32
          %get3A_1080 = arith.index_cast %add3A_1079 : i32 to index
          %get3A_1081 = arith.constant 0 : index
          %get3A_1082 = tpu.vector_load %arg17[%get3A_1080, %get3A_1081] {strides = array<i32>} : memref<128x128xf32, #tpu.memory_space<vmem>>, vector<1x16xf32>,
          %get3A_1083 = vector.shape_cast %get3A_1082 : vector<1x16xf32> to vector<16xf32>
          %mul3A_1084 = vector.broadcast %squeeze3A_1075 : f32 to vector<16xf32>
          %mul3A_1085 = arith.mulf %get3A_1083, %mul3A_1084 : vector<16xf32>
          %swap3A_1086 = arith.index_cast %add3A_1079 : i32 to index
          %swap3A_1087 = arith.constant 0 : index
          %swap3A_1088 = tpu.vector_load %arg17[%swap3A_1086, %swap3A_1087] {strides = array<i32>} : memref<128x128xf32, #tpu.memory_space<vmem>>, vector<1x16xf32>,
          %swap3A_1089 = vector.shape_cast %swap3A_1088 : vector<1x16xf32> to vector<16xf32>
          %swap3A_1090 = vector.shape_cast %mul3A_1085 : vector<16xf32> to vector<1x16xf32>
          tpu.vector_store %arg17[%swap3A_1086, %swap3A_1087], %swap3A_1090 {strides = array<i32>} : memref<128x128xf32, #tpu.memory_space<vmem>>, vector<1x16xf32>,
          %get3A_1091 = arith.index_cast %add3A_1079 : i32 to index
          %get3A_1092 = arith.constant 16 : index
          %get3A_1093 = tpu.vector_load %arg17[%get3A_1091, %get3A_1092] {strides = array<i32>} : memref<128x128xf32, #tpu.memory_space<vmem>>, vector<1x16xf32>,
          %get3A_1094 = vector.shape_cast %get3A_1093 : vector<1x16xf32> to vector<16xf32>
          %mul3A_1095 = vector.broadcast %squeeze3A_1075 : f32 to vector<16xf32>
          %mul3A_1096 = arith.mulf %get3A_1094, %mul3A_1095 : vector<16xf32>
          %swap3A_1097 = arith.index_cast %add3A_1079 : i32 to index
          %swap3A_1098 = arith.constant 16 : index
          %swap3A_1099 = tpu.vector_load %arg17[%swap3A_1097, %swap3A_1098] {strides = array<i32>} : memref<128x128xf32, #tpu.memory_space<vmem>>, vector<1x16xf32>,
          %swap3A_1100 = vector.shape_cast %swap3A_1099 : vector<1x16xf32> to vector<16xf32>
          %swap3A_1101 = vector.shape_cast %mul3A_1096 : vector<16xf32> to vector<1x16xf32>
          tpu.vector_store %arg17[%swap3A_1097, %swap3A_1098], %swap3A_1101 {strides = array<i32>} : memref<128x128xf32, #tpu.memory_space<vmem>>, vector<1x16xf32>,
          %get3A_1102 = arith.index_cast %add3A_1079 : i32 to index
          %get3A_1103 = arith.constant 32 : index
          %get3A_1104 = tpu.vector_load %arg17[%get3A_1102, %get3A_1103] {strides = array<i32>} : memref<128x128xf32, #tpu.memory_space<vmem>>, vector<1x16xf32>,
          %get3A_1105 = vector.shape_cast %get3A_1104 : vector<1x16xf32> to vector<16xf32>
          %mul3A_1106 = vector.broadcast %squeeze3A_1075 : f32 to vector<16xf32>
          %mul3A_1107 = arith.mulf %get3A_1105, %mul3A_1106 : vector<16xf32>
          %swap3A_1108 = arith.index_cast %add3A_1079 : i32 to index
          %swap3A_1109 = arith.constant 32 : index
          %swap3A_1110 = tpu.vector_load %arg17[%swap3A_1108, %swap3A_1109] {strides = array<i32>} : memref<128x128xf32, #tpu.memory_space<vmem>>, vector<1x16xf32>,
          %swap3A_1111 = vector.shape_cast %swap3A_1110 : vector<1x16xf32> to vector<16xf32>
          %swap3A_1112 = vector.shape_cast %mul3A_1107 : vector<16xf32> to vector<1x16xf32>
          tpu.vector_store %arg17[%swap3A_1108, %swap3A_1109], %swap3A_1112 {strides = array<i32>} : memref<128x128xf32, #tpu.memory_space<vmem>>, vector<1x16xf32>,
          %get3A_1113 = arith.index_cast %add3A_1079 : i32 to index
          %get3A_1114 = arith.constant 48 : index
          %get3A_1115 = tpu.vector_load %arg17[%get3A_1113, %get3A_1114] {strides = array<i32>} : memref<128x128xf32, #tpu.memory_space<vmem>>, vector<1x16xf32>,
          %get3A_1116 = vector.shape_cast %get3A_1115 : vector<1x16xf32> to vector<16xf32>
          %mul3A_1117 = vector.broadcast %squeeze3A_1075 : f32 to vector<16xf32>
          %mul3A_1118 = arith.mulf %get3A_1116, %mul3A_1117 : vector<16xf32>
          %swap3A_1119 = arith.index_cast %add3A_1079 : i32 to index
          %swap3A_1120 = arith.constant 48 : index
          %swap3A_1121 = tpu.vector_load %arg17[%swap3A_1119, %swap3A_1120] {strides = array<i32>} : memref<128x128xf32, #tpu.memory_space<vmem>>, vector<1x16xf32>,
          %swap3A_1122 = vector.shape_cast %swap3A_1121 : vector<1x16xf32> to vector<16xf32>
          %swap3A_1123 = vector.shape_cast %mul3A_1118 : vector<16xf32> to vector<1x16xf32>
          tpu.vector_store %arg17[%swap3A_1119, %swap3A_1120], %swap3A_1123 {strides = array<i32>} : memref<128x128xf32, #tpu.memory_space<vmem>>, vector<1x16xf32>,
          %get3A_1124 = arith.index_cast %add3A_1079 : i32 to index
          %get3A_1125 = arith.constant 64 : index
          %get3A_1126 = tpu.vector_load %arg17[%get3A_1124, %get3A_1125] {strides = array<i32>} : memref<128x128xf32, #tpu.memory_space<vmem>>, vector<1x16xf32>,
          %get3A_1127 = vector.shape_cast %get3A_1126 : vector<1x16xf32> to vector<16xf32>
          %mul3A_1128 = vector.broadcast %squeeze3A_1075 : f32 to vector<16xf32>
          %mul3A_1129 = arith.mulf %get3A_1127, %mul3A_1128 : vector<16xf32>
          %swap3A_1130 = arith.index_cast %add3A_1079 : i32 to index
          %swap3A_1131 = arith.constant 64 : index
          %swap3A_1132 = tpu.vector_load %arg17[%swap3A_1130, %swap3A_1131] {strides = array<i32>} : memref<128x128xf32, #tpu.memory_space<vmem>>, vector<1x16xf32>,
          %swap3A_1133 = vector.shape_cast %swap3A_1132 : vector<1x16xf32> to vector<16xf32>
          %swap3A_1134 = vector.shape_cast %mul3A_1129 : vector<16xf32> to vector<1x16xf32>
          tpu.vector_store %arg17[%swap3A_1130, %swap3A_1131], %swap3A_1134 {strides = array<i32>} : memref<128x128xf32, #tpu.memory_space<vmem>>, vector<1x16xf32>,
          %get3A_1135 = arith.index_cast %add3A_1079 : i32 to index
          %get3A_1136 = arith.constant 80 : index
          %get3A_1137 = tpu.vector_load %arg17[%get3A_1135, %get3A_1136] {strides = array<i32>} : memref<128x128xf32, #tpu.memory_space<vmem>>, vector<1x16xf32>,
          %get3A_1138 = vector.shape_cast %get3A_1137 : vector<1x16xf32> to vector<16xf32>
          %mul3A_1139 = vector.broadcast %squeeze3A_1075 : f32 to vector<16xf32>
          %mul3A_1140 = arith.mulf %get3A_1138, %mul3A_1139 : vector<16xf32>
          %swap3A_1141 = arith.index_cast %add3A_1079 : i32 to index
          %swap3A_1142 = arith.constant 80 : index
          %swap3A_1143 = tpu.vector_load %arg17[%swap3A_1141, %swap3A_1142] {strides = array<i32>} : memref<128x128xf32, #tpu.memory_space<vmem>>, vector<1x16xf32>,
          %swap3A_1144 = vector.shape_cast %swap3A_1143 : vector<1x16xf32> to vector<16xf32>
          %swap3A_1145 = vector.shape_cast %mul3A_1140 : vector<16xf32> to vector<1x16xf32>
          tpu.vector_store %arg17[%swap3A_1141, %swap3A_1142], %swap3A_1145 {strides = array<i32>} : memref<128x128xf32, #tpu.memory_space<vmem>>, vector<1x16xf32>,
          %get3A_1146 = arith.index_cast %add3A_1079 : i32 to index
          %get3A_1147 = arith.constant 96 : index
          %get3A_1148 = tpu.vector_load %arg17[%get3A_1146, %get3A_1147] {strides = array<i32>} : memref<128x128xf32, #tpu.memory_space<vmem>>, vector<1x16xf32>,
          %get3A_1149 = vector.shape_cast %get3A_1148 : vector<1x16xf32> to vector<16xf32>
          %mul3A_1150 = vector.broadcast %squeeze3A_1075 : f32 to vector<16xf32>
          %mul3A_1151 = arith.mulf %get3A_1149, %mul3A_1150 : vector<16xf32>
          %swap3A_1152 = arith.index_cast %add3A_1079 : i32 to index
          %swap3A_1153 = arith.constant 96 : index
          %swap3A_1154 = tpu.vector_load %arg17[%swap3A_1152, %swap3A_1153] {strides = array<i32>} : memref<128x128xf32, #tpu.memory_space<vmem>>, vector<1x16xf32>,
          %swap3A_1155 = vector.shape_cast %swap3A_1154 : vector<1x16xf32> to vector<16xf32>
          %swap3A_1156 = vector.shape_cast %mul3A_1151 : vector<16xf32> to vector<1x16xf32>
          tpu.vector_store %arg17[%swap3A_1152, %swap3A_1153], %swap3A_1156 {strides = array<i32>} : memref<128x128xf32, #tpu.memory_space<vmem>>, vector<1x16xf32>,
          %get3A_1157 = arith.index_cast %add3A_1079 : i32 to index
          %get3A_1158 = arith.constant 112 : index
          %get3A_1159 = tpu.vector_load %arg17[%get3A_1157, %get3A_1158] {strides = array<i32>} : memref<128x128xf32, #tpu.memory_space<vmem>>, vector<1x16xf32>,
          %get3A_1160 = vector.shape_cast %get3A_1159 : vector<1x16xf32> to vector<16xf32>
          %mul3A_1161 = vector.broadcast %squeeze3A_1075 : f32 to vector<16xf32>
          %mul3A_1162 = arith.mulf %get3A_1160, %mul3A_1161 : vector<16xf32>
          %swap3A_1163 = arith.index_cast %add3A_1079 : i32 to index
          %swap3A_1164 = arith.constant 112 : index
          %swap3A_1165 = tpu.vector_load %arg17[%swap3A_1163, %swap3A_1164] {strides = array<i32>} : memref<128x128xf32, #tpu.memory_space<vmem>>, vector<1x16xf32>,
          %swap3A_1166 = vector.shape_cast %swap3A_1165 : vector<1x16xf32> to vector<16xf32>
          %swap3A_1167 = vector.shape_cast %mul3A_1162 : vector<16xf32> to vector<1x16xf32>
          tpu.vector_store %arg17[%swap3A_1163, %swap3A_1164], %swap3A_1167 {strides = array<i32>} : memref<128x128xf32, #tpu.memory_space<vmem>>, vector<1x16xf32>,
          %slice3A_1168 = vector.extract_strided_slice %get3A_136 {offsets = [11], sizes = [1], strides = [1]} : vector<16xf32> to vector<1xf32>
          %squeeze3A_1169 = vector.extract %slice3A_1168[0] : f32 from vector<1xf32>
          %mul3A_1170 = arith.constant 16 : i32
          %mul3A_1171 = arith.muli %scan3A_130, %mul3A_1170 : i32
          %add3A_1172 = arith.constant 11 : i32
          %add3A_1173 = arith.addi %mul3A_1171, %add3A_1172 : i32
          %get3A_1174 = arith.index_cast %add3A_1173 : i32 to index
          %get3A_1175 = arith.constant 0 : index
          %get3A_1176 = tpu.vector_load %arg17[%get3A_1174, %get3A_1175] {strides = array<i32>} : memref<128x128xf32, #tpu.memory_space<vmem>>, vector<1x16xf32>,
          %get3A_1177 = vector.shape_cast %get3A_1176 : vector<1x16xf32> to vector<16xf32>
          %mul3A_1178 = vector.broadcast %squeeze3A_1169 : f32 to vector<16xf32>
          %mul3A_1179 = arith.mulf %get3A_1177, %mul3A_1178 : vector<16xf32>
          %swap3A_1180 = arith.index_cast %add3A_1173 : i32 to index
          %swap3A_1181 = arith.constant 0 : index
          %swap3A_1182 = tpu.vector_load %arg17[%swap3A_1180, %swap3A_1181] {strides = array<i32>} : memref<128x128xf32, #tpu.memory_space<vmem>>, vector<1x16xf32>,
          %swap3A_1183 = vector.shape_cast %swap3A_1182 : vector<1x16xf32> to vector<16xf32>
          %swap3A_1184 = vector.shape_cast %mul3A_1179 : vector<16xf32> to vector<1x16xf32>
          tpu.vector_store %arg17[%swap3A_1180, %swap3A_1181], %swap3A_1184 {strides = array<i32>} : memref<128x128xf32, #tpu.memory_space<vmem>>, vector<1x16xf32>,
          %get3A_1185 = arith.index_cast %add3A_1173 : i32 to index
          %get3A_1186 = arith.constant 16 : index
          %get3A_1187 = tpu.vector_load %arg17[%get3A_1185, %get3A_1186] {strides = array<i32>} : memref<128x128xf32, #tpu.memory_space<vmem>>, vector<1x16xf32>,
          %get3A_1188 = vector.shape_cast %get3A_1187 : vector<1x16xf32> to vector<16xf32>
          %mul3A_1189 = vector.broadcast %squeeze3A_1169 : f32 to vector<16xf32>
          %mul3A_1190 = arith.mulf %get3A_1188, %mul3A_1189 : vector<16xf32>
          %swap3A_1191 = arith.index_cast %add3A_1173 : i32 to index
          %swap3A_1192 = arith.constant 16 : index
          %swap3A_1193 = tpu.vector_load %arg17[%swap3A_1191, %swap3A_1192] {strides = array<i32>} : memref<128x128xf32, #tpu.memory_space<vmem>>, vector<1x16xf32>,
          %swap3A_1194 = vector.shape_cast %swap3A_1193 : vector<1x16xf32> to vector<16xf32>
          %swap3A_1195 = vector.shape_cast %mul3A_1190 : vector<16xf32> to vector<1x16xf32>
          tpu.vector_store %arg17[%swap3A_1191, %swap3A_1192], %swap3A_1195 {strides = array<i32>} : memref<128x128xf32, #tpu.memory_space<vmem>>, vector<1x16xf32>,
          %get3A_1196 = arith.index_cast %add3A_1173 : i32 to index
          %get3A_1197 = arith.constant 32 : index
          %get3A_1198 = tpu.vector_load %arg17[%get3A_1196, %get3A_1197] {strides = array<i32>} : memref<128x128xf32, #tpu.memory_space<vmem>>, vector<1x16xf32>,
          %get3A_1199 = vector.shape_cast %get3A_1198 : vector<1x16xf32> to vector<16xf32>
          %mul3A_1200 = vector.broadcast %squeeze3A_1169 : f32 to vector<16xf32>
          %mul3A_1201 = arith.mulf %get3A_1199, %mul3A_1200 : vector<16xf32>
          %swap3A_1202 = arith.index_cast %add3A_1173 : i32 to index
          %swap3A_1203 = arith.constant 32 : index
          %swap3A_1204 = tpu.vector_load %arg17[%swap3A_1202, %swap3A_1203] {strides = array<i32>} : memref<128x128xf32, #tpu.memory_space<vmem>>, vector<1x16xf32>,
          %swap3A_1205 = vector.shape_cast %swap3A_1204 : vector<1x16xf32> to vector<16xf32>
          %swap3A_1206 = vector.shape_cast %mul3A_1201 : vector<16xf32> to vector<1x16xf32>
          tpu.vector_store %arg17[%swap3A_1202, %swap3A_1203], %swap3A_1206 {strides = array<i32>} : memref<128x128xf32, #tpu.memory_space<vmem>>, vector<1x16xf32>,
          %get3A_1207 = arith.index_cast %add3A_1173 : i32 to index
          %get3A_1208 = arith.constant 48 : index
          %get3A_1209 = tpu.vector_load %arg17[%get3A_1207, %get3A_1208] {strides = array<i32>} : memref<128x128xf32, #tpu.memory_space<vmem>>, vector<1x16xf32>,
          %get3A_1210 = vector.shape_cast %get3A_1209 : vector<1x16xf32> to vector<16xf32>
          %mul3A_1211 = vector.broadcast %squeeze3A_1169 : f32 to vector<16xf32>
          %mul3A_1212 = arith.mulf %get3A_1210, %mul3A_1211 : vector<16xf32>
          %swap3A_1213 = arith.index_cast %add3A_1173 : i32 to index
          %swap3A_1214 = arith.constant 48 : index
          %swap3A_1215 = tpu.vector_load %arg17[%swap3A_1213, %swap3A_1214] {strides = array<i32>} : memref<128x128xf32, #tpu.memory_space<vmem>>, vector<1x16xf32>,
          %swap3A_1216 = vector.shape_cast %swap3A_1215 : vector<1x16xf32> to vector<16xf32>
          %swap3A_1217 = vector.shape_cast %mul3A_1212 : vector<16xf32> to vector<1x16xf32>
          tpu.vector_store %arg17[%swap3A_1213, %swap3A_1214], %swap3A_1217 {strides = array<i32>} : memref<128x128xf32, #tpu.memory_space<vmem>>, vector<1x16xf32>,
          %get3A_1218 = arith.index_cast %add3A_1173 : i32 to index
          %get3A_1219 = arith.constant 64 : index
          %get3A_1220 = tpu.vector_load %arg17[%get3A_1218, %get3A_1219] {strides = array<i32>} : memref<128x128xf32, #tpu.memory_space<vmem>>, vector<1x16xf32>,
          %get3A_1221 = vector.shape_cast %get3A_1220 : vector<1x16xf32> to vector<16xf32>
          %mul3A_1222 = vector.broadcast %squeeze3A_1169 : f32 to vector<16xf32>
          %mul3A_1223 = arith.mulf %get3A_1221, %mul3A_1222 : vector<16xf32>
          %swap3A_1224 = arith.index_cast %add3A_1173 : i32 to index
          %swap3A_1225 = arith.constant 64 : index
          %swap3A_1226 = tpu.vector_load %arg17[%swap3A_1224, %swap3A_1225] {strides = array<i32>} : memref<128x128xf32, #tpu.memory_space<vmem>>, vector<1x16xf32>,
          %swap3A_1227 = vector.shape_cast %swap3A_1226 : vector<1x16xf32> to vector<16xf32>
          %swap3A_1228 = vector.shape_cast %mul3A_1223 : vector<16xf32> to vector<1x16xf32>
          tpu.vector_store %arg17[%swap3A_1224, %swap3A_1225], %swap3A_1228 {strides = array<i32>} : memref<128x128xf32, #tpu.memory_space<vmem>>, vector<1x16xf32>,
          %get3A_1229 = arith.index_cast %add3A_1173 : i32 to index
          %get3A_1230 = arith.constant 80 : index
          %get3A_1231 = tpu.vector_load %arg17[%get3A_1229, %get3A_1230] {strides = array<i32>} : memref<128x128xf32, #tpu.memory_space<vmem>>, vector<1x16xf32>,
          %get3A_1232 = vector.shape_cast %get3A_1231 : vector<1x16xf32> to vector<16xf32>
          %mul3A_1233 = vector.broadcast %squeeze3A_1169 : f32 to vector<16xf32>
          %mul3A_1234 = arith.mulf %get3A_1232, %mul3A_1233 : vector<16xf32>
          %swap3A_1235 = arith.index_cast %add3A_1173 : i32 to index
          %swap3A_1236 = arith.constant 80 : index
          %swap3A_1237 = tpu.vector_load %arg17[%swap3A_1235, %swap3A_1236] {strides = array<i32>} : memref<128x128xf32, #tpu.memory_space<vmem>>, vector<1x16xf32>,
          %swap3A_1238 = vector.shape_cast %swap3A_1237 : vector<1x16xf32> to vector<16xf32>
          %swap3A_1239 = vector.shape_cast %mul3A_1234 : vector<16xf32> to vector<1x16xf32>
          tpu.vector_store %arg17[%swap3A_1235, %swap3A_1236], %swap3A_1239 {strides = array<i32>} : memref<128x128xf32, #tpu.memory_space<vmem>>, vector<1x16xf32>,
          %get3A_1240 = arith.index_cast %add3A_1173 : i32 to index
          %get3A_1241 = arith.constant 96 : index
          %get3A_1242 = tpu.vector_load %arg17[%get3A_1240, %get3A_1241] {strides = array<i32>} : memref<128x128xf32, #tpu.memory_space<vmem>>, vector<1x16xf32>,
          %get3A_1243 = vector.shape_cast %get3A_1242 : vector<1x16xf32> to vector<16xf32>
          %mul3A_1244 = vector.broadcast %squeeze3A_1169 : f32 to vector<16xf32>
          %mul3A_1245 = arith.mulf %get3A_1243, %mul3A_1244 : vector<16xf32>
          %swap3A_1246 = arith.index_cast %add3A_1173 : i32 to index
          %swap3A_1247 = arith.constant 96 : index
          %swap3A_1248 = tpu.vector_load %arg17[%swap3A_1246, %swap3A_1247] {strides = array<i32>} : memref<128x128xf32, #tpu.memory_space<vmem>>, vector<1x16xf32>,
          %swap3A_1249 = vector.shape_cast %swap3A_1248 : vector<1x16xf32> to vector<16xf32>
          %swap3A_1250 = vector.shape_cast %mul3A_1245 : vector<16xf32> to vector<1x16xf32>
          tpu.vector_store %arg17[%swap3A_1246, %swap3A_1247], %swap3A_1250 {strides = array<i32>} : memref<128x128xf32, #tpu.memory_space<vmem>>, vector<1x16xf32>,
          %get3A_1251 = arith.index_cast %add3A_1173 : i32 to index
          %get3A_1252 = arith.constant 112 : index
          %get3A_1253 = tpu.vector_load %arg17[%get3A_1251, %get3A_1252] {strides = array<i32>} : memref<128x128xf32, #tpu.memory_space<vmem>>, vector<1x16xf32>,
          %get3A_1254 = vector.shape_cast %get3A_1253 : vector<1x16xf32> to vector<16xf32>
          %mul3A_1255 = vector.broadcast %squeeze3A_1169 : f32 to vector<16xf32>
          %mul3A_1256 = arith.mulf %get3A_1254, %mul3A_1255 : vector<16xf32>
          %swap3A_1257 = arith.index_cast %add3A_1173 : i32 to index
          %swap3A_1258 = arith.constant 112 : index
          %swap3A_1259 = tpu.vector_load %arg17[%swap3A_1257, %swap3A_1258] {strides = array<i32>} : memref<128x128xf32, #tpu.memory_space<vmem>>, vector<1x16xf32>,
          %swap3A_1260 = vector.shape_cast %swap3A_1259 : vector<1x16xf32> to vector<16xf32>
          %swap3A_1261 = vector.shape_cast %mul3A_1256 : vector<16xf32> to vector<1x16xf32>
          tpu.vector_store %arg17[%swap3A_1257, %swap3A_1258], %swap3A_1261 {strides = array<i32>} : memref<128x128xf32, #tpu.memory_space<vmem>>, vector<1x16xf32>,
          %slice3A_1262 = vector.extract_strided_slice %get3A_136 {offsets = [12], sizes = [1], strides = [1]} : vector<16xf32> to vector<1xf32>
          %squeeze3A_1263 = vector.extract %slice3A_1262[0] : f32 from vector<1xf32>
          %mul3A_1264 = arith.constant 16 : i32
          %mul3A_1265 = arith.muli %scan3A_130, %mul3A_1264 : i32
          %add3A_1266 = arith.constant 12 : i32
          %add3A_1267 = arith.addi %mul3A_1265, %add3A_1266 : i32
          %get3A_1268 = arith.index_cast %add3A_1267 : i32 to index
          %get3A_1269 = arith.constant 0 : index
          %get3A_1270 = tpu.vector_load %arg17[%get3A_1268, %get3A_1269] {strides = array<i32>} : memref<128x128xf32, #tpu.memory_space<vmem>>, vector<1x16xf32>,
          %get3A_1271 = vector.shape_cast %get3A_1270 : vector<1x16xf32> to vector<16xf32>
          %mul3A_1272 = vector.broadcast %squeeze3A_1263 : f32 to vector<16xf32>
          %mul3A_1273 = arith.mulf %get3A_1271, %mul3A_1272 : vector<16xf32>
          %swap3A_1274 = arith.index_cast %add3A_1267 : i32 to index
          %swap3A_1275 = arith.constant 0 : index
          %swap3A_1276 = tpu.vector_load %arg17[%swap3A_1274, %swap3A_1275] {strides = array<i32>} : memref<128x128xf32, #tpu.memory_space<vmem>>, vector<1x16xf32>,
          %swap3A_1277 = vector.shape_cast %swap3A_1276 : vector<1x16xf32> to vector<16xf32>
          %swap3A_1278 = vector.shape_cast %mul3A_1273 : vector<16xf32> to vector<1x16xf32>
          tpu.vector_store %arg17[%swap3A_1274, %swap3A_1275], %swap3A_1278 {strides = array<i32>} : memref<128x128xf32, #tpu.memory_space<vmem>>, vector<1x16xf32>,
          %get3A_1279 = arith.index_cast %add3A_1267 : i32 to index
          %get3A_1280 = arith.constant 16 : index
          %get3A_1281 = tpu.vector_load %arg17[%get3A_1279, %get3A_1280] {strides = array<i32>} : memref<128x128xf32, #tpu.memory_space<vmem>>, vector<1x16xf32>,
          %get3A_1282 = vector.shape_cast %get3A_1281 : vector<1x16xf32> to vector<16xf32>
          %mul3A_1283 = vector.broadcast %squeeze3A_1263 : f32 to vector<16xf32>
          %mul3A_1284 = arith.mulf %get3A_1282, %mul3A_1283 : vector<16xf32>
          %swap3A_1285 = arith.index_cast %add3A_1267 : i32 to index
          %swap3A_1286 = arith.constant 16 : index
          %swap3A_1287 = tpu.vector_load %arg17[%swap3A_1285, %swap3A_1286] {strides = array<i32>} : memref<128x128xf32, #tpu.memory_space<vmem>>, vector<1x16xf32>,
          %swap3A_1288 = vector.shape_cast %swap3A_1287 : vector<1x16xf32> to vector<16xf32>
          %swap3A_1289 = vector.shape_cast %mul3A_1284 : vector<16xf32> to vector<1x16xf32>
          tpu.vector_store %arg17[%swap3A_1285, %swap3A_1286], %swap3A_1289 {strides = array<i32>} : memref<128x128xf32, #tpu.memory_space<vmem>>, vector<1x16xf32>,
          %get3A_1290 = arith.index_cast %add3A_1267 : i32 to index
          %get3A_1291 = arith.constant 32 : index
          %get3A_1292 = tpu.vector_load %arg17[%get3A_1290, %get3A_1291] {strides = array<i32>} : memref<128x128xf32, #tpu.memory_space<vmem>>, vector<1x16xf32>,
          %get3A_1293 = vector.shape_cast %get3A_1292 : vector<1x16xf32> to vector<16xf32>
          %mul3A_1294 = vector.broadcast %squeeze3A_1263 : f32 to vector<16xf32>
          %mul3A_1295 = arith.mulf %get3A_1293, %mul3A_1294 : vector<16xf32>
          %swap3A_1296 = arith.index_cast %add3A_1267 : i32 to index
          %swap3A_1297 = arith.constant 32 : index
          %swap3A_1298 = tpu.vector_load %arg17[%swap3A_1296, %swap3A_1297] {strides = array<i32>} : memref<128x128xf32, #tpu.memory_space<vmem>>, vector<1x16xf32>,
          %swap3A_1299 = vector.shape_cast %swap3A_1298 : vector<1x16xf32> to vector<16xf32>
          %swap3A_1300 = vector.shape_cast %mul3A_1295 : vector<16xf32> to vector<1x16xf32>
          tpu.vector_store %arg17[%swap3A_1296, %swap3A_1297], %swap3A_1300 {strides = array<i32>} : memref<128x128xf32, #tpu.memory_space<vmem>>, vector<1x16xf32>,
          %get3A_1301 = arith.index_cast %add3A_1267 : i32 to index
          %get3A_1302 = arith.constant 48 : index
          %get3A_1303 = tpu.vector_load %arg17[%get3A_1301, %get3A_1302] {strides = array<i32>} : memref<128x128xf32, #tpu.memory_space<vmem>>, vector<1x16xf32>,
          %get3A_1304 = vector.shape_cast %get3A_1303 : vector<1x16xf32> to vector<16xf32>
          %mul3A_1305 = vector.broadcast %squeeze3A_1263 : f32 to vector<16xf32>
          %mul3A_1306 = arith.mulf %get3A_1304, %mul3A_1305 : vector<16xf32>
          %swap3A_1307 = arith.index_cast %add3A_1267 : i32 to index
          %swap3A_1308 = arith.constant 48 : index
          %swap3A_1309 = tpu.vector_load %arg17[%swap3A_1307, %swap3A_1308] {strides = array<i32>} : memref<128x128xf32, #tpu.memory_space<vmem>>, vector<1x16xf32>,
          %swap3A_1310 = vector.shape_cast %swap3A_1309 : vector<1x16xf32> to vector<16xf32>
          %swap3A_1311 = vector.shape_cast %mul3A_1306 : vector<16xf32> to vector<1x16xf32>
          tpu.vector_store %arg17[%swap3A_1307, %swap3A_1308], %swap3A_1311 {strides = array<i32>} : memref<128x128xf32, #tpu.memory_space<vmem>>, vector<1x16xf32>,
          %get3A_1312 = arith.index_cast %add3A_1267 : i32 to index
          %get3A_1313 = arith.constant 64 : index
          %get3A_1314 = tpu.vector_load %arg17[%get3A_1312, %get3A_1313] {strides = array<i32>} : memref<128x128xf32, #tpu.memory_space<vmem>>, vector<1x16xf32>,
          %get3A_1315 = vector.shape_cast %get3A_1314 : vector<1x16xf32> to vector<16xf32>
          %mul3A_1316 = vector.broadcast %squeeze3A_1263 : f32 to vector<16xf32>
          %mul3A_1317 = arith.mulf %get3A_1315, %mul3A_1316 : vector<16xf32>
          %swap3A_1318 = arith.index_cast %add3A_1267 : i32 to index
          %swap3A_1319 = arith.constant 64 : index
          %swap3A_1320 = tpu.vector_load %arg17[%swap3A_1318, %swap3A_1319] {strides = array<i32>} : memref<128x128xf32, #tpu.memory_space<vmem>>, vector<1x16xf32>,
          %swap3A_1321 = vector.shape_cast %swap3A_1320 : vector<1x16xf32> to vector<16xf32>
          %swap3A_1322 = vector.shape_cast %mul3A_1317 : vector<16xf32> to vector<1x16xf32>
          tpu.vector_store %arg17[%swap3A_1318, %swap3A_1319], %swap3A_1322 {strides = array<i32>} : memref<128x128xf32, #tpu.memory_space<vmem>>, vector<1x16xf32>,
          %get3A_1323 = arith.index_cast %add3A_1267 : i32 to index
          %get3A_1324 = arith.constant 80 : index
          %get3A_1325 = tpu.vector_load %arg17[%get3A_1323, %get3A_1324] {strides = array<i32>} : memref<128x128xf32, #tpu.memory_space<vmem>>, vector<1x16xf32>,
          %get3A_1326 = vector.shape_cast %get3A_1325 : vector<1x16xf32> to vector<16xf32>
          %mul3A_1327 = vector.broadcast %squeeze3A_1263 : f32 to vector<16xf32>
          %mul3A_1328 = arith.mulf %get3A_1326, %mul3A_1327 : vector<16xf32>
          %swap3A_1329 = arith.index_cast %add3A_1267 : i32 to index
          %swap3A_1330 = arith.constant 80 : index
          %swap3A_1331 = tpu.vector_load %arg17[%swap3A_1329, %swap3A_1330] {strides = array<i32>} : memref<128x128xf32, #tpu.memory_space<vmem>>, vector<1x16xf32>,
          %swap3A_1332 = vector.shape_cast %swap3A_1331 : vector<1x16xf32> to vector<16xf32>
          %swap3A_1333 = vector.shape_cast %mul3A_1328 : vector<16xf32> to vector<1x16xf32>
          tpu.vector_store %arg17[%swap3A_1329, %swap3A_1330], %swap3A_1333 {strides = array<i32>} : memref<128x128xf32, #tpu.memory_space<vmem>>, vector<1x16xf32>,
          %get3A_1334 = arith.index_cast %add3A_1267 : i32 to index
          %get3A_1335 = arith.constant 96 : index
          %get3A_1336 = tpu.vector_load %arg17[%get3A_1334, %get3A_1335] {strides = array<i32>} : memref<128x128xf32, #tpu.memory_space<vmem>>, vector<1x16xf32>,
          %get3A_1337 = vector.shape_cast %get3A_1336 : vector<1x16xf32> to vector<16xf32>
          %mul3A_1338 = vector.broadcast %squeeze3A_1263 : f32 to vector<16xf32>
          %mul3A_1339 = arith.mulf %get3A_1337, %mul3A_1338 : vector<16xf32>
          %swap3A_1340 = arith.index_cast %add3A_1267 : i32 to index
          %swap3A_1341 = arith.constant 96 : index
          %swap3A_1342 = tpu.vector_load %arg17[%swap3A_1340, %swap3A_1341] {strides = array<i32>} : memref<128x128xf32, #tpu.memory_space<vmem>>, vector<1x16xf32>,
          %swap3A_1343 = vector.shape_cast %swap3A_1342 : vector<1x16xf32> to vector<16xf32>
          %swap3A_1344 = vector.shape_cast %mul3A_1339 : vector<16xf32> to vector<1x16xf32>
          tpu.vector_store %arg17[%swap3A_1340, %swap3A_1341], %swap3A_1344 {strides = array<i32>} : memref<128x128xf32, #tpu.memory_space<vmem>>, vector<1x16xf32>,
          %get3A_1345 = arith.index_cast %add3A_1267 : i32 to index
          %get3A_1346 = arith.constant 112 : index
          %get3A_1347 = tpu.vector_load %arg17[%get3A_1345, %get3A_1346] {strides = array<i32>} : memref<128x128xf32, #tpu.memory_space<vmem>>, vector<1x16xf32>,
          %get3A_1348 = vector.shape_cast %get3A_1347 : vector<1x16xf32> to vector<16xf32>
          %mul3A_1349 = vector.broadcast %squeeze3A_1263 : f32 to vector<16xf32>
          %mul3A_1350 = arith.mulf %get3A_1348, %mul3A_1349 : vector<16xf32>
          %swap3A_1351 = arith.index_cast %add3A_1267 : i32 to index
          %swap3A_1352 = arith.constant 112 : index
          %swap3A_1353 = tpu.vector_load %arg17[%swap3A_1351, %swap3A_1352] {strides = array<i32>} : memref<128x128xf32, #tpu.memory_space<vmem>>, vector<1x16xf32>,
          %swap3A_1354 = vector.shape_cast %swap3A_1353 : vector<1x16xf32> to vector<16xf32>
          %swap3A_1355 = vector.shape_cast %mul3A_1350 : vector<16xf32> to vector<1x16xf32>
          tpu.vector_store %arg17[%swap3A_1351, %swap3A_1352], %swap3A_1355 {strides = array<i32>} : memref<128x128xf32, #tpu.memory_space<vmem>>, vector<1x16xf32>,
          %slice3A_1356 = vector.extract_strided_slice %get3A_136 {offsets = [13], sizes = [1], strides = [1]} : vector<16xf32> to vector<1xf32>
          %squeeze3A_1357 = vector.extract %slice3A_1356[0] : f32 from vector<1xf32>
          %mul3A_1358 = arith.constant 16 : i32
          %mul3A_1359 = arith.muli %scan3A_130, %mul3A_1358 : i32
          %add3A_1360 = arith.constant 13 : i32
          %add3A_1361 = arith.addi %mul3A_1359, %add3A_1360 : i32
          %get3A_1362 = arith.index_cast %add3A_1361 : i32 to index
          %get3A_1363 = arith.constant 0 : index
          %get3A_1364 = tpu.vector_load %arg17[%get3A_1362, %get3A_1363] {strides = array<i32>} : memref<128x128xf32, #tpu.memory_space<vmem>>, vector<1x16xf32>,
          %get3A_1365 = vector.shape_cast %get3A_1364 : vector<1x16xf32> to vector<16xf32>
          %mul3A_1366 = vector.broadcast %squeeze3A_1357 : f32 to vector<16xf32>
          %mul3A_1367 = arith.mulf %get3A_1365, %mul3A_1366 : vector<16xf32>
          %swap3A_1368 = arith.index_cast %add3A_1361 : i32 to index
          %swap3A_1369 = arith.constant 0 : index
          %swap3A_1370 = tpu.vector_load %arg17[%swap3A_1368, %swap3A_1369] {strides = array<i32>} : memref<128x128xf32, #tpu.memory_space<vmem>>, vector<1x16xf32>,
          %swap3A_1371 = vector.shape_cast %swap3A_1370 : vector<1x16xf32> to vector<16xf32>
          %swap3A_1372 = vector.shape_cast %mul3A_1367 : vector<16xf32> to vector<1x16xf32>
          tpu.vector_store %arg17[%swap3A_1368, %swap3A_1369], %swap3A_1372 {strides = array<i32>} : memref<128x128xf32, #tpu.memory_space<vmem>>, vector<1x16xf32>,
          %get3A_1373 = arith.index_cast %add3A_1361 : i32 to index
          %get3A_1374 = arith.constant 16 : index
          %get3A_1375 = tpu.vector_load %arg17[%get3A_1373, %get3A_1374] {strides = array<i32>} : memref<128x128xf32, #tpu.memory_space<vmem>>, vector<1x16xf32>,
          %get3A_1376 = vector.shape_cast %get3A_1375 : vector<1x16xf32> to vector<16xf32>
          %mul3A_1377 = vector.broadcast %squeeze3A_1357 : f32 to vector<16xf32>
          %mul3A_1378 = arith.mulf %get3A_1376, %mul3A_1377 : vector<16xf32>
          %swap3A_1379 = arith.index_cast %add3A_1361 : i32 to index
          %swap3A_1380 = arith.constant 16 : index
          %swap3A_1381 = tpu.vector_load %arg17[%swap3A_1379, %swap3A_1380] {strides = array<i32>} : memref<128x128xf32, #tpu.memory_space<vmem>>, vector<1x16xf32>,
          %swap3A_1382 = vector.shape_cast %swap3A_1381 : vector<1x16xf32> to vector<16xf32>
          %swap3A_1383 = vector.shape_cast %mul3A_1378 : vector<16xf32> to vector<1x16xf32>
          tpu.vector_store %arg17[%swap3A_1379, %swap3A_1380], %swap3A_1383 {strides = array<i32>} : memref<128x128xf32, #tpu.memory_space<vmem>>, vector<1x16xf32>,
          %get3A_1384 = arith.index_cast %add3A_1361 : i32 to index
          %get3A_1385 = arith.constant 32 : index
          %get3A_1386 = tpu.vector_load %arg17[%get3A_1384, %get3A_1385] {strides = array<i32>} : memref<128x128xf32, #tpu.memory_space<vmem>>, vector<1x16xf32>,
          %get3A_1387 = vector.shape_cast %get3A_1386 : vector<1x16xf32> to vector<16xf32>
          %mul3A_1388 = vector.broadcast %squeeze3A_1357 : f32 to vector<16xf32>
          %mul3A_1389 = arith.mulf %get3A_1387, %mul3A_1388 : vector<16xf32>
          %swap3A_1390 = arith.index_cast %add3A_1361 : i32 to index
          %swap3A_1391 = arith.constant 32 : index
          %swap3A_1392 = tpu.vector_load %arg17[%swap3A_1390, %swap3A_1391] {strides = array<i32>} : memref<128x128xf32, #tpu.memory_space<vmem>>, vector<1x16xf32>,
          %swap3A_1393 = vector.shape_cast %swap3A_1392 : vector<1x16xf32> to vector<16xf32>
          %swap3A_1394 = vector.shape_cast %mul3A_1389 : vector<16xf32> to vector<1x16xf32>
          tpu.vector_store %arg17[%swap3A_1390, %swap3A_1391], %swap3A_1394 {strides = array<i32>} : memref<128x128xf32, #tpu.memory_space<vmem>>, vector<1x16xf32>,
          %get3A_1395 = arith.index_cast %add3A_1361 : i32 to index
          %get3A_1396 = arith.constant 48 : index
          %get3A_1397 = tpu.vector_load %arg17[%get3A_1395, %get3A_1396] {strides = array<i32>} : memref<128x128xf32, #tpu.memory_space<vmem>>, vector<1x16xf32>,
          %get3A_1398 = vector.shape_cast %get3A_1397 : vector<1x16xf32> to vector<16xf32>
          %mul3A_1399 = vector.broadcast %squeeze3A_1357 : f32 to vector<16xf32>
          %mul3A_1400 = arith.mulf %get3A_1398, %mul3A_1399 : vector<16xf32>
          %swap3A_1401 = arith.index_cast %add3A_1361 : i32 to index
          %swap3A_1402 = arith.constant 48 : index
          %swap3A_1403 = tpu.vector_load %arg17[%swap3A_1401, %swap3A_1402] {strides = array<i32>} : memref<128x128xf32, #tpu.memory_space<vmem>>, vector<1x16xf32>,
          %swap3A_1404 = vector.shape_cast %swap3A_1403 : vector<1x16xf32> to vector<16xf32>
          %swap3A_1405 = vector.shape_cast %mul3A_1400 : vector<16xf32> to vector<1x16xf32>
          tpu.vector_store %arg17[%swap3A_1401, %swap3A_1402], %swap3A_1405 {strides = array<i32>} : memref<128x128xf32, #tpu.memory_space<vmem>>, vector<1x16xf32>,
          %get3A_1406 = arith.index_cast %add3A_1361 : i32 to index
          %get3A_1407 = arith.constant 64 : index
          %get3A_1408 = tpu.vector_load %arg17[%get3A_1406, %get3A_1407] {strides = array<i32>} : memref<128x128xf32, #tpu.memory_space<vmem>>, vector<1x16xf32>,
          %get3A_1409 = vector.shape_cast %get3A_1408 : vector<1x16xf32> to vector<16xf32>
          %mul3A_1410 = vector.broadcast %squeeze3A_1357 : f32 to vector<16xf32>
          %mul3A_1411 = arith.mulf %get3A_1409, %mul3A_1410 : vector<16xf32>
          %swap3A_1412 = arith.index_cast %add3A_1361 : i32 to index
          %swap3A_1413 = arith.constant 64 : index
          %swap3A_1414 = tpu.vector_load %arg17[%swap3A_1412, %swap3A_1413] {strides = array<i32>} : memref<128x128xf32, #tpu.memory_space<vmem>>, vector<1x16xf32>,
          %swap3A_1415 = vector.shape_cast %swap3A_1414 : vector<1x16xf32> to vector<16xf32>
          %swap3A_1416 = vector.shape_cast %mul3A_1411 : vector<16xf32> to vector<1x16xf32>
          tpu.vector_store %arg17[%swap3A_1412, %swap3A_1413], %swap3A_1416 {strides = array<i32>} : memref<128x128xf32, #tpu.memory_space<vmem>>, vector<1x16xf32>,
          %get3A_1417 = arith.index_cast %add3A_1361 : i32 to index
          %get3A_1418 = arith.constant 80 : index
          %get3A_1419 = tpu.vector_load %arg17[%get3A_1417, %get3A_1418] {strides = array<i32>} : memref<128x128xf32, #tpu.memory_space<vmem>>, vector<1x16xf32>,
          %get3A_1420 = vector.shape_cast %get3A_1419 : vector<1x16xf32> to vector<16xf32>
          %mul3A_1421 = vector.broadcast %squeeze3A_1357 : f32 to vector<16xf32>
          %mul3A_1422 = arith.mulf %get3A_1420, %mul3A_1421 : vector<16xf32>
          %swap3A_1423 = arith.index_cast %add3A_1361 : i32 to index
          %swap3A_1424 = arith.constant 80 : index
          %swap3A_1425 = tpu.vector_load %arg17[%swap3A_1423, %swap3A_1424] {strides = array<i32>} : memref<128x128xf32, #tpu.memory_space<vmem>>, vector<1x16xf32>,
          %swap3A_1426 = vector.shape_cast %swap3A_1425 : vector<1x16xf32> to vector<16xf32>
          %swap3A_1427 = vector.shape_cast %mul3A_1422 : vector<16xf32> to vector<1x16xf32>
          tpu.vector_store %arg17[%swap3A_1423, %swap3A_1424], %swap3A_1427 {strides = array<i32>} : memref<128x128xf32, #tpu.memory_space<vmem>>, vector<1x16xf32>,
          %get3A_1428 = arith.index_cast %add3A_1361 : i32 to index
          %get3A_1429 = arith.constant 96 : index
          %get3A_1430 = tpu.vector_load %arg17[%get3A_1428, %get3A_1429] {strides = array<i32>} : memref<128x128xf32, #tpu.memory_space<vmem>>, vector<1x16xf32>,
          %get3A_1431 = vector.shape_cast %get3A_1430 : vector<1x16xf32> to vector<16xf32>
          %mul3A_1432 = vector.broadcast %squeeze3A_1357 : f32 to vector<16xf32>
          %mul3A_1433 = arith.mulf %get3A_1431, %mul3A_1432 : vector<16xf32>
          %swap3A_1434 = arith.index_cast %add3A_1361 : i32 to index
          %swap3A_1435 = arith.constant 96 : index
          %swap3A_1436 = tpu.vector_load %arg17[%swap3A_1434, %swap3A_1435] {strides = array<i32>} : memref<128x128xf32, #tpu.memory_space<vmem>>, vector<1x16xf32>,
          %swap3A_1437 = vector.shape_cast %swap3A_1436 : vector<1x16xf32> to vector<16xf32>
          %swap3A_1438 = vector.shape_cast %mul3A_1433 : vector<16xf32> to vector<1x16xf32>
          tpu.vector_store %arg17[%swap3A_1434, %swap3A_1435], %swap3A_1438 {strides = array<i32>} : memref<128x128xf32, #tpu.memory_space<vmem>>, vector<1x16xf32>,
          %get3A_1439 = arith.index_cast %add3A_1361 : i32 to index
          %get3A_1440 = arith.constant 112 : index
          %get3A_1441 = tpu.vector_load %arg17[%get3A_1439, %get3A_1440] {strides = array<i32>} : memref<128x128xf32, #tpu.memory_space<vmem>>, vector<1x16xf32>,
          %get3A_1442 = vector.shape_cast %get3A_1441 : vector<1x16xf32> to vector<16xf32>
          %mul3A_1443 = vector.broadcast %squeeze3A_1357 : f32 to vector<16xf32>
          %mul3A_1444 = arith.mulf %get3A_1442, %mul3A_1443 : vector<16xf32>
          %swap3A_1445 = arith.index_cast %add3A_1361 : i32 to index
          %swap3A_1446 = arith.constant 112 : index
          %swap3A_1447 = tpu.vector_load %arg17[%swap3A_1445, %swap3A_1446] {strides = array<i32>} : memref<128x128xf32, #tpu.memory_space<vmem>>, vector<1x16xf32>,
          %swap3A_1448 = vector.shape_cast %swap3A_1447 : vector<1x16xf32> to vector<16xf32>
          %swap3A_1449 = vector.shape_cast %mul3A_1444 : vector<16xf32> to vector<1x16xf32>
          tpu.vector_store %arg17[%swap3A_1445, %swap3A_1446], %swap3A_1449 {strides = array<i32>} : memref<128x128xf32, #tpu.memory_space<vmem>>, vector<1x16xf32>,
          %slice3A_1450 = vector.extract_strided_slice %get3A_136 {offsets = [14], sizes = [1], strides = [1]} : vector<16xf32> to vector<1xf32>
          %squeeze3A_1451 = vector.extract %slice3A_1450[0] : f32 from vector<1xf32>
          %mul3A_1452 = arith.constant 16 : i32
          %mul3A_1453 = arith.muli %scan3A_130, %mul3A_1452 : i32
          %add3A_1454 = arith.constant 14 : i32
          %add3A_1455 = arith.addi %mul3A_1453, %add3A_1454 : i32
          %get3A_1456 = arith.index_cast %add3A_1455 : i32 to index
          %get3A_1457 = arith.constant 0 : index
          %get3A_1458 = tpu.vector_load %arg17[%get3A_1456, %get3A_1457] {strides = array<i32>} : memref<128x128xf32, #tpu.memory_space<vmem>>, vector<1x16xf32>,
          %get3A_1459 = vector.shape_cast %get3A_1458 : vector<1x16xf32> to vector<16xf32>
          %mul3A_1460 = vector.broadcast %squeeze3A_1451 : f32 to vector<16xf32>
          %mul3A_1461 = arith.mulf %get3A_1459, %mul3A_1460 : vector<16xf32>
          %swap3A_1462 = arith.index_cast %add3A_1455 : i32 to index
          %swap3A_1463 = arith.constant 0 : index
          %swap3A_1464 = tpu.vector_load %arg17[%swap3A_1462, %swap3A_1463] {strides = array<i32>} : memref<128x128xf32, #tpu.memory_space<vmem>>, vector<1x16xf32>,
          %swap3A_1465 = vector.shape_cast %swap3A_1464 : vector<1x16xf32> to vector<16xf32>
          %swap3A_1466 = vector.shape_cast %mul3A_1461 : vector<16xf32> to vector<1x16xf32>
          tpu.vector_store %arg17[%swap3A_1462, %swap3A_1463], %swap3A_1466 {strides = array<i32>} : memref<128x128xf32, #tpu.memory_space<vmem>>, vector<1x16xf32>,
          %get3A_1467 = arith.index_cast %add3A_1455 : i32 to index
          %get3A_1468 = arith.constant 16 : index
          %get3A_1469 = tpu.vector_load %arg17[%get3A_1467, %get3A_1468] {strides = array<i32>} : memref<128x128xf32, #tpu.memory_space<vmem>>, vector<1x16xf32>,
          %get3A_1470 = vector.shape_cast %get3A_1469 : vector<1x16xf32> to vector<16xf32>
          %mul3A_1471 = vector.broadcast %squeeze3A_1451 : f32 to vector<16xf32>
          %mul3A_1472 = arith.mulf %get3A_1470, %mul3A_1471 : vector<16xf32>
          %swap3A_1473 = arith.index_cast %add3A_1455 : i32 to index
          %swap3A_1474 = arith.constant 16 : index
          %swap3A_1475 = tpu.vector_load %arg17[%swap3A_1473, %swap3A_1474] {strides = array<i32>} : memref<128x128xf32, #tpu.memory_space<vmem>>, vector<1x16xf32>,
          %swap3A_1476 = vector.shape_cast %swap3A_1475 : vector<1x16xf32> to vector<16xf32>
          %swap3A_1477 = vector.shape_cast %mul3A_1472 : vector<16xf32> to vector<1x16xf32>
          tpu.vector_store %arg17[%swap3A_1473, %swap3A_1474], %swap3A_1477 {strides = array<i32>} : memref<128x128xf32, #tpu.memory_space<vmem>>, vector<1x16xf32>,
          %get3A_1478 = arith.index_cast %add3A_1455 : i32 to index
          %get3A_1479 = arith.constant 32 : index
          %get3A_1480 = tpu.vector_load %arg17[%get3A_1478, %get3A_1479] {strides = array<i32>} : memref<128x128xf32, #tpu.memory_space<vmem>>, vector<1x16xf32>,
          %get3A_1481 = vector.shape_cast %get3A_1480 : vector<1x16xf32> to vector<16xf32>
          %mul3A_1482 = vector.broadcast %squeeze3A_1451 : f32 to vector<16xf32>
          %mul3A_1483 = arith.mulf %get3A_1481, %mul3A_1482 : vector<16xf32>
          %swap3A_1484 = arith.index_cast %add3A_1455 : i32 to index
          %swap3A_1485 = arith.constant 32 : index
          %swap3A_1486 = tpu.vector_load %arg17[%swap3A_1484, %swap3A_1485] {strides = array<i32>} : memref<128x128xf32, #tpu.memory_space<vmem>>, vector<1x16xf32>,
          %swap3A_1487 = vector.shape_cast %swap3A_1486 : vector<1x16xf32> to vector<16xf32>
          %swap3A_1488 = vector.shape_cast %mul3A_1483 : vector<16xf32> to vector<1x16xf32>
          tpu.vector_store %arg17[%swap3A_1484, %swap3A_1485], %swap3A_1488 {strides = array<i32>} : memref<128x128xf32, #tpu.memory_space<vmem>>, vector<1x16xf32>,
          %get3A_1489 = arith.index_cast %add3A_1455 : i32 to index
          %get3A_1490 = arith.constant 48 : index
          %get3A_1491 = tpu.vector_load %arg17[%get3A_1489, %get3A_1490] {strides = array<i32>} : memref<128x128xf32, #tpu.memory_space<vmem>>, vector<1x16xf32>,
          %get3A_1492 = vector.shape_cast %get3A_1491 : vector<1x16xf32> to vector<16xf32>
          %mul3A_1493 = vector.broadcast %squeeze3A_1451 : f32 to vector<16xf32>
          %mul3A_1494 = arith.mulf %get3A_1492, %mul3A_1493 : vector<16xf32>
          %swap3A_1495 = arith.index_cast %add3A_1455 : i32 to index
          %swap3A_1496 = arith.constant 48 : index
          %swap3A_1497 = tpu.vector_load %arg17[%swap3A_1495, %swap3A_1496] {strides = array<i32>} : memref<128x128xf32, #tpu.memory_space<vmem>>, vector<1x16xf32>,
          %swap3A_1498 = vector.shape_cast %swap3A_1497 : vector<1x16xf32> to vector<16xf32>
          %swap3A_1499 = vector.shape_cast %mul3A_1494 : vector<16xf32> to vector<1x16xf32>
          tpu.vector_store %arg17[%swap3A_1495, %swap3A_1496], %swap3A_1499 {strides = array<i32>} : memref<128x128xf32, #tpu.memory_space<vmem>>, vector<1x16xf32>,
          %get3A_1500 = arith.index_cast %add3A_1455 : i32 to index
          %get3A_1501 = arith.constant 64 : index
          %get3A_1502 = tpu.vector_load %arg17[%get3A_1500, %get3A_1501] {strides = array<i32>} : memref<128x128xf32, #tpu.memory_space<vmem>>, vector<1x16xf32>,
          %get3A_1503 = vector.shape_cast %get3A_1502 : vector<1x16xf32> to vector<16xf32>
          %mul3A_1504 = vector.broadcast %squeeze3A_1451 : f32 to vector<16xf32>
          %mul3A_1505 = arith.mulf %get3A_1503, %mul3A_1504 : vector<16xf32>
          %swap3A_1506 = arith.index_cast %add3A_1455 : i32 to index
          %swap3A_1507 = arith.constant 64 : index
          %swap3A_1508 = tpu.vector_load %arg17[%swap3A_1506, %swap3A_1507] {strides = array<i32>} : memref<128x128xf32, #tpu.memory_space<vmem>>, vector<1x16xf32>,
          %swap3A_1509 = vector.shape_cast %swap3A_1508 : vector<1x16xf32> to vector<16xf32>
          %swap3A_1510 = vector.shape_cast %mul3A_1505 : vector<16xf32> to vector<1x16xf32>
          tpu.vector_store %arg17[%swap3A_1506, %swap3A_1507], %swap3A_1510 {strides = array<i32>} : memref<128x128xf32, #tpu.memory_space<vmem>>, vector<1x16xf32>,
          %get3A_1511 = arith.index_cast %add3A_1455 : i32 to index
          %get3A_1512 = arith.constant 80 : index
          %get3A_1513 = tpu.vector_load %arg17[%get3A_1511, %get3A_1512] {strides = array<i32>} : memref<128x128xf32, #tpu.memory_space<vmem>>, vector<1x16xf32>,
          %get3A_1514 = vector.shape_cast %get3A_1513 : vector<1x16xf32> to vector<16xf32>
          %mul3A_1515 = vector.broadcast %squeeze3A_1451 : f32 to vector<16xf32>
          %mul3A_1516 = arith.mulf %get3A_1514, %mul3A_1515 : vector<16xf32>
          %swap3A_1517 = arith.index_cast %add3A_1455 : i32 to index
          %swap3A_1518 = arith.constant 80 : index
          %swap3A_1519 = tpu.vector_load %arg17[%swap3A_1517, %swap3A_1518] {strides = array<i32>} : memref<128x128xf32, #tpu.memory_space<vmem>>, vector<1x16xf32>,
          %swap3A_1520 = vector.shape_cast %swap3A_1519 : vector<1x16xf32> to vector<16xf32>
          %swap3A_1521 = vector.shape_cast %mul3A_1516 : vector<16xf32> to vector<1x16xf32>
          tpu.vector_store %arg17[%swap3A_1517, %swap3A_1518], %swap3A_1521 {strides = array<i32>} : memref<128x128xf32, #tpu.memory_space<vmem>>, vector<1x16xf32>,
          %get3A_1522 = arith.index_cast %add3A_1455 : i32 to index
          %get3A_1523 = arith.constant 96 : index
          %get3A_1524 = tpu.vector_load %arg17[%get3A_1522, %get3A_1523] {strides = array<i32>} : memref<128x128xf32, #tpu.memory_space<vmem>>, vector<1x16xf32>,
          %get3A_1525 = vector.shape_cast %get3A_1524 : vector<1x16xf32> to vector<16xf32>
          %mul3A_1526 = vector.broadcast %squeeze3A_1451 : f32 to vector<16xf32>
          %mul3A_1527 = arith.mulf %get3A_1525, %mul3A_1526 : vector<16xf32>
          %swap3A_1528 = arith.index_cast %add3A_1455 : i32 to index
          %swap3A_1529 = arith.constant 96 : index
          %swap3A_1530 = tpu.vector_load %arg17[%swap3A_1528, %swap3A_1529] {strides = array<i32>} : memref<128x128xf32, #tpu.memory_space<vmem>>, vector<1x16xf32>,
          %swap3A_1531 = vector.shape_cast %swap3A_1530 : vector<1x16xf32> to vector<16xf32>
          %swap3A_1532 = vector.shape_cast %mul3A_1527 : vector<16xf32> to vector<1x16xf32>
          tpu.vector_store %arg17[%swap3A_1528, %swap3A_1529], %swap3A_1532 {strides = array<i32>} : memref<128x128xf32, #tpu.memory_space<vmem>>, vector<1x16xf32>,
          %get3A_1533 = arith.index_cast %add3A_1455 : i32 to index
          %get3A_1534 = arith.constant 112 : index
          %get3A_1535 = tpu.vector_load %arg17[%get3A_1533, %get3A_1534] {strides = array<i32>} : memref<128x128xf32, #tpu.memory_space<vmem>>, vector<1x16xf32>,
          %get3A_1536 = vector.shape_cast %get3A_1535 : vector<1x16xf32> to vector<16xf32>
          %mul3A_1537 = vector.broadcast %squeeze3A_1451 : f32 to vector<16xf32>
          %mul3A_1538 = arith.mulf %get3A_1536, %mul3A_1537 : vector<16xf32>
          %swap3A_1539 = arith.index_cast %add3A_1455 : i32 to index
          %swap3A_1540 = arith.constant 112 : index
          %swap3A_1541 = tpu.vector_load %arg17[%swap3A_1539, %swap3A_1540] {strides = array<i32>} : memref<128x128xf32, #tpu.memory_space<vmem>>, vector<1x16xf32>,
          %swap3A_1542 = vector.shape_cast %swap3A_1541 : vector<1x16xf32> to vector<16xf32>
          %swap3A_1543 = vector.shape_cast %mul3A_1538 : vector<16xf32> to vector<1x16xf32>
          tpu.vector_store %arg17[%swap3A_1539, %swap3A_1540], %swap3A_1543 {strides = array<i32>} : memref<128x128xf32, #tpu.memory_space<vmem>>, vector<1x16xf32>,
          %slice3A_1544 = vector.extract_strided_slice %get3A_136 {offsets = [15], sizes = [1], strides = [1]} : vector<16xf32> to vector<1xf32>
          %squeeze3A_1545 = vector.extract %slice3A_1544[0] : f32 from vector<1xf32>
          %mul3A_1546 = arith.constant 16 : i32
          %mul3A_1547 = arith.muli %scan3A_130, %mul3A_1546 : i32
          %add3A_1548 = arith.constant 15 : i32
          %add3A_1549 = arith.addi %mul3A_1547, %add3A_1548 : i32
          %get3A_1550 = arith.index_cast %add3A_1549 : i32 to index
          %get3A_1551 = arith.constant 0 : index
          %get3A_1552 = tpu.vector_load %arg17[%get3A_1550, %get3A_1551] {strides = array<i32>} : memref<128x128xf32, #tpu.memory_space<vmem>>, vector<1x16xf32>,
          %get3A_1553 = vector.shape_cast %get3A_1552 : vector<1x16xf32> to vector<16xf32>
          %mul3A_1554 = vector.broadcast %squeeze3A_1545 : f32 to vector<16xf32>
          %mul3A_1555 = arith.mulf %get3A_1553, %mul3A_1554 : vector<16xf32>
          %swap3A_1556 = arith.index_cast %add3A_1549 : i32 to index
          %swap3A_1557 = arith.constant 0 : index
          %swap3A_1558 = tpu.vector_load %arg17[%swap3A_1556, %swap3A_1557] {strides = array<i32>} : memref<128x128xf32, #tpu.memory_space<vmem>>, vector<1x16xf32>,
          %swap3A_1559 = vector.shape_cast %swap3A_1558 : vector<1x16xf32> to vector<16xf32>
          %swap3A_1560 = vector.shape_cast %mul3A_1555 : vector<16xf32> to vector<1x16xf32>
          tpu.vector_store %arg17[%swap3A_1556, %swap3A_1557], %swap3A_1560 {strides = array<i32>} : memref<128x128xf32, #tpu.memory_space<vmem>>, vector<1x16xf32>,
          %get3A_1561 = arith.index_cast %add3A_1549 : i32 to index
          %get3A_1562 = arith.constant 16 : index
          %get3A_1563 = tpu.vector_load %arg17[%get3A_1561, %get3A_1562] {strides = array<i32>} : memref<128x128xf32, #tpu.memory_space<vmem>>, vector<1x16xf32>,
          %get3A_1564 = vector.shape_cast %get3A_1563 : vector<1x16xf32> to vector<16xf32>
          %mul3A_1565 = vector.broadcast %squeeze3A_1545 : f32 to vector<16xf32>
          %mul3A_1566 = arith.mulf %get3A_1564, %mul3A_1565 : vector<16xf32>
          %swap3A_1567 = arith.index_cast %add3A_1549 : i32 to index
          %swap3A_1568 = arith.constant 16 : index
          %swap3A_1569 = tpu.vector_load %arg17[%swap3A_1567, %swap3A_1568] {strides = array<i32>} : memref<128x128xf32, #tpu.memory_space<vmem>>, vector<1x16xf32>,
          %swap3A_1570 = vector.shape_cast %swap3A_1569 : vector<1x16xf32> to vector<16xf32>
          %swap3A_1571 = vector.shape_cast %mul3A_1566 : vector<16xf32> to vector<1x16xf32>
          tpu.vector_store %arg17[%swap3A_1567, %swap3A_1568], %swap3A_1571 {strides = array<i32>} : memref<128x128xf32, #tpu.memory_space<vmem>>, vector<1x16xf32>,
          %get3A_1572 = arith.index_cast %add3A_1549 : i32 to index
          %get3A_1573 = arith.constant 32 : index
          %get3A_1574 = tpu.vector_load %arg17[%get3A_1572, %get3A_1573] {strides = array<i32>} : memref<128x128xf32, #tpu.memory_space<vmem>>, vector<1x16xf32>,
          %get3A_1575 = vector.shape_cast %get3A_1574 : vector<1x16xf32> to vector<16xf32>
          %mul3A_1576 = vector.broadcast %squeeze3A_1545 : f32 to vector<16xf32>
          %mul3A_1577 = arith.mulf %get3A_1575, %mul3A_1576 : vector<16xf32>
          %swap3A_1578 = arith.index_cast %add3A_1549 : i32 to index
          %swap3A_1579 = arith.constant 32 : index
          %swap3A_1580 = tpu.vector_load %arg17[%swap3A_1578, %swap3A_1579] {strides = array<i32>} : memref<128x128xf32, #tpu.memory_space<vmem>>, vector<1x16xf32>,
          %swap3A_1581 = vector.shape_cast %swap3A_1580 : vector<1x16xf32> to vector<16xf32>
          %swap3A_1582 = vector.shape_cast %mul3A_1577 : vector<16xf32> to vector<1x16xf32>
          tpu.vector_store %arg17[%swap3A_1578, %swap3A_1579], %swap3A_1582 {strides = array<i32>} : memref<128x128xf32, #tpu.memory_space<vmem>>, vector<1x16xf32>,
          %get3A_1583 = arith.index_cast %add3A_1549 : i32 to index
          %get3A_1584 = arith.constant 48 : index
          %get3A_1585 = tpu.vector_load %arg17[%get3A_1583, %get3A_1584] {strides = array<i32>} : memref<128x128xf32, #tpu.memory_space<vmem>>, vector<1x16xf32>,
          %get3A_1586 = vector.shape_cast %get3A_1585 : vector<1x16xf32> to vector<16xf32>
          %mul3A_1587 = vector.broadcast %squeeze3A_1545 : f32 to vector<16xf32>
          %mul3A_1588 = arith.mulf %get3A_1586, %mul3A_1587 : vector<16xf32>
          %swap3A_1589 = arith.index_cast %add3A_1549 : i32 to index
          %swap3A_1590 = arith.constant 48 : index
          %swap3A_1591 = tpu.vector_load %arg17[%swap3A_1589, %swap3A_1590] {strides = array<i32>} : memref<128x128xf32, #tpu.memory_space<vmem>>, vector<1x16xf32>,
          %swap3A_1592 = vector.shape_cast %swap3A_1591 : vector<1x16xf32> to vector<16xf32>
          %swap3A_1593 = vector.shape_cast %mul3A_1588 : vector<16xf32> to vector<1x16xf32>
          tpu.vector_store %arg17[%swap3A_1589, %swap3A_1590], %swap3A_1593 {strides = array<i32>} : memref<128x128xf32, #tpu.memory_space<vmem>>, vector<1x16xf32>,
          %get3A_1594 = arith.index_cast %add3A_1549 : i32 to index
          %get3A_1595 = arith.constant 64 : index
          %get3A_1596 = tpu.vector_load %arg17[%get3A_1594, %get3A_1595] {strides = array<i32>} : memref<128x128xf32, #tpu.memory_space<vmem>>, vector<1x16xf32>,
          %get3A_1597 = vector.shape_cast %get3A_1596 : vector<1x16xf32> to vector<16xf32>
          %mul3A_1598 = vector.broadcast %squeeze3A_1545 : f32 to vector<16xf32>
          %mul3A_1599 = arith.mulf %get3A_1597, %mul3A_1598 : vector<16xf32>
          %swap3A_1600 = arith.index_cast %add3A_1549 : i32 to index
          %swap3A_1601 = arith.constant 64 : index
          %swap3A_1602 = tpu.vector_load %arg17[%swap3A_1600, %swap3A_1601] {strides = array<i32>} : memref<128x128xf32, #tpu.memory_space<vmem>>, vector<1x16xf32>,
          %swap3A_1603 = vector.shape_cast %swap3A_1602 : vector<1x16xf32> to vector<16xf32>
          %swap3A_1604 = vector.shape_cast %mul3A_1599 : vector<16xf32> to vector<1x16xf32>
          tpu.vector_store %arg17[%swap3A_1600, %swap3A_1601], %swap3A_1604 {strides = array<i32>} : memref<128x128xf32, #tpu.memory_space<vmem>>, vector<1x16xf32>,
          %get3A_1605 = arith.index_cast %add3A_1549 : i32 to index
          %get3A_1606 = arith.constant 80 : index
          %get3A_1607 = tpu.vector_load %arg17[%get3A_1605, %get3A_1606] {strides = array<i32>} : memref<128x128xf32, #tpu.memory_space<vmem>>, vector<1x16xf32>,
          %get3A_1608 = vector.shape_cast %get3A_1607 : vector<1x16xf32> to vector<16xf32>
          %mul3A_1609 = vector.broadcast %squeeze3A_1545 : f32 to vector<16xf32>
          %mul3A_1610 = arith.mulf %get3A_1608, %mul3A_1609 : vector<16xf32>
          %swap3A_1611 = arith.index_cast %add3A_1549 : i32 to index
          %swap3A_1612 = arith.constant 80 : index
          %swap3A_1613 = tpu.vector_load %arg17[%swap3A_1611, %swap3A_1612] {strides = array<i32>} : memref<128x128xf32, #tpu.memory_space<vmem>>, vector<1x16xf32>,
          %swap3A_1614 = vector.shape_cast %swap3A_1613 : vector<1x16xf32> to vector<16xf32>
          %swap3A_1615 = vector.shape_cast %mul3A_1610 : vector<16xf32> to vector<1x16xf32>
          tpu.vector_store %arg17[%swap3A_1611, %swap3A_1612], %swap3A_1615 {strides = array<i32>} : memref<128x128xf32, #tpu.memory_space<vmem>>, vector<1x16xf32>,
          %get3A_1616 = arith.index_cast %add3A_1549 : i32 to index
          %get3A_1617 = arith.constant 96 : index
          %get3A_1618 = tpu.vector_load %arg17[%get3A_1616, %get3A_1617] {strides = array<i32>} : memref<128x128xf32, #tpu.memory_space<vmem>>, vector<1x16xf32>,
          %get3A_1619 = vector.shape_cast %get3A_1618 : vector<1x16xf32> to vector<16xf32>
          %mul3A_1620 = vector.broadcast %squeeze3A_1545 : f32 to vector<16xf32>
          %mul3A_1621 = arith.mulf %get3A_1619, %mul3A_1620 : vector<16xf32>
          %swap3A_1622 = arith.index_cast %add3A_1549 : i32 to index
          %swap3A_1623 = arith.constant 96 : index
          %swap3A_1624 = tpu.vector_load %arg17[%swap3A_1622, %swap3A_1623] {strides = array<i32>} : memref<128x128xf32, #tpu.memory_space<vmem>>, vector<1x16xf32>,
          %swap3A_1625 = vector.shape_cast %swap3A_1624 : vector<1x16xf32> to vector<16xf32>
          %swap3A_1626 = vector.shape_cast %mul3A_1621 : vector<16xf32> to vector<1x16xf32>
          tpu.vector_store %arg17[%swap3A_1622, %swap3A_1623], %swap3A_1626 {strides = array<i32>} : memref<128x128xf32, #tpu.memory_space<vmem>>, vector<1x16xf32>,
          %get3A_1627 = arith.index_cast %add3A_1549 : i32 to index
          %get3A_1628 = arith.constant 112 : index
          %get3A_1629 = tpu.vector_load %arg17[%get3A_1627, %get3A_1628] {strides = array<i32>} : memref<128x128xf32, #tpu.memory_space<vmem>>, vector<1x16xf32>,
          %get3A_1630 = vector.shape_cast %get3A_1629 : vector<1x16xf32> to vector<16xf32>
          %mul3A_1631 = vector.broadcast %squeeze3A_1545 : f32 to vector<16xf32>
          %mul3A_1632 = arith.mulf %get3A_1630, %mul3A_1631 : vector<16xf32>
          %swap3A_1633 = arith.index_cast %add3A_1549 : i32 to index
          %swap3A_1634 = arith.constant 112 : index
          %swap3A_1635 = tpu.vector_load %arg17[%swap3A_1633, %swap3A_1634] {strides = array<i32>} : memref<128x128xf32, #tpu.memory_space<vmem>>, vector<1x16xf32>,
          %swap3A_1636 = vector.shape_cast %swap3A_1635 : vector<1x16xf32> to vector<16xf32>
          %swap3A_1637 = vector.shape_cast %mul3A_1632 : vector<16xf32> to vector<1x16xf32>
          tpu.vector_store %arg17[%swap3A_1633, %swap3A_1634], %swap3A_1637 {strides = array<i32>} : memref<128x128xf32, #tpu.memory_space<vmem>>, vector<1x16xf32>,
          %scan3A_1638 = arith.constant 0 : i32
          scf.yield %scan3A_1638 : i32
        }
        %scan3A_128 = arith.constant 8 : i32
        "tpu.region"() ({
          %run_scoped3A_130 = tpu.sem_alloc : memref<!tpu.dma_semaphore, #tpu.memory_space<semaphore_mem>>
          %dma_start3A_131 = arith.constant 0 : i32
          %dma_start3A_132 = tpu.memref_slice %arg13[%scan3A_98, %dma_start3A_131] : memref<40x128xi32, #tpu.memory_space<vmem>> -> memref<1x128xi32, #tpu.memory_space<vmem>>
          %dma_start3A_133 = tpu.memref_squeeze %dma_start3A_132 : memref<1x128xi32, #tpu.memory_space<vmem>> -> memref<128xi32, #tpu.memory_space<vmem>>
          %dma_start3A_134 = arith.constant 0 : i32
          %dma_start3A_135 = arith.constant 0 : i32
          %dma_start3A_136 = tpu.memref_slice %arg21[%dma_start3A_134, %dma_start3A_135] : memref<5248x128xf32, #tpu.memory_space<vmem_shared>> -> memref<5248x128xf32, #tpu.memory_space<vmem_shared>>
          tpu.enqueue_indirect_dma source(%arg17 : memref<128x128xf32, #tpu.memory_space<vmem>>) target(%dma_start3A_136 : memref<5248x128xf32, #tpu.memory_space<vmem_shared>>) offsets(%dma_start3A_133 : memref<128xi32, #tpu.memory_space<vmem>>) semaphore(%run_scoped3A_130 : memref<!tpu.dma_semaphore, #tpu.memory_space<semaphore_mem>>) {add = true}
          %dma_wait3A_137 = arith.constant 0 : i32
          %dma_wait3A_138 = tpu.memref_slice %arg13[%scan3A_98, %dma_wait3A_137] : memref<40x128xi32, #tpu.memory_space<vmem>> -> memref<1x128xi32, #tpu.memory_space<vmem>>
          %dma_wait3A_139 = tpu.memref_squeeze %dma_wait3A_138 : memref<1x128xi32, #tpu.memory_space<vmem>> -> memref<128xi32, #tpu.memory_space<vmem>>
          %dma_wait3A_140 = arith.constant 0 : i32
          %dma_wait3A_141 = arith.constant 0 : i32
          %dma_wait3A_142 = tpu.memref_slice %arg21[%dma_wait3A_140, %dma_wait3A_141] : memref<5248x128xf32, #tpu.memory_space<vmem_shared>> -> memref<5248x128xf32, #tpu.memory_space<vmem_shared>>
          tpu.wait_indirect_dma semaphore(%run_scoped3A_130 : memref<!tpu.dma_semaphore, #tpu.memory_space<semaphore_mem>>) src(%arg17 : memref<128x128xf32, #tpu.memory_space<vmem>>) dst(%dma_wait3A_142 : memref<5248x128xf32, #tpu.memory_space<vmem_shared>>)
          tpu.yield
        }) : () -> ()
        %scan3A_129 = arith.constant 0 : i32
        scf.yield %scan3A_129 : i32
      }
      %scan3A_89 = arith.constant 40 : i32
      %barrier3A_90 = arith.constant 0 : index
      tpu.barrier barrier_id(%barrier3A_90)
      %mul3A_91 = arith.constant 320 : i32
      %mul3A_92 = arith.muli %arg1, %mul3A_91 : i32
      %mul3A_93 = arith.constant 320 : i32
      %mul3A_94 = arith.muli %arg1, %mul3A_93 : i32
      %add3A_95 = arith.addi %mul3A_60, %mul3A_94 : i32
      %run_scoped3A = arith.constant 0 : i32
      "tpu.region"() ({
        %run_scoped3A_98 = tpu.sem_alloc : memref<!tpu.dma_semaphore, #tpu.memory_space<semaphore_mem>>
        %dma_start3A = arith.constant 0 : i32
        %dma_start3A_99 = tpu.memref_slice %arg9[%arg0, %run_scoped3A, %add3A_95, %dma_start3A] : memref<2x2x10240x128xf32, #tpu.memory_space<hbm>> -> memref<1x1x320x128xf32, #tpu.memory_space<hbm>>
        %dma_start3A_100 = tpu.memref_squeeze %dma_start3A_99 : memref<1x1x320x128xf32, #tpu.memory_space<hbm>> -> memref<320x128xf32, #tpu.memory_space<hbm>>
        %dma_start3A_101 = arith.constant 0 : i32
        %dma_start3A_102 = tpu.memref_slice %arg21[%mul3A_92, %dma_start3A_101] : memref<5248x128xf32, #tpu.memory_space<vmem_shared>> -> memref<320x128xf32, #tpu.memory_space<vmem_shared>>
        tpu.enqueue_dma source(%dma_start3A_102 : memref<320x128xf32, #tpu.memory_space<vmem_shared>>) target(%dma_start3A_100 : memref<320x128xf32, #tpu.memory_space<hbm>>) target_semaphore(%run_scoped3A_98 : memref<!tpu.dma_semaphore, #tpu.memory_space<semaphore_mem>>)
        %dma_wait3A = arith.constant 0 : i32
        %dma_wait3A_103 = tpu.memref_slice %arg9[%arg0, %run_scoped3A, %add3A_95, %dma_wait3A] : memref<2x2x10240x128xf32, #tpu.memory_space<hbm>> -> memref<1x1x320x128xf32, #tpu.memory_space<hbm>>
        %dma_wait3A_104 = tpu.memref_squeeze %dma_wait3A_103 : memref<1x1x320x128xf32, #tpu.memory_space<hbm>> -> memref<320x128xf32, #tpu.memory_space<hbm>>
        %dma_wait3A_105 = arith.constant 0 : i32
        %dma_wait3A_106 = tpu.memref_slice %arg21[%mul3A_92, %dma_wait3A_105] : memref<5248x128xf32, #tpu.memory_space<vmem_shared>> -> memref<320x128xf32, #tpu.memory_space<vmem_shared>>
        tpu.wait_dma2 semaphore(%run_scoped3A_98 : memref<!tpu.dma_semaphore, #tpu.memory_space<semaphore_mem>>) src(%dma_wait3A_106 : memref<320x128xf32, #tpu.memory_space<vmem_shared>>) dst(%dma_wait3A_104 : memref<320x128xf32, #tpu.memory_space<hbm>>)
        tpu.yield
      }) : () -> ()
      %barrier3A_96 = arith.constant 0 : index
      tpu.barrier barrier_id(%barrier3A_96)
      %scan3A_97 = arith.constant 0 : i32
      scf.yield %scan3A_97 : i32
    }
    %scan3A_49 = arith.constant 2 : i32
    %scan3A_50 = arith.constant 0 : i32
    %scan3A_51 = arith.constant 0 : i32
    %scan3A_52 = arith.constant 2 : i32
    %scan3A_53 = arith.addi %scan3A_51, %scan3A_52 : i32
    %scan3A_54 = arith.constant 1 : i32
    %scan3A_55 = scf.for %scan3A_57 = %scan3A_51 to %scan3A_53 step %scan3A_54 iter_args(%scan3A_58 = %scan3A_50) -> (i32)  : i32 {
      %mul3A_59 = arith.constant 5120 : i32
      %mul3A_60 = arith.muli %scan3A_57, %mul3A_59 : i32
      %scan3A_61 = arith.constant 0 : i32
      %scan3A_62 = arith.constant 0 : i32
      %scan3A_63 = arith.constant 320 : i32
      %scan3A_64 = arith.addi %scan3A_62, %scan3A_63 : i32
      %scan3A_65 = arith.constant 1 : i32
      %scan3A_66 = scf.for %scan3A_98 = %scan3A_62 to %scan3A_64 step %scan3A_65 iter_args(%scan3A_99 = %scan3A_61) -> (i32)  : i32 {
        %jit3A = arith.constant 8 : i32
        %div3A = arith.divsi %scan3A_98, %jit3A : i32
        %sign3A = arith.constant 0 : i32
        %sign3A_100 = arith.cmpi sgt, %scan3A_98, %sign3A : i32
        %sign3A_101 = arith.extui %sign3A_100 : i1 to i32
        %sign3A_102 = arith.constant 0 : i32
        %sign3A_103 = arith.cmpi slt, %scan3A_98, %sign3A_102 : i32
        %sign3A_104 = arith.extui %sign3A_103 : i1 to i32
        %sign3A_105 = arith.subi %sign3A_101, %sign3A_104 : i32
        %sign3A_106 = arith.constant 0 : i32
        %sign3A_107 = arith.cmpi sgt, %jit3A, %sign3A_106 : i32
        %sign3A_108 = arith.extui %sign3A_107 : i1 to i32
        %sign3A_109 = arith.constant 0 : i32
        %sign3A_110 = arith.cmpi slt, %jit3A, %sign3A_109 : i32
        %sign3A_111 = arith.extui %sign3A_110 : i1 to i32
        %sign3A_112 = arith.subi %sign3A_108, %sign3A_111 : i32
        %ne3A = arith.cmpi ne, %sign3A_105, %sign3A_112 : i32
        %rem3A = arith.remsi %scan3A_98, %jit3A : i32
        %ne3A_113 = arith.constant 0 : i32
        %ne3A_114 = arith.cmpi ne, %rem3A, %ne3A_113 : i32
        %and3A = arith.andi %ne3A, %ne3A_114 : i1
        %sub3A = arith.constant 1 : i32
        %sub3A_115 = arith.subi %div3A, %sub3A : i32
        %select_n3A = arith.select %and3A, %sub3A_115, %div3A : i32
        %jit3A_116 = arith.constant 8 : i32
        %eq3A = arith.constant 0 : i32
        %eq3A_117 = arith.cmpi eq, %jit3A_116, %eq3A : i32
        %jit3A_118 = arith.constant 1 : i32
        %select_n3A_119 = arith.select %eq3A_117, %jit3A_118, %jit3A_116 : i32
        %rem3A_120 = arith.remsi %scan3A_98, %select_n3A_119 : i32
        %ne3A_121 = arith.constant 0 : i32
        %ne3A_122 = arith.cmpi ne, %rem3A_120, %ne3A_121 : i32
        %lt3A_123 = arith.constant 0 : i32
        %lt3A_124 = arith.cmpi slt, %rem3A_120, %lt3A_123 : i32
        %lt3A_125 = arith.constant 0 : i32
        %lt3A_126 = arith.cmpi slt, %select_n3A_119, %lt3A_125 : i32
        %ne3A_127 = arith.xori %lt3A_124, %lt3A_126 : i1
        %and3A_128 = arith.andi %ne3A_127, %ne3A_122 : i1
        %add3A_129 = arith.addi %rem3A_120, %select_n3A_119 : i32
        %select_n3A_130 = arith.select %and3A_128, %add3A_129, %rem3A_120 : i32
        %mul3A_131 = arith.constant 16 : i32
        %mul3A_132 = arith.muli %select_n3A_130, %mul3A_131 : i32
        %get3A = arith.index_cast %select_n3A : i32 to index
        %get3A_133 = arith.index_cast %mul3A_132 : i32 to index
        %get3A_134 = tpu.vector_load %arg11[%get3A, %get3A_133] {strides = array<i32>} : memref<40x128xi32, #tpu.memory_space<vmem>>, vector<1x16xi32>,
        %get3A_135 = vector.shape_cast %get3A_134 : vector<1x16xi32> to vector<16xi32>
        %sub3A_136 = vector.broadcast %mul3A_60 : i32 to vector<16xi32>
        %sub3A_137 = arith.subi %get3A_135, %sub3A_136 : vector<16xi32>
        %ge3A = arith.constant 0 : i32
        %ge3A_138 = vector.broadcast %ge3A : i32 to vector<16xi32>
        %ge3A_139 = arith.cmpi sge, %sub3A_137, %ge3A_138 : vector<16xi32>
        %lt3A_140 = arith.constant 5120 : i32
        %lt3A_141 = vector.broadcast %lt3A_140 : i32 to vector<16xi32>
        %lt3A_142 = arith.cmpi slt, %sub3A_137, %lt3A_141 : vector<16xi32>
        %and3A_143 = arith.andi %ge3A_139, %lt3A_142 : vector<16xi1>
        %jit3A_144 = arith.constant 5120 : i32
        %broadcast_in_dim3A_145 = vector.broadcast %jit3A_144 : i32 to vector<16xi32>
        %select_n3A_146 = arith.select %and3A_143, %sub3A_137, %broadcast_in_dim3A_145 : vector<16xi1>, vector<16xi32>
        %mul3A_147 = arith.constant 16 : i32
        %mul3A_148 = arith.muli %select_n3A_130, %mul3A_147 : i32
        %swap3A = arith.index_cast %select_n3A : i32 to index
        %swap3A_149 = arith.index_cast %mul3A_148 : i32 to index
        %swap3A_150 = tpu.vector_load %arg13[%swap3A, %swap3A_149] {strides = array<i32>} : memref<40x128xi32, #tpu.memory_space<vmem>>, vector<1x16xi32>,
        %swap3A_151 = vector.shape_cast %swap3A_150 : vector<1x16xi32> to vector<16xi32>
        %swap3A_152 = vector.shape_cast %select_n3A_146 : vector<16xi32> to vector<1x16xi32>
        tpu.vector_store %arg13[%swap3A, %swap3A_149], %swap3A_152 {strides = array<i32>} : memref<40x128xi32, #tpu.memory_space<vmem>>, vector<1x16xi32>,
        %scan3A_153 = arith.constant 0 : i32
        scf.yield %scan3A_153 : i32
      }
      %scan3A_67 = arith.constant 320 : i32
      %scan3A_68 = arith.constant 0 : i32
      %scan3A_69 = arith.constant 0 : i32
      %scan3A_70 = arith.constant 1024 : i32
      %scan3A_71 = arith.addi %scan3A_69, %scan3A_70 : i32
      %scan3A_72 = arith.constant 1 : i32
      %scan3A_73 = scf.for %scan3A_98 = %scan3A_69 to %scan3A_71 step %scan3A_72 iter_args(%scan3A_99 = %scan3A_68) -> (i32)  : i32 {
        %jit3A = arith.constant 8 : i32
        %div3A = arith.divsi %scan3A_98, %jit3A : i32
        %sign3A = arith.constant 0 : i32
        %sign3A_100 = arith.cmpi sgt, %scan3A_98, %sign3A : i32
        %sign3A_101 = arith.extui %sign3A_100 : i1 to i32
        %sign3A_102 = arith.constant 0 : i32
        %sign3A_103 = arith.cmpi slt, %scan3A_98, %sign3A_102 : i32
        %sign3A_104 = arith.extui %sign3A_103 : i1 to i32
        %sign3A_105 = arith.subi %sign3A_101, %sign3A_104 : i32
        %sign3A_106 = arith.constant 0 : i32
        %sign3A_107 = arith.cmpi sgt, %jit3A, %sign3A_106 : i32
        %sign3A_108 = arith.extui %sign3A_107 : i1 to i32
        %sign3A_109 = arith.constant 0 : i32
        %sign3A_110 = arith.cmpi slt, %jit3A, %sign3A_109 : i32
        %sign3A_111 = arith.extui %sign3A_110 : i1 to i32
        %sign3A_112 = arith.subi %sign3A_108, %sign3A_111 : i32
        %ne3A = arith.cmpi ne, %sign3A_105, %sign3A_112 : i32
        %rem3A = arith.remsi %scan3A_98, %jit3A : i32
        %ne3A_113 = arith.constant 0 : i32
        %ne3A_114 = arith.cmpi ne, %rem3A, %ne3A_113 : i32
        %and3A = arith.andi %ne3A, %ne3A_114 : i1
        %sub3A = arith.constant 1 : i32
        %sub3A_115 = arith.subi %div3A, %sub3A : i32
        %select_n3A = arith.select %and3A, %sub3A_115, %div3A : i32
        %jit3A_116 = arith.constant 8 : i32
        %eq3A = arith.constant 0 : i32
        %eq3A_117 = arith.cmpi eq, %jit3A_116, %eq3A : i32
        %jit3A_118 = arith.constant 1 : i32
        %select_n3A_119 = arith.select %eq3A_117, %jit3A_118, %jit3A_116 : i32
        %rem3A_120 = arith.remsi %scan3A_98, %select_n3A_119 : i32
        %ne3A_121 = arith.constant 0 : i32
        %ne3A_122 = arith.cmpi ne, %rem3A_120, %ne3A_121 : i32
        %lt3A_123 = arith.constant 0 : i32
        %lt3A_124 = arith.cmpi slt, %rem3A_120, %lt3A_123 : i32
        %lt3A_125 = arith.constant 0 : i32
        %lt3A_126 = arith.cmpi slt, %select_n3A_119, %lt3A_125 : i32
        %ne3A_127 = arith.xori %lt3A_124, %lt3A_126 : i1
        %and3A_128 = arith.andi %ne3A_127, %ne3A_122 : i1
        %add3A_129 = arith.addi %rem3A_120, %select_n3A_119 : i32
        %select_n3A_130 = arith.select %and3A_128, %add3A_129, %rem3A_120 : i32
        %mul3A_131 = arith.constant 16 : i32
        %mul3A_132 = arith.muli %select_n3A_130, %mul3A_131 : i32
        %swap3A = arith.index_cast %select_n3A : i32 to index
        %swap3A_133 = arith.index_cast %mul3A_132 : i32 to index
        %swap3A_134 = tpu.vector_load %arg17[%swap3A, %swap3A_133] {strides = array<i32>} : memref<128x128xf32, #tpu.memory_space<vmem>>, vector<1x16xf32>,
        %swap3A_135 = vector.shape_cast %swap3A_134 : vector<1x16xf32> to vector<16xf32>
        %swap3A_136 = vector.shape_cast %broadcast_in_dim3A_0 : vector<16xf32> to vector<1x16xf32>
        tpu.vector_store %arg17[%swap3A, %swap3A_133], %swap3A_136 {strides = array<i32>} : memref<128x128xf32, #tpu.memory_space<vmem>>, vector<1x16xf32>,
        %scan3A_137 = arith.constant 0 : i32
        scf.yield %scan3A_137 : i32
      }
      %scan3A_74 = arith.constant 1024 : i32
      %mul3A_75 = arith.constant 128 : i32
      %mul3A_76 = arith.muli %arg1, %mul3A_75 : i32
      "tpu.region"() ({
        %run_scoped3A_98 = tpu.sem_alloc : memref<!tpu.dma_semaphore, #tpu.memory_space<semaphore_mem>>
        %dma_start3A = arith.constant 0 : i32
        %dma_start3A_99 = tpu.memref_slice %arg21[%mul3A_76, %dma_start3A] : memref<5248x128xf32, #tpu.memory_space<vmem_shared>> -> memref<128x128xf32, #tpu.memory_space<vmem_shared>>
        %dma_start3A_100 = arith.constant 0 : i32
        %dma_start3A_101 = tpu.memref_slice %arg21[%mul3A_76, %dma_start3A_100] : memref<5248x128xf32, #tpu.memory_space<vmem_shared>> -> memref<128x128xf32, #tpu.memory_space<vmem_shared>>
        tpu.enqueue_dma source(%arg17 : memref<128x128xf32, #tpu.memory_space<vmem>>) target(%dma_start3A_101 : memref<128x128xf32, #tpu.memory_space<vmem_shared>>) target_semaphore(%run_scoped3A_98 : memref<!tpu.dma_semaphore, #tpu.memory_space<semaphore_mem>>)
        %dma_wait3A = arith.constant 0 : i32
        %dma_wait3A_102 = tpu.memref_slice %arg21[%mul3A_76, %dma_wait3A] : memref<5248x128xf32, #tpu.memory_space<vmem_shared>> -> memref<128x128xf32, #tpu.memory_space<vmem_shared>>
        %dma_wait3A_103 = arith.constant 0 : i32
        %dma_wait3A_104 = tpu.memref_slice %arg21[%mul3A_76, %dma_wait3A_103] : memref<5248x128xf32, #tpu.memory_space<vmem_shared>> -> memref<128x128xf32, #tpu.memory_space<vmem_shared>>
        tpu.wait_dma2 semaphore(%run_scoped3A_98 : memref<!tpu.dma_semaphore, #tpu.memory_space<semaphore_mem>>) src(%arg17 : memref<128x128xf32, #tpu.memory_space<vmem>>) dst(%dma_wait3A_104 : memref<128x128xf32, #tpu.memory_space<vmem_shared>>)
        tpu.yield
      }) : () -> ()
      %add3A = arith.constant 16 : i32
      %add3A_77 = arith.addi %arg1, %add3A : i32
      %mul3A_78 = arith.constant 128 : i32
      %mul3A_79 = arith.muli %add3A_77, %mul3A_78 : i32
      "tpu.region"() ({
        %run_scoped3A_98 = tpu.sem_alloc : memref<!tpu.dma_semaphore, #tpu.memory_space<semaphore_mem>>
        %dma_start3A = arith.constant 0 : i32
        %dma_start3A_99 = tpu.memref_slice %arg21[%mul3A_79, %dma_start3A] : memref<5248x128xf32, #tpu.memory_space<vmem_shared>> -> memref<128x128xf32, #tpu.memory_space<vmem_shared>>
        %dma_start3A_100 = arith.constant 0 : i32
        %dma_start3A_101 = tpu.memref_slice %arg21[%mul3A_79, %dma_start3A_100] : memref<5248x128xf32, #tpu.memory_space<vmem_shared>> -> memref<128x128xf32, #tpu.memory_space<vmem_shared>>
        tpu.enqueue_dma source(%arg17 : memref<128x128xf32, #tpu.memory_space<vmem>>) target(%dma_start3A_101 : memref<128x128xf32, #tpu.memory_space<vmem_shared>>) target_semaphore(%run_scoped3A_98 : memref<!tpu.dma_semaphore, #tpu.memory_space<semaphore_mem>>)
        %dma_wait3A = arith.constant 0 : i32
        %dma_wait3A_102 = tpu.memref_slice %arg21[%mul3A_79, %dma_wait3A] : memref<5248x128xf32, #tpu.memory_space<vmem_shared>> -> memref<128x128xf32, #tpu.memory_space<vmem_shared>>
        %dma_wait3A_103 = arith.constant 0 : i32
        %dma_wait3A_104 = tpu.memref_slice %arg21[%mul3A_79, %dma_wait3A_103] : memref<5248x128xf32, #tpu.memory_space<vmem_shared>> -> memref<128x128xf32, #tpu.memory_space<vmem_shared>>
        tpu.wait_dma2 semaphore(%run_scoped3A_98 : memref<!tpu.dma_semaphore, #tpu.memory_space<semaphore_mem>>) src(%arg17 : memref<128x128xf32, #tpu.memory_space<vmem>>) dst(%dma_wait3A_104 : memref<128x128xf32, #tpu.memory_space<vmem_shared>>)
        tpu.yield
      }) : () -> ()
      %lt3A = arith.constant 9 : i32
      %lt3A_80 = arith.cmpi slt, %arg1, %lt3A : i32
      %convert_element_type3A = arith.extui %lt3A_80 : i1 to i32
      %cond3A = arith.constant 0 : i32
      %cond3A_81 = arith.cmpi ne, %convert_element_type3A, %cond3A : i32
      scf.if %cond3A_81 {
        %add3A_98 = arith.constant 32 : i32
        %add3A_99 = arith.addi %arg1, %add3A_98 : i32
        %mul3A_100 = arith.constant 128 : i32
        %mul3A_101 = arith.muli %add3A_99, %mul3A_100 : i32
        "tpu.region"() ({
          %run_scoped3A_102 = tpu.sem_alloc : memref<!tpu.dma_semaphore, #tpu.memory_space<semaphore_mem>>
          %dma_start3A = arith.constant 0 : i32
          %dma_start3A_103 = tpu.memref_slice %arg21[%mul3A_101, %dma_start3A] : memref<5248x128xf32, #tpu.memory_space<vmem_shared>> -> memref<128x128xf32, #tpu.memory_space<vmem_shared>>
          %dma_start3A_104 = arith.constant 0 : i32
          %dma_start3A_105 = tpu.memref_slice %arg21[%mul3A_101, %dma_start3A_104] : memref<5248x128xf32, #tpu.memory_space<vmem_shared>> -> memref<128x128xf32, #tpu.memory_space<vmem_shared>>
          tpu.enqueue_dma source(%arg17 : memref<128x128xf32, #tpu.memory_space<vmem>>) target(%dma_start3A_105 : memref<128x128xf32, #tpu.memory_space<vmem_shared>>) target_semaphore(%run_scoped3A_102 : memref<!tpu.dma_semaphore, #tpu.memory_space<semaphore_mem>>)
          %dma_wait3A = arith.constant 0 : i32
          %dma_wait3A_106 = tpu.memref_slice %arg21[%mul3A_101, %dma_wait3A] : memref<5248x128xf32, #tpu.memory_space<vmem_shared>> -> memref<128x128xf32, #tpu.memory_space<vmem_shared>>
          %dma_wait3A_107 = arith.constant 0 : i32
          %dma_wait3A_108 = tpu.memref_slice %arg21[%mul3A_101, %dma_wait3A_107] : memref<5248x128xf32, #tpu.memory_space<vmem_shared>> -> memref<128x128xf32, #tpu.memory_space<vmem_shared>>
          tpu.wait_dma2 semaphore(%run_scoped3A_102 : memref<!tpu.dma_semaphore, #tpu.memory_space<semaphore_mem>>) src(%arg17 : memref<128x128xf32, #tpu.memory_space<vmem>>) dst(%dma_wait3A_108 : memref<128x128xf32, #tpu.memory_space<vmem_shared>>)
          tpu.yield
        }) : () -> ()
      } else {
      }
      %barrier3A_82 = arith.constant 0 : index
      tpu.barrier barrier_id(%barrier3A_82)
      %scan3A_83 = arith.constant 0 : i32
      %scan3A_84 = arith.constant 0 : i32
      %scan3A_85 = arith.constant 40 : i32
      %scan3A_86 = arith.addi %scan3A_84, %scan3A_85 : i32
      %scan3A_87 = arith.constant 1 : i32
      %scan3A_88 = scf.for %scan3A_98 = %scan3A_84 to %scan3A_86 step %scan3A_87 iter_args(%scan3A_99 = %scan3A_83) -> (i32)  : i32 {
        %dma_start3A = arith.constant 0 : i32
        %dma_start3A_100 = tpu.memref_slice %arg10[%scan3A_98, %dma_start3A] : memref<40x128xi32, #tpu.memory_space<vmem>> -> memref<1x128xi32, #tpu.memory_space<vmem>>
        %dma_start3A_101 = tpu.memref_squeeze %dma_start3A_100 : memref<1x128xi32, #tpu.memory_space<vmem>> -> memref<128xi32, #tpu.memory_space<vmem>>
        %dma_start3A_102 = arith.constant 0 : i32
        %dma_start3A_103 = arith.constant 0 : i32
        %dma_start3A_104 = tpu.memref_slice %arg6[%dma_start3A_102, %dma_start3A_103] : memref<10000x128xf32, #tpu.memory_space<hbm>> -> memref<10000x128xf32, #tpu.memory_space<hbm>>
        tpu.enqueue_indirect_dma source(%dma_start3A_104 : memref<10000x128xf32, #tpu.memory_space<hbm>>) target(%arg17 : memref<128x128xf32, #tpu.memory_space<vmem>>) offsets(%dma_start3A_101 : memref<128xi32, #tpu.memory_space<vmem>>) semaphore(%arg22 : memref<!tpu.dma_semaphore, #tpu.memory_space<semaphore_mem>>)
        %dma_wait3A = arith.constant 0 : i32
        %dma_wait3A_105 = tpu.memref_slice %arg10[%scan3A_98, %dma_wait3A] : memref<40x128xi32, #tpu.memory_space<vmem>> -> memref<1x128xi32, #tpu.memory_space<vmem>>
        %dma_wait3A_106 = tpu.memref_squeeze %dma_wait3A_105 : memref<1x128xi32, #tpu.memory_space<vmem>> -> memref<128xi32, #tpu.memory_space<vmem>>
        %dma_wait3A_107 = arith.constant 0 : i32
        %dma_wait3A_108 = arith.constant 0 : i32
        %dma_wait3A_109 = tpu.memref_slice %arg6[%dma_wait3A_107, %dma_wait3A_108] : memref<10000x128xf32, #tpu.memory_space<hbm>> -> memref<10000x128xf32, #tpu.memory_space<hbm>>
        tpu.wait_indirect_dma semaphore(%arg22 : memref<!tpu.dma_semaphore, #tpu.memory_space<semaphore_mem>>) src(%dma_wait3A_109 : memref<10000x128xf32, #tpu.memory_space<hbm>>) dst(%arg17 : memref<128x128xf32, #tpu.memory_space<vmem>>)
        %dma_start3A_110 = arith.constant 0 : i32
        %dma_start3A_111 = tpu.memref_slice %arg12[%scan3A_98, %dma_start3A_110] : memref<40x128xi32, #tpu.memory_space<vmem>> -> memref<1x128xi32, #tpu.memory_space<vmem>>
        %dma_start3A_112 = tpu.memref_squeeze %dma_start3A_111 : memref<1x128xi32, #tpu.memory_space<vmem>> -> memref<128xi32, #tpu.memory_space<vmem>>
        %dma_start3A_113 = arith.constant 0 : i32
        %dma_start3A_114 = arith.constant 0 : i32
        %dma_start3A_115 = tpu.memref_slice %arg8[%dma_start3A_113, %dma_start3A_114] : memref<400x128xf32, #tpu.memory_space<hbm>> -> memref<400x128xf32, #tpu.memory_space<hbm>>
        tpu.enqueue_indirect_dma source(%dma_start3A_115 : memref<400x128xf32, #tpu.memory_space<hbm>>) target(%arg17 : memref<128x128xf32, #tpu.memory_space<vmem>>) offsets(%dma_start3A_112 : memref<128xi32, #tpu.memory_space<vmem>>) semaphore(%arg22 : memref<!tpu.dma_semaphore, #tpu.memory_space<semaphore_mem>>) {add = true}
        %dma_wait3A_116 = arith.constant 0 : i32
        %dma_wait3A_117 = tpu.memref_slice %arg12[%scan3A_98, %dma_wait3A_116] : memref<40x128xi32, #tpu.memory_space<vmem>> -> memref<1x128xi32, #tpu.memory_space<vmem>>
        %dma_wait3A_118 = tpu.memref_squeeze %dma_wait3A_117 : memref<1x128xi32, #tpu.memory_space<vmem>> -> memref<128xi32, #tpu.memory_space<vmem>>
        %dma_wait3A_119 = arith.constant 0 : i32
        %dma_wait3A_120 = arith.constant 0 : i32
        %dma_wait3A_121 = tpu.memref_slice %arg8[%dma_wait3A_119, %dma_wait3A_120] : memref<400x128xf32, #tpu.memory_space<hbm>> -> memref<400x128xf32, #tpu.memory_space<hbm>>
        tpu.wait_indirect_dma semaphore(%arg22 : memref<!tpu.dma_semaphore, #tpu.memory_space<semaphore_mem>>) src(%dma_wait3A_121 : memref<400x128xf32, #tpu.memory_space<hbm>>) dst(%arg17 : memref<128x128xf32, #tpu.memory_space<vmem>>)
        %scan3A_122 = arith.constant 0 : i32
        %scan3A_123 = arith.constant 0 : i32
        %scan3A_124 = arith.constant 8 : i32
        %scan3A_125 = arith.addi %scan3A_123, %scan3A_124 : i32
        %scan3A_126 = arith.constant 1 : i32
        %scan3A_127 = scf.for %scan3A_130 = %scan3A_123 to %scan3A_125 step %scan3A_126 iter_args(%scan3A_131 = %scan3A_122) -> (i32)  : i32 {
          %mul3A_132 = arith.constant 16 : i32
          %mul3A_133 = arith.muli %scan3A_130, %mul3A_132 : i32
          %get3A = arith.index_cast %scan3A_98 : i32 to index
          %get3A_134 = arith.index_cast %mul3A_133 : i32 to index
          %get3A_135 = tpu.vector_load %arg14[%get3A, %get3A_134] {strides = array<i32>} : memref<40x128xf32, #tpu.memory_space<vmem>>, vector<1x16xf32>,
          %get3A_136 = vector.shape_cast %get3A_135 : vector<1x16xf32> to vector<16xf32>
          %slice3A = vector.extract_strided_slice %get3A_136 {offsets = [0], sizes = [1], strides = [1]} : vector<16xf32> to vector<1xf32>
          %squeeze3A = vector.extract %slice3A[0] : f32 from vector<1xf32>
          %mul3A_137 = arith.constant 16 : i32
          %mul3A_138 = arith.muli %scan3A_130, %mul3A_137 : i32
          %add3A_139 = arith.constant 0 : i32
          %add3A_140 = arith.addi %mul3A_138, %add3A_139 : i32
          %get3A_141 = arith.index_cast %add3A_140 : i32 to index
          %get3A_142 = arith.constant 0 : index
          %get3A_143 = tpu.vector_load %arg17[%get3A_141, %get3A_142] {strides = array<i32>} : memref<128x128xf32, #tpu.memory_space<vmem>>, vector<1x16xf32>,
          %get3A_144 = vector.shape_cast %get3A_143 : vector<1x16xf32> to vector<16xf32>
          %mul3A_145 = vector.broadcast %squeeze3A : f32 to vector<16xf32>
          %mul3A_146 = arith.mulf %get3A_144, %mul3A_145 : vector<16xf32>
          %swap3A = arith.index_cast %add3A_140 : i32 to index
          %swap3A_147 = arith.constant 0 : index
          %swap3A_148 = tpu.vector_load %arg17[%swap3A, %swap3A_147] {strides = array<i32>} : memref<128x128xf32, #tpu.memory_space<vmem>>, vector<1x16xf32>,
          %swap3A_149 = vector.shape_cast %swap3A_148 : vector<1x16xf32> to vector<16xf32>
          %swap3A_150 = vector.shape_cast %mul3A_146 : vector<16xf32> to vector<1x16xf32>
          tpu.vector_store %arg17[%swap3A, %swap3A_147], %swap3A_150 {strides = array<i32>} : memref<128x128xf32, #tpu.memory_space<vmem>>, vector<1x16xf32>,
          %get3A_151 = arith.index_cast %add3A_140 : i32 to index
          %get3A_152 = arith.constant 16 : index
          %get3A_153 = tpu.vector_load %arg17[%get3A_151, %get3A_152] {strides = array<i32>} : memref<128x128xf32, #tpu.memory_space<vmem>>, vector<1x16xf32>,
          %get3A_154 = vector.shape_cast %get3A_153 : vector<1x16xf32> to vector<16xf32>
          %mul3A_155 = vector.broadcast %squeeze3A : f32 to vector<16xf32>
          %mul3A_156 = arith.mulf %get3A_154, %mul3A_155 : vector<16xf32>
          %swap3A_157 = arith.index_cast %add3A_140 : i32 to index
          %swap3A_158 = arith.constant 16 : index
          %swap3A_159 = tpu.vector_load %arg17[%swap3A_157, %swap3A_158] {strides = array<i32>} : memref<128x128xf32, #tpu.memory_space<vmem>>, vector<1x16xf32>,
          %swap3A_160 = vector.shape_cast %swap3A_159 : vector<1x16xf32> to vector<16xf32>
          %swap3A_161 = vector.shape_cast %mul3A_156 : vector<16xf32> to vector<1x16xf32>
          tpu.vector_store %arg17[%swap3A_157, %swap3A_158], %swap3A_161 {strides = array<i32>} : memref<128x128xf32, #tpu.memory_space<vmem>>, vector<1x16xf32>,
          %get3A_162 = arith.index_cast %add3A_140 : i32 to index
          %get3A_163 = arith.constant 32 : index
          %get3A_164 = tpu.vector_load %arg17[%get3A_162, %get3A_163] {strides = array<i32>} : memref<128x128xf32, #tpu.memory_space<vmem>>, vector<1x16xf32>,
          %get3A_165 = vector.shape_cast %get3A_164 : vector<1x16xf32> to vector<16xf32>
          %mul3A_166 = vector.broadcast %squeeze3A : f32 to vector<16xf32>
          %mul3A_167 = arith.mulf %get3A_165, %mul3A_166 : vector<16xf32>
          %swap3A_168 = arith.index_cast %add3A_140 : i32 to index
          %swap3A_169 = arith.constant 32 : index
          %swap3A_170 = tpu.vector_load %arg17[%swap3A_168, %swap3A_169] {strides = array<i32>} : memref<128x128xf32, #tpu.memory_space<vmem>>, vector<1x16xf32>,
          %swap3A_171 = vector.shape_cast %swap3A_170 : vector<1x16xf32> to vector<16xf32>
          %swap3A_172 = vector.shape_cast %mul3A_167 : vector<16xf32> to vector<1x16xf32>
          tpu.vector_store %arg17[%swap3A_168, %swap3A_169], %swap3A_172 {strides = array<i32>} : memref<128x128xf32, #tpu.memory_space<vmem>>, vector<1x16xf32>,
          %get3A_173 = arith.index_cast %add3A_140 : i32 to index
          %get3A_174 = arith.constant 48 : index
          %get3A_175 = tpu.vector_load %arg17[%get3A_173, %get3A_174] {strides = array<i32>} : memref<128x128xf32, #tpu.memory_space<vmem>>, vector<1x16xf32>,
          %get3A_176 = vector.shape_cast %get3A_175 : vector<1x16xf32> to vector<16xf32>
          %mul3A_177 = vector.broadcast %squeeze3A : f32 to vector<16xf32>
          %mul3A_178 = arith.mulf %get3A_176, %mul3A_177 : vector<16xf32>
          %swap3A_179 = arith.index_cast %add3A_140 : i32 to index
          %swap3A_180 = arith.constant 48 : index
          %swap3A_181 = tpu.vector_load %arg17[%swap3A_179, %swap3A_180] {strides = array<i32>} : memref<128x128xf32, #tpu.memory_space<vmem>>, vector<1x16xf32>,
          %swap3A_182 = vector.shape_cast %swap3A_181 : vector<1x16xf32> to vector<16xf32>
          %swap3A_183 = vector.shape_cast %mul3A_178 : vector<16xf32> to vector<1x16xf32>
          tpu.vector_store %arg17[%swap3A_179, %swap3A_180], %swap3A_183 {strides = array<i32>} : memref<128x128xf32, #tpu.memory_space<vmem>>, vector<1x16xf32>,
          %get3A_184 = arith.index_cast %add3A_140 : i32 to index
          %get3A_185 = arith.constant 64 : index
          %get3A_186 = tpu.vector_load %arg17[%get3A_184, %get3A_185] {strides = array<i32>} : memref<128x128xf32, #tpu.memory_space<vmem>>, vector<1x16xf32>,
          %get3A_187 = vector.shape_cast %get3A_186 : vector<1x16xf32> to vector<16xf32>
          %mul3A_188 = vector.broadcast %squeeze3A : f32 to vector<16xf32>
          %mul3A_189 = arith.mulf %get3A_187, %mul3A_188 : vector<16xf32>
          %swap3A_190 = arith.index_cast %add3A_140 : i32 to index
          %swap3A_191 = arith.constant 64 : index
          %swap3A_192 = tpu.vector_load %arg17[%swap3A_190, %swap3A_191] {strides = array<i32>} : memref<128x128xf32, #tpu.memory_space<vmem>>, vector<1x16xf32>,
          %swap3A_193 = vector.shape_cast %swap3A_192 : vector<1x16xf32> to vector<16xf32>
          %swap3A_194 = vector.shape_cast %mul3A_189 : vector<16xf32> to vector<1x16xf32>
          tpu.vector_store %arg17[%swap3A_190, %swap3A_191], %swap3A_194 {strides = array<i32>} : memref<128x128xf32, #tpu.memory_space<vmem>>, vector<1x16xf32>,
          %get3A_195 = arith.index_cast %add3A_140 : i32 to index
          %get3A_196 = arith.constant 80 : index
          %get3A_197 = tpu.vector_load %arg17[%get3A_195, %get3A_196] {strides = array<i32>} : memref<128x128xf32, #tpu.memory_space<vmem>>, vector<1x16xf32>,
          %get3A_198 = vector.shape_cast %get3A_197 : vector<1x16xf32> to vector<16xf32>
          %mul3A_199 = vector.broadcast %squeeze3A : f32 to vector<16xf32>
          %mul3A_200 = arith.mulf %get3A_198, %mul3A_199 : vector<16xf32>
          %swap3A_201 = arith.index_cast %add3A_140 : i32 to index
          %swap3A_202 = arith.constant 80 : index
          %swap3A_203 = tpu.vector_load %arg17[%swap3A_201, %swap3A_202] {strides = array<i32>} : memref<128x128xf32, #tpu.memory_space<vmem>>, vector<1x16xf32>,
          %swap3A_204 = vector.shape_cast %swap3A_203 : vector<1x16xf32> to vector<16xf32>
          %swap3A_205 = vector.shape_cast %mul3A_200 : vector<16xf32> to vector<1x16xf32>
          tpu.vector_store %arg17[%swap3A_201, %swap3A_202], %swap3A_205 {strides = array<i32>} : memref<128x128xf32, #tpu.memory_space<vmem>>, vector<1x16xf32>,
          %get3A_206 = arith.index_cast %add3A_140 : i32 to index
          %get3A_207 = arith.constant 96 : index
          %get3A_208 = tpu.vector_load %arg17[%get3A_206, %get3A_207] {strides = array<i32>} : memref<128x128xf32, #tpu.memory_space<vmem>>, vector<1x16xf32>,
          %get3A_209 = vector.shape_cast %get3A_208 : vector<1x16xf32> to vector<16xf32>
          %mul3A_210 = vector.broadcast %squeeze3A : f32 to vector<16xf32>
          %mul3A_211 = arith.mulf %get3A_209, %mul3A_210 : vector<16xf32>
          %swap3A_212 = arith.index_cast %add3A_140 : i32 to index
          %swap3A_213 = arith.constant 96 : index
          %swap3A_214 = tpu.vector_load %arg17[%swap3A_212, %swap3A_213] {strides = array<i32>} : memref<128x128xf32, #tpu.memory_space<vmem>>, vector<1x16xf32>,
          %swap3A_215 = vector.shape_cast %swap3A_214 : vector<1x16xf32> to vector<16xf32>
          %swap3A_216 = vector.shape_cast %mul3A_211 : vector<16xf32> to vector<1x16xf32>
          tpu.vector_store %arg17[%swap3A_212, %swap3A_213], %swap3A_216 {strides = array<i32>} : memref<128x128xf32, #tpu.memory_space<vmem>>, vector<1x16xf32>,
          %get3A_217 = arith.index_cast %add3A_140 : i32 to index
          %get3A_218 = arith.constant 112 : index
          %get3A_219 = tpu.vector_load %arg17[%get3A_217, %get3A_218] {strides = array<i32>} : memref<128x128xf32, #tpu.memory_space<vmem>>, vector<1x16xf32>,
          %get3A_220 = vector.shape_cast %get3A_219 : vector<1x16xf32> to vector<16xf32>
          %mul3A_221 = vector.broadcast %squeeze3A : f32 to vector<16xf32>
          %mul3A_222 = arith.mulf %get3A_220, %mul3A_221 : vector<16xf32>
          %swap3A_223 = arith.index_cast %add3A_140 : i32 to index
          %swap3A_224 = arith.constant 112 : index
          %swap3A_225 = tpu.vector_load %arg17[%swap3A_223, %swap3A_224] {strides = array<i32>} : memref<128x128xf32, #tpu.memory_space<vmem>>, vector<1x16xf32>,
          %swap3A_226 = vector.shape_cast %swap3A_225 : vector<1x16xf32> to vector<16xf32>
          %swap3A_227 = vector.shape_cast %mul3A_222 : vector<16xf32> to vector<1x16xf32>
          tpu.vector_store %arg17[%swap3A_223, %swap3A_224], %swap3A_227 {strides = array<i32>} : memref<128x128xf32, #tpu.memory_space<vmem>>, vector<1x16xf32>,
          %slice3A_228 = vector.extract_strided_slice %get3A_136 {offsets = [1], sizes = [1], strides = [1]} : vector<16xf32> to vector<1xf32>
          %squeeze3A_229 = vector.extract %slice3A_228[0] : f32 from vector<1xf32>
          %mul3A_230 = arith.constant 16 : i32
          %mul3A_231 = arith.muli %scan3A_130, %mul3A_230 : i32
          %add3A_232 = arith.constant 1 : i32
          %add3A_233 = arith.addi %mul3A_231, %add3A_232 : i32
          %get3A_234 = arith.index_cast %add3A_233 : i32 to index
          %get3A_235 = arith.constant 0 : index
          %get3A_236 = tpu.vector_load %arg17[%get3A_234, %get3A_235] {strides = array<i32>} : memref<128x128xf32, #tpu.memory_space<vmem>>, vector<1x16xf32>,
          %get3A_237 = vector.shape_cast %get3A_236 : vector<1x16xf32> to vector<16xf32>
          %mul3A_238 = vector.broadcast %squeeze3A_229 : f32 to vector<16xf32>
          %mul3A_239 = arith.mulf %get3A_237, %mul3A_238 : vector<16xf32>
          %swap3A_240 = arith.index_cast %add3A_233 : i32 to index
          %swap3A_241 = arith.constant 0 : index
          %swap3A_242 = tpu.vector_load %arg17[%swap3A_240, %swap3A_241] {strides = array<i32>} : memref<128x128xf32, #tpu.memory_space<vmem>>, vector<1x16xf32>,
          %swap3A_243 = vector.shape_cast %swap3A_242 : vector<1x16xf32> to vector<16xf32>
          %swap3A_244 = vector.shape_cast %mul3A_239 : vector<16xf32> to vector<1x16xf32>
          tpu.vector_store %arg17[%swap3A_240, %swap3A_241], %swap3A_244 {strides = array<i32>} : memref<128x128xf32, #tpu.memory_space<vmem>>, vector<1x16xf32>,
          %get3A_245 = arith.index_cast %add3A_233 : i32 to index
          %get3A_246 = arith.constant 16 : index
          %get3A_247 = tpu.vector_load %arg17[%get3A_245, %get3A_246] {strides = array<i32>} : memref<128x128xf32, #tpu.memory_space<vmem>>, vector<1x16xf32>,
          %get3A_248 = vector.shape_cast %get3A_247 : vector<1x16xf32> to vector<16xf32>
          %mul3A_249 = vector.broadcast %squeeze3A_229 : f32 to vector<16xf32>
          %mul3A_250 = arith.mulf %get3A_248, %mul3A_249 : vector<16xf32>
          %swap3A_251 = arith.index_cast %add3A_233 : i32 to index
          %swap3A_252 = arith.constant 16 : index
          %swap3A_253 = tpu.vector_load %arg17[%swap3A_251, %swap3A_252] {strides = array<i32>} : memref<128x128xf32, #tpu.memory_space<vmem>>, vector<1x16xf32>,
          %swap3A_254 = vector.shape_cast %swap3A_253 : vector<1x16xf32> to vector<16xf32>
          %swap3A_255 = vector.shape_cast %mul3A_250 : vector<16xf32> to vector<1x16xf32>
          tpu.vector_store %arg17[%swap3A_251, %swap3A_252], %swap3A_255 {strides = array<i32>} : memref<128x128xf32, #tpu.memory_space<vmem>>, vector<1x16xf32>,
          %get3A_256 = arith.index_cast %add3A_233 : i32 to index
          %get3A_257 = arith.constant 32 : index
          %get3A_258 = tpu.vector_load %arg17[%get3A_256, %get3A_257] {strides = array<i32>} : memref<128x128xf32, #tpu.memory_space<vmem>>, vector<1x16xf32>,
          %get3A_259 = vector.shape_cast %get3A_258 : vector<1x16xf32> to vector<16xf32>
          %mul3A_260 = vector.broadcast %squeeze3A_229 : f32 to vector<16xf32>
          %mul3A_261 = arith.mulf %get3A_259, %mul3A_260 : vector<16xf32>
          %swap3A_262 = arith.index_cast %add3A_233 : i32 to index
          %swap3A_263 = arith.constant 32 : index
          %swap3A_264 = tpu.vector_load %arg17[%swap3A_262, %swap3A_263] {strides = array<i32>} : memref<128x128xf32, #tpu.memory_space<vmem>>, vector<1x16xf32>,
          %swap3A_265 = vector.shape_cast %swap3A_264 : vector<1x16xf32> to vector<16xf32>
          %swap3A_266 = vector.shape_cast %mul3A_261 : vector<16xf32> to vector<1x16xf32>
          tpu.vector_store %arg17[%swap3A_262, %swap3A_263], %swap3A_266 {strides = array<i32>} : memref<128x128xf32, #tpu.memory_space<vmem>>, vector<1x16xf32>,
          %get3A_267 = arith.index_cast %add3A_233 : i32 to index
          %get3A_268 = arith.constant 48 : index
          %get3A_269 = tpu.vector_load %arg17[%get3A_267, %get3A_268] {strides = array<i32>} : memref<128x128xf32, #tpu.memory_space<vmem>>, vector<1x16xf32>,
          %get3A_270 = vector.shape_cast %get3A_269 : vector<1x16xf32> to vector<16xf32>
          %mul3A_271 = vector.broadcast %squeeze3A_229 : f32 to vector<16xf32>
          %mul3A_272 = arith.mulf %get3A_270, %mul3A_271 : vector<16xf32>
          %swap3A_273 = arith.index_cast %add3A_233 : i32 to index
          %swap3A_274 = arith.constant 48 : index
          %swap3A_275 = tpu.vector_load %arg17[%swap3A_273, %swap3A_274] {strides = array<i32>} : memref<128x128xf32, #tpu.memory_space<vmem>>, vector<1x16xf32>,
          %swap3A_276 = vector.shape_cast %swap3A_275 : vector<1x16xf32> to vector<16xf32>
          %swap3A_277 = vector.shape_cast %mul3A_272 : vector<16xf32> to vector<1x16xf32>
          tpu.vector_store %arg17[%swap3A_273, %swap3A_274], %swap3A_277 {strides = array<i32>} : memref<128x128xf32, #tpu.memory_space<vmem>>, vector<1x16xf32>,
          %get3A_278 = arith.index_cast %add3A_233 : i32 to index
          %get3A_279 = arith.constant 64 : index
          %get3A_280 = tpu.vector_load %arg17[%get3A_278, %get3A_279] {strides = array<i32>} : memref<128x128xf32, #tpu.memory_space<vmem>>, vector<1x16xf32>,
          %get3A_281 = vector.shape_cast %get3A_280 : vector<1x16xf32> to vector<16xf32>
          %mul3A_282 = vector.broadcast %squeeze3A_229 : f32 to vector<16xf32>
          %mul3A_283 = arith.mulf %get3A_281, %mul3A_282 : vector<16xf32>
          %swap3A_284 = arith.index_cast %add3A_233 : i32 to index
          %swap3A_285 = arith.constant 64 : index
          %swap3A_286 = tpu.vector_load %arg17[%swap3A_284, %swap3A_285] {strides = array<i32>} : memref<128x128xf32, #tpu.memory_space<vmem>>, vector<1x16xf32>,
          %swap3A_287 = vector.shape_cast %swap3A_286 : vector<1x16xf32> to vector<16xf32>
          %swap3A_288 = vector.shape_cast %mul3A_283 : vector<16xf32> to vector<1x16xf32>
          tpu.vector_store %arg17[%swap3A_284, %swap3A_285], %swap3A_288 {strides = array<i32>} : memref<128x128xf32, #tpu.memory_space<vmem>>, vector<1x16xf32>,
          %get3A_289 = arith.index_cast %add3A_233 : i32 to index
          %get3A_290 = arith.constant 80 : index
          %get3A_291 = tpu.vector_load %arg17[%get3A_289, %get3A_290] {strides = array<i32>} : memref<128x128xf32, #tpu.memory_space<vmem>>, vector<1x16xf32>,
          %get3A_292 = vector.shape_cast %get3A_291 : vector<1x16xf32> to vector<16xf32>
          %mul3A_293 = vector.broadcast %squeeze3A_229 : f32 to vector<16xf32>
          %mul3A_294 = arith.mulf %get3A_292, %mul3A_293 : vector<16xf32>
          %swap3A_295 = arith.index_cast %add3A_233 : i32 to index
          %swap3A_296 = arith.constant 80 : index
          %swap3A_297 = tpu.vector_load %arg17[%swap3A_295, %swap3A_296] {strides = array<i32>} : memref<128x128xf32, #tpu.memory_space<vmem>>, vector<1x16xf32>,
          %swap3A_298 = vector.shape_cast %swap3A_297 : vector<1x16xf32> to vector<16xf32>
          %swap3A_299 = vector.shape_cast %mul3A_294 : vector<16xf32> to vector<1x16xf32>
          tpu.vector_store %arg17[%swap3A_295, %swap3A_296], %swap3A_299 {strides = array<i32>} : memref<128x128xf32, #tpu.memory_space<vmem>>, vector<1x16xf32>,
          %get3A_300 = arith.index_cast %add3A_233 : i32 to index
          %get3A_301 = arith.constant 96 : index
          %get3A_302 = tpu.vector_load %arg17[%get3A_300, %get3A_301] {strides = array<i32>} : memref<128x128xf32, #tpu.memory_space<vmem>>, vector<1x16xf32>,
          %get3A_303 = vector.shape_cast %get3A_302 : vector<1x16xf32> to vector<16xf32>
          %mul3A_304 = vector.broadcast %squeeze3A_229 : f32 to vector<16xf32>
          %mul3A_305 = arith.mulf %get3A_303, %mul3A_304 : vector<16xf32>
          %swap3A_306 = arith.index_cast %add3A_233 : i32 to index
          %swap3A_307 = arith.constant 96 : index
          %swap3A_308 = tpu.vector_load %arg17[%swap3A_306, %swap3A_307] {strides = array<i32>} : memref<128x128xf32, #tpu.memory_space<vmem>>, vector<1x16xf32>,
          %swap3A_309 = vector.shape_cast %swap3A_308 : vector<1x16xf32> to vector<16xf32>
          %swap3A_310 = vector.shape_cast %mul3A_305 : vector<16xf32> to vector<1x16xf32>
          tpu.vector_store %arg17[%swap3A_306, %swap3A_307], %swap3A_310 {strides = array<i32>} : memref<128x128xf32, #tpu.memory_space<vmem>>, vector<1x16xf32>,
          %get3A_311 = arith.index_cast %add3A_233 : i32 to index
          %get3A_312 = arith.constant 112 : index
          %get3A_313 = tpu.vector_load %arg17[%get3A_311, %get3A_312] {strides = array<i32>} : memref<128x128xf32, #tpu.memory_space<vmem>>, vector<1x16xf32>,
          %get3A_314 = vector.shape_cast %get3A_313 : vector<1x16xf32> to vector<16xf32>
          %mul3A_315 = vector.broadcast %squeeze3A_229 : f32 to vector<16xf32>
          %mul3A_316 = arith.mulf %get3A_314, %mul3A_315 : vector<16xf32>
          %swap3A_317 = arith.index_cast %add3A_233 : i32 to index
          %swap3A_318 = arith.constant 112 : index
          %swap3A_319 = tpu.vector_load %arg17[%swap3A_317, %swap3A_318] {strides = array<i32>} : memref<128x128xf32, #tpu.memory_space<vmem>>, vector<1x16xf32>,
          %swap3A_320 = vector.shape_cast %swap3A_319 : vector<1x16xf32> to vector<16xf32>
          %swap3A_321 = vector.shape_cast %mul3A_316 : vector<16xf32> to vector<1x16xf32>
          tpu.vector_store %arg17[%swap3A_317, %swap3A_318], %swap3A_321 {strides = array<i32>} : memref<128x128xf32, #tpu.memory_space<vmem>>, vector<1x16xf32>,
          %slice3A_322 = vector.extract_strided_slice %get3A_136 {offsets = [2], sizes = [1], strides = [1]} : vector<16xf32> to vector<1xf32>
          %squeeze3A_323 = vector.extract %slice3A_322[0] : f32 from vector<1xf32>
          %mul3A_324 = arith.constant 16 : i32
          %mul3A_325 = arith.muli %scan3A_130, %mul3A_324 : i32
          %add3A_326 = arith.constant 2 : i32
          %add3A_327 = arith.addi %mul3A_325, %add3A_326 : i32
          %get3A_328 = arith.index_cast %add3A_327 : i32 to index
          %get3A_329 = arith.constant 0 : index
          %get3A_330 = tpu.vector_load %arg17[%get3A_328, %get3A_329] {strides = array<i32>} : memref<128x128xf32, #tpu.memory_space<vmem>>, vector<1x16xf32>,
          %get3A_331 = vector.shape_cast %get3A_330 : vector<1x16xf32> to vector<16xf32>
          %mul3A_332 = vector.broadcast %squeeze3A_323 : f32 to vector<16xf32>
          %mul3A_333 = arith.mulf %get3A_331, %mul3A_332 : vector<16xf32>
          %swap3A_334 = arith.index_cast %add3A_327 : i32 to index
          %swap3A_335 = arith.constant 0 : index
          %swap3A_336 = tpu.vector_load %arg17[%swap3A_334, %swap3A_335] {strides = array<i32>} : memref<128x128xf32, #tpu.memory_space<vmem>>, vector<1x16xf32>,
          %swap3A_337 = vector.shape_cast %swap3A_336 : vector<1x16xf32> to vector<16xf32>
          %swap3A_338 = vector.shape_cast %mul3A_333 : vector<16xf32> to vector<1x16xf32>
          tpu.vector_store %arg17[%swap3A_334, %swap3A_335], %swap3A_338 {strides = array<i32>} : memref<128x128xf32, #tpu.memory_space<vmem>>, vector<1x16xf32>,
          %get3A_339 = arith.index_cast %add3A_327 : i32 to index
          %get3A_340 = arith.constant 16 : index
          %get3A_341 = tpu.vector_load %arg17[%get3A_339, %get3A_340] {strides = array<i32>} : memref<128x128xf32, #tpu.memory_space<vmem>>, vector<1x16xf32>,
          %get3A_342 = vector.shape_cast %get3A_341 : vector<1x16xf32> to vector<16xf32>
          %mul3A_343 = vector.broadcast %squeeze3A_323 : f32 to vector<16xf32>
          %mul3A_344 = arith.mulf %get3A_342, %mul3A_343 : vector<16xf32>
          %swap3A_345 = arith.index_cast %add3A_327 : i32 to index
          %swap3A_346 = arith.constant 16 : index
          %swap3A_347 = tpu.vector_load %arg17[%swap3A_345, %swap3A_346] {strides = array<i32>} : memref<128x128xf32, #tpu.memory_space<vmem>>, vector<1x16xf32>,
          %swap3A_348 = vector.shape_cast %swap3A_347 : vector<1x16xf32> to vector<16xf32>
          %swap3A_349 = vector.shape_cast %mul3A_344 : vector<16xf32> to vector<1x16xf32>
          tpu.vector_store %arg17[%swap3A_345, %swap3A_346], %swap3A_349 {strides = array<i32>} : memref<128x128xf32, #tpu.memory_space<vmem>>, vector<1x16xf32>,
          %get3A_350 = arith.index_cast %add3A_327 : i32 to index
          %get3A_351 = arith.constant 32 : index
          %get3A_352 = tpu.vector_load %arg17[%get3A_350, %get3A_351] {strides = array<i32>} : memref<128x128xf32, #tpu.memory_space<vmem>>, vector<1x16xf32>,
          %get3A_353 = vector.shape_cast %get3A_352 : vector<1x16xf32> to vector<16xf32>
          %mul3A_354 = vector.broadcast %squeeze3A_323 : f32 to vector<16xf32>
          %mul3A_355 = arith.mulf %get3A_353, %mul3A_354 : vector<16xf32>
          %swap3A_356 = arith.index_cast %add3A_327 : i32 to index
          %swap3A_357 = arith.constant 32 : index
          %swap3A_358 = tpu.vector_load %arg17[%swap3A_356, %swap3A_357] {strides = array<i32>} : memref<128x128xf32, #tpu.memory_space<vmem>>, vector<1x16xf32>,
          %swap3A_359 = vector.shape_cast %swap3A_358 : vector<1x16xf32> to vector<16xf32>
          %swap3A_360 = vector.shape_cast %mul3A_355 : vector<16xf32> to vector<1x16xf32>
          tpu.vector_store %arg17[%swap3A_356, %swap3A_357], %swap3A_360 {strides = array<i32>} : memref<128x128xf32, #tpu.memory_space<vmem>>, vector<1x16xf32>,
          %get3A_361 = arith.index_cast %add3A_327 : i32 to index
          %get3A_362 = arith.constant 48 : index
          %get3A_363 = tpu.vector_load %arg17[%get3A_361, %get3A_362] {strides = array<i32>} : memref<128x128xf32, #tpu.memory_space<vmem>>, vector<1x16xf32>,
          %get3A_364 = vector.shape_cast %get3A_363 : vector<1x16xf32> to vector<16xf32>
          %mul3A_365 = vector.broadcast %squeeze3A_323 : f32 to vector<16xf32>
          %mul3A_366 = arith.mulf %get3A_364, %mul3A_365 : vector<16xf32>
          %swap3A_367 = arith.index_cast %add3A_327 : i32 to index
          %swap3A_368 = arith.constant 48 : index
          %swap3A_369 = tpu.vector_load %arg17[%swap3A_367, %swap3A_368] {strides = array<i32>} : memref<128x128xf32, #tpu.memory_space<vmem>>, vector<1x16xf32>,
          %swap3A_370 = vector.shape_cast %swap3A_369 : vector<1x16xf32> to vector<16xf32>
          %swap3A_371 = vector.shape_cast %mul3A_366 : vector<16xf32> to vector<1x16xf32>
          tpu.vector_store %arg17[%swap3A_367, %swap3A_368], %swap3A_371 {strides = array<i32>} : memref<128x128xf32, #tpu.memory_space<vmem>>, vector<1x16xf32>,
          %get3A_372 = arith.index_cast %add3A_327 : i32 to index
          %get3A_373 = arith.constant 64 : index
          %get3A_374 = tpu.vector_load %arg17[%get3A_372, %get3A_373] {strides = array<i32>} : memref<128x128xf32, #tpu.memory_space<vmem>>, vector<1x16xf32>,
          %get3A_375 = vector.shape_cast %get3A_374 : vector<1x16xf32> to vector<16xf32>
          %mul3A_376 = vector.broadcast %squeeze3A_323 : f32 to vector<16xf32>
          %mul3A_377 = arith.mulf %get3A_375, %mul3A_376 : vector<16xf32>
          %swap3A_378 = arith.index_cast %add3A_327 : i32 to index
          %swap3A_379 = arith.constant 64 : index
          %swap3A_380 = tpu.vector_load %arg17[%swap3A_378, %swap3A_379] {strides = array<i32>} : memref<128x128xf32, #tpu.memory_space<vmem>>, vector<1x16xf32>,
          %swap3A_381 = vector.shape_cast %swap3A_380 : vector<1x16xf32> to vector<16xf32>
          %swap3A_382 = vector.shape_cast %mul3A_377 : vector<16xf32> to vector<1x16xf32>
          tpu.vector_store %arg17[%swap3A_378, %swap3A_379], %swap3A_382 {strides = array<i32>} : memref<128x128xf32, #tpu.memory_space<vmem>>, vector<1x16xf32>,
          %get3A_383 = arith.index_cast %add3A_327 : i32 to index
          %get3A_384 = arith.constant 80 : index
          %get3A_385 = tpu.vector_load %arg17[%get3A_383, %get3A_384] {strides = array<i32>} : memref<128x128xf32, #tpu.memory_space<vmem>>, vector<1x16xf32>,
          %get3A_386 = vector.shape_cast %get3A_385 : vector<1x16xf32> to vector<16xf32>
          %mul3A_387 = vector.broadcast %squeeze3A_323 : f32 to vector<16xf32>
          %mul3A_388 = arith.mulf %get3A_386, %mul3A_387 : vector<16xf32>
          %swap3A_389 = arith.index_cast %add3A_327 : i32 to index
          %swap3A_390 = arith.constant 80 : index
          %swap3A_391 = tpu.vector_load %arg17[%swap3A_389, %swap3A_390] {strides = array<i32>} : memref<128x128xf32, #tpu.memory_space<vmem>>, vector<1x16xf32>,
          %swap3A_392 = vector.shape_cast %swap3A_391 : vector<1x16xf32> to vector<16xf32>
          %swap3A_393 = vector.shape_cast %mul3A_388 : vector<16xf32> to vector<1x16xf32>
          tpu.vector_store %arg17[%swap3A_389, %swap3A_390], %swap3A_393 {strides = array<i32>} : memref<128x128xf32, #tpu.memory_space<vmem>>, vector<1x16xf32>,
          %get3A_394 = arith.index_cast %add3A_327 : i32 to index
          %get3A_395 = arith.constant 96 : index
          %get3A_396 = tpu.vector_load %arg17[%get3A_394, %get3A_395] {strides = array<i32>} : memref<128x128xf32, #tpu.memory_space<vmem>>, vector<1x16xf32>,
          %get3A_397 = vector.shape_cast %get3A_396 : vector<1x16xf32> to vector<16xf32>
          %mul3A_398 = vector.broadcast %squeeze3A_323 : f32 to vector<16xf32>
          %mul3A_399 = arith.mulf %get3A_397, %mul3A_398 : vector<16xf32>
          %swap3A_400 = arith.index_cast %add3A_327 : i32 to index
          %swap3A_401 = arith.constant 96 : index
          %swap3A_402 = tpu.vector_load %arg17[%swap3A_400, %swap3A_401] {strides = array<i32>} : memref<128x128xf32, #tpu.memory_space<vmem>>, vector<1x16xf32>,
          %swap3A_403 = vector.shape_cast %swap3A_402 : vector<1x16xf32> to vector<16xf32>
          %swap3A_404 = vector.shape_cast %mul3A_399 : vector<16xf32> to vector<1x16xf32>
          tpu.vector_store %arg17[%swap3A_400, %swap3A_401], %swap3A_404 {strides = array<i32>} : memref<128x128xf32, #tpu.memory_space<vmem>>, vector<1x16xf32>,
          %get3A_405 = arith.index_cast %add3A_327 : i32 to index
          %get3A_406 = arith.constant 112 : index
          %get3A_407 = tpu.vector_load %arg17[%get3A_405, %get3A_406] {strides = array<i32>} : memref<128x128xf32, #tpu.memory_space<vmem>>, vector<1x16xf32>,
          %get3A_408 = vector.shape_cast %get3A_407 : vector<1x16xf32> to vector<16xf32>
          %mul3A_409 = vector.broadcast %squeeze3A_323 : f32 to vector<16xf32>
          %mul3A_410 = arith.mulf %get3A_408, %mul3A_409 : vector<16xf32>
          %swap3A_411 = arith.index_cast %add3A_327 : i32 to index
          %swap3A_412 = arith.constant 112 : index
          %swap3A_413 = tpu.vector_load %arg17[%swap3A_411, %swap3A_412] {strides = array<i32>} : memref<128x128xf32, #tpu.memory_space<vmem>>, vector<1x16xf32>,
          %swap3A_414 = vector.shape_cast %swap3A_413 : vector<1x16xf32> to vector<16xf32>
          %swap3A_415 = vector.shape_cast %mul3A_410 : vector<16xf32> to vector<1x16xf32>
          tpu.vector_store %arg17[%swap3A_411, %swap3A_412], %swap3A_415 {strides = array<i32>} : memref<128x128xf32, #tpu.memory_space<vmem>>, vector<1x16xf32>,
          %slice3A_416 = vector.extract_strided_slice %get3A_136 {offsets = [3], sizes = [1], strides = [1]} : vector<16xf32> to vector<1xf32>
          %squeeze3A_417 = vector.extract %slice3A_416[0] : f32 from vector<1xf32>
          %mul3A_418 = arith.constant 16 : i32
          %mul3A_419 = arith.muli %scan3A_130, %mul3A_418 : i32
          %add3A_420 = arith.constant 3 : i32
          %add3A_421 = arith.addi %mul3A_419, %add3A_420 : i32
          %get3A_422 = arith.index_cast %add3A_421 : i32 to index
          %get3A_423 = arith.constant 0 : index
          %get3A_424 = tpu.vector_load %arg17[%get3A_422, %get3A_423] {strides = array<i32>} : memref<128x128xf32, #tpu.memory_space<vmem>>, vector<1x16xf32>,
          %get3A_425 = vector.shape_cast %get3A_424 : vector<1x16xf32> to vector<16xf32>
          %mul3A_426 = vector.broadcast %squeeze3A_417 : f32 to vector<16xf32>
          %mul3A_427 = arith.mulf %get3A_425, %mul3A_426 : vector<16xf32>
          %swap3A_428 = arith.index_cast %add3A_421 : i32 to index
          %swap3A_429 = arith.constant 0 : index
          %swap3A_430 = tpu.vector_load %arg17[%swap3A_428, %swap3A_429] {strides = array<i32>} : memref<128x128xf32, #tpu.memory_space<vmem>>, vector<1x16xf32>,
          %swap3A_431 = vector.shape_cast %swap3A_430 : vector<1x16xf32> to vector<16xf32>
          %swap3A_432 = vector.shape_cast %mul3A_427 : vector<16xf32> to vector<1x16xf32>
          tpu.vector_store %arg17[%swap3A_428, %swap3A_429], %swap3A_432 {strides = array<i32>} : memref<128x128xf32, #tpu.memory_space<vmem>>, vector<1x16xf32>,
          %get3A_433 = arith.index_cast %add3A_421 : i32 to index
          %get3A_434 = arith.constant 16 : index
          %get3A_435 = tpu.vector_load %arg17[%get3A_433, %get3A_434] {strides = array<i32>} : memref<128x128xf32, #tpu.memory_space<vmem>>, vector<1x16xf32>,
          %get3A_436 = vector.shape_cast %get3A_435 : vector<1x16xf32> to vector<16xf32>
          %mul3A_437 = vector.broadcast %squeeze3A_417 : f32 to vector<16xf32>
          %mul3A_438 = arith.mulf %get3A_436, %mul3A_437 : vector<16xf32>
          %swap3A_439 = arith.index_cast %add3A_421 : i32 to index
          %swap3A_440 = arith.constant 16 : index
          %swap3A_441 = tpu.vector_load %arg17[%swap3A_439, %swap3A_440] {strides = array<i32>} : memref<128x128xf32, #tpu.memory_space<vmem>>, vector<1x16xf32>,
          %swap3A_442 = vector.shape_cast %swap3A_441 : vector<1x16xf32> to vector<16xf32>
          %swap3A_443 = vector.shape_cast %mul3A_438 : vector<16xf32> to vector<1x16xf32>
          tpu.vector_store %arg17[%swap3A_439, %swap3A_440], %swap3A_443 {strides = array<i32>} : memref<128x128xf32, #tpu.memory_space<vmem>>, vector<1x16xf32>,
          %get3A_444 = arith.index_cast %add3A_421 : i32 to index
          %get3A_445 = arith.constant 32 : index
          %get3A_446 = tpu.vector_load %arg17[%get3A_444, %get3A_445] {strides = array<i32>} : memref<128x128xf32, #tpu.memory_space<vmem>>, vector<1x16xf32>,
          %get3A_447 = vector.shape_cast %get3A_446 : vector<1x16xf32> to vector<16xf32>
          %mul3A_448 = vector.broadcast %squeeze3A_417 : f32 to vector<16xf32>
          %mul3A_449 = arith.mulf %get3A_447, %mul3A_448 : vector<16xf32>
          %swap3A_450 = arith.index_cast %add3A_421 : i32 to index
          %swap3A_451 = arith.constant 32 : index
          %swap3A_452 = tpu.vector_load %arg17[%swap3A_450, %swap3A_451] {strides = array<i32>} : memref<128x128xf32, #tpu.memory_space<vmem>>, vector<1x16xf32>,
          %swap3A_453 = vector.shape_cast %swap3A_452 : vector<1x16xf32> to vector<16xf32>
          %swap3A_454 = vector.shape_cast %mul3A_449 : vector<16xf32> to vector<1x16xf32>
          tpu.vector_store %arg17[%swap3A_450, %swap3A_451], %swap3A_454 {strides = array<i32>} : memref<128x128xf32, #tpu.memory_space<vmem>>, vector<1x16xf32>,
          %get3A_455 = arith.index_cast %add3A_421 : i32 to index
          %get3A_456 = arith.constant 48 : index
          %get3A_457 = tpu.vector_load %arg17[%get3A_455, %get3A_456] {strides = array<i32>} : memref<128x128xf32, #tpu.memory_space<vmem>>, vector<1x16xf32>,
          %get3A_458 = vector.shape_cast %get3A_457 : vector<1x16xf32> to vector<16xf32>
          %mul3A_459 = vector.broadcast %squeeze3A_417 : f32 to vector<16xf32>
          %mul3A_460 = arith.mulf %get3A_458, %mul3A_459 : vector<16xf32>
          %swap3A_461 = arith.index_cast %add3A_421 : i32 to index
          %swap3A_462 = arith.constant 48 : index
          %swap3A_463 = tpu.vector_load %arg17[%swap3A_461, %swap3A_462] {strides = array<i32>} : memref<128x128xf32, #tpu.memory_space<vmem>>, vector<1x16xf32>,
          %swap3A_464 = vector.shape_cast %swap3A_463 : vector<1x16xf32> to vector<16xf32>
          %swap3A_465 = vector.shape_cast %mul3A_460 : vector<16xf32> to vector<1x16xf32>
          tpu.vector_store %arg17[%swap3A_461, %swap3A_462], %swap3A_465 {strides = array<i32>} : memref<128x128xf32, #tpu.memory_space<vmem>>, vector<1x16xf32>,
          %get3A_466 = arith.index_cast %add3A_421 : i32 to index
          %get3A_467 = arith.constant 64 : index
          %get3A_468 = tpu.vector_load %arg17[%get3A_466, %get3A_467] {strides = array<i32>} : memref<128x128xf32, #tpu.memory_space<vmem>>, vector<1x16xf32>,
          %get3A_469 = vector.shape_cast %get3A_468 : vector<1x16xf32> to vector<16xf32>
          %mul3A_470 = vector.broadcast %squeeze3A_417 : f32 to vector<16xf32>
          %mul3A_471 = arith.mulf %get3A_469, %mul3A_470 : vector<16xf32>
          %swap3A_472 = arith.index_cast %add3A_421 : i32 to index
          %swap3A_473 = arith.constant 64 : index
          %swap3A_474 = tpu.vector_load %arg17[%swap3A_472, %swap3A_473] {strides = array<i32>} : memref<128x128xf32, #tpu.memory_space<vmem>>, vector<1x16xf32>,
          %swap3A_475 = vector.shape_cast %swap3A_474 : vector<1x16xf32> to vector<16xf32>
          %swap3A_476 = vector.shape_cast %mul3A_471 : vector<16xf32> to vector<1x16xf32>
          tpu.vector_store %arg17[%swap3A_472, %swap3A_473], %swap3A_476 {strides = array<i32>} : memref<128x128xf32, #tpu.memory_space<vmem>>, vector<1x16xf32>,
          %get3A_477 = arith.index_cast %add3A_421 : i32 to index
          %get3A_478 = arith.constant 80 : index
          %get3A_479 = tpu.vector_load %arg17[%get3A_477, %get3A_478] {strides = array<i32>} : memref<128x128xf32, #tpu.memory_space<vmem>>, vector<1x16xf32>,
          %get3A_480 = vector.shape_cast %get3A_479 : vector<1x16xf32> to vector<16xf32>
          %mul3A_481 = vector.broadcast %squeeze3A_417 : f32 to vector<16xf32>
          %mul3A_482 = arith.mulf %get3A_480, %mul3A_481 : vector<16xf32>
          %swap3A_483 = arith.index_cast %add3A_421 : i32 to index
          %swap3A_484 = arith.constant 80 : index
          %swap3A_485 = tpu.vector_load %arg17[%swap3A_483, %swap3A_484] {strides = array<i32>} : memref<128x128xf32, #tpu.memory_space<vmem>>, vector<1x16xf32>,
          %swap3A_486 = vector.shape_cast %swap3A_485 : vector<1x16xf32> to vector<16xf32>
          %swap3A_487 = vector.shape_cast %mul3A_482 : vector<16xf32> to vector<1x16xf32>
          tpu.vector_store %arg17[%swap3A_483, %swap3A_484], %swap3A_487 {strides = array<i32>} : memref<128x128xf32, #tpu.memory_space<vmem>>, vector<1x16xf32>,
          %get3A_488 = arith.index_cast %add3A_421 : i32 to index
          %get3A_489 = arith.constant 96 : index
          %get3A_490 = tpu.vector_load %arg17[%get3A_488, %get3A_489] {strides = array<i32>} : memref<128x128xf32, #tpu.memory_space<vmem>>, vector<1x16xf32>,
          %get3A_491 = vector.shape_cast %get3A_490 : vector<1x16xf32> to vector<16xf32>
          %mul3A_492 = vector.broadcast %squeeze3A_417 : f32 to vector<16xf32>
          %mul3A_493 = arith.mulf %get3A_491, %mul3A_492 : vector<16xf32>
          %swap3A_494 = arith.index_cast %add3A_421 : i32 to index
          %swap3A_495 = arith.constant 96 : index
          %swap3A_496 = tpu.vector_load %arg17[%swap3A_494, %swap3A_495] {strides = array<i32>} : memref<128x128xf32, #tpu.memory_space<vmem>>, vector<1x16xf32>,
          %swap3A_497 = vector.shape_cast %swap3A_496 : vector<1x16xf32> to vector<16xf32>
          %swap3A_498 = vector.shape_cast %mul3A_493 : vector<16xf32> to vector<1x16xf32>
          tpu.vector_store %arg17[%swap3A_494, %swap3A_495], %swap3A_498 {strides = array<i32>} : memref<128x128xf32, #tpu.memory_space<vmem>>, vector<1x16xf32>,
          %get3A_499 = arith.index_cast %add3A_421 : i32 to index
          %get3A_500 = arith.constant 112 : index
          %get3A_501 = tpu.vector_load %arg17[%get3A_499, %get3A_500] {strides = array<i32>} : memref<128x128xf32, #tpu.memory_space<vmem>>, vector<1x16xf32>,
          %get3A_502 = vector.shape_cast %get3A_501 : vector<1x16xf32> to vector<16xf32>
          %mul3A_503 = vector.broadcast %squeeze3A_417 : f32 to vector<16xf32>
          %mul3A_504 = arith.mulf %get3A_502, %mul3A_503 : vector<16xf32>
          %swap3A_505 = arith.index_cast %add3A_421 : i32 to index
          %swap3A_506 = arith.constant 112 : index
          %swap3A_507 = tpu.vector_load %arg17[%swap3A_505, %swap3A_506] {strides = array<i32>} : memref<128x128xf32, #tpu.memory_space<vmem>>, vector<1x16xf32>,
          %swap3A_508 = vector.shape_cast %swap3A_507 : vector<1x16xf32> to vector<16xf32>
          %swap3A_509 = vector.shape_cast %mul3A_504 : vector<16xf32> to vector<1x16xf32>
          tpu.vector_store %arg17[%swap3A_505, %swap3A_506], %swap3A_509 {strides = array<i32>} : memref<128x128xf32, #tpu.memory_space<vmem>>, vector<1x16xf32>,
          %slice3A_510 = vector.extract_strided_slice %get3A_136 {offsets = [4], sizes = [1], strides = [1]} : vector<16xf32> to vector<1xf32>
          %squeeze3A_511 = vector.extract %slice3A_510[0] : f32 from vector<1xf32>
          %mul3A_512 = arith.constant 16 : i32
          %mul3A_513 = arith.muli %scan3A_130, %mul3A_512 : i32
          %add3A_514 = arith.constant 4 : i32
          %add3A_515 = arith.addi %mul3A_513, %add3A_514 : i32
          %get3A_516 = arith.index_cast %add3A_515 : i32 to index
          %get3A_517 = arith.constant 0 : index
          %get3A_518 = tpu.vector_load %arg17[%get3A_516, %get3A_517] {strides = array<i32>} : memref<128x128xf32, #tpu.memory_space<vmem>>, vector<1x16xf32>,
          %get3A_519 = vector.shape_cast %get3A_518 : vector<1x16xf32> to vector<16xf32>
          %mul3A_520 = vector.broadcast %squeeze3A_511 : f32 to vector<16xf32>
          %mul3A_521 = arith.mulf %get3A_519, %mul3A_520 : vector<16xf32>
          %swap3A_522 = arith.index_cast %add3A_515 : i32 to index
          %swap3A_523 = arith.constant 0 : index
          %swap3A_524 = tpu.vector_load %arg17[%swap3A_522, %swap3A_523] {strides = array<i32>} : memref<128x128xf32, #tpu.memory_space<vmem>>, vector<1x16xf32>,
          %swap3A_525 = vector.shape_cast %swap3A_524 : vector<1x16xf32> to vector<16xf32>
          %swap3A_526 = vector.shape_cast %mul3A_521 : vector<16xf32> to vector<1x16xf32>
          tpu.vector_store %arg17[%swap3A_522, %swap3A_523], %swap3A_526 {strides = array<i32>} : memref<128x128xf32, #tpu.memory_space<vmem>>, vector<1x16xf32>,
          %get3A_527 = arith.index_cast %add3A_515 : i32 to index
          %get3A_528 = arith.constant 16 : index
          %get3A_529 = tpu.vector_load %arg17[%get3A_527, %get3A_528] {strides = array<i32>} : memref<128x128xf32, #tpu.memory_space<vmem>>, vector<1x16xf32>,
          %get3A_530 = vector.shape_cast %get3A_529 : vector<1x16xf32> to vector<16xf32>
          %mul3A_531 = vector.broadcast %squeeze3A_511 : f32 to vector<16xf32>
          %mul3A_532 = arith.mulf %get3A_530, %mul3A_531 : vector<16xf32>
          %swap3A_533 = arith.index_cast %add3A_515 : i32 to index
          %swap3A_534 = arith.constant 16 : index
          %swap3A_535 = tpu.vector_load %arg17[%swap3A_533, %swap3A_534] {strides = array<i32>} : memref<128x128xf32, #tpu.memory_space<vmem>>, vector<1x16xf32>,
          %swap3A_536 = vector.shape_cast %swap3A_535 : vector<1x16xf32> to vector<16xf32>
          %swap3A_537 = vector.shape_cast %mul3A_532 : vector<16xf32> to vector<1x16xf32>
          tpu.vector_store %arg17[%swap3A_533, %swap3A_534], %swap3A_537 {strides = array<i32>} : memref<128x128xf32, #tpu.memory_space<vmem>>, vector<1x16xf32>,
          %get3A_538 = arith.index_cast %add3A_515 : i32 to index
          %get3A_539 = arith.constant 32 : index
          %get3A_540 = tpu.vector_load %arg17[%get3A_538, %get3A_539] {strides = array<i32>} : memref<128x128xf32, #tpu.memory_space<vmem>>, vector<1x16xf32>,
          %get3A_541 = vector.shape_cast %get3A_540 : vector<1x16xf32> to vector<16xf32>
          %mul3A_542 = vector.broadcast %squeeze3A_511 : f32 to vector<16xf32>
          %mul3A_543 = arith.mulf %get3A_541, %mul3A_542 : vector<16xf32>
          %swap3A_544 = arith.index_cast %add3A_515 : i32 to index
          %swap3A_545 = arith.constant 32 : index
          %swap3A_546 = tpu.vector_load %arg17[%swap3A_544, %swap3A_545] {strides = array<i32>} : memref<128x128xf32, #tpu.memory_space<vmem>>, vector<1x16xf32>,
          %swap3A_547 = vector.shape_cast %swap3A_546 : vector<1x16xf32> to vector<16xf32>
          %swap3A_548 = vector.shape_cast %mul3A_543 : vector<16xf32> to vector<1x16xf32>
          tpu.vector_store %arg17[%swap3A_544, %swap3A_545], %swap3A_548 {strides = array<i32>} : memref<128x128xf32, #tpu.memory_space<vmem>>, vector<1x16xf32>,
          %get3A_549 = arith.index_cast %add3A_515 : i32 to index
          %get3A_550 = arith.constant 48 : index
          %get3A_551 = tpu.vector_load %arg17[%get3A_549, %get3A_550] {strides = array<i32>} : memref<128x128xf32, #tpu.memory_space<vmem>>, vector<1x16xf32>,
          %get3A_552 = vector.shape_cast %get3A_551 : vector<1x16xf32> to vector<16xf32>
          %mul3A_553 = vector.broadcast %squeeze3A_511 : f32 to vector<16xf32>
          %mul3A_554 = arith.mulf %get3A_552, %mul3A_553 : vector<16xf32>
          %swap3A_555 = arith.index_cast %add3A_515 : i32 to index
          %swap3A_556 = arith.constant 48 : index
          %swap3A_557 = tpu.vector_load %arg17[%swap3A_555, %swap3A_556] {strides = array<i32>} : memref<128x128xf32, #tpu.memory_space<vmem>>, vector<1x16xf32>,
          %swap3A_558 = vector.shape_cast %swap3A_557 : vector<1x16xf32> to vector<16xf32>
          %swap3A_559 = vector.shape_cast %mul3A_554 : vector<16xf32> to vector<1x16xf32>
          tpu.vector_store %arg17[%swap3A_555, %swap3A_556], %swap3A_559 {strides = array<i32>} : memref<128x128xf32, #tpu.memory_space<vmem>>, vector<1x16xf32>,
          %get3A_560 = arith.index_cast %add3A_515 : i32 to index
          %get3A_561 = arith.constant 64 : index
          %get3A_562 = tpu.vector_load %arg17[%get3A_560, %get3A_561] {strides = array<i32>} : memref<128x128xf32, #tpu.memory_space<vmem>>, vector<1x16xf32>,
          %get3A_563 = vector.shape_cast %get3A_562 : vector<1x16xf32> to vector<16xf32>
          %mul3A_564 = vector.broadcast %squeeze3A_511 : f32 to vector<16xf32>
          %mul3A_565 = arith.mulf %get3A_563, %mul3A_564 : vector<16xf32>
          %swap3A_566 = arith.index_cast %add3A_515 : i32 to index
          %swap3A_567 = arith.constant 64 : index
          %swap3A_568 = tpu.vector_load %arg17[%swap3A_566, %swap3A_567] {strides = array<i32>} : memref<128x128xf32, #tpu.memory_space<vmem>>, vector<1x16xf32>,
          %swap3A_569 = vector.shape_cast %swap3A_568 : vector<1x16xf32> to vector<16xf32>
          %swap3A_570 = vector.shape_cast %mul3A_565 : vector<16xf32> to vector<1x16xf32>
          tpu.vector_store %arg17[%swap3A_566, %swap3A_567], %swap3A_570 {strides = array<i32>} : memref<128x128xf32, #tpu.memory_space<vmem>>, vector<1x16xf32>,
          %get3A_571 = arith.index_cast %add3A_515 : i32 to index
          %get3A_572 = arith.constant 80 : index
          %get3A_573 = tpu.vector_load %arg17[%get3A_571, %get3A_572] {strides = array<i32>} : memref<128x128xf32, #tpu.memory_space<vmem>>, vector<1x16xf32>,
          %get3A_574 = vector.shape_cast %get3A_573 : vector<1x16xf32> to vector<16xf32>
          %mul3A_575 = vector.broadcast %squeeze3A_511 : f32 to vector<16xf32>
          %mul3A_576 = arith.mulf %get3A_574, %mul3A_575 : vector<16xf32>
          %swap3A_577 = arith.index_cast %add3A_515 : i32 to index
          %swap3A_578 = arith.constant 80 : index
          %swap3A_579 = tpu.vector_load %arg17[%swap3A_577, %swap3A_578] {strides = array<i32>} : memref<128x128xf32, #tpu.memory_space<vmem>>, vector<1x16xf32>,
          %swap3A_580 = vector.shape_cast %swap3A_579 : vector<1x16xf32> to vector<16xf32>
          %swap3A_581 = vector.shape_cast %mul3A_576 : vector<16xf32> to vector<1x16xf32>
          tpu.vector_store %arg17[%swap3A_577, %swap3A_578], %swap3A_581 {strides = array<i32>} : memref<128x128xf32, #tpu.memory_space<vmem>>, vector<1x16xf32>,
          %get3A_582 = arith.index_cast %add3A_515 : i32 to index
          %get3A_583 = arith.constant 96 : index
          %get3A_584 = tpu.vector_load %arg17[%get3A_582, %get3A_583] {strides = array<i32>} : memref<128x128xf32, #tpu.memory_space<vmem>>, vector<1x16xf32>,
          %get3A_585 = vector.shape_cast %get3A_584 : vector<1x16xf32> to vector<16xf32>
          %mul3A_586 = vector.broadcast %squeeze3A_511 : f32 to vector<16xf32>
          %mul3A_587 = arith.mulf %get3A_585, %mul3A_586 : vector<16xf32>
          %swap3A_588 = arith.index_cast %add3A_515 : i32 to index
          %swap3A_589 = arith.constant 96 : index
          %swap3A_590 = tpu.vector_load %arg17[%swap3A_588, %swap3A_589] {strides = array<i32>} : memref<128x128xf32, #tpu.memory_space<vmem>>, vector<1x16xf32>,
          %swap3A_591 = vector.shape_cast %swap3A_590 : vector<1x16xf32> to vector<16xf32>
          %swap3A_592 = vector.shape_cast %mul3A_587 : vector<16xf32> to vector<1x16xf32>
          tpu.vector_store %arg17[%swap3A_588, %swap3A_589], %swap3A_592 {strides = array<i32>} : memref<128x128xf32, #tpu.memory_space<vmem>>, vector<1x16xf32>,
          %get3A_593 = arith.index_cast %add3A_515 : i32 to index
          %get3A_594 = arith.constant 112 : index
          %get3A_595 = tpu.vector_load %arg17[%get3A_593, %get3A_594] {strides = array<i32>} : memref<128x128xf32, #tpu.memory_space<vmem>>, vector<1x16xf32>,
          %get3A_596 = vector.shape_cast %get3A_595 : vector<1x16xf32> to vector<16xf32>
          %mul3A_597 = vector.broadcast %squeeze3A_511 : f32 to vector<16xf32>
          %mul3A_598 = arith.mulf %get3A_596, %mul3A_597 : vector<16xf32>
          %swap3A_599 = arith.index_cast %add3A_515 : i32 to index
          %swap3A_600 = arith.constant 112 : index
          %swap3A_601 = tpu.vector_load %arg17[%swap3A_599, %swap3A_600] {strides = array<i32>} : memref<128x128xf32, #tpu.memory_space<vmem>>, vector<1x16xf32>,
          %swap3A_602 = vector.shape_cast %swap3A_601 : vector<1x16xf32> to vector<16xf32>
          %swap3A_603 = vector.shape_cast %mul3A_598 : vector<16xf32> to vector<1x16xf32>
          tpu.vector_store %arg17[%swap3A_599, %swap3A_600], %swap3A_603 {strides = array<i32>} : memref<128x128xf32, #tpu.memory_space<vmem>>, vector<1x16xf32>,
          %slice3A_604 = vector.extract_strided_slice %get3A_136 {offsets = [5], sizes = [1], strides = [1]} : vector<16xf32> to vector<1xf32>
          %squeeze3A_605 = vector.extract %slice3A_604[0] : f32 from vector<1xf32>
          %mul3A_606 = arith.constant 16 : i32
          %mul3A_607 = arith.muli %scan3A_130, %mul3A_606 : i32
          %add3A_608 = arith.constant 5 : i32
          %add3A_609 = arith.addi %mul3A_607, %add3A_608 : i32
          %get3A_610 = arith.index_cast %add3A_609 : i32 to index
          %get3A_611 = arith.constant 0 : index
          %get3A_612 = tpu.vector_load %arg17[%get3A_610, %get3A_611] {strides = array<i32>} : memref<128x128xf32, #tpu.memory_space<vmem>>, vector<1x16xf32>,
          %get3A_613 = vector.shape_cast %get3A_612 : vector<1x16xf32> to vector<16xf32>
          %mul3A_614 = vector.broadcast %squeeze3A_605 : f32 to vector<16xf32>
          %mul3A_615 = arith.mulf %get3A_613, %mul3A_614 : vector<16xf32>
          %swap3A_616 = arith.index_cast %add3A_609 : i32 to index
          %swap3A_617 = arith.constant 0 : index
          %swap3A_618 = tpu.vector_load %arg17[%swap3A_616, %swap3A_617] {strides = array<i32>} : memref<128x128xf32, #tpu.memory_space<vmem>>, vector<1x16xf32>,
          %swap3A_619 = vector.shape_cast %swap3A_618 : vector<1x16xf32> to vector<16xf32>
          %swap3A_620 = vector.shape_cast %mul3A_615 : vector<16xf32> to vector<1x16xf32>
          tpu.vector_store %arg17[%swap3A_616, %swap3A_617], %swap3A_620 {strides = array<i32>} : memref<128x128xf32, #tpu.memory_space<vmem>>, vector<1x16xf32>,
          %get3A_621 = arith.index_cast %add3A_609 : i32 to index
          %get3A_622 = arith.constant 16 : index
          %get3A_623 = tpu.vector_load %arg17[%get3A_621, %get3A_622] {strides = array<i32>} : memref<128x128xf32, #tpu.memory_space<vmem>>, vector<1x16xf32>,
          %get3A_624 = vector.shape_cast %get3A_623 : vector<1x16xf32> to vector<16xf32>
          %mul3A_625 = vector.broadcast %squeeze3A_605 : f32 to vector<16xf32>
          %mul3A_626 = arith.mulf %get3A_624, %mul3A_625 : vector<16xf32>
          %swap3A_627 = arith.index_cast %add3A_609 : i32 to index
          %swap3A_628 = arith.constant 16 : index
          %swap3A_629 = tpu.vector_load %arg17[%swap3A_627, %swap3A_628] {strides = array<i32>} : memref<128x128xf32, #tpu.memory_space<vmem>>, vector<1x16xf32>,
          %swap3A_630 = vector.shape_cast %swap3A_629 : vector<1x16xf32> to vector<16xf32>
          %swap3A_631 = vector.shape_cast %mul3A_626 : vector<16xf32> to vector<1x16xf32>
          tpu.vector_store %arg17[%swap3A_627, %swap3A_628], %swap3A_631 {strides = array<i32>} : memref<128x128xf32, #tpu.memory_space<vmem>>, vector<1x16xf32>,
          %get3A_632 = arith.index_cast %add3A_609 : i32 to index
          %get3A_633 = arith.constant 32 : index
          %get3A_634 = tpu.vector_load %arg17[%get3A_632, %get3A_633] {strides = array<i32>} : memref<128x128xf32, #tpu.memory_space<vmem>>, vector<1x16xf32>,
          %get3A_635 = vector.shape_cast %get3A_634 : vector<1x16xf32> to vector<16xf32>
          %mul3A_636 = vector.broadcast %squeeze3A_605 : f32 to vector<16xf32>
          %mul3A_637 = arith.mulf %get3A_635, %mul3A_636 : vector<16xf32>
          %swap3A_638 = arith.index_cast %add3A_609 : i32 to index
          %swap3A_639 = arith.constant 32 : index
          %swap3A_640 = tpu.vector_load %arg17[%swap3A_638, %swap3A_639] {strides = array<i32>} : memref<128x128xf32, #tpu.memory_space<vmem>>, vector<1x16xf32>,
          %swap3A_641 = vector.shape_cast %swap3A_640 : vector<1x16xf32> to vector<16xf32>
          %swap3A_642 = vector.shape_cast %mul3A_637 : vector<16xf32> to vector<1x16xf32>
          tpu.vector_store %arg17[%swap3A_638, %swap3A_639], %swap3A_642 {strides = array<i32>} : memref<128x128xf32, #tpu.memory_space<vmem>>, vector<1x16xf32>,
          %get3A_643 = arith.index_cast %add3A_609 : i32 to index
          %get3A_644 = arith.constant 48 : index
          %get3A_645 = tpu.vector_load %arg17[%get3A_643, %get3A_644] {strides = array<i32>} : memref<128x128xf32, #tpu.memory_space<vmem>>, vector<1x16xf32>,
          %get3A_646 = vector.shape_cast %get3A_645 : vector<1x16xf32> to vector<16xf32>
          %mul3A_647 = vector.broadcast %squeeze3A_605 : f32 to vector<16xf32>
          %mul3A_648 = arith.mulf %get3A_646, %mul3A_647 : vector<16xf32>
          %swap3A_649 = arith.index_cast %add3A_609 : i32 to index
          %swap3A_650 = arith.constant 48 : index
          %swap3A_651 = tpu.vector_load %arg17[%swap3A_649, %swap3A_650] {strides = array<i32>} : memref<128x128xf32, #tpu.memory_space<vmem>>, vector<1x16xf32>,
          %swap3A_652 = vector.shape_cast %swap3A_651 : vector<1x16xf32> to vector<16xf32>
          %swap3A_653 = vector.shape_cast %mul3A_648 : vector<16xf32> to vector<1x16xf32>
          tpu.vector_store %arg17[%swap3A_649, %swap3A_650], %swap3A_653 {strides = array<i32>} : memref<128x128xf32, #tpu.memory_space<vmem>>, vector<1x16xf32>,
          %get3A_654 = arith.index_cast %add3A_609 : i32 to index
          %get3A_655 = arith.constant 64 : index
          %get3A_656 = tpu.vector_load %arg17[%get3A_654, %get3A_655] {strides = array<i32>} : memref<128x128xf32, #tpu.memory_space<vmem>>, vector<1x16xf32>,
          %get3A_657 = vector.shape_cast %get3A_656 : vector<1x16xf32> to vector<16xf32>
          %mul3A_658 = vector.broadcast %squeeze3A_605 : f32 to vector<16xf32>
          %mul3A_659 = arith.mulf %get3A_657, %mul3A_658 : vector<16xf32>
          %swap3A_660 = arith.index_cast %add3A_609 : i32 to index
          %swap3A_661 = arith.constant 64 : index
          %swap3A_662 = tpu.vector_load %arg17[%swap3A_660, %swap3A_661] {strides = array<i32>} : memref<128x128xf32, #tpu.memory_space<vmem>>, vector<1x16xf32>,
          %swap3A_663 = vector.shape_cast %swap3A_662 : vector<1x16xf32> to vector<16xf32>
          %swap3A_664 = vector.shape_cast %mul3A_659 : vector<16xf32> to vector<1x16xf32>
          tpu.vector_store %arg17[%swap3A_660, %swap3A_661], %swap3A_664 {strides = array<i32>} : memref<128x128xf32, #tpu.memory_space<vmem>>, vector<1x16xf32>,
          %get3A_665 = arith.index_cast %add3A_609 : i32 to index
          %get3A_666 = arith.constant 80 : index
          %get3A_667 = tpu.vector_load %arg17[%get3A_665, %get3A_666] {strides = array<i32>} : memref<128x128xf32, #tpu.memory_space<vmem>>, vector<1x16xf32>,
          %get3A_668 = vector.shape_cast %get3A_667 : vector<1x16xf32> to vector<16xf32>
          %mul3A_669 = vector.broadcast %squeeze3A_605 : f32 to vector<16xf32>
          %mul3A_670 = arith.mulf %get3A_668, %mul3A_669 : vector<16xf32>
          %swap3A_671 = arith.index_cast %add3A_609 : i32 to index
          %swap3A_672 = arith.constant 80 : index
          %swap3A_673 = tpu.vector_load %arg17[%swap3A_671, %swap3A_672] {strides = array<i32>} : memref<128x128xf32, #tpu.memory_space<vmem>>, vector<1x16xf32>,
          %swap3A_674 = vector.shape_cast %swap3A_673 : vector<1x16xf32> to vector<16xf32>
          %swap3A_675 = vector.shape_cast %mul3A_670 : vector<16xf32> to vector<1x16xf32>
          tpu.vector_store %arg17[%swap3A_671, %swap3A_672], %swap3A_675 {strides = array<i32>} : memref<128x128xf32, #tpu.memory_space<vmem>>, vector<1x16xf32>,
          %get3A_676 = arith.index_cast %add3A_609 : i32 to index
          %get3A_677 = arith.constant 96 : index
          %get3A_678 = tpu.vector_load %arg17[%get3A_676, %get3A_677] {strides = array<i32>} : memref<128x128xf32, #tpu.memory_space<vmem>>, vector<1x16xf32>,
          %get3A_679 = vector.shape_cast %get3A_678 : vector<1x16xf32> to vector<16xf32>
          %mul3A_680 = vector.broadcast %squeeze3A_605 : f32 to vector<16xf32>
          %mul3A_681 = arith.mulf %get3A_679, %mul3A_680 : vector<16xf32>
          %swap3A_682 = arith.index_cast %add3A_609 : i32 to index
          %swap3A_683 = arith.constant 96 : index
          %swap3A_684 = tpu.vector_load %arg17[%swap3A_682, %swap3A_683] {strides = array<i32>} : memref<128x128xf32, #tpu.memory_space<vmem>>, vector<1x16xf32>,
          %swap3A_685 = vector.shape_cast %swap3A_684 : vector<1x16xf32> to vector<16xf32>
          %swap3A_686 = vector.shape_cast %mul3A_681 : vector<16xf32> to vector<1x16xf32>
          tpu.vector_store %arg17[%swap3A_682, %swap3A_683], %swap3A_686 {strides = array<i32>} : memref<128x128xf32, #tpu.memory_space<vmem>>, vector<1x16xf32>,
          %get3A_687 = arith.index_cast %add3A_609 : i32 to index
          %get3A_688 = arith.constant 112 : index
          %get3A_689 = tpu.vector_load %arg17[%get3A_687, %get3A_688] {strides = array<i32>} : memref<128x128xf32, #tpu.memory_space<vmem>>, vector<1x16xf32>,
          %get3A_690 = vector.shape_cast %get3A_689 : vector<1x16xf32> to vector<16xf32>
          %mul3A_691 = vector.broadcast %squeeze3A_605 : f32 to vector<16xf32>
          %mul3A_692 = arith.mulf %get3A_690, %mul3A_691 : vector<16xf32>
          %swap3A_693 = arith.index_cast %add3A_609 : i32 to index
          %swap3A_694 = arith.constant 112 : index
          %swap3A_695 = tpu.vector_load %arg17[%swap3A_693, %swap3A_694] {strides = array<i32>} : memref<128x128xf32, #tpu.memory_space<vmem>>, vector<1x16xf32>,
          %swap3A_696 = vector.shape_cast %swap3A_695 : vector<1x16xf32> to vector<16xf32>
          %swap3A_697 = vector.shape_cast %mul3A_692 : vector<16xf32> to vector<1x16xf32>
          tpu.vector_store %arg17[%swap3A_693, %swap3A_694], %swap3A_697 {strides = array<i32>} : memref<128x128xf32, #tpu.memory_space<vmem>>, vector<1x16xf32>,
          %slice3A_698 = vector.extract_strided_slice %get3A_136 {offsets = [6], sizes = [1], strides = [1]} : vector<16xf32> to vector<1xf32>
          %squeeze3A_699 = vector.extract %slice3A_698[0] : f32 from vector<1xf32>
          %mul3A_700 = arith.constant 16 : i32
          %mul3A_701 = arith.muli %scan3A_130, %mul3A_700 : i32
          %add3A_702 = arith.constant 6 : i32
          %add3A_703 = arith.addi %mul3A_701, %add3A_702 : i32
          %get3A_704 = arith.index_cast %add3A_703 : i32 to index
          %get3A_705 = arith.constant 0 : index
          %get3A_706 = tpu.vector_load %arg17[%get3A_704, %get3A_705] {strides = array<i32>} : memref<128x128xf32, #tpu.memory_space<vmem>>, vector<1x16xf32>,
          %get3A_707 = vector.shape_cast %get3A_706 : vector<1x16xf32> to vector<16xf32>
          %mul3A_708 = vector.broadcast %squeeze3A_699 : f32 to vector<16xf32>
          %mul3A_709 = arith.mulf %get3A_707, %mul3A_708 : vector<16xf32>
          %swap3A_710 = arith.index_cast %add3A_703 : i32 to index
          %swap3A_711 = arith.constant 0 : index
          %swap3A_712 = tpu.vector_load %arg17[%swap3A_710, %swap3A_711] {strides = array<i32>} : memref<128x128xf32, #tpu.memory_space<vmem>>, vector<1x16xf32>,
          %swap3A_713 = vector.shape_cast %swap3A_712 : vector<1x16xf32> to vector<16xf32>
          %swap3A_714 = vector.shape_cast %mul3A_709 : vector<16xf32> to vector<1x16xf32>
          tpu.vector_store %arg17[%swap3A_710, %swap3A_711], %swap3A_714 {strides = array<i32>} : memref<128x128xf32, #tpu.memory_space<vmem>>, vector<1x16xf32>,
          %get3A_715 = arith.index_cast %add3A_703 : i32 to index
          %get3A_716 = arith.constant 16 : index
          %get3A_717 = tpu.vector_load %arg17[%get3A_715, %get3A_716] {strides = array<i32>} : memref<128x128xf32, #tpu.memory_space<vmem>>, vector<1x16xf32>,
          %get3A_718 = vector.shape_cast %get3A_717 : vector<1x16xf32> to vector<16xf32>
          %mul3A_719 = vector.broadcast %squeeze3A_699 : f32 to vector<16xf32>
          %mul3A_720 = arith.mulf %get3A_718, %mul3A_719 : vector<16xf32>
          %swap3A_721 = arith.index_cast %add3A_703 : i32 to index
          %swap3A_722 = arith.constant 16 : index
          %swap3A_723 = tpu.vector_load %arg17[%swap3A_721, %swap3A_722] {strides = array<i32>} : memref<128x128xf32, #tpu.memory_space<vmem>>, vector<1x16xf32>,
          %swap3A_724 = vector.shape_cast %swap3A_723 : vector<1x16xf32> to vector<16xf32>
          %swap3A_725 = vector.shape_cast %mul3A_720 : vector<16xf32> to vector<1x16xf32>
          tpu.vector_store %arg17[%swap3A_721, %swap3A_722], %swap3A_725 {strides = array<i32>} : memref<128x128xf32, #tpu.memory_space<vmem>>, vector<1x16xf32>,
          %get3A_726 = arith.index_cast %add3A_703 : i32 to index
          %get3A_727 = arith.constant 32 : index
          %get3A_728 = tpu.vector_load %arg17[%get3A_726, %get3A_727] {strides = array<i32>} : memref<128x128xf32, #tpu.memory_space<vmem>>, vector<1x16xf32>,
          %get3A_729 = vector.shape_cast %get3A_728 : vector<1x16xf32> to vector<16xf32>
          %mul3A_730 = vector.broadcast %squeeze3A_699 : f32 to vector<16xf32>
          %mul3A_731 = arith.mulf %get3A_729, %mul3A_730 : vector<16xf32>
          %swap3A_732 = arith.index_cast %add3A_703 : i32 to index
          %swap3A_733 = arith.constant 32 : index
          %swap3A_734 = tpu.vector_load %arg17[%swap3A_732, %swap3A_733] {strides = array<i32>} : memref<128x128xf32, #tpu.memory_space<vmem>>, vector<1x16xf32>,
          %swap3A_735 = vector.shape_cast %swap3A_734 : vector<1x16xf32> to vector<16xf32>
          %swap3A_736 = vector.shape_cast %mul3A_731 : vector<16xf32> to vector<1x16xf32>
          tpu.vector_store %arg17[%swap3A_732, %swap3A_733], %swap3A_736 {strides = array<i32>} : memref<128x128xf32, #tpu.memory_space<vmem>>, vector<1x16xf32>,
          %get3A_737 = arith.index_cast %add3A_703 : i32 to index
          %get3A_738 = arith.constant 48 : index
          %get3A_739 = tpu.vector_load %arg17[%get3A_737, %get3A_738] {strides = array<i32>} : memref<128x128xf32, #tpu.memory_space<vmem>>, vector<1x16xf32>,
          %get3A_740 = vector.shape_cast %get3A_739 : vector<1x16xf32> to vector<16xf32>
          %mul3A_741 = vector.broadcast %squeeze3A_699 : f32 to vector<16xf32>
          %mul3A_742 = arith.mulf %get3A_740, %mul3A_741 : vector<16xf32>
          %swap3A_743 = arith.index_cast %add3A_703 : i32 to index
          %swap3A_744 = arith.constant 48 : index
          %swap3A_745 = tpu.vector_load %arg17[%swap3A_743, %swap3A_744] {strides = array<i32>} : memref<128x128xf32, #tpu.memory_space<vmem>>, vector<1x16xf32>,
          %swap3A_746 = vector.shape_cast %swap3A_745 : vector<1x16xf32> to vector<16xf32>
          %swap3A_747 = vector.shape_cast %mul3A_742 : vector<16xf32> to vector<1x16xf32>
          tpu.vector_store %arg17[%swap3A_743, %swap3A_744], %swap3A_747 {strides = array<i32>} : memref<128x128xf32, #tpu.memory_space<vmem>>, vector<1x16xf32>,
          %get3A_748 = arith.index_cast %add3A_703 : i32 to index
          %get3A_749 = arith.constant 64 : index
          %get3A_750 = tpu.vector_load %arg17[%get3A_748, %get3A_749] {strides = array<i32>} : memref<128x128xf32, #tpu.memory_space<vmem>>, vector<1x16xf32>,
          %get3A_751 = vector.shape_cast %get3A_750 : vector<1x16xf32> to vector<16xf32>
          %mul3A_752 = vector.broadcast %squeeze3A_699 : f32 to vector<16xf32>
          %mul3A_753 = arith.mulf %get3A_751, %mul3A_752 : vector<16xf32>
          %swap3A_754 = arith.index_cast %add3A_703 : i32 to index
          %swap3A_755 = arith.constant 64 : index
          %swap3A_756 = tpu.vector_load %arg17[%swap3A_754, %swap3A_755] {strides = array<i32>} : memref<128x128xf32, #tpu.memory_space<vmem>>, vector<1x16xf32>,
          %swap3A_757 = vector.shape_cast %swap3A_756 : vector<1x16xf32> to vector<16xf32>
          %swap3A_758 = vector.shape_cast %mul3A_753 : vector<16xf32> to vector<1x16xf32>
          tpu.vector_store %arg17[%swap3A_754, %swap3A_755], %swap3A_758 {strides = array<i32>} : memref<128x128xf32, #tpu.memory_space<vmem>>, vector<1x16xf32>,
          %get3A_759 = arith.index_cast %add3A_703 : i32 to index
          %get3A_760 = arith.constant 80 : index
          %get3A_761 = tpu.vector_load %arg17[%get3A_759, %get3A_760] {strides = array<i32>} : memref<128x128xf32, #tpu.memory_space<vmem>>, vector<1x16xf32>,
          %get3A_762 = vector.shape_cast %get3A_761 : vector<1x16xf32> to vector<16xf32>
          %mul3A_763 = vector.broadcast %squeeze3A_699 : f32 to vector<16xf32>
          %mul3A_764 = arith.mulf %get3A_762, %mul3A_763 : vector<16xf32>
          %swap3A_765 = arith.index_cast %add3A_703 : i32 to index
          %swap3A_766 = arith.constant 80 : index
          %swap3A_767 = tpu.vector_load %arg17[%swap3A_765, %swap3A_766] {strides = array<i32>} : memref<128x128xf32, #tpu.memory_space<vmem>>, vector<1x16xf32>,
          %swap3A_768 = vector.shape_cast %swap3A_767 : vector<1x16xf32> to vector<16xf32>
          %swap3A_769 = vector.shape_cast %mul3A_764 : vector<16xf32> to vector<1x16xf32>
          tpu.vector_store %arg17[%swap3A_765, %swap3A_766], %swap3A_769 {strides = array<i32>} : memref<128x128xf32, #tpu.memory_space<vmem>>, vector<1x16xf32>,
          %get3A_770 = arith.index_cast %add3A_703 : i32 to index
          %get3A_771 = arith.constant 96 : index
          %get3A_772 = tpu.vector_load %arg17[%get3A_770, %get3A_771] {strides = array<i32>} : memref<128x128xf32, #tpu.memory_space<vmem>>, vector<1x16xf32>,
          %get3A_773 = vector.shape_cast %get3A_772 : vector<1x16xf32> to vector<16xf32>
          %mul3A_774 = vector.broadcast %squeeze3A_699 : f32 to vector<16xf32>
          %mul3A_775 = arith.mulf %get3A_773, %mul3A_774 : vector<16xf32>
          %swap3A_776 = arith.index_cast %add3A_703 : i32 to index
          %swap3A_777 = arith.constant 96 : index
          %swap3A_778 = tpu.vector_load %arg17[%swap3A_776, %swap3A_777] {strides = array<i32>} : memref<128x128xf32, #tpu.memory_space<vmem>>, vector<1x16xf32>,
          %swap3A_779 = vector.shape_cast %swap3A_778 : vector<1x16xf32> to vector<16xf32>
          %swap3A_780 = vector.shape_cast %mul3A_775 : vector<16xf32> to vector<1x16xf32>
          tpu.vector_store %arg17[%swap3A_776, %swap3A_777], %swap3A_780 {strides = array<i32>} : memref<128x128xf32, #tpu.memory_space<vmem>>, vector<1x16xf32>,
          %get3A_781 = arith.index_cast %add3A_703 : i32 to index
          %get3A_782 = arith.constant 112 : index
          %get3A_783 = tpu.vector_load %arg17[%get3A_781, %get3A_782] {strides = array<i32>} : memref<128x128xf32, #tpu.memory_space<vmem>>, vector<1x16xf32>,
          %get3A_784 = vector.shape_cast %get3A_783 : vector<1x16xf32> to vector<16xf32>
          %mul3A_785 = vector.broadcast %squeeze3A_699 : f32 to vector<16xf32>
          %mul3A_786 = arith.mulf %get3A_784, %mul3A_785 : vector<16xf32>
          %swap3A_787 = arith.index_cast %add3A_703 : i32 to index
          %swap3A_788 = arith.constant 112 : index
          %swap3A_789 = tpu.vector_load %arg17[%swap3A_787, %swap3A_788] {strides = array<i32>} : memref<128x128xf32, #tpu.memory_space<vmem>>, vector<1x16xf32>,
          %swap3A_790 = vector.shape_cast %swap3A_789 : vector<1x16xf32> to vector<16xf32>
          %swap3A_791 = vector.shape_cast %mul3A_786 : vector<16xf32> to vector<1x16xf32>
          tpu.vector_store %arg17[%swap3A_787, %swap3A_788], %swap3A_791 {strides = array<i32>} : memref<128x128xf32, #tpu.memory_space<vmem>>, vector<1x16xf32>,
          %slice3A_792 = vector.extract_strided_slice %get3A_136 {offsets = [7], sizes = [1], strides = [1]} : vector<16xf32> to vector<1xf32>
          %squeeze3A_793 = vector.extract %slice3A_792[0] : f32 from vector<1xf32>
          %mul3A_794 = arith.constant 16 : i32
          %mul3A_795 = arith.muli %scan3A_130, %mul3A_794 : i32
          %add3A_796 = arith.constant 7 : i32
          %add3A_797 = arith.addi %mul3A_795, %add3A_796 : i32
          %get3A_798 = arith.index_cast %add3A_797 : i32 to index
          %get3A_799 = arith.constant 0 : index
          %get3A_800 = tpu.vector_load %arg17[%get3A_798, %get3A_799] {strides = array<i32>} : memref<128x128xf32, #tpu.memory_space<vmem>>, vector<1x16xf32>,
          %get3A_801 = vector.shape_cast %get3A_800 : vector<1x16xf32> to vector<16xf32>
          %mul3A_802 = vector.broadcast %squeeze3A_793 : f32 to vector<16xf32>
          %mul3A_803 = arith.mulf %get3A_801, %mul3A_802 : vector<16xf32>
          %swap3A_804 = arith.index_cast %add3A_797 : i32 to index
          %swap3A_805 = arith.constant 0 : index
          %swap3A_806 = tpu.vector_load %arg17[%swap3A_804, %swap3A_805] {strides = array<i32>} : memref<128x128xf32, #tpu.memory_space<vmem>>, vector<1x16xf32>,
          %swap3A_807 = vector.shape_cast %swap3A_806 : vector<1x16xf32> to vector<16xf32>
          %swap3A_808 = vector.shape_cast %mul3A_803 : vector<16xf32> to vector<1x16xf32>
          tpu.vector_store %arg17[%swap3A_804, %swap3A_805], %swap3A_808 {strides = array<i32>} : memref<128x128xf32, #tpu.memory_space<vmem>>, vector<1x16xf32>,
          %get3A_809 = arith.index_cast %add3A_797 : i32 to index
          %get3A_810 = arith.constant 16 : index
          %get3A_811 = tpu.vector_load %arg17[%get3A_809, %get3A_810] {strides = array<i32>} : memref<128x128xf32, #tpu.memory_space<vmem>>, vector<1x16xf32>,
          %get3A_812 = vector.shape_cast %get3A_811 : vector<1x16xf32> to vector<16xf32>
          %mul3A_813 = vector.broadcast %squeeze3A_793 : f32 to vector<16xf32>
          %mul3A_814 = arith.mulf %get3A_812, %mul3A_813 : vector<16xf32>
          %swap3A_815 = arith.index_cast %add3A_797 : i32 to index
          %swap3A_816 = arith.constant 16 : index
          %swap3A_817 = tpu.vector_load %arg17[%swap3A_815, %swap3A_816] {strides = array<i32>} : memref<128x128xf32, #tpu.memory_space<vmem>>, vector<1x16xf32>,
          %swap3A_818 = vector.shape_cast %swap3A_817 : vector<1x16xf32> to vector<16xf32>
          %swap3A_819 = vector.shape_cast %mul3A_814 : vector<16xf32> to vector<1x16xf32>
          tpu.vector_store %arg17[%swap3A_815, %swap3A_816], %swap3A_819 {strides = array<i32>} : memref<128x128xf32, #tpu.memory_space<vmem>>, vector<1x16xf32>,
          %get3A_820 = arith.index_cast %add3A_797 : i32 to index
          %get3A_821 = arith.constant 32 : index
          %get3A_822 = tpu.vector_load %arg17[%get3A_820, %get3A_821] {strides = array<i32>} : memref<128x128xf32, #tpu.memory_space<vmem>>, vector<1x16xf32>,
          %get3A_823 = vector.shape_cast %get3A_822 : vector<1x16xf32> to vector<16xf32>
          %mul3A_824 = vector.broadcast %squeeze3A_793 : f32 to vector<16xf32>
          %mul3A_825 = arith.mulf %get3A_823, %mul3A_824 : vector<16xf32>
          %swap3A_826 = arith.index_cast %add3A_797 : i32 to index
          %swap3A_827 = arith.constant 32 : index
          %swap3A_828 = tpu.vector_load %arg17[%swap3A_826, %swap3A_827] {strides = array<i32>} : memref<128x128xf32, #tpu.memory_space<vmem>>, vector<1x16xf32>,
          %swap3A_829 = vector.shape_cast %swap3A_828 : vector<1x16xf32> to vector<16xf32>
          %swap3A_830 = vector.shape_cast %mul3A_825 : vector<16xf32> to vector<1x16xf32>
          tpu.vector_store %arg17[%swap3A_826, %swap3A_827], %swap3A_830 {strides = array<i32>} : memref<128x128xf32, #tpu.memory_space<vmem>>, vector<1x16xf32>,
          %get3A_831 = arith.index_cast %add3A_797 : i32 to index
          %get3A_832 = arith.constant 48 : index
          %get3A_833 = tpu.vector_load %arg17[%get3A_831, %get3A_832] {strides = array<i32>} : memref<128x128xf32, #tpu.memory_space<vmem>>, vector<1x16xf32>,
          %get3A_834 = vector.shape_cast %get3A_833 : vector<1x16xf32> to vector<16xf32>
          %mul3A_835 = vector.broadcast %squeeze3A_793 : f32 to vector<16xf32>
          %mul3A_836 = arith.mulf %get3A_834, %mul3A_835 : vector<16xf32>
          %swap3A_837 = arith.index_cast %add3A_797 : i32 to index
          %swap3A_838 = arith.constant 48 : index
          %swap3A_839 = tpu.vector_load %arg17[%swap3A_837, %swap3A_838] {strides = array<i32>} : memref<128x128xf32, #tpu.memory_space<vmem>>, vector<1x16xf32>,
          %swap3A_840 = vector.shape_cast %swap3A_839 : vector<1x16xf32> to vector<16xf32>
          %swap3A_841 = vector.shape_cast %mul3A_836 : vector<16xf32> to vector<1x16xf32>
          tpu.vector_store %arg17[%swap3A_837, %swap3A_838], %swap3A_841 {strides = array<i32>} : memref<128x128xf32, #tpu.memory_space<vmem>>, vector<1x16xf32>,
          %get3A_842 = arith.index_cast %add3A_797 : i32 to index
          %get3A_843 = arith.constant 64 : index
          %get3A_844 = tpu.vector_load %arg17[%get3A_842, %get3A_843] {strides = array<i32>} : memref<128x128xf32, #tpu.memory_space<vmem>>, vector<1x16xf32>,
          %get3A_845 = vector.shape_cast %get3A_844 : vector<1x16xf32> to vector<16xf32>
          %mul3A_846 = vector.broadcast %squeeze3A_793 : f32 to vector<16xf32>
          %mul3A_847 = arith.mulf %get3A_845, %mul3A_846 : vector<16xf32>
          %swap3A_848 = arith.index_cast %add3A_797 : i32 to index
          %swap3A_849 = arith.constant 64 : index
          %swap3A_850 = tpu.vector_load %arg17[%swap3A_848, %swap3A_849] {strides = array<i32>} : memref<128x128xf32, #tpu.memory_space<vmem>>, vector<1x16xf32>,
          %swap3A_851 = vector.shape_cast %swap3A_850 : vector<1x16xf32> to vector<16xf32>
          %swap3A_852 = vector.shape_cast %mul3A_847 : vector<16xf32> to vector<1x16xf32>
          tpu.vector_store %arg17[%swap3A_848, %swap3A_849], %swap3A_852 {strides = array<i32>} : memref<128x128xf32, #tpu.memory_space<vmem>>, vector<1x16xf32>,
          %get3A_853 = arith.index_cast %add3A_797 : i32 to index
          %get3A_854 = arith.constant 80 : index
          %get3A_855 = tpu.vector_load %arg17[%get3A_853, %get3A_854] {strides = array<i32>} : memref<128x128xf32, #tpu.memory_space<vmem>>, vector<1x16xf32>,
          %get3A_856 = vector.shape_cast %get3A_855 : vector<1x16xf32> to vector<16xf32>
          %mul3A_857 = vector.broadcast %squeeze3A_793 : f32 to vector<16xf32>
          %mul3A_858 = arith.mulf %get3A_856, %mul3A_857 : vector<16xf32>
          %swap3A_859 = arith.index_cast %add3A_797 : i32 to index
          %swap3A_860 = arith.constant 80 : index
          %swap3A_861 = tpu.vector_load %arg17[%swap3A_859, %swap3A_860] {strides = array<i32>} : memref<128x128xf32, #tpu.memory_space<vmem>>, vector<1x16xf32>,
          %swap3A_862 = vector.shape_cast %swap3A_861 : vector<1x16xf32> to vector<16xf32>
          %swap3A_863 = vector.shape_cast %mul3A_858 : vector<16xf32> to vector<1x16xf32>
          tpu.vector_store %arg17[%swap3A_859, %swap3A_860], %swap3A_863 {strides = array<i32>} : memref<128x128xf32, #tpu.memory_space<vmem>>, vector<1x16xf32>,
          %get3A_864 = arith.index_cast %add3A_797 : i32 to index
          %get3A_865 = arith.constant 96 : index
          %get3A_866 = tpu.vector_load %arg17[%get3A_864, %get3A_865] {strides = array<i32>} : memref<128x128xf32, #tpu.memory_space<vmem>>, vector<1x16xf32>,
          %get3A_867 = vector.shape_cast %get3A_866 : vector<1x16xf32> to vector<16xf32>
          %mul3A_868 = vector.broadcast %squeeze3A_793 : f32 to vector<16xf32>
          %mul3A_869 = arith.mulf %get3A_867, %mul3A_868 : vector<16xf32>
          %swap3A_870 = arith.index_cast %add3A_797 : i32 to index
          %swap3A_871 = arith.constant 96 : index
          %swap3A_872 = tpu.vector_load %arg17[%swap3A_870, %swap3A_871] {strides = array<i32>} : memref<128x128xf32, #tpu.memory_space<vmem>>, vector<1x16xf32>,
          %swap3A_873 = vector.shape_cast %swap3A_872 : vector<1x16xf32> to vector<16xf32>
          %swap3A_874 = vector.shape_cast %mul3A_869 : vector<16xf32> to vector<1x16xf32>
          tpu.vector_store %arg17[%swap3A_870, %swap3A_871], %swap3A_874 {strides = array<i32>} : memref<128x128xf32, #tpu.memory_space<vmem>>, vector<1x16xf32>,
          %get3A_875 = arith.index_cast %add3A_797 : i32 to index
          %get3A_876 = arith.constant 112 : index
          %get3A_877 = tpu.vector_load %arg17[%get3A_875, %get3A_876] {strides = array<i32>} : memref<128x128xf32, #tpu.memory_space<vmem>>, vector<1x16xf32>,
          %get3A_878 = vector.shape_cast %get3A_877 : vector<1x16xf32> to vector<16xf32>
          %mul3A_879 = vector.broadcast %squeeze3A_793 : f32 to vector<16xf32>
          %mul3A_880 = arith.mulf %get3A_878, %mul3A_879 : vector<16xf32>
          %swap3A_881 = arith.index_cast %add3A_797 : i32 to index
          %swap3A_882 = arith.constant 112 : index
          %swap3A_883 = tpu.vector_load %arg17[%swap3A_881, %swap3A_882] {strides = array<i32>} : memref<128x128xf32, #tpu.memory_space<vmem>>, vector<1x16xf32>,
          %swap3A_884 = vector.shape_cast %swap3A_883 : vector<1x16xf32> to vector<16xf32>
          %swap3A_885 = vector.shape_cast %mul3A_880 : vector<16xf32> to vector<1x16xf32>
          tpu.vector_store %arg17[%swap3A_881, %swap3A_882], %swap3A_885 {strides = array<i32>} : memref<128x128xf32, #tpu.memory_space<vmem>>, vector<1x16xf32>,
          %slice3A_886 = vector.extract_strided_slice %get3A_136 {offsets = [8], sizes = [1], strides = [1]} : vector<16xf32> to vector<1xf32>
          %squeeze3A_887 = vector.extract %slice3A_886[0] : f32 from vector<1xf32>
          %mul3A_888 = arith.constant 16 : i32
          %mul3A_889 = arith.muli %scan3A_130, %mul3A_888 : i32
          %add3A_890 = arith.constant 8 : i32
          %add3A_891 = arith.addi %mul3A_889, %add3A_890 : i32
          %get3A_892 = arith.index_cast %add3A_891 : i32 to index
          %get3A_893 = arith.constant 0 : index
          %get3A_894 = tpu.vector_load %arg17[%get3A_892, %get3A_893] {strides = array<i32>} : memref<128x128xf32, #tpu.memory_space<vmem>>, vector<1x16xf32>,
          %get3A_895 = vector.shape_cast %get3A_894 : vector<1x16xf32> to vector<16xf32>
          %mul3A_896 = vector.broadcast %squeeze3A_887 : f32 to vector<16xf32>
          %mul3A_897 = arith.mulf %get3A_895, %mul3A_896 : vector<16xf32>
          %swap3A_898 = arith.index_cast %add3A_891 : i32 to index
          %swap3A_899 = arith.constant 0 : index
          %swap3A_900 = tpu.vector_load %arg17[%swap3A_898, %swap3A_899] {strides = array<i32>} : memref<128x128xf32, #tpu.memory_space<vmem>>, vector<1x16xf32>,
          %swap3A_901 = vector.shape_cast %swap3A_900 : vector<1x16xf32> to vector<16xf32>
          %swap3A_902 = vector.shape_cast %mul3A_897 : vector<16xf32> to vector<1x16xf32>
          tpu.vector_store %arg17[%swap3A_898, %swap3A_899], %swap3A_902 {strides = array<i32>} : memref<128x128xf32, #tpu.memory_space<vmem>>, vector<1x16xf32>,
          %get3A_903 = arith.index_cast %add3A_891 : i32 to index
          %get3A_904 = arith.constant 16 : index
          %get3A_905 = tpu.vector_load %arg17[%get3A_903, %get3A_904] {strides = array<i32>} : memref<128x128xf32, #tpu.memory_space<vmem>>, vector<1x16xf32>,
          %get3A_906 = vector.shape_cast %get3A_905 : vector<1x16xf32> to vector<16xf32>
          %mul3A_907 = vector.broadcast %squeeze3A_887 : f32 to vector<16xf32>
          %mul3A_908 = arith.mulf %get3A_906, %mul3A_907 : vector<16xf32>
          %swap3A_909 = arith.index_cast %add3A_891 : i32 to index
          %swap3A_910 = arith.constant 16 : index
          %swap3A_911 = tpu.vector_load %arg17[%swap3A_909, %swap3A_910] {strides = array<i32>} : memref<128x128xf32, #tpu.memory_space<vmem>>, vector<1x16xf32>,
          %swap3A_912 = vector.shape_cast %swap3A_911 : vector<1x16xf32> to vector<16xf32>
          %swap3A_913 = vector.shape_cast %mul3A_908 : vector<16xf32> to vector<1x16xf32>
          tpu.vector_store %arg17[%swap3A_909, %swap3A_910], %swap3A_913 {strides = array<i32>} : memref<128x128xf32, #tpu.memory_space<vmem>>, vector<1x16xf32>,
          %get3A_914 = arith.index_cast %add3A_891 : i32 to index
          %get3A_915 = arith.constant 32 : index
          %get3A_916 = tpu.vector_load %arg17[%get3A_914, %get3A_915] {strides = array<i32>} : memref<128x128xf32, #tpu.memory_space<vmem>>, vector<1x16xf32>,
          %get3A_917 = vector.shape_cast %get3A_916 : vector<1x16xf32> to vector<16xf32>
          %mul3A_918 = vector.broadcast %squeeze3A_887 : f32 to vector<16xf32>
          %mul3A_919 = arith.mulf %get3A_917, %mul3A_918 : vector<16xf32>
          %swap3A_920 = arith.index_cast %add3A_891 : i32 to index
          %swap3A_921 = arith.constant 32 : index
          %swap3A_922 = tpu.vector_load %arg17[%swap3A_920, %swap3A_921] {strides = array<i32>} : memref<128x128xf32, #tpu.memory_space<vmem>>, vector<1x16xf32>,
          %swap3A_923 = vector.shape_cast %swap3A_922 : vector<1x16xf32> to vector<16xf32>
          %swap3A_924 = vector.shape_cast %mul3A_919 : vector<16xf32> to vector<1x16xf32>
          tpu.vector_store %arg17[%swap3A_920, %swap3A_921], %swap3A_924 {strides = array<i32>} : memref<128x128xf32, #tpu.memory_space<vmem>>, vector<1x16xf32>,
          %get3A_925 = arith.index_cast %add3A_891 : i32 to index
          %get3A_926 = arith.constant 48 : index
          %get3A_927 = tpu.vector_load %arg17[%get3A_925, %get3A_926] {strides = array<i32>} : memref<128x128xf32, #tpu.memory_space<vmem>>, vector<1x16xf32>,
          %get3A_928 = vector.shape_cast %get3A_927 : vector<1x16xf32> to vector<16xf32>
          %mul3A_929 = vector.broadcast %squeeze3A_887 : f32 to vector<16xf32>
          %mul3A_930 = arith.mulf %get3A_928, %mul3A_929 : vector<16xf32>
          %swap3A_931 = arith.index_cast %add3A_891 : i32 to index
          %swap3A_932 = arith.constant 48 : index
          %swap3A_933 = tpu.vector_load %arg17[%swap3A_931, %swap3A_932] {strides = array<i32>} : memref<128x128xf32, #tpu.memory_space<vmem>>, vector<1x16xf32>,
          %swap3A_934 = vector.shape_cast %swap3A_933 : vector<1x16xf32> to vector<16xf32>
          %swap3A_935 = vector.shape_cast %mul3A_930 : vector<16xf32> to vector<1x16xf32>
          tpu.vector_store %arg17[%swap3A_931, %swap3A_932], %swap3A_935 {strides = array<i32>} : memref<128x128xf32, #tpu.memory_space<vmem>>, vector<1x16xf32>,
          %get3A_936 = arith.index_cast %add3A_891 : i32 to index
          %get3A_937 = arith.constant 64 : index
          %get3A_938 = tpu.vector_load %arg17[%get3A_936, %get3A_937] {strides = array<i32>} : memref<128x128xf32, #tpu.memory_space<vmem>>, vector<1x16xf32>,
          %get3A_939 = vector.shape_cast %get3A_938 : vector<1x16xf32> to vector<16xf32>
          %mul3A_940 = vector.broadcast %squeeze3A_887 : f32 to vector<16xf32>
          %mul3A_941 = arith.mulf %get3A_939, %mul3A_940 : vector<16xf32>
          %swap3A_942 = arith.index_cast %add3A_891 : i32 to index
          %swap3A_943 = arith.constant 64 : index
          %swap3A_944 = tpu.vector_load %arg17[%swap3A_942, %swap3A_943] {strides = array<i32>} : memref<128x128xf32, #tpu.memory_space<vmem>>, vector<1x16xf32>,
          %swap3A_945 = vector.shape_cast %swap3A_944 : vector<1x16xf32> to vector<16xf32>
          %swap3A_946 = vector.shape_cast %mul3A_941 : vector<16xf32> to vector<1x16xf32>
          tpu.vector_store %arg17[%swap3A_942, %swap3A_943], %swap3A_946 {strides = array<i32>} : memref<128x128xf32, #tpu.memory_space<vmem>>, vector<1x16xf32>,
          %get3A_947 = arith.index_cast %add3A_891 : i32 to index
          %get3A_948 = arith.constant 80 : index
          %get3A_949 = tpu.vector_load %arg17[%get3A_947, %get3A_948] {strides = array<i32>} : memref<128x128xf32, #tpu.memory_space<vmem>>, vector<1x16xf32>,
          %get3A_950 = vector.shape_cast %get3A_949 : vector<1x16xf32> to vector<16xf32>
          %mul3A_951 = vector.broadcast %squeeze3A_887 : f32 to vector<16xf32>
          %mul3A_952 = arith.mulf %get3A_950, %mul3A_951 : vector<16xf32>
          %swap3A_953 = arith.index_cast %add3A_891 : i32 to index
          %swap3A_954 = arith.constant 80 : index
          %swap3A_955 = tpu.vector_load %arg17[%swap3A_953, %swap3A_954] {strides = array<i32>} : memref<128x128xf32, #tpu.memory_space<vmem>>, vector<1x16xf32>,
          %swap3A_956 = vector.shape_cast %swap3A_955 : vector<1x16xf32> to vector<16xf32>
          %swap3A_957 = vector.shape_cast %mul3A_952 : vector<16xf32> to vector<1x16xf32>
          tpu.vector_store %arg17[%swap3A_953, %swap3A_954], %swap3A_957 {strides = array<i32>} : memref<128x128xf32, #tpu.memory_space<vmem>>, vector<1x16xf32>,
          %get3A_958 = arith.index_cast %add3A_891 : i32 to index
          %get3A_959 = arith.constant 96 : index
          %get3A_960 = tpu.vector_load %arg17[%get3A_958, %get3A_959] {strides = array<i32>} : memref<128x128xf32, #tpu.memory_space<vmem>>, vector<1x16xf32>,
          %get3A_961 = vector.shape_cast %get3A_960 : vector<1x16xf32> to vector<16xf32>
          %mul3A_962 = vector.broadcast %squeeze3A_887 : f32 to vector<16xf32>
          %mul3A_963 = arith.mulf %get3A_961, %mul3A_962 : vector<16xf32>
          %swap3A_964 = arith.index_cast %add3A_891 : i32 to index
          %swap3A_965 = arith.constant 96 : index
          %swap3A_966 = tpu.vector_load %arg17[%swap3A_964, %swap3A_965] {strides = array<i32>} : memref<128x128xf32, #tpu.memory_space<vmem>>, vector<1x16xf32>,
          %swap3A_967 = vector.shape_cast %swap3A_966 : vector<1x16xf32> to vector<16xf32>
          %swap3A_968 = vector.shape_cast %mul3A_963 : vector<16xf32> to vector<1x16xf32>
          tpu.vector_store %arg17[%swap3A_964, %swap3A_965], %swap3A_968 {strides = array<i32>} : memref<128x128xf32, #tpu.memory_space<vmem>>, vector<1x16xf32>,
          %get3A_969 = arith.index_cast %add3A_891 : i32 to index
          %get3A_970 = arith.constant 112 : index
          %get3A_971 = tpu.vector_load %arg17[%get3A_969, %get3A_970] {strides = array<i32>} : memref<128x128xf32, #tpu.memory_space<vmem>>, vector<1x16xf32>,
          %get3A_972 = vector.shape_cast %get3A_971 : vector<1x16xf32> to vector<16xf32>
          %mul3A_973 = vector.broadcast %squeeze3A_887 : f32 to vector<16xf32>
          %mul3A_974 = arith.mulf %get3A_972, %mul3A_973 : vector<16xf32>
          %swap3A_975 = arith.index_cast %add3A_891 : i32 to index
          %swap3A_976 = arith.constant 112 : index
          %swap3A_977 = tpu.vector_load %arg17[%swap3A_975, %swap3A_976] {strides = array<i32>} : memref<128x128xf32, #tpu.memory_space<vmem>>, vector<1x16xf32>,
          %swap3A_978 = vector.shape_cast %swap3A_977 : vector<1x16xf32> to vector<16xf32>
          %swap3A_979 = vector.shape_cast %mul3A_974 : vector<16xf32> to vector<1x16xf32>
          tpu.vector_store %arg17[%swap3A_975, %swap3A_976], %swap3A_979 {strides = array<i32>} : memref<128x128xf32, #tpu.memory_space<vmem>>, vector<1x16xf32>,
          %slice3A_980 = vector.extract_strided_slice %get3A_136 {offsets = [9], sizes = [1], strides = [1]} : vector<16xf32> to vector<1xf32>
          %squeeze3A_981 = vector.extract %slice3A_980[0] : f32 from vector<1xf32>
          %mul3A_982 = arith.constant 16 : i32
          %mul3A_983 = arith.muli %scan3A_130, %mul3A_982 : i32
          %add3A_984 = arith.constant 9 : i32
          %add3A_985 = arith.addi %mul3A_983, %add3A_984 : i32
          %get3A_986 = arith.index_cast %add3A_985 : i32 to index
          %get3A_987 = arith.constant 0 : index
          %get3A_988 = tpu.vector_load %arg17[%get3A_986, %get3A_987] {strides = array<i32>} : memref<128x128xf32, #tpu.memory_space<vmem>>, vector<1x16xf32>,
          %get3A_989 = vector.shape_cast %get3A_988 : vector<1x16xf32> to vector<16xf32>
          %mul3A_990 = vector.broadcast %squeeze3A_981 : f32 to vector<16xf32>
          %mul3A_991 = arith.mulf %get3A_989, %mul3A_990 : vector<16xf32>
          %swap3A_992 = arith.index_cast %add3A_985 : i32 to index
          %swap3A_993 = arith.constant 0 : index
          %swap3A_994 = tpu.vector_load %arg17[%swap3A_992, %swap3A_993] {strides = array<i32>} : memref<128x128xf32, #tpu.memory_space<vmem>>, vector<1x16xf32>,
          %swap3A_995 = vector.shape_cast %swap3A_994 : vector<1x16xf32> to vector<16xf32>
          %swap3A_996 = vector.shape_cast %mul3A_991 : vector<16xf32> to vector<1x16xf32>
          tpu.vector_store %arg17[%swap3A_992, %swap3A_993], %swap3A_996 {strides = array<i32>} : memref<128x128xf32, #tpu.memory_space<vmem>>, vector<1x16xf32>,
          %get3A_997 = arith.index_cast %add3A_985 : i32 to index
          %get3A_998 = arith.constant 16 : index
          %get3A_999 = tpu.vector_load %arg17[%get3A_997, %get3A_998] {strides = array<i32>} : memref<128x128xf32, #tpu.memory_space<vmem>>, vector<1x16xf32>,
          %get3A_1000 = vector.shape_cast %get3A_999 : vector<1x16xf32> to vector<16xf32>
          %mul3A_1001 = vector.broadcast %squeeze3A_981 : f32 to vector<16xf32>
          %mul3A_1002 = arith.mulf %get3A_1000, %mul3A_1001 : vector<16xf32>
          %swap3A_1003 = arith.index_cast %add3A_985 : i32 to index
          %swap3A_1004 = arith.constant 16 : index
          %swap3A_1005 = tpu.vector_load %arg17[%swap3A_1003, %swap3A_1004] {strides = array<i32>} : memref<128x128xf32, #tpu.memory_space<vmem>>, vector<1x16xf32>,
          %swap3A_1006 = vector.shape_cast %swap3A_1005 : vector<1x16xf32> to vector<16xf32>
          %swap3A_1007 = vector.shape_cast %mul3A_1002 : vector<16xf32> to vector<1x16xf32>
          tpu.vector_store %arg17[%swap3A_1003, %swap3A_1004], %swap3A_1007 {strides = array<i32>} : memref<128x128xf32, #tpu.memory_space<vmem>>, vector<1x16xf32>,
          %get3A_1008 = arith.index_cast %add3A_985 : i32 to index
          %get3A_1009 = arith.constant 32 : index
          %get3A_1010 = tpu.vector_load %arg17[%get3A_1008, %get3A_1009] {strides = array<i32>} : memref<128x128xf32, #tpu.memory_space<vmem>>, vector<1x16xf32>,
          %get3A_1011 = vector.shape_cast %get3A_1010 : vector<1x16xf32> to vector<16xf32>
          %mul3A_1012 = vector.broadcast %squeeze3A_981 : f32 to vector<16xf32>
          %mul3A_1013 = arith.mulf %get3A_1011, %mul3A_1012 : vector<16xf32>
          %swap3A_1014 = arith.index_cast %add3A_985 : i32 to index
          %swap3A_1015 = arith.constant 32 : index
          %swap3A_1016 = tpu.vector_load %arg17[%swap3A_1014, %swap3A_1015] {strides = array<i32>} : memref<128x128xf32, #tpu.memory_space<vmem>>, vector<1x16xf32>,
          %swap3A_1017 = vector.shape_cast %swap3A_1016 : vector<1x16xf32> to vector<16xf32>
          %swap3A_1018 = vector.shape_cast %mul3A_1013 : vector<16xf32> to vector<1x16xf32>
          tpu.vector_store %arg17[%swap3A_1014, %swap3A_1015], %swap3A_1018 {strides = array<i32>} : memref<128x128xf32, #tpu.memory_space<vmem>>, vector<1x16xf32>,
          %get3A_1019 = arith.index_cast %add3A_985 : i32 to index
          %get3A_1020 = arith.constant 48 : index
          %get3A_1021 = tpu.vector_load %arg17[%get3A_1019, %get3A_1020] {strides = array<i32>} : memref<128x128xf32, #tpu.memory_space<vmem>>, vector<1x16xf32>,
          %get3A_1022 = vector.shape_cast %get3A_1021 : vector<1x16xf32> to vector<16xf32>
          %mul3A_1023 = vector.broadcast %squeeze3A_981 : f32 to vector<16xf32>
          %mul3A_1024 = arith.mulf %get3A_1022, %mul3A_1023 : vector<16xf32>
          %swap3A_1025 = arith.index_cast %add3A_985 : i32 to index
          %swap3A_1026 = arith.constant 48 : index
          %swap3A_1027 = tpu.vector_load %arg17[%swap3A_1025, %swap3A_1026] {strides = array<i32>} : memref<128x128xf32, #tpu.memory_space<vmem>>, vector<1x16xf32>,
          %swap3A_1028 = vector.shape_cast %swap3A_1027 : vector<1x16xf32> to vector<16xf32>
          %swap3A_1029 = vector.shape_cast %mul3A_1024 : vector<16xf32> to vector<1x16xf32>
          tpu.vector_store %arg17[%swap3A_1025, %swap3A_1026], %swap3A_1029 {strides = array<i32>} : memref<128x128xf32, #tpu.memory_space<vmem>>, vector<1x16xf32>,
          %get3A_1030 = arith.index_cast %add3A_985 : i32 to index
          %get3A_1031 = arith.constant 64 : index
          %get3A_1032 = tpu.vector_load %arg17[%get3A_1030, %get3A_1031] {strides = array<i32>} : memref<128x128xf32, #tpu.memory_space<vmem>>, vector<1x16xf32>,
          %get3A_1033 = vector.shape_cast %get3A_1032 : vector<1x16xf32> to vector<16xf32>
          %mul3A_1034 = vector.broadcast %squeeze3A_981 : f32 to vector<16xf32>
          %mul3A_1035 = arith.mulf %get3A_1033, %mul3A_1034 : vector<16xf32>
          %swap3A_1036 = arith.index_cast %add3A_985 : i32 to index
          %swap3A_1037 = arith.constant 64 : index
          %swap3A_1038 = tpu.vector_load %arg17[%swap3A_1036, %swap3A_1037] {strides = array<i32>} : memref<128x128xf32, #tpu.memory_space<vmem>>, vector<1x16xf32>,
          %swap3A_1039 = vector.shape_cast %swap3A_1038 : vector<1x16xf32> to vector<16xf32>
          %swap3A_1040 = vector.shape_cast %mul3A_1035 : vector<16xf32> to vector<1x16xf32>
          tpu.vector_store %arg17[%swap3A_1036, %swap3A_1037], %swap3A_1040 {strides = array<i32>} : memref<128x128xf32, #tpu.memory_space<vmem>>, vector<1x16xf32>,
          %get3A_1041 = arith.index_cast %add3A_985 : i32 to index
          %get3A_1042 = arith.constant 80 : index
          %get3A_1043 = tpu.vector_load %arg17[%get3A_1041, %get3A_1042] {strides = array<i32>} : memref<128x128xf32, #tpu.memory_space<vmem>>, vector<1x16xf32>,
          %get3A_1044 = vector.shape_cast %get3A_1043 : vector<1x16xf32> to vector<16xf32>
          %mul3A_1045 = vector.broadcast %squeeze3A_981 : f32 to vector<16xf32>
          %mul3A_1046 = arith.mulf %get3A_1044, %mul3A_1045 : vector<16xf32>
          %swap3A_1047 = arith.index_cast %add3A_985 : i32 to index
          %swap3A_1048 = arith.constant 80 : index
          %swap3A_1049 = tpu.vector_load %arg17[%swap3A_1047, %swap3A_1048] {strides = array<i32>} : memref<128x128xf32, #tpu.memory_space<vmem>>, vector<1x16xf32>,
          %swap3A_1050 = vector.shape_cast %swap3A_1049 : vector<1x16xf32> to vector<16xf32>
          %swap3A_1051 = vector.shape_cast %mul3A_1046 : vector<16xf32> to vector<1x16xf32>
          tpu.vector_store %arg17[%swap3A_1047, %swap3A_1048], %swap3A_1051 {strides = array<i32>} : memref<128x128xf32, #tpu.memory_space<vmem>>, vector<1x16xf32>,
          %get3A_1052 = arith.index_cast %add3A_985 : i32 to index
          %get3A_1053 = arith.constant 96 : index
          %get3A_1054 = tpu.vector_load %arg17[%get3A_1052, %get3A_1053] {strides = array<i32>} : memref<128x128xf32, #tpu.memory_space<vmem>>, vector<1x16xf32>,
          %get3A_1055 = vector.shape_cast %get3A_1054 : vector<1x16xf32> to vector<16xf32>
          %mul3A_1056 = vector.broadcast %squeeze3A_981 : f32 to vector<16xf32>
          %mul3A_1057 = arith.mulf %get3A_1055, %mul3A_1056 : vector<16xf32>
          %swap3A_1058 = arith.index_cast %add3A_985 : i32 to index
          %swap3A_1059 = arith.constant 96 : index
          %swap3A_1060 = tpu.vector_load %arg17[%swap3A_1058, %swap3A_1059] {strides = array<i32>} : memref<128x128xf32, #tpu.memory_space<vmem>>, vector<1x16xf32>,
          %swap3A_1061 = vector.shape_cast %swap3A_1060 : vector<1x16xf32> to vector<16xf32>
          %swap3A_1062 = vector.shape_cast %mul3A_1057 : vector<16xf32> to vector<1x16xf32>
          tpu.vector_store %arg17[%swap3A_1058, %swap3A_1059], %swap3A_1062 {strides = array<i32>} : memref<128x128xf32, #tpu.memory_space<vmem>>, vector<1x16xf32>,
          %get3A_1063 = arith.index_cast %add3A_985 : i32 to index
          %get3A_1064 = arith.constant 112 : index
          %get3A_1065 = tpu.vector_load %arg17[%get3A_1063, %get3A_1064] {strides = array<i32>} : memref<128x128xf32, #tpu.memory_space<vmem>>, vector<1x16xf32>,
          %get3A_1066 = vector.shape_cast %get3A_1065 : vector<1x16xf32> to vector<16xf32>
          %mul3A_1067 = vector.broadcast %squeeze3A_981 : f32 to vector<16xf32>
          %mul3A_1068 = arith.mulf %get3A_1066, %mul3A_1067 : vector<16xf32>
          %swap3A_1069 = arith.index_cast %add3A_985 : i32 to index
          %swap3A_1070 = arith.constant 112 : index
          %swap3A_1071 = tpu.vector_load %arg17[%swap3A_1069, %swap3A_1070] {strides = array<i32>} : memref<128x128xf32, #tpu.memory_space<vmem>>, vector<1x16xf32>,
          %swap3A_1072 = vector.shape_cast %swap3A_1071 : vector<1x16xf32> to vector<16xf32>
          %swap3A_1073 = vector.shape_cast %mul3A_1068 : vector<16xf32> to vector<1x16xf32>
          tpu.vector_store %arg17[%swap3A_1069, %swap3A_1070], %swap3A_1073 {strides = array<i32>} : memref<128x128xf32, #tpu.memory_space<vmem>>, vector<1x16xf32>,
          %slice3A_1074 = vector.extract_strided_slice %get3A_136 {offsets = [10], sizes = [1], strides = [1]} : vector<16xf32> to vector<1xf32>
          %squeeze3A_1075 = vector.extract %slice3A_1074[0] : f32 from vector<1xf32>
          %mul3A_1076 = arith.constant 16 : i32
          %mul3A_1077 = arith.muli %scan3A_130, %mul3A_1076 : i32
          %add3A_1078 = arith.constant 10 : i32
          %add3A_1079 = arith.addi %mul3A_1077, %add3A_1078 : i32
          %get3A_1080 = arith.index_cast %add3A_1079 : i32 to index
          %get3A_1081 = arith.constant 0 : index
          %get3A_1082 = tpu.vector_load %arg17[%get3A_1080, %get3A_1081] {strides = array<i32>} : memref<128x128xf32, #tpu.memory_space<vmem>>, vector<1x16xf32>,
          %get3A_1083 = vector.shape_cast %get3A_1082 : vector<1x16xf32> to vector<16xf32>
          %mul3A_1084 = vector.broadcast %squeeze3A_1075 : f32 to vector<16xf32>
          %mul3A_1085 = arith.mulf %get3A_1083, %mul3A_1084 : vector<16xf32>
          %swap3A_1086 = arith.index_cast %add3A_1079 : i32 to index
          %swap3A_1087 = arith.constant 0 : index
          %swap3A_1088 = tpu.vector_load %arg17[%swap3A_1086, %swap3A_1087] {strides = array<i32>} : memref<128x128xf32, #tpu.memory_space<vmem>>, vector<1x16xf32>,
          %swap3A_1089 = vector.shape_cast %swap3A_1088 : vector<1x16xf32> to vector<16xf32>
          %swap3A_1090 = vector.shape_cast %mul3A_1085 : vector<16xf32> to vector<1x16xf32>
          tpu.vector_store %arg17[%swap3A_1086, %swap3A_1087], %swap3A_1090 {strides = array<i32>} : memref<128x128xf32, #tpu.memory_space<vmem>>, vector<1x16xf32>,
          %get3A_1091 = arith.index_cast %add3A_1079 : i32 to index
          %get3A_1092 = arith.constant 16 : index
          %get3A_1093 = tpu.vector_load %arg17[%get3A_1091, %get3A_1092] {strides = array<i32>} : memref<128x128xf32, #tpu.memory_space<vmem>>, vector<1x16xf32>,
          %get3A_1094 = vector.shape_cast %get3A_1093 : vector<1x16xf32> to vector<16xf32>
          %mul3A_1095 = vector.broadcast %squeeze3A_1075 : f32 to vector<16xf32>
          %mul3A_1096 = arith.mulf %get3A_1094, %mul3A_1095 : vector<16xf32>
          %swap3A_1097 = arith.index_cast %add3A_1079 : i32 to index
          %swap3A_1098 = arith.constant 16 : index
          %swap3A_1099 = tpu.vector_load %arg17[%swap3A_1097, %swap3A_1098] {strides = array<i32>} : memref<128x128xf32, #tpu.memory_space<vmem>>, vector<1x16xf32>,
          %swap3A_1100 = vector.shape_cast %swap3A_1099 : vector<1x16xf32> to vector<16xf32>
          %swap3A_1101 = vector.shape_cast %mul3A_1096 : vector<16xf32> to vector<1x16xf32>
          tpu.vector_store %arg17[%swap3A_1097, %swap3A_1098], %swap3A_1101 {strides = array<i32>} : memref<128x128xf32, #tpu.memory_space<vmem>>, vector<1x16xf32>,
          %get3A_1102 = arith.index_cast %add3A_1079 : i32 to index
          %get3A_1103 = arith.constant 32 : index
          %get3A_1104 = tpu.vector_load %arg17[%get3A_1102, %get3A_1103] {strides = array<i32>} : memref<128x128xf32, #tpu.memory_space<vmem>>, vector<1x16xf32>,
          %get3A_1105 = vector.shape_cast %get3A_1104 : vector<1x16xf32> to vector<16xf32>
          %mul3A_1106 = vector.broadcast %squeeze3A_1075 : f32 to vector<16xf32>
          %mul3A_1107 = arith.mulf %get3A_1105, %mul3A_1106 : vector<16xf32>
          %swap3A_1108 = arith.index_cast %add3A_1079 : i32 to index
          %swap3A_1109 = arith.constant 32 : index
          %swap3A_1110 = tpu.vector_load %arg17[%swap3A_1108, %swap3A_1109] {strides = array<i32>} : memref<128x128xf32, #tpu.memory_space<vmem>>, vector<1x16xf32>,
          %swap3A_1111 = vector.shape_cast %swap3A_1110 : vector<1x16xf32> to vector<16xf32>
          %swap3A_1112 = vector.shape_cast %mul3A_1107 : vector<16xf32> to vector<1x16xf32>
          tpu.vector_store %arg17[%swap3A_1108, %swap3A_1109], %swap3A_1112 {strides = array<i32>} : memref<128x128xf32, #tpu.memory_space<vmem>>, vector<1x16xf32>,
          %get3A_1113 = arith.index_cast %add3A_1079 : i32 to index
          %get3A_1114 = arith.constant 48 : index
          %get3A_1115 = tpu.vector_load %arg17[%get3A_1113, %get3A_1114] {strides = array<i32>} : memref<128x128xf32, #tpu.memory_space<vmem>>, vector<1x16xf32>,
          %get3A_1116 = vector.shape_cast %get3A_1115 : vector<1x16xf32> to vector<16xf32>
          %mul3A_1117 = vector.broadcast %squeeze3A_1075 : f32 to vector<16xf32>
          %mul3A_1118 = arith.mulf %get3A_1116, %mul3A_1117 : vector<16xf32>
          %swap3A_1119 = arith.index_cast %add3A_1079 : i32 to index
          %swap3A_1120 = arith.constant 48 : index
          %swap3A_1121 = tpu.vector_load %arg17[%swap3A_1119, %swap3A_1120] {strides = array<i32>} : memref<128x128xf32, #tpu.memory_space<vmem>>, vector<1x16xf32>,
          %swap3A_1122 = vector.shape_cast %swap3A_1121 : vector<1x16xf32> to vector<16xf32>
          %swap3A_1123 = vector.shape_cast %mul3A_1118 : vector<16xf32> to vector<1x16xf32>
          tpu.vector_store %arg17[%swap3A_1119, %swap3A_1120], %swap3A_1123 {strides = array<i32>} : memref<128x128xf32, #tpu.memory_space<vmem>>, vector<1x16xf32>,
          %get3A_1124 = arith.index_cast %add3A_1079 : i32 to index
          %get3A_1125 = arith.constant 64 : index
          %get3A_1126 = tpu.vector_load %arg17[%get3A_1124, %get3A_1125] {strides = array<i32>} : memref<128x128xf32, #tpu.memory_space<vmem>>, vector<1x16xf32>,
          %get3A_1127 = vector.shape_cast %get3A_1126 : vector<1x16xf32> to vector<16xf32>
          %mul3A_1128 = vector.broadcast %squeeze3A_1075 : f32 to vector<16xf32>
          %mul3A_1129 = arith.mulf %get3A_1127, %mul3A_1128 : vector<16xf32>
          %swap3A_1130 = arith.index_cast %add3A_1079 : i32 to index
          %swap3A_1131 = arith.constant 64 : index
          %swap3A_1132 = tpu.vector_load %arg17[%swap3A_1130, %swap3A_1131] {strides = array<i32>} : memref<128x128xf32, #tpu.memory_space<vmem>>, vector<1x16xf32>,
          %swap3A_1133 = vector.shape_cast %swap3A_1132 : vector<1x16xf32> to vector<16xf32>
          %swap3A_1134 = vector.shape_cast %mul3A_1129 : vector<16xf32> to vector<1x16xf32>
          tpu.vector_store %arg17[%swap3A_1130, %swap3A_1131], %swap3A_1134 {strides = array<i32>} : memref<128x128xf32, #tpu.memory_space<vmem>>, vector<1x16xf32>,
          %get3A_1135 = arith.index_cast %add3A_1079 : i32 to index
          %get3A_1136 = arith.constant 80 : index
          %get3A_1137 = tpu.vector_load %arg17[%get3A_1135, %get3A_1136] {strides = array<i32>} : memref<128x128xf32, #tpu.memory_space<vmem>>, vector<1x16xf32>,
          %get3A_1138 = vector.shape_cast %get3A_1137 : vector<1x16xf32> to vector<16xf32>
          %mul3A_1139 = vector.broadcast %squeeze3A_1075 : f32 to vector<16xf32>
          %mul3A_1140 = arith.mulf %get3A_1138, %mul3A_1139 : vector<16xf32>
          %swap3A_1141 = arith.index_cast %add3A_1079 : i32 to index
          %swap3A_1142 = arith.constant 80 : index
          %swap3A_1143 = tpu.vector_load %arg17[%swap3A_1141, %swap3A_1142] {strides = array<i32>} : memref<128x128xf32, #tpu.memory_space<vmem>>, vector<1x16xf32>,
          %swap3A_1144 = vector.shape_cast %swap3A_1143 : vector<1x16xf32> to vector<16xf32>
          %swap3A_1145 = vector.shape_cast %mul3A_1140 : vector<16xf32> to vector<1x16xf32>
          tpu.vector_store %arg17[%swap3A_1141, %swap3A_1142], %swap3A_1145 {strides = array<i32>} : memref<128x128xf32, #tpu.memory_space<vmem>>, vector<1x16xf32>,
          %get3A_1146 = arith.index_cast %add3A_1079 : i32 to index
          %get3A_1147 = arith.constant 96 : index
          %get3A_1148 = tpu.vector_load %arg17[%get3A_1146, %get3A_1147] {strides = array<i32>} : memref<128x128xf32, #tpu.memory_space<vmem>>, vector<1x16xf32>,
          %get3A_1149 = vector.shape_cast %get3A_1148 : vector<1x16xf32> to vector<16xf32>
          %mul3A_1150 = vector.broadcast %squeeze3A_1075 : f32 to vector<16xf32>
          %mul3A_1151 = arith.mulf %get3A_1149, %mul3A_1150 : vector<16xf32>
          %swap3A_1152 = arith.index_cast %add3A_1079 : i32 to index
          %swap3A_1153 = arith.constant 96 : index
          %swap3A_1154 = tpu.vector_load %arg17[%swap3A_1152, %swap3A_1153] {strides = array<i32>} : memref<128x128xf32, #tpu.memory_space<vmem>>, vector<1x16xf32>,
          %swap3A_1155 = vector.shape_cast %swap3A_1154 : vector<1x16xf32> to vector<16xf32>
          %swap3A_1156 = vector.shape_cast %mul3A_1151 : vector<16xf32> to vector<1x16xf32>
          tpu.vector_store %arg17[%swap3A_1152, %swap3A_1153], %swap3A_1156 {strides = array<i32>} : memref<128x128xf32, #tpu.memory_space<vmem>>, vector<1x16xf32>,
          %get3A_1157 = arith.index_cast %add3A_1079 : i32 to index
          %get3A_1158 = arith.constant 112 : index
          %get3A_1159 = tpu.vector_load %arg17[%get3A_1157, %get3A_1158] {strides = array<i32>} : memref<128x128xf32, #tpu.memory_space<vmem>>, vector<1x16xf32>,
          %get3A_1160 = vector.shape_cast %get3A_1159 : vector<1x16xf32> to vector<16xf32>
          %mul3A_1161 = vector.broadcast %squeeze3A_1075 : f32 to vector<16xf32>
          %mul3A_1162 = arith.mulf %get3A_1160, %mul3A_1161 : vector<16xf32>
          %swap3A_1163 = arith.index_cast %add3A_1079 : i32 to index
          %swap3A_1164 = arith.constant 112 : index
          %swap3A_1165 = tpu.vector_load %arg17[%swap3A_1163, %swap3A_1164] {strides = array<i32>} : memref<128x128xf32, #tpu.memory_space<vmem>>, vector<1x16xf32>,
          %swap3A_1166 = vector.shape_cast %swap3A_1165 : vector<1x16xf32> to vector<16xf32>
          %swap3A_1167 = vector.shape_cast %mul3A_1162 : vector<16xf32> to vector<1x16xf32>
          tpu.vector_store %arg17[%swap3A_1163, %swap3A_1164], %swap3A_1167 {strides = array<i32>} : memref<128x128xf32, #tpu.memory_space<vmem>>, vector<1x16xf32>,
          %slice3A_1168 = vector.extract_strided_slice %get3A_136 {offsets = [11], sizes = [1], strides = [1]} : vector<16xf32> to vector<1xf32>
          %squeeze3A_1169 = vector.extract %slice3A_1168[0] : f32 from vector<1xf32>
          %mul3A_1170 = arith.constant 16 : i32
          %mul3A_1171 = arith.muli %scan3A_130, %mul3A_1170 : i32
          %add3A_1172 = arith.constant 11 : i32
          %add3A_1173 = arith.addi %mul3A_1171, %add3A_1172 : i32
          %get3A_1174 = arith.index_cast %add3A_1173 : i32 to index
          %get3A_1175 = arith.constant 0 : index
          %get3A_1176 = tpu.vector_load %arg17[%get3A_1174, %get3A_1175] {strides = array<i32>} : memref<128x128xf32, #tpu.memory_space<vmem>>, vector<1x16xf32>,
          %get3A_1177 = vector.shape_cast %get3A_1176 : vector<1x16xf32> to vector<16xf32>
          %mul3A_1178 = vector.broadcast %squeeze3A_1169 : f32 to vector<16xf32>
          %mul3A_1179 = arith.mulf %get3A_1177, %mul3A_1178 : vector<16xf32>
          %swap3A_1180 = arith.index_cast %add3A_1173 : i32 to index
          %swap3A_1181 = arith.constant 0 : index
          %swap3A_1182 = tpu.vector_load %arg17[%swap3A_1180, %swap3A_1181] {strides = array<i32>} : memref<128x128xf32, #tpu.memory_space<vmem>>, vector<1x16xf32>,
          %swap3A_1183 = vector.shape_cast %swap3A_1182 : vector<1x16xf32> to vector<16xf32>
          %swap3A_1184 = vector.shape_cast %mul3A_1179 : vector<16xf32> to vector<1x16xf32>
          tpu.vector_store %arg17[%swap3A_1180, %swap3A_1181], %swap3A_1184 {strides = array<i32>} : memref<128x128xf32, #tpu.memory_space<vmem>>, vector<1x16xf32>,
          %get3A_1185 = arith.index_cast %add3A_1173 : i32 to index
          %get3A_1186 = arith.constant 16 : index
          %get3A_1187 = tpu.vector_load %arg17[%get3A_1185, %get3A_1186] {strides = array<i32>} : memref<128x128xf32, #tpu.memory_space<vmem>>, vector<1x16xf32>,
          %get3A_1188 = vector.shape_cast %get3A_1187 : vector<1x16xf32> to vector<16xf32>
          %mul3A_1189 = vector.broadcast %squeeze3A_1169 : f32 to vector<16xf32>
          %mul3A_1190 = arith.mulf %get3A_1188, %mul3A_1189 : vector<16xf32>
          %swap3A_1191 = arith.index_cast %add3A_1173 : i32 to index
          %swap3A_1192 = arith.constant 16 : index
          %swap3A_1193 = tpu.vector_load %arg17[%swap3A_1191, %swap3A_1192] {strides = array<i32>} : memref<128x128xf32, #tpu.memory_space<vmem>>, vector<1x16xf32>,
          %swap3A_1194 = vector.shape_cast %swap3A_1193 : vector<1x16xf32> to vector<16xf32>
          %swap3A_1195 = vector.shape_cast %mul3A_1190 : vector<16xf32> to vector<1x16xf32>
          tpu.vector_store %arg17[%swap3A_1191, %swap3A_1192], %swap3A_1195 {strides = array<i32>} : memref<128x128xf32, #tpu.memory_space<vmem>>, vector<1x16xf32>,
          %get3A_1196 = arith.index_cast %add3A_1173 : i32 to index
          %get3A_1197 = arith.constant 32 : index
          %get3A_1198 = tpu.vector_load %arg17[%get3A_1196, %get3A_1197] {strides = array<i32>} : memref<128x128xf32, #tpu.memory_space<vmem>>, vector<1x16xf32>,
          %get3A_1199 = vector.shape_cast %get3A_1198 : vector<1x16xf32> to vector<16xf32>
          %mul3A_1200 = vector.broadcast %squeeze3A_1169 : f32 to vector<16xf32>
          %mul3A_1201 = arith.mulf %get3A_1199, %mul3A_1200 : vector<16xf32>
          %swap3A_1202 = arith.index_cast %add3A_1173 : i32 to index
          %swap3A_1203 = arith.constant 32 : index
          %swap3A_1204 = tpu.vector_load %arg17[%swap3A_1202, %swap3A_1203] {strides = array<i32>} : memref<128x128xf32, #tpu.memory_space<vmem>>, vector<1x16xf32>,
          %swap3A_1205 = vector.shape_cast %swap3A_1204 : vector<1x16xf32> to vector<16xf32>
          %swap3A_1206 = vector.shape_cast %mul3A_1201 : vector<16xf32> to vector<1x16xf32>
          tpu.vector_store %arg17[%swap3A_1202, %swap3A_1203], %swap3A_1206 {strides = array<i32>} : memref<128x128xf32, #tpu.memory_space<vmem>>, vector<1x16xf32>,
          %get3A_1207 = arith.index_cast %add3A_1173 : i32 to index
          %get3A_1208 = arith.constant 48 : index
          %get3A_1209 = tpu.vector_load %arg17[%get3A_1207, %get3A_1208] {strides = array<i32>} : memref<128x128xf32, #tpu.memory_space<vmem>>, vector<1x16xf32>,
          %get3A_1210 = vector.shape_cast %get3A_1209 : vector<1x16xf32> to vector<16xf32>
          %mul3A_1211 = vector.broadcast %squeeze3A_1169 : f32 to vector<16xf32>
          %mul3A_1212 = arith.mulf %get3A_1210, %mul3A_1211 : vector<16xf32>
          %swap3A_1213 = arith.index_cast %add3A_1173 : i32 to index
          %swap3A_1214 = arith.constant 48 : index
          %swap3A_1215 = tpu.vector_load %arg17[%swap3A_1213, %swap3A_1214] {strides = array<i32>} : memref<128x128xf32, #tpu.memory_space<vmem>>, vector<1x16xf32>,
          %swap3A_1216 = vector.shape_cast %swap3A_1215 : vector<1x16xf32> to vector<16xf32>
          %swap3A_1217 = vector.shape_cast %mul3A_1212 : vector<16xf32> to vector<1x16xf32>
          tpu.vector_store %arg17[%swap3A_1213, %swap3A_1214], %swap3A_1217 {strides = array<i32>} : memref<128x128xf32, #tpu.memory_space<vmem>>, vector<1x16xf32>,
          %get3A_1218 = arith.index_cast %add3A_1173 : i32 to index
          %get3A_1219 = arith.constant 64 : index
          %get3A_1220 = tpu.vector_load %arg17[%get3A_1218, %get3A_1219] {strides = array<i32>} : memref<128x128xf32, #tpu.memory_space<vmem>>, vector<1x16xf32>,
          %get3A_1221 = vector.shape_cast %get3A_1220 : vector<1x16xf32> to vector<16xf32>
          %mul3A_1222 = vector.broadcast %squeeze3A_1169 : f32 to vector<16xf32>
          %mul3A_1223 = arith.mulf %get3A_1221, %mul3A_1222 : vector<16xf32>
          %swap3A_1224 = arith.index_cast %add3A_1173 : i32 to index
          %swap3A_1225 = arith.constant 64 : index
          %swap3A_1226 = tpu.vector_load %arg17[%swap3A_1224, %swap3A_1225] {strides = array<i32>} : memref<128x128xf32, #tpu.memory_space<vmem>>, vector<1x16xf32>,
          %swap3A_1227 = vector.shape_cast %swap3A_1226 : vector<1x16xf32> to vector<16xf32>
          %swap3A_1228 = vector.shape_cast %mul3A_1223 : vector<16xf32> to vector<1x16xf32>
          tpu.vector_store %arg17[%swap3A_1224, %swap3A_1225], %swap3A_1228 {strides = array<i32>} : memref<128x128xf32, #tpu.memory_space<vmem>>, vector<1x16xf32>,
          %get3A_1229 = arith.index_cast %add3A_1173 : i32 to index
          %get3A_1230 = arith.constant 80 : index
          %get3A_1231 = tpu.vector_load %arg17[%get3A_1229, %get3A_1230] {strides = array<i32>} : memref<128x128xf32, #tpu.memory_space<vmem>>, vector<1x16xf32>,
          %get3A_1232 = vector.shape_cast %get3A_1231 : vector<1x16xf32> to vector<16xf32>
          %mul3A_1233 = vector.broadcast %squeeze3A_1169 : f32 to vector<16xf32>
          %mul3A_1234 = arith.mulf %get3A_1232, %mul3A_1233 : vector<16xf32>
          %swap3A_1235 = arith.index_cast %add3A_1173 : i32 to index
          %swap3A_1236 = arith.constant 80 : index
          %swap3A_1237 = tpu.vector_load %arg17[%swap3A_1235, %swap3A_1236] {strides = array<i32>} : memref<128x128xf32, #tpu.memory_space<vmem>>, vector<1x16xf32>,
          %swap3A_1238 = vector.shape_cast %swap3A_1237 : vector<1x16xf32> to vector<16xf32>
          %swap3A_1239 = vector.shape_cast %mul3A_1234 : vector<16xf32> to vector<1x16xf32>
          tpu.vector_store %arg17[%swap3A_1235, %swap3A_1236], %swap3A_1239 {strides = array<i32>} : memref<128x128xf32, #tpu.memory_space<vmem>>, vector<1x16xf32>,
          %get3A_1240 = arith.index_cast %add3A_1173 : i32 to index
          %get3A_1241 = arith.constant 96 : index
          %get3A_1242 = tpu.vector_load %arg17[%get3A_1240, %get3A_1241] {strides = array<i32>} : memref<128x128xf32, #tpu.memory_space<vmem>>, vector<1x16xf32>,
          %get3A_1243 = vector.shape_cast %get3A_1242 : vector<1x16xf32> to vector<16xf32>
          %mul3A_1244 = vector.broadcast %squeeze3A_1169 : f32 to vector<16xf32>
          %mul3A_1245 = arith.mulf %get3A_1243, %mul3A_1244 : vector<16xf32>
          %swap3A_1246 = arith.index_cast %add3A_1173 : i32 to index
          %swap3A_1247 = arith.constant 96 : index
          %swap3A_1248 = tpu.vector_load %arg17[%swap3A_1246, %swap3A_1247] {strides = array<i32>} : memref<128x128xf32, #tpu.memory_space<vmem>>, vector<1x16xf32>,
          %swap3A_1249 = vector.shape_cast %swap3A_1248 : vector<1x16xf32> to vector<16xf32>
          %swap3A_1250 = vector.shape_cast %mul3A_1245 : vector<16xf32> to vector<1x16xf32>
          tpu.vector_store %arg17[%swap3A_1246, %swap3A_1247], %swap3A_1250 {strides = array<i32>} : memref<128x128xf32, #tpu.memory_space<vmem>>, vector<1x16xf32>,
          %get3A_1251 = arith.index_cast %add3A_1173 : i32 to index
          %get3A_1252 = arith.constant 112 : index
          %get3A_1253 = tpu.vector_load %arg17[%get3A_1251, %get3A_1252] {strides = array<i32>} : memref<128x128xf32, #tpu.memory_space<vmem>>, vector<1x16xf32>,
          %get3A_1254 = vector.shape_cast %get3A_1253 : vector<1x16xf32> to vector<16xf32>
          %mul3A_1255 = vector.broadcast %squeeze3A_1169 : f32 to vector<16xf32>
          %mul3A_1256 = arith.mulf %get3A_1254, %mul3A_1255 : vector<16xf32>
          %swap3A_1257 = arith.index_cast %add3A_1173 : i32 to index
          %swap3A_1258 = arith.constant 112 : index
          %swap3A_1259 = tpu.vector_load %arg17[%swap3A_1257, %swap3A_1258] {strides = array<i32>} : memref<128x128xf32, #tpu.memory_space<vmem>>, vector<1x16xf32>,
          %swap3A_1260 = vector.shape_cast %swap3A_1259 : vector<1x16xf32> to vector<16xf32>
          %swap3A_1261 = vector.shape_cast %mul3A_1256 : vector<16xf32> to vector<1x16xf32>
          tpu.vector_store %arg17[%swap3A_1257, %swap3A_1258], %swap3A_1261 {strides = array<i32>} : memref<128x128xf32, #tpu.memory_space<vmem>>, vector<1x16xf32>,
          %slice3A_1262 = vector.extract_strided_slice %get3A_136 {offsets = [12], sizes = [1], strides = [1]} : vector<16xf32> to vector<1xf32>
          %squeeze3A_1263 = vector.extract %slice3A_1262[0] : f32 from vector<1xf32>
          %mul3A_1264 = arith.constant 16 : i32
          %mul3A_1265 = arith.muli %scan3A_130, %mul3A_1264 : i32
          %add3A_1266 = arith.constant 12 : i32
          %add3A_1267 = arith.addi %mul3A_1265, %add3A_1266 : i32
          %get3A_1268 = arith.index_cast %add3A_1267 : i32 to index
          %get3A_1269 = arith.constant 0 : index
          %get3A_1270 = tpu.vector_load %arg17[%get3A_1268, %get3A_1269] {strides = array<i32>} : memref<128x128xf32, #tpu.memory_space<vmem>>, vector<1x16xf32>,
          %get3A_1271 = vector.shape_cast %get3A_1270 : vector<1x16xf32> to vector<16xf32>
          %mul3A_1272 = vector.broadcast %squeeze3A_1263 : f32 to vector<16xf32>
          %mul3A_1273 = arith.mulf %get3A_1271, %mul3A_1272 : vector<16xf32>
          %swap3A_1274 = arith.index_cast %add3A_1267 : i32 to index
          %swap3A_1275 = arith.constant 0 : index
          %swap3A_1276 = tpu.vector_load %arg17[%swap3A_1274, %swap3A_1275] {strides = array<i32>} : memref<128x128xf32, #tpu.memory_space<vmem>>, vector<1x16xf32>,
          %swap3A_1277 = vector.shape_cast %swap3A_1276 : vector<1x16xf32> to vector<16xf32>
          %swap3A_1278 = vector.shape_cast %mul3A_1273 : vector<16xf32> to vector<1x16xf32>
          tpu.vector_store %arg17[%swap3A_1274, %swap3A_1275], %swap3A_1278 {strides = array<i32>} : memref<128x128xf32, #tpu.memory_space<vmem>>, vector<1x16xf32>,
          %get3A_1279 = arith.index_cast %add3A_1267 : i32 to index
          %get3A_1280 = arith.constant 16 : index
          %get3A_1281 = tpu.vector_load %arg17[%get3A_1279, %get3A_1280] {strides = array<i32>} : memref<128x128xf32, #tpu.memory_space<vmem>>, vector<1x16xf32>,
          %get3A_1282 = vector.shape_cast %get3A_1281 : vector<1x16xf32> to vector<16xf32>
          %mul3A_1283 = vector.broadcast %squeeze3A_1263 : f32 to vector<16xf32>
          %mul3A_1284 = arith.mulf %get3A_1282, %mul3A_1283 : vector<16xf32>
          %swap3A_1285 = arith.index_cast %add3A_1267 : i32 to index
          %swap3A_1286 = arith.constant 16 : index
          %swap3A_1287 = tpu.vector_load %arg17[%swap3A_1285, %swap3A_1286] {strides = array<i32>} : memref<128x128xf32, #tpu.memory_space<vmem>>, vector<1x16xf32>,
          %swap3A_1288 = vector.shape_cast %swap3A_1287 : vector<1x16xf32> to vector<16xf32>
          %swap3A_1289 = vector.shape_cast %mul3A_1284 : vector<16xf32> to vector<1x16xf32>
          tpu.vector_store %arg17[%swap3A_1285, %swap3A_1286], %swap3A_1289 {strides = array<i32>} : memref<128x128xf32, #tpu.memory_space<vmem>>, vector<1x16xf32>,
          %get3A_1290 = arith.index_cast %add3A_1267 : i32 to index
          %get3A_1291 = arith.constant 32 : index
          %get3A_1292 = tpu.vector_load %arg17[%get3A_1290, %get3A_1291] {strides = array<i32>} : memref<128x128xf32, #tpu.memory_space<vmem>>, vector<1x16xf32>,
          %get3A_1293 = vector.shape_cast %get3A_1292 : vector<1x16xf32> to vector<16xf32>
          %mul3A_1294 = vector.broadcast %squeeze3A_1263 : f32 to vector<16xf32>
          %mul3A_1295 = arith.mulf %get3A_1293, %mul3A_1294 : vector<16xf32>
          %swap3A_1296 = arith.index_cast %add3A_1267 : i32 to index
          %swap3A_1297 = arith.constant 32 : index
          %swap3A_1298 = tpu.vector_load %arg17[%swap3A_1296, %swap3A_1297] {strides = array<i32>} : memref<128x128xf32, #tpu.memory_space<vmem>>, vector<1x16xf32>,
          %swap3A_1299 = vector.shape_cast %swap3A_1298 : vector<1x16xf32> to vector<16xf32>
          %swap3A_1300 = vector.shape_cast %mul3A_1295 : vector<16xf32> to vector<1x16xf32>
          tpu.vector_store %arg17[%swap3A_1296, %swap3A_1297], %swap3A_1300 {strides = array<i32>} : memref<128x128xf32, #tpu.memory_space<vmem>>, vector<1x16xf32>,
          %get3A_1301 = arith.index_cast %add3A_1267 : i32 to index
          %get3A_1302 = arith.constant 48 : index
          %get3A_1303 = tpu.vector_load %arg17[%get3A_1301, %get3A_1302] {strides = array<i32>} : memref<128x128xf32, #tpu.memory_space<vmem>>, vector<1x16xf32>,
          %get3A_1304 = vector.shape_cast %get3A_1303 : vector<1x16xf32> to vector<16xf32>
          %mul3A_1305 = vector.broadcast %squeeze3A_1263 : f32 to vector<16xf32>
          %mul3A_1306 = arith.mulf %get3A_1304, %mul3A_1305 : vector<16xf32>
          %swap3A_1307 = arith.index_cast %add3A_1267 : i32 to index
          %swap3A_1308 = arith.constant 48 : index
          %swap3A_1309 = tpu.vector_load %arg17[%swap3A_1307, %swap3A_1308] {strides = array<i32>} : memref<128x128xf32, #tpu.memory_space<vmem>>, vector<1x16xf32>,
          %swap3A_1310 = vector.shape_cast %swap3A_1309 : vector<1x16xf32> to vector<16xf32>
          %swap3A_1311 = vector.shape_cast %mul3A_1306 : vector<16xf32> to vector<1x16xf32>
          tpu.vector_store %arg17[%swap3A_1307, %swap3A_1308], %swap3A_1311 {strides = array<i32>} : memref<128x128xf32, #tpu.memory_space<vmem>>, vector<1x16xf32>,
          %get3A_1312 = arith.index_cast %add3A_1267 : i32 to index
          %get3A_1313 = arith.constant 64 : index
          %get3A_1314 = tpu.vector_load %arg17[%get3A_1312, %get3A_1313] {strides = array<i32>} : memref<128x128xf32, #tpu.memory_space<vmem>>, vector<1x16xf32>,
          %get3A_1315 = vector.shape_cast %get3A_1314 : vector<1x16xf32> to vector<16xf32>
          %mul3A_1316 = vector.broadcast %squeeze3A_1263 : f32 to vector<16xf32>
          %mul3A_1317 = arith.mulf %get3A_1315, %mul3A_1316 : vector<16xf32>
          %swap3A_1318 = arith.index_cast %add3A_1267 : i32 to index
          %swap3A_1319 = arith.constant 64 : index
          %swap3A_1320 = tpu.vector_load %arg17[%swap3A_1318, %swap3A_1319] {strides = array<i32>} : memref<128x128xf32, #tpu.memory_space<vmem>>, vector<1x16xf32>,
          %swap3A_1321 = vector.shape_cast %swap3A_1320 : vector<1x16xf32> to vector<16xf32>
          %swap3A_1322 = vector.shape_cast %mul3A_1317 : vector<16xf32> to vector<1x16xf32>
          tpu.vector_store %arg17[%swap3A_1318, %swap3A_1319], %swap3A_1322 {strides = array<i32>} : memref<128x128xf32, #tpu.memory_space<vmem>>, vector<1x16xf32>,
          %get3A_1323 = arith.index_cast %add3A_1267 : i32 to index
          %get3A_1324 = arith.constant 80 : index
          %get3A_1325 = tpu.vector_load %arg17[%get3A_1323, %get3A_1324] {strides = array<i32>} : memref<128x128xf32, #tpu.memory_space<vmem>>, vector<1x16xf32>,
          %get3A_1326 = vector.shape_cast %get3A_1325 : vector<1x16xf32> to vector<16xf32>
          %mul3A_1327 = vector.broadcast %squeeze3A_1263 : f32 to vector<16xf32>
          %mul3A_1328 = arith.mulf %get3A_1326, %mul3A_1327 : vector<16xf32>
          %swap3A_1329 = arith.index_cast %add3A_1267 : i32 to index
          %swap3A_1330 = arith.constant 80 : index
          %swap3A_1331 = tpu.vector_load %arg17[%swap3A_1329, %swap3A_1330] {strides = array<i32>} : memref<128x128xf32, #tpu.memory_space<vmem>>, vector<1x16xf32>,
          %swap3A_1332 = vector.shape_cast %swap3A_1331 : vector<1x16xf32> to vector<16xf32>
          %swap3A_1333 = vector.shape_cast %mul3A_1328 : vector<16xf32> to vector<1x16xf32>
          tpu.vector_store %arg17[%swap3A_1329, %swap3A_1330], %swap3A_1333 {strides = array<i32>} : memref<128x128xf32, #tpu.memory_space<vmem>>, vector<1x16xf32>,
          %get3A_1334 = arith.index_cast %add3A_1267 : i32 to index
          %get3A_1335 = arith.constant 96 : index
          %get3A_1336 = tpu.vector_load %arg17[%get3A_1334, %get3A_1335] {strides = array<i32>} : memref<128x128xf32, #tpu.memory_space<vmem>>, vector<1x16xf32>,
          %get3A_1337 = vector.shape_cast %get3A_1336 : vector<1x16xf32> to vector<16xf32>
          %mul3A_1338 = vector.broadcast %squeeze3A_1263 : f32 to vector<16xf32>
          %mul3A_1339 = arith.mulf %get3A_1337, %mul3A_1338 : vector<16xf32>
          %swap3A_1340 = arith.index_cast %add3A_1267 : i32 to index
          %swap3A_1341 = arith.constant 96 : index
          %swap3A_1342 = tpu.vector_load %arg17[%swap3A_1340, %swap3A_1341] {strides = array<i32>} : memref<128x128xf32, #tpu.memory_space<vmem>>, vector<1x16xf32>,
          %swap3A_1343 = vector.shape_cast %swap3A_1342 : vector<1x16xf32> to vector<16xf32>
          %swap3A_1344 = vector.shape_cast %mul3A_1339 : vector<16xf32> to vector<1x16xf32>
          tpu.vector_store %arg17[%swap3A_1340, %swap3A_1341], %swap3A_1344 {strides = array<i32>} : memref<128x128xf32, #tpu.memory_space<vmem>>, vector<1x16xf32>,
          %get3A_1345 = arith.index_cast %add3A_1267 : i32 to index
          %get3A_1346 = arith.constant 112 : index
          %get3A_1347 = tpu.vector_load %arg17[%get3A_1345, %get3A_1346] {strides = array<i32>} : memref<128x128xf32, #tpu.memory_space<vmem>>, vector<1x16xf32>,
          %get3A_1348 = vector.shape_cast %get3A_1347 : vector<1x16xf32> to vector<16xf32>
          %mul3A_1349 = vector.broadcast %squeeze3A_1263 : f32 to vector<16xf32>
          %mul3A_1350 = arith.mulf %get3A_1348, %mul3A_1349 : vector<16xf32>
          %swap3A_1351 = arith.index_cast %add3A_1267 : i32 to index
          %swap3A_1352 = arith.constant 112 : index
          %swap3A_1353 = tpu.vector_load %arg17[%swap3A_1351, %swap3A_1352] {strides = array<i32>} : memref<128x128xf32, #tpu.memory_space<vmem>>, vector<1x16xf32>,
          %swap3A_1354 = vector.shape_cast %swap3A_1353 : vector<1x16xf32> to vector<16xf32>
          %swap3A_1355 = vector.shape_cast %mul3A_1350 : vector<16xf32> to vector<1x16xf32>
          tpu.vector_store %arg17[%swap3A_1351, %swap3A_1352], %swap3A_1355 {strides = array<i32>} : memref<128x128xf32, #tpu.memory_space<vmem>>, vector<1x16xf32>,
          %slice3A_1356 = vector.extract_strided_slice %get3A_136 {offsets = [13], sizes = [1], strides = [1]} : vector<16xf32> to vector<1xf32>
          %squeeze3A_1357 = vector.extract %slice3A_1356[0] : f32 from vector<1xf32>
          %mul3A_1358 = arith.constant 16 : i32
          %mul3A_1359 = arith.muli %scan3A_130, %mul3A_1358 : i32
          %add3A_1360 = arith.constant 13 : i32
          %add3A_1361 = arith.addi %mul3A_1359, %add3A_1360 : i32
          %get3A_1362 = arith.index_cast %add3A_1361 : i32 to index
          %get3A_1363 = arith.constant 0 : index
          %get3A_1364 = tpu.vector_load %arg17[%get3A_1362, %get3A_1363] {strides = array<i32>} : memref<128x128xf32, #tpu.memory_space<vmem>>, vector<1x16xf32>,
          %get3A_1365 = vector.shape_cast %get3A_1364 : vector<1x16xf32> to vector<16xf32>
          %mul3A_1366 = vector.broadcast %squeeze3A_1357 : f32 to vector<16xf32>
          %mul3A_1367 = arith.mulf %get3A_1365, %mul3A_1366 : vector<16xf32>
          %swap3A_1368 = arith.index_cast %add3A_1361 : i32 to index
          %swap3A_1369 = arith.constant 0 : index
          %swap3A_1370 = tpu.vector_load %arg17[%swap3A_1368, %swap3A_1369] {strides = array<i32>} : memref<128x128xf32, #tpu.memory_space<vmem>>, vector<1x16xf32>,
          %swap3A_1371 = vector.shape_cast %swap3A_1370 : vector<1x16xf32> to vector<16xf32>
          %swap3A_1372 = vector.shape_cast %mul3A_1367 : vector<16xf32> to vector<1x16xf32>
          tpu.vector_store %arg17[%swap3A_1368, %swap3A_1369], %swap3A_1372 {strides = array<i32>} : memref<128x128xf32, #tpu.memory_space<vmem>>, vector<1x16xf32>,
          %get3A_1373 = arith.index_cast %add3A_1361 : i32 to index
          %get3A_1374 = arith.constant 16 : index
          %get3A_1375 = tpu.vector_load %arg17[%get3A_1373, %get3A_1374] {strides = array<i32>} : memref<128x128xf32, #tpu.memory_space<vmem>>, vector<1x16xf32>,
          %get3A_1376 = vector.shape_cast %get3A_1375 : vector<1x16xf32> to vector<16xf32>
          %mul3A_1377 = vector.broadcast %squeeze3A_1357 : f32 to vector<16xf32>
          %mul3A_1378 = arith.mulf %get3A_1376, %mul3A_1377 : vector<16xf32>
          %swap3A_1379 = arith.index_cast %add3A_1361 : i32 to index
          %swap3A_1380 = arith.constant 16 : index
          %swap3A_1381 = tpu.vector_load %arg17[%swap3A_1379, %swap3A_1380] {strides = array<i32>} : memref<128x128xf32, #tpu.memory_space<vmem>>, vector<1x16xf32>,
          %swap3A_1382 = vector.shape_cast %swap3A_1381 : vector<1x16xf32> to vector<16xf32>
          %swap3A_1383 = vector.shape_cast %mul3A_1378 : vector<16xf32> to vector<1x16xf32>
          tpu.vector_store %arg17[%swap3A_1379, %swap3A_1380], %swap3A_1383 {strides = array<i32>} : memref<128x128xf32, #tpu.memory_space<vmem>>, vector<1x16xf32>,
          %get3A_1384 = arith.index_cast %add3A_1361 : i32 to index
          %get3A_1385 = arith.constant 32 : index
          %get3A_1386 = tpu.vector_load %arg17[%get3A_1384, %get3A_1385] {strides = array<i32>} : memref<128x128xf32, #tpu.memory_space<vmem>>, vector<1x16xf32>,
          %get3A_1387 = vector.shape_cast %get3A_1386 : vector<1x16xf32> to vector<16xf32>
          %mul3A_1388 = vector.broadcast %squeeze3A_1357 : f32 to vector<16xf32>
          %mul3A_1389 = arith.mulf %get3A_1387, %mul3A_1388 : vector<16xf32>
          %swap3A_1390 = arith.index_cast %add3A_1361 : i32 to index
          %swap3A_1391 = arith.constant 32 : index
          %swap3A_1392 = tpu.vector_load %arg17[%swap3A_1390, %swap3A_1391] {strides = array<i32>} : memref<128x128xf32, #tpu.memory_space<vmem>>, vector<1x16xf32>,
          %swap3A_1393 = vector.shape_cast %swap3A_1392 : vector<1x16xf32> to vector<16xf32>
          %swap3A_1394 = vector.shape_cast %mul3A_1389 : vector<16xf32> to vector<1x16xf32>
          tpu.vector_store %arg17[%swap3A_1390, %swap3A_1391], %swap3A_1394 {strides = array<i32>} : memref<128x128xf32, #tpu.memory_space<vmem>>, vector<1x16xf32>,
          %get3A_1395 = arith.index_cast %add3A_1361 : i32 to index
          %get3A_1396 = arith.constant 48 : index
          %get3A_1397 = tpu.vector_load %arg17[%get3A_1395, %get3A_1396] {strides = array<i32>} : memref<128x128xf32, #tpu.memory_space<vmem>>, vector<1x16xf32>,
          %get3A_1398 = vector.shape_cast %get3A_1397 : vector<1x16xf32> to vector<16xf32>
          %mul3A_1399 = vector.broadcast %squeeze3A_1357 : f32 to vector<16xf32>
          %mul3A_1400 = arith.mulf %get3A_1398, %mul3A_1399 : vector<16xf32>
          %swap3A_1401 = arith.index_cast %add3A_1361 : i32 to index
          %swap3A_1402 = arith.constant 48 : index
          %swap3A_1403 = tpu.vector_load %arg17[%swap3A_1401, %swap3A_1402] {strides = array<i32>} : memref<128x128xf32, #tpu.memory_space<vmem>>, vector<1x16xf32>,
          %swap3A_1404 = vector.shape_cast %swap3A_1403 : vector<1x16xf32> to vector<16xf32>
          %swap3A_1405 = vector.shape_cast %mul3A_1400 : vector<16xf32> to vector<1x16xf32>
          tpu.vector_store %arg17[%swap3A_1401, %swap3A_1402], %swap3A_1405 {strides = array<i32>} : memref<128x128xf32, #tpu.memory_space<vmem>>, vector<1x16xf32>,
          %get3A_1406 = arith.index_cast %add3A_1361 : i32 to index
          %get3A_1407 = arith.constant 64 : index
          %get3A_1408 = tpu.vector_load %arg17[%get3A_1406, %get3A_1407] {strides = array<i32>} : memref<128x128xf32, #tpu.memory_space<vmem>>, vector<1x16xf32>,
          %get3A_1409 = vector.shape_cast %get3A_1408 : vector<1x16xf32> to vector<16xf32>
          %mul3A_1410 = vector.broadcast %squeeze3A_1357 : f32 to vector<16xf32>
          %mul3A_1411 = arith.mulf %get3A_1409, %mul3A_1410 : vector<16xf32>
          %swap3A_1412 = arith.index_cast %add3A_1361 : i32 to index
          %swap3A_1413 = arith.constant 64 : index
          %swap3A_1414 = tpu.vector_load %arg17[%swap3A_1412, %swap3A_1413] {strides = array<i32>} : memref<128x128xf32, #tpu.memory_space<vmem>>, vector<1x16xf32>,
          %swap3A_1415 = vector.shape_cast %swap3A_1414 : vector<1x16xf32> to vector<16xf32>
          %swap3A_1416 = vector.shape_cast %mul3A_1411 : vector<16xf32> to vector<1x16xf32>
          tpu.vector_store %arg17[%swap3A_1412, %swap3A_1413], %swap3A_1416 {strides = array<i32>} : memref<128x128xf32, #tpu.memory_space<vmem>>, vector<1x16xf32>,
          %get3A_1417 = arith.index_cast %add3A_1361 : i32 to index
          %get3A_1418 = arith.constant 80 : index
          %get3A_1419 = tpu.vector_load %arg17[%get3A_1417, %get3A_1418] {strides = array<i32>} : memref<128x128xf32, #tpu.memory_space<vmem>>, vector<1x16xf32>,
          %get3A_1420 = vector.shape_cast %get3A_1419 : vector<1x16xf32> to vector<16xf32>
          %mul3A_1421 = vector.broadcast %squeeze3A_1357 : f32 to vector<16xf32>
          %mul3A_1422 = arith.mulf %get3A_1420, %mul3A_1421 : vector<16xf32>
          %swap3A_1423 = arith.index_cast %add3A_1361 : i32 to index
          %swap3A_1424 = arith.constant 80 : index
          %swap3A_1425 = tpu.vector_load %arg17[%swap3A_1423, %swap3A_1424] {strides = array<i32>} : memref<128x128xf32, #tpu.memory_space<vmem>>, vector<1x16xf32>,
          %swap3A_1426 = vector.shape_cast %swap3A_1425 : vector<1x16xf32> to vector<16xf32>
          %swap3A_1427 = vector.shape_cast %mul3A_1422 : vector<16xf32> to vector<1x16xf32>
          tpu.vector_store %arg17[%swap3A_1423, %swap3A_1424], %swap3A_1427 {strides = array<i32>} : memref<128x128xf32, #tpu.memory_space<vmem>>, vector<1x16xf32>,
          %get3A_1428 = arith.index_cast %add3A_1361 : i32 to index
          %get3A_1429 = arith.constant 96 : index
          %get3A_1430 = tpu.vector_load %arg17[%get3A_1428, %get3A_1429] {strides = array<i32>} : memref<128x128xf32, #tpu.memory_space<vmem>>, vector<1x16xf32>,
          %get3A_1431 = vector.shape_cast %get3A_1430 : vector<1x16xf32> to vector<16xf32>
          %mul3A_1432 = vector.broadcast %squeeze3A_1357 : f32 to vector<16xf32>
          %mul3A_1433 = arith.mulf %get3A_1431, %mul3A_1432 : vector<16xf32>
          %swap3A_1434 = arith.index_cast %add3A_1361 : i32 to index
          %swap3A_1435 = arith.constant 96 : index
          %swap3A_1436 = tpu.vector_load %arg17[%swap3A_1434, %swap3A_1435] {strides = array<i32>} : memref<128x128xf32, #tpu.memory_space<vmem>>, vector<1x16xf32>,
          %swap3A_1437 = vector.shape_cast %swap3A_1436 : vector<1x16xf32> to vector<16xf32>
          %swap3A_1438 = vector.shape_cast %mul3A_1433 : vector<16xf32> to vector<1x16xf32>
          tpu.vector_store %arg17[%swap3A_1434, %swap3A_1435], %swap3A_1438 {strides = array<i32>} : memref<128x128xf32, #tpu.memory_space<vmem>>, vector<1x16xf32>,
          %get3A_1439 = arith.index_cast %add3A_1361 : i32 to index
          %get3A_1440 = arith.constant 112 : index
          %get3A_1441 = tpu.vector_load %arg17[%get3A_1439, %get3A_1440] {strides = array<i32>} : memref<128x128xf32, #tpu.memory_space<vmem>>, vector<1x16xf32>,
          %get3A_1442 = vector.shape_cast %get3A_1441 : vector<1x16xf32> to vector<16xf32>
          %mul3A_1443 = vector.broadcast %squeeze3A_1357 : f32 to vector<16xf32>
          %mul3A_1444 = arith.mulf %get3A_1442, %mul3A_1443 : vector<16xf32>
          %swap3A_1445 = arith.index_cast %add3A_1361 : i32 to index
          %swap3A_1446 = arith.constant 112 : index
          %swap3A_1447 = tpu.vector_load %arg17[%swap3A_1445, %swap3A_1446] {strides = array<i32>} : memref<128x128xf32, #tpu.memory_space<vmem>>, vector<1x16xf32>,
          %swap3A_1448 = vector.shape_cast %swap3A_1447 : vector<1x16xf32> to vector<16xf32>
          %swap3A_1449 = vector.shape_cast %mul3A_1444 : vector<16xf32> to vector<1x16xf32>
          tpu.vector_store %arg17[%swap3A_1445, %swap3A_1446], %swap3A_1449 {strides = array<i32>} : memref<128x128xf32, #tpu.memory_space<vmem>>, vector<1x16xf32>,
          %slice3A_1450 = vector.extract_strided_slice %get3A_136 {offsets = [14], sizes = [1], strides = [1]} : vector<16xf32> to vector<1xf32>
          %squeeze3A_1451 = vector.extract %slice3A_1450[0] : f32 from vector<1xf32>
          %mul3A_1452 = arith.constant 16 : i32
          %mul3A_1453 = arith.muli %scan3A_130, %mul3A_1452 : i32
          %add3A_1454 = arith.constant 14 : i32
          %add3A_1455 = arith.addi %mul3A_1453, %add3A_1454 : i32
          %get3A_1456 = arith.index_cast %add3A_1455 : i32 to index
          %get3A_1457 = arith.constant 0 : index
          %get3A_1458 = tpu.vector_load %arg17[%get3A_1456, %get3A_1457] {strides = array<i32>} : memref<128x128xf32, #tpu.memory_space<vmem>>, vector<1x16xf32>,
          %get3A_1459 = vector.shape_cast %get3A_1458 : vector<1x16xf32> to vector<16xf32>
          %mul3A_1460 = vector.broadcast %squeeze3A_1451 : f32 to vector<16xf32>
          %mul3A_1461 = arith.mulf %get3A_1459, %mul3A_1460 : vector<16xf32>
          %swap3A_1462 = arith.index_cast %add3A_1455 : i32 to index
          %swap3A_1463 = arith.constant 0 : index
          %swap3A_1464 = tpu.vector_load %arg17[%swap3A_1462, %swap3A_1463] {strides = array<i32>} : memref<128x128xf32, #tpu.memory_space<vmem>>, vector<1x16xf32>,
          %swap3A_1465 = vector.shape_cast %swap3A_1464 : vector<1x16xf32> to vector<16xf32>
          %swap3A_1466 = vector.shape_cast %mul3A_1461 : vector<16xf32> to vector<1x16xf32>
          tpu.vector_store %arg17[%swap3A_1462, %swap3A_1463], %swap3A_1466 {strides = array<i32>} : memref<128x128xf32, #tpu.memory_space<vmem>>, vector<1x16xf32>,
          %get3A_1467 = arith.index_cast %add3A_1455 : i32 to index
          %get3A_1468 = arith.constant 16 : index
          %get3A_1469 = tpu.vector_load %arg17[%get3A_1467, %get3A_1468] {strides = array<i32>} : memref<128x128xf32, #tpu.memory_space<vmem>>, vector<1x16xf32>,
          %get3A_1470 = vector.shape_cast %get3A_1469 : vector<1x16xf32> to vector<16xf32>
          %mul3A_1471 = vector.broadcast %squeeze3A_1451 : f32 to vector<16xf32>
          %mul3A_1472 = arith.mulf %get3A_1470, %mul3A_1471 : vector<16xf32>
          %swap3A_1473 = arith.index_cast %add3A_1455 : i32 to index
          %swap3A_1474 = arith.constant 16 : index
          %swap3A_1475 = tpu.vector_load %arg17[%swap3A_1473, %swap3A_1474] {strides = array<i32>} : memref<128x128xf32, #tpu.memory_space<vmem>>, vector<1x16xf32>,
          %swap3A_1476 = vector.shape_cast %swap3A_1475 : vector<1x16xf32> to vector<16xf32>
          %swap3A_1477 = vector.shape_cast %mul3A_1472 : vector<16xf32> to vector<1x16xf32>
          tpu.vector_store %arg17[%swap3A_1473, %swap3A_1474], %swap3A_1477 {strides = array<i32>} : memref<128x128xf32, #tpu.memory_space<vmem>>, vector<1x16xf32>,
          %get3A_1478 = arith.index_cast %add3A_1455 : i32 to index
          %get3A_1479 = arith.constant 32 : index
          %get3A_1480 = tpu.vector_load %arg17[%get3A_1478, %get3A_1479] {strides = array<i32>} : memref<128x128xf32, #tpu.memory_space<vmem>>, vector<1x16xf32>,
          %get3A_1481 = vector.shape_cast %get3A_1480 : vector<1x16xf32> to vector<16xf32>
          %mul3A_1482 = vector.broadcast %squeeze3A_1451 : f32 to vector<16xf32>
          %mul3A_1483 = arith.mulf %get3A_1481, %mul3A_1482 : vector<16xf32>
          %swap3A_1484 = arith.index_cast %add3A_1455 : i32 to index
          %swap3A_1485 = arith.constant 32 : index
          %swap3A_1486 = tpu.vector_load %arg17[%swap3A_1484, %swap3A_1485] {strides = array<i32>} : memref<128x128xf32, #tpu.memory_space<vmem>>, vector<1x16xf32>,
          %swap3A_1487 = vector.shape_cast %swap3A_1486 : vector<1x16xf32> to vector<16xf32>
          %swap3A_1488 = vector.shape_cast %mul3A_1483 : vector<16xf32> to vector<1x16xf32>
          tpu.vector_store %arg17[%swap3A_1484, %swap3A_1485], %swap3A_1488 {strides = array<i32>} : memref<128x128xf32, #tpu.memory_space<vmem>>, vector<1x16xf32>,
          %get3A_1489 = arith.index_cast %add3A_1455 : i32 to index
          %get3A_1490 = arith.constant 48 : index
          %get3A_1491 = tpu.vector_load %arg17[%get3A_1489, %get3A_1490] {strides = array<i32>} : memref<128x128xf32, #tpu.memory_space<vmem>>, vector<1x16xf32>,
          %get3A_1492 = vector.shape_cast %get3A_1491 : vector<1x16xf32> to vector<16xf32>
          %mul3A_1493 = vector.broadcast %squeeze3A_1451 : f32 to vector<16xf32>
          %mul3A_1494 = arith.mulf %get3A_1492, %mul3A_1493 : vector<16xf32>
          %swap3A_1495 = arith.index_cast %add3A_1455 : i32 to index
          %swap3A_1496 = arith.constant 48 : index
          %swap3A_1497 = tpu.vector_load %arg17[%swap3A_1495, %swap3A_1496] {strides = array<i32>} : memref<128x128xf32, #tpu.memory_space<vmem>>, vector<1x16xf32>,
          %swap3A_1498 = vector.shape_cast %swap3A_1497 : vector<1x16xf32> to vector<16xf32>
          %swap3A_1499 = vector.shape_cast %mul3A_1494 : vector<16xf32> to vector<1x16xf32>
          tpu.vector_store %arg17[%swap3A_1495, %swap3A_1496], %swap3A_1499 {strides = array<i32>} : memref<128x128xf32, #tpu.memory_space<vmem>>, vector<1x16xf32>,
          %get3A_1500 = arith.index_cast %add3A_1455 : i32 to index
          %get3A_1501 = arith.constant 64 : index
          %get3A_1502 = tpu.vector_load %arg17[%get3A_1500, %get3A_1501] {strides = array<i32>} : memref<128x128xf32, #tpu.memory_space<vmem>>, vector<1x16xf32>,
          %get3A_1503 = vector.shape_cast %get3A_1502 : vector<1x16xf32> to vector<16xf32>
          %mul3A_1504 = vector.broadcast %squeeze3A_1451 : f32 to vector<16xf32>
          %mul3A_1505 = arith.mulf %get3A_1503, %mul3A_1504 : vector<16xf32>
          %swap3A_1506 = arith.index_cast %add3A_1455 : i32 to index
          %swap3A_1507 = arith.constant 64 : index
          %swap3A_1508 = tpu.vector_load %arg17[%swap3A_1506, %swap3A_1507] {strides = array<i32>} : memref<128x128xf32, #tpu.memory_space<vmem>>, vector<1x16xf32>,
          %swap3A_1509 = vector.shape_cast %swap3A_1508 : vector<1x16xf32> to vector<16xf32>
          %swap3A_1510 = vector.shape_cast %mul3A_1505 : vector<16xf32> to vector<1x16xf32>
          tpu.vector_store %arg17[%swap3A_1506, %swap3A_1507], %swap3A_1510 {strides = array<i32>} : memref<128x128xf32, #tpu.memory_space<vmem>>, vector<1x16xf32>,
          %get3A_1511 = arith.index_cast %add3A_1455 : i32 to index
          %get3A_1512 = arith.constant 80 : index
          %get3A_1513 = tpu.vector_load %arg17[%get3A_1511, %get3A_1512] {strides = array<i32>} : memref<128x128xf32, #tpu.memory_space<vmem>>, vector<1x16xf32>,
          %get3A_1514 = vector.shape_cast %get3A_1513 : vector<1x16xf32> to vector<16xf32>
          %mul3A_1515 = vector.broadcast %squeeze3A_1451 : f32 to vector<16xf32>
          %mul3A_1516 = arith.mulf %get3A_1514, %mul3A_1515 : vector<16xf32>
          %swap3A_1517 = arith.index_cast %add3A_1455 : i32 to index
          %swap3A_1518 = arith.constant 80 : index
          %swap3A_1519 = tpu.vector_load %arg17[%swap3A_1517, %swap3A_1518] {strides = array<i32>} : memref<128x128xf32, #tpu.memory_space<vmem>>, vector<1x16xf32>,
          %swap3A_1520 = vector.shape_cast %swap3A_1519 : vector<1x16xf32> to vector<16xf32>
          %swap3A_1521 = vector.shape_cast %mul3A_1516 : vector<16xf32> to vector<1x16xf32>
          tpu.vector_store %arg17[%swap3A_1517, %swap3A_1518], %swap3A_1521 {strides = array<i32>} : memref<128x128xf32, #tpu.memory_space<vmem>>, vector<1x16xf32>,
          %get3A_1522 = arith.index_cast %add3A_1455 : i32 to index
          %get3A_1523 = arith.constant 96 : index
          %get3A_1524 = tpu.vector_load %arg17[%get3A_1522, %get3A_1523] {strides = array<i32>} : memref<128x128xf32, #tpu.memory_space<vmem>>, vector<1x16xf32>,
          %get3A_1525 = vector.shape_cast %get3A_1524 : vector<1x16xf32> to vector<16xf32>
          %mul3A_1526 = vector.broadcast %squeeze3A_1451 : f32 to vector<16xf32>
          %mul3A_1527 = arith.mulf %get3A_1525, %mul3A_1526 : vector<16xf32>
          %swap3A_1528 = arith.index_cast %add3A_1455 : i32 to index
          %swap3A_1529 = arith.constant 96 : index
          %swap3A_1530 = tpu.vector_load %arg17[%swap3A_1528, %swap3A_1529] {strides = array<i32>} : memref<128x128xf32, #tpu.memory_space<vmem>>, vector<1x16xf32>,
          %swap3A_1531 = vector.shape_cast %swap3A_1530 : vector<1x16xf32> to vector<16xf32>
          %swap3A_1532 = vector.shape_cast %mul3A_1527 : vector<16xf32> to vector<1x16xf32>
          tpu.vector_store %arg17[%swap3A_1528, %swap3A_1529], %swap3A_1532 {strides = array<i32>} : memref<128x128xf32, #tpu.memory_space<vmem>>, vector<1x16xf32>,
          %get3A_1533 = arith.index_cast %add3A_1455 : i32 to index
          %get3A_1534 = arith.constant 112 : index
          %get3A_1535 = tpu.vector_load %arg17[%get3A_1533, %get3A_1534] {strides = array<i32>} : memref<128x128xf32, #tpu.memory_space<vmem>>, vector<1x16xf32>,
          %get3A_1536 = vector.shape_cast %get3A_1535 : vector<1x16xf32> to vector<16xf32>
          %mul3A_1537 = vector.broadcast %squeeze3A_1451 : f32 to vector<16xf32>
          %mul3A_1538 = arith.mulf %get3A_1536, %mul3A_1537 : vector<16xf32>
          %swap3A_1539 = arith.index_cast %add3A_1455 : i32 to index
          %swap3A_1540 = arith.constant 112 : index
          %swap3A_1541 = tpu.vector_load %arg17[%swap3A_1539, %swap3A_1540] {strides = array<i32>} : memref<128x128xf32, #tpu.memory_space<vmem>>, vector<1x16xf32>,
          %swap3A_1542 = vector.shape_cast %swap3A_1541 : vector<1x16xf32> to vector<16xf32>
          %swap3A_1543 = vector.shape_cast %mul3A_1538 : vector<16xf32> to vector<1x16xf32>
          tpu.vector_store %arg17[%swap3A_1539, %swap3A_1540], %swap3A_1543 {strides = array<i32>} : memref<128x128xf32, #tpu.memory_space<vmem>>, vector<1x16xf32>,
          %slice3A_1544 = vector.extract_strided_slice %get3A_136 {offsets = [15], sizes = [1], strides = [1]} : vector<16xf32> to vector<1xf32>
          %squeeze3A_1545 = vector.extract %slice3A_1544[0] : f32 from vector<1xf32>
          %mul3A_1546 = arith.constant 16 : i32
          %mul3A_1547 = arith.muli %scan3A_130, %mul3A_1546 : i32
          %add3A_1548 = arith.constant 15 : i32
          %add3A_1549 = arith.addi %mul3A_1547, %add3A_1548 : i32
          %get3A_1550 = arith.index_cast %add3A_1549 : i32 to index
          %get3A_1551 = arith.constant 0 : index
          %get3A_1552 = tpu.vector_load %arg17[%get3A_1550, %get3A_1551] {strides = array<i32>} : memref<128x128xf32, #tpu.memory_space<vmem>>, vector<1x16xf32>,
          %get3A_1553 = vector.shape_cast %get3A_1552 : vector<1x16xf32> to vector<16xf32>
          %mul3A_1554 = vector.broadcast %squeeze3A_1545 : f32 to vector<16xf32>
          %mul3A_1555 = arith.mulf %get3A_1553, %mul3A_1554 : vector<16xf32>
          %swap3A_1556 = arith.index_cast %add3A_1549 : i32 to index
          %swap3A_1557 = arith.constant 0 : index
          %swap3A_1558 = tpu.vector_load %arg17[%swap3A_1556, %swap3A_1557] {strides = array<i32>} : memref<128x128xf32, #tpu.memory_space<vmem>>, vector<1x16xf32>,
          %swap3A_1559 = vector.shape_cast %swap3A_1558 : vector<1x16xf32> to vector<16xf32>
          %swap3A_1560 = vector.shape_cast %mul3A_1555 : vector<16xf32> to vector<1x16xf32>
          tpu.vector_store %arg17[%swap3A_1556, %swap3A_1557], %swap3A_1560 {strides = array<i32>} : memref<128x128xf32, #tpu.memory_space<vmem>>, vector<1x16xf32>,
          %get3A_1561 = arith.index_cast %add3A_1549 : i32 to index
          %get3A_1562 = arith.constant 16 : index
          %get3A_1563 = tpu.vector_load %arg17[%get3A_1561, %get3A_1562] {strides = array<i32>} : memref<128x128xf32, #tpu.memory_space<vmem>>, vector<1x16xf32>,
          %get3A_1564 = vector.shape_cast %get3A_1563 : vector<1x16xf32> to vector<16xf32>
          %mul3A_1565 = vector.broadcast %squeeze3A_1545 : f32 to vector<16xf32>
          %mul3A_1566 = arith.mulf %get3A_1564, %mul3A_1565 : vector<16xf32>
          %swap3A_1567 = arith.index_cast %add3A_1549 : i32 to index
          %swap3A_1568 = arith.constant 16 : index
          %swap3A_1569 = tpu.vector_load %arg17[%swap3A_1567, %swap3A_1568] {strides = array<i32>} : memref<128x128xf32, #tpu.memory_space<vmem>>, vector<1x16xf32>,
          %swap3A_1570 = vector.shape_cast %swap3A_1569 : vector<1x16xf32> to vector<16xf32>
          %swap3A_1571 = vector.shape_cast %mul3A_1566 : vector<16xf32> to vector<1x16xf32>
          tpu.vector_store %arg17[%swap3A_1567, %swap3A_1568], %swap3A_1571 {strides = array<i32>} : memref<128x128xf32, #tpu.memory_space<vmem>>, vector<1x16xf32>,
          %get3A_1572 = arith.index_cast %add3A_1549 : i32 to index
          %get3A_1573 = arith.constant 32 : index
          %get3A_1574 = tpu.vector_load %arg17[%get3A_1572, %get3A_1573] {strides = array<i32>} : memref<128x128xf32, #tpu.memory_space<vmem>>, vector<1x16xf32>,
          %get3A_1575 = vector.shape_cast %get3A_1574 : vector<1x16xf32> to vector<16xf32>
          %mul3A_1576 = vector.broadcast %squeeze3A_1545 : f32 to vector<16xf32>
          %mul3A_1577 = arith.mulf %get3A_1575, %mul3A_1576 : vector<16xf32>
          %swap3A_1578 = arith.index_cast %add3A_1549 : i32 to index
          %swap3A_1579 = arith.constant 32 : index
          %swap3A_1580 = tpu.vector_load %arg17[%swap3A_1578, %swap3A_1579] {strides = array<i32>} : memref<128x128xf32, #tpu.memory_space<vmem>>, vector<1x16xf32>,
          %swap3A_1581 = vector.shape_cast %swap3A_1580 : vector<1x16xf32> to vector<16xf32>
          %swap3A_1582 = vector.shape_cast %mul3A_1577 : vector<16xf32> to vector<1x16xf32>
          tpu.vector_store %arg17[%swap3A_1578, %swap3A_1579], %swap3A_1582 {strides = array<i32>} : memref<128x128xf32, #tpu.memory_space<vmem>>, vector<1x16xf32>,
          %get3A_1583 = arith.index_cast %add3A_1549 : i32 to index
          %get3A_1584 = arith.constant 48 : index
          %get3A_1585 = tpu.vector_load %arg17[%get3A_1583, %get3A_1584] {strides = array<i32>} : memref<128x128xf32, #tpu.memory_space<vmem>>, vector<1x16xf32>,
          %get3A_1586 = vector.shape_cast %get3A_1585 : vector<1x16xf32> to vector<16xf32>
          %mul3A_1587 = vector.broadcast %squeeze3A_1545 : f32 to vector<16xf32>
          %mul3A_1588 = arith.mulf %get3A_1586, %mul3A_1587 : vector<16xf32>
          %swap3A_1589 = arith.index_cast %add3A_1549 : i32 to index
          %swap3A_1590 = arith.constant 48 : index
          %swap3A_1591 = tpu.vector_load %arg17[%swap3A_1589, %swap3A_1590] {strides = array<i32>} : memref<128x128xf32, #tpu.memory_space<vmem>>, vector<1x16xf32>,
          %swap3A_1592 = vector.shape_cast %swap3A_1591 : vector<1x16xf32> to vector<16xf32>
          %swap3A_1593 = vector.shape_cast %mul3A_1588 : vector<16xf32> to vector<1x16xf32>
          tpu.vector_store %arg17[%swap3A_1589, %swap3A_1590], %swap3A_1593 {strides = array<i32>} : memref<128x128xf32, #tpu.memory_space<vmem>>, vector<1x16xf32>,
          %get3A_1594 = arith.index_cast %add3A_1549 : i32 to index
          %get3A_1595 = arith.constant 64 : index
          %get3A_1596 = tpu.vector_load %arg17[%get3A_1594, %get3A_1595] {strides = array<i32>} : memref<128x128xf32, #tpu.memory_space<vmem>>, vector<1x16xf32>,
          %get3A_1597 = vector.shape_cast %get3A_1596 : vector<1x16xf32> to vector<16xf32>
          %mul3A_1598 = vector.broadcast %squeeze3A_1545 : f32 to vector<16xf32>
          %mul3A_1599 = arith.mulf %get3A_1597, %mul3A_1598 : vector<16xf32>
          %swap3A_1600 = arith.index_cast %add3A_1549 : i32 to index
          %swap3A_1601 = arith.constant 64 : index
          %swap3A_1602 = tpu.vector_load %arg17[%swap3A_1600, %swap3A_1601] {strides = array<i32>} : memref<128x128xf32, #tpu.memory_space<vmem>>, vector<1x16xf32>,
          %swap3A_1603 = vector.shape_cast %swap3A_1602 : vector<1x16xf32> to vector<16xf32>
          %swap3A_1604 = vector.shape_cast %mul3A_1599 : vector<16xf32> to vector<1x16xf32>
          tpu.vector_store %arg17[%swap3A_1600, %swap3A_1601], %swap3A_1604 {strides = array<i32>} : memref<128x128xf32, #tpu.memory_space<vmem>>, vector<1x16xf32>,
          %get3A_1605 = arith.index_cast %add3A_1549 : i32 to index
          %get3A_1606 = arith.constant 80 : index
          %get3A_1607 = tpu.vector_load %arg17[%get3A_1605, %get3A_1606] {strides = array<i32>} : memref<128x128xf32, #tpu.memory_space<vmem>>, vector<1x16xf32>,
          %get3A_1608 = vector.shape_cast %get3A_1607 : vector<1x16xf32> to vector<16xf32>
          %mul3A_1609 = vector.broadcast %squeeze3A_1545 : f32 to vector<16xf32>
          %mul3A_1610 = arith.mulf %get3A_1608, %mul3A_1609 : vector<16xf32>
          %swap3A_1611 = arith.index_cast %add3A_1549 : i32 to index
          %swap3A_1612 = arith.constant 80 : index
          %swap3A_1613 = tpu.vector_load %arg17[%swap3A_1611, %swap3A_1612] {strides = array<i32>} : memref<128x128xf32, #tpu.memory_space<vmem>>, vector<1x16xf32>,
          %swap3A_1614 = vector.shape_cast %swap3A_1613 : vector<1x16xf32> to vector<16xf32>
          %swap3A_1615 = vector.shape_cast %mul3A_1610 : vector<16xf32> to vector<1x16xf32>
          tpu.vector_store %arg17[%swap3A_1611, %swap3A_1612], %swap3A_1615 {strides = array<i32>} : memref<128x128xf32, #tpu.memory_space<vmem>>, vector<1x16xf32>,
          %get3A_1616 = arith.index_cast %add3A_1549 : i32 to index
          %get3A_1617 = arith.constant 96 : index
          %get3A_1618 = tpu.vector_load %arg17[%get3A_1616, %get3A_1617] {strides = array<i32>} : memref<128x128xf32, #tpu.memory_space<vmem>>, vector<1x16xf32>,
          %get3A_1619 = vector.shape_cast %get3A_1618 : vector<1x16xf32> to vector<16xf32>
          %mul3A_1620 = vector.broadcast %squeeze3A_1545 : f32 to vector<16xf32>
          %mul3A_1621 = arith.mulf %get3A_1619, %mul3A_1620 : vector<16xf32>
          %swap3A_1622 = arith.index_cast %add3A_1549 : i32 to index
          %swap3A_1623 = arith.constant 96 : index
          %swap3A_1624 = tpu.vector_load %arg17[%swap3A_1622, %swap3A_1623] {strides = array<i32>} : memref<128x128xf32, #tpu.memory_space<vmem>>, vector<1x16xf32>,
          %swap3A_1625 = vector.shape_cast %swap3A_1624 : vector<1x16xf32> to vector<16xf32>
          %swap3A_1626 = vector.shape_cast %mul3A_1621 : vector<16xf32> to vector<1x16xf32>
          tpu.vector_store %arg17[%swap3A_1622, %swap3A_1623], %swap3A_1626 {strides = array<i32>} : memref<128x128xf32, #tpu.memory_space<vmem>>, vector<1x16xf32>,
          %get3A_1627 = arith.index_cast %add3A_1549 : i32 to index
          %get3A_1628 = arith.constant 112 : index
          %get3A_1629 = tpu.vector_load %arg17[%get3A_1627, %get3A_1628] {strides = array<i32>} : memref<128x128xf32, #tpu.memory_space<vmem>>, vector<1x16xf32>,
          %get3A_1630 = vector.shape_cast %get3A_1629 : vector<1x16xf32> to vector<16xf32>
          %mul3A_1631 = vector.broadcast %squeeze3A_1545 : f32 to vector<16xf32>
          %mul3A_1632 = arith.mulf %get3A_1630, %mul3A_1631 : vector<16xf32>
          %swap3A_1633 = arith.index_cast %add3A_1549 : i32 to index
          %swap3A_1634 = arith.constant 112 : index
          %swap3A_1635 = tpu.vector_load %arg17[%swap3A_1633, %swap3A_1634] {strides = array<i32>} : memref<128x128xf32, #tpu.memory_space<vmem>>, vector<1x16xf32>,
          %swap3A_1636 = vector.shape_cast %swap3A_1635 : vector<1x16xf32> to vector<16xf32>
          %swap3A_1637 = vector.shape_cast %mul3A_1632 : vector<16xf32> to vector<1x16xf32>
          tpu.vector_store %arg17[%swap3A_1633, %swap3A_1634], %swap3A_1637 {strides = array<i32>} : memref<128x128xf32, #tpu.memory_space<vmem>>, vector<1x16xf32>,
          %scan3A_1638 = arith.constant 0 : i32
          scf.yield %scan3A_1638 : i32
        }
        %scan3A_128 = arith.constant 8 : i32
        "tpu.region"() ({
          %run_scoped3A_130 = tpu.sem_alloc : memref<!tpu.dma_semaphore, #tpu.memory_space<semaphore_mem>>
          %dma_start3A_131 = arith.constant 0 : i32
          %dma_start3A_132 = tpu.memref_slice %arg13[%scan3A_98, %dma_start3A_131] : memref<40x128xi32, #tpu.memory_space<vmem>> -> memref<1x128xi32, #tpu.memory_space<vmem>>
          %dma_start3A_133 = tpu.memref_squeeze %dma_start3A_132 : memref<1x128xi32, #tpu.memory_space<vmem>> -> memref<128xi32, #tpu.memory_space<vmem>>
          %dma_start3A_134 = arith.constant 0 : i32
          %dma_start3A_135 = arith.constant 0 : i32
          %dma_start3A_136 = tpu.memref_slice %arg21[%dma_start3A_134, %dma_start3A_135] : memref<5248x128xf32, #tpu.memory_space<vmem_shared>> -> memref<5248x128xf32, #tpu.memory_space<vmem_shared>>
          tpu.enqueue_indirect_dma source(%arg17 : memref<128x128xf32, #tpu.memory_space<vmem>>) target(%dma_start3A_136 : memref<5248x128xf32, #tpu.memory_space<vmem_shared>>) offsets(%dma_start3A_133 : memref<128xi32, #tpu.memory_space<vmem>>) semaphore(%run_scoped3A_130 : memref<!tpu.dma_semaphore, #tpu.memory_space<semaphore_mem>>) {add = true}
          %dma_wait3A_137 = arith.constant 0 : i32
          %dma_wait3A_138 = tpu.memref_slice %arg13[%scan3A_98, %dma_wait3A_137] : memref<40x128xi32, #tpu.memory_space<vmem>> -> memref<1x128xi32, #tpu.memory_space<vmem>>
          %dma_wait3A_139 = tpu.memref_squeeze %dma_wait3A_138 : memref<1x128xi32, #tpu.memory_space<vmem>> -> memref<128xi32, #tpu.memory_space<vmem>>
          %dma_wait3A_140 = arith.constant 0 : i32
          %dma_wait3A_141 = arith.constant 0 : i32
          %dma_wait3A_142 = tpu.memref_slice %arg21[%dma_wait3A_140, %dma_wait3A_141] : memref<5248x128xf32, #tpu.memory_space<vmem_shared>> -> memref<5248x128xf32, #tpu.memory_space<vmem_shared>>
          tpu.wait_indirect_dma semaphore(%run_scoped3A_130 : memref<!tpu.dma_semaphore, #tpu.memory_space<semaphore_mem>>) src(%arg17 : memref<128x128xf32, #tpu.memory_space<vmem>>) dst(%dma_wait3A_142 : memref<5248x128xf32, #tpu.memory_space<vmem_shared>>)
          tpu.yield
        }) : () -> ()
        %scan3A_129 = arith.constant 0 : i32
        scf.yield %scan3A_129 : i32
      }
      %scan3A_89 = arith.constant 40 : i32
      %barrier3A_90 = arith.constant 0 : index
      tpu.barrier barrier_id(%barrier3A_90)
      %mul3A_91 = arith.constant 320 : i32
      %mul3A_92 = arith.muli %arg1, %mul3A_91 : i32
      %mul3A_93 = arith.constant 320 : i32
      %mul3A_94 = arith.muli %arg1, %mul3A_93 : i32
      %add3A_95 = arith.addi %mul3A_60, %mul3A_94 : i32
      %run_scoped3A = arith.constant 1 : i32
      "tpu.region"() ({
        %run_scoped3A_98 = tpu.sem_alloc : memref<!tpu.dma_semaphore, #tpu.memory_space<semaphore_mem>>
        %dma_start3A = arith.constant 0 : i32
        %dma_start3A_99 = tpu.memref_slice %arg9[%arg0, %run_scoped3A, %add3A_95, %dma_start3A] : memref<2x2x10240x128xf32, #tpu.memory_space<hbm>> -> memref<1x1x320x128xf32, #tpu.memory_space<hbm>>
        %dma_start3A_100 = tpu.memref_squeeze %dma_start3A_99 : memref<1x1x320x128xf32, #tpu.memory_space<hbm>> -> memref<320x128xf32, #tpu.memory_space<hbm>>
        %dma_start3A_101 = arith.constant 0 : i32
        %dma_start3A_102 = tpu.memref_slice %arg21[%mul3A_92, %dma_start3A_101] : memref<5248x128xf32, #tpu.memory_space<vmem_shared>> -> memref<320x128xf32, #tpu.memory_space<vmem_shared>>
        tpu.enqueue_dma source(%dma_start3A_102 : memref<320x128xf32, #tpu.memory_space<vmem_shared>>) target(%dma_start3A_100 : memref<320x128xf32, #tpu.memory_space<hbm>>) target_semaphore(%run_scoped3A_98 : memref<!tpu.dma_semaphore, #tpu.memory_space<semaphore_mem>>)
        %dma_wait3A = arith.constant 0 : i32
        %dma_wait3A_103 = tpu.memref_slice %arg9[%arg0, %run_scoped3A, %add3A_95, %dma_wait3A] : memref<2x2x10240x128xf32, #tpu.memory_space<hbm>> -> memref<1x1x320x128xf32, #tpu.memory_space<hbm>>
        %dma_wait3A_104 = tpu.memref_squeeze %dma_wait3A_103 : memref<1x1x320x128xf32, #tpu.memory_space<hbm>> -> memref<320x128xf32, #tpu.memory_space<hbm>>
        %dma_wait3A_105 = arith.constant 0 : i32
        %dma_wait3A_106 = tpu.memref_slice %arg21[%mul3A_92, %dma_wait3A_105] : memref<5248x128xf32, #tpu.memory_space<vmem_shared>> -> memref<320x128xf32, #tpu.memory_space<vmem_shared>>
        tpu.wait_dma2 semaphore(%run_scoped3A_98 : memref<!tpu.dma_semaphore, #tpu.memory_space<semaphore_mem>>) src(%dma_wait3A_106 : memref<320x128xf32, #tpu.memory_space<vmem_shared>>) dst(%dma_wait3A_104 : memref<320x128xf32, #tpu.memory_space<hbm>>)
        tpu.yield
      }) : () -> ()
      %barrier3A_96 = arith.constant 0 : index
      tpu.barrier barrier_id(%barrier3A_96)
      %scan3A_97 = arith.constant 0 : i32
      scf.yield %scan3A_97 : i32
    }
    %scan3A_56 = arith.constant 2 : i32
    return
  }
}

module attributes {stable_mosaic.version = 14 : i64} {
  func.func @_tc_rel_body(%arg0: memref<400x256xf32, #tpu.memory_space<vmem>>, %arg1: memref<256x256xf32, #tpu.memory_space<vmem>>, %arg2: memref<400x256xf32, #tpu.memory_space<vmem>>) attributes {dimension_semantics = [], scalar_prefetch = 0 : i64, scratch_operands = 0 : i64, tpu.core_type = #tpu.core_type<tc>} {
    %get3A = arith.constant 0 : index
    %get3A_0 = arith.constant 0 : index
    %get3A_1 = vector.load %arg0[%get3A, %get3A_0] : memref<400x256xf32, #tpu.memory_space<vmem>>, vector<400x256xf32>
    %get3A_2 = arith.constant 0 : index
    %get3A_3 = arith.constant 0 : index
    %get3A_4 = vector.load %arg1[%get3A_2, %get3A_3] : memref<256x256xf32, #tpu.memory_space<vmem>>, vector<256x256xf32>
    %dot_general3A = arith.constant dense<0.000000e+00> : vector<400x256xf32>
    %dot_general3A_5 = tpu.matmul %get3A_1, %get3A_4, %dot_general3A {dimension_numbers = #tpu.dot_dimension_numbers<[1], [0], [0], [1], [0, 0, 1, 1], [], []>, transpose_lhs_hint = false} : vector<400x256xf32>, vector<256x256xf32>, vector<400x256xf32> -> vector<400x256xf32>
    %swap3A = arith.constant 0 : index
    %swap3A_6 = arith.constant 0 : index
    %swap3A_7 = vector.load %arg2[%swap3A, %swap3A_6] : memref<400x256xf32, #tpu.memory_space<vmem>>, vector<400x256xf32>
    tpu.vector_store %arg2[%swap3A, %swap3A_6], %dot_general3A_5 {strides = array<i32>} : memref<400x256xf32, #tpu.memory_space<vmem>>, vector<400x256xf32>,
    return
  }
}

module attributes {stable_mosaic.version = 14 : i64} {
  func.func @_tc_node_body(%arg0: i32, %arg1: memref<1000x256xf32, #tpu.memory_space<vmem>>, %arg2: memref<1000x256xf32, #tpu.memory_space<vmem>>, %arg3: memref<1000x256xf32, #tpu.memory_space<vmem>>, %arg4: memref<256x256xf32, #tpu.memory_space<vmem>>, %arg5: memref<256x256xf32, #tpu.memory_space<vmem>>, %arg6: memref<256x256xf32, #tpu.memory_space<vmem>>, %arg7: memref<1x256xf32, #tpu.memory_space<vmem>>, %arg8: memref<1x256xf32, #tpu.memory_space<vmem>>, %arg9: memref<1000x256xf32, #tpu.memory_space<vmem>>) attributes {dimension_semantics = [#tpu.dimension_semantics<arbitrary>], iteration_bounds = array<i64: 10>, scalar_prefetch = 0 : i64, scratch_operands = 0 : i64, tpu.core_type = #tpu.core_type<tc>, window_params = [{transform_indices = @transform_0, window_bounds = array<i64: 1000, 256>}, {transform_indices = @transform_1, window_bounds = array<i64: 1000, 256>}, {transform_indices = @transform_2, window_bounds = array<i64: 1000, 256>}, {pipeline_mode = #tpu.pipeline_mode<synchronous>, transform_indices = @transform_3, window_bounds = array<i64: 256, 256>}, {pipeline_mode = #tpu.pipeline_mode<synchronous>, transform_indices = @transform_4, window_bounds = array<i64: 256, 256>}, {pipeline_mode = #tpu.pipeline_mode<synchronous>, transform_indices = @transform_5, window_bounds = array<i64: 256, 256>}, {pipeline_mode = #tpu.pipeline_mode<synchronous>, transform_indices = @transform_6, window_bounds = array<i64: 1, 256>}, {pipeline_mode = #tpu.pipeline_mode<synchronous>, transform_indices = @transform_7, window_bounds = array<i64: 1, 256>}, {transform_indices = @transform_8, window_bounds = array<i64: 1000, 256>}]} {
    %get3A = arith.constant 0 : index
    %get3A_0 = arith.constant 0 : index
    %get3A_1 = vector.load %arg1[%get3A, %get3A_0] : memref<1000x256xf32, #tpu.memory_space<vmem>>, vector<1000x256xf32>
    %get3A_2 = arith.constant 0 : index
    %get3A_3 = arith.constant 0 : index
    %get3A_4 = vector.load %arg4[%get3A_2, %get3A_3] : memref<256x256xf32, #tpu.memory_space<vmem>>, vector<256x256xf32>
    %dot_general3A = arith.constant dense<0.000000e+00> : vector<1000x256xf32>
    %dot_general3A_5 = tpu.matmul %get3A_1, %get3A_4, %dot_general3A {dimension_numbers = #tpu.dot_dimension_numbers<[1], [0], [0], [1], [0, 0, 1, 1], [], []>, transpose_lhs_hint = false} : vector<1000x256xf32>, vector<256x256xf32>, vector<1000x256xf32> -> vector<1000x256xf32>
    %get3A_6 = arith.constant 0 : index
    %get3A_7 = arith.constant 0 : index
    %get3A_8 = vector.load %arg2[%get3A_6, %get3A_7] : memref<1000x256xf32, #tpu.memory_space<vmem>>, vector<1000x256xf32>
    %get3A_9 = arith.constant 0 : index
    %get3A_10 = arith.constant 0 : index
    %get3A_11 = vector.load %arg5[%get3A_9, %get3A_10] : memref<256x256xf32, #tpu.memory_space<vmem>>, vector<256x256xf32>
    %dot_general3A_12 = arith.constant dense<0.000000e+00> : vector<1000x256xf32>
    %dot_general3A_13 = tpu.matmul %get3A_8, %get3A_11, %dot_general3A_12 {dimension_numbers = #tpu.dot_dimension_numbers<[1], [0], [0], [1], [0, 0, 1, 1], [], []>, transpose_lhs_hint = false} : vector<1000x256xf32>, vector<256x256xf32>, vector<1000x256xf32> -> vector<1000x256xf32>
    %add3A = arith.addf %dot_general3A_5, %dot_general3A_13 : vector<1000x256xf32>
    %get3A_14 = arith.constant 0 : index
    %get3A_15 = arith.constant 0 : index
    %get3A_16 = vector.load %arg3[%get3A_14, %get3A_15] : memref<1000x256xf32, #tpu.memory_space<vmem>>, vector<1000x256xf32>
    %get3A_17 = arith.constant 0 : index
    %get3A_18 = arith.constant 0 : index
    %get3A_19 = vector.load %arg7[%get3A_17, %get3A_18] : memref<1x256xf32, #tpu.memory_space<vmem>>, vector<1x256xf32>
    %sub3A = vector.broadcast %get3A_19 : vector<1x256xf32> to vector<1000x256xf32>
    %sub3A_20 = arith.subf %get3A_16, %sub3A : vector<1000x256xf32>
    %get3A_21 = arith.constant 0 : index
    %get3A_22 = arith.constant 0 : index
    %get3A_23 = vector.load %arg6[%get3A_21, %get3A_22] : memref<256x256xf32, #tpu.memory_space<vmem>>, vector<256x256xf32>
    %dot_general3A_24 = arith.constant dense<0.000000e+00> : vector<1000x256xf32>
    %dot_general3A_25 = tpu.matmul %sub3A_20, %get3A_23, %dot_general3A_24 {dimension_numbers = #tpu.dot_dimension_numbers<[1], [0], [0], [1], [0, 0, 1, 1], [], []>, transpose_lhs_hint = false} : vector<1000x256xf32>, vector<256x256xf32>, vector<1000x256xf32> -> vector<1000x256xf32>
    %add3A_26 = arith.addf %add3A, %dot_general3A_25 : vector<1000x256xf32>
    %mul3A = arith.constant 0.333333343 : f32
    %mul3A_27 = vector.broadcast %mul3A : f32 to vector<1000x256xf32>
    %mul3A_28 = arith.mulf %add3A_26, %mul3A_27 : vector<1000x256xf32>
    %get3A_29 = arith.constant 0 : index
    %get3A_30 = arith.constant 0 : index
    %get3A_31 = vector.load %arg8[%get3A_29, %get3A_30] : memref<1x256xf32, #tpu.memory_space<vmem>>, vector<1x256xf32>
    %add3A_32 = vector.broadcast %get3A_31 : vector<1x256xf32> to vector<1000x256xf32>
    %add3A_33 = arith.addf %mul3A_28, %add3A_32 : vector<1000x256xf32>
    %tanh3A = math.tanh %add3A_33 : vector<1000x256xf32>
    %swap3A = arith.constant 0 : index
    %swap3A_34 = arith.constant 0 : index
    %swap3A_35 = vector.load %arg9[%swap3A, %swap3A_34] : memref<1000x256xf32, #tpu.memory_space<vmem>>, vector<1000x256xf32>
    tpu.vector_store %arg9[%swap3A, %swap3A_34], %tanh3A {strides = array<i32>} : memref<1000x256xf32, #tpu.memory_space<vmem>>, vector<1000x256xf32>,
    return
  }
  func.func @transform_0(%arg0: i32) -> (i32, i32) {
    %c0_i32 = arith.constant 0 : i32
    %c0_i32_0 = arith.constant 0 : i32
    return %arg0, %c0_i32 : i32, i32
  }
  func.func @transform_1(%arg0: i32) -> (i32, i32) {
    %c0_i32 = arith.constant 0 : i32
    %c0_i32_0 = arith.constant 0 : i32
    return %arg0, %c0_i32 : i32, i32
  }
  func.func @transform_2(%arg0: i32) -> (i32, i32) {
    %c0_i32 = arith.constant 0 : i32
    %c0_i32_0 = arith.constant 0 : i32
    return %arg0, %c0_i32 : i32, i32
  }
  func.func @transform_3(%arg0: i32) -> (i32, i32) {
    %c0_i32 = arith.constant 0 : i32
    %c0_i32_0 = arith.constant 0 : i32
    %c0_i32_1 = arith.constant 0 : i32
    return %c0_i32, %c0_i32_0 : i32, i32
  }
  func.func @transform_4(%arg0: i32) -> (i32, i32) {
    %c0_i32 = arith.constant 0 : i32
    %c0_i32_0 = arith.constant 0 : i32
    %c0_i32_1 = arith.constant 0 : i32
    return %c0_i32, %c0_i32_0 : i32, i32
  }
  func.func @transform_5(%arg0: i32) -> (i32, i32) {
    %c0_i32 = arith.constant 0 : i32
    %c0_i32_0 = arith.constant 0 : i32
    %c0_i32_1 = arith.constant 0 : i32
    return %c0_i32, %c0_i32_0 : i32, i32
  }
  func.func @transform_6(%arg0: i32) -> (i32, i32) {
    %c0_i32 = arith.constant 0 : i32
    %c0_i32_0 = arith.constant 0 : i32
    %c0_i32_1 = arith.constant 0 : i32
    return %c0_i32, %c0_i32_0 : i32, i32
  }
  func.func @transform_7(%arg0: i32) -> (i32, i32) {
    %c0_i32 = arith.constant 0 : i32
    %c0_i32_0 = arith.constant 0 : i32
    %c0_i32_1 = arith.constant 0 : i32
    return %c0_i32, %c0_i32_0 : i32, i32
  }
  func.func @transform_8(%arg0: i32) -> (i32, i32) {
    %c0_i32 = arith.constant 0 : i32
    %c0_i32_0 = arith.constant 0 : i32
    return %arg0, %c0_i32 : i32, i32
  }
}

</mosaic_0001>

<sc_bundles>
// kernel: kernel.5.cloned.1.call-start
scs
__scs_entry_jumppad:
0x0: {  	(pc) =	sbr.rel $0x88, $3  }
0x1: {  	(tag) =	ssettag $0x0;
	lr =	simm.s32 $0x1  }
0x2: {  	[smem:$0x3F97] =	sst lr;
	_ =	strace $0xD0000000  }
0x3: {  	_ = 	snop  }
0x4: {  	_ = 	snop  }
0x5: {  	_ = 	snop  }
0x6: {  	_ = 	snop  }
0x7: {  	_ = 	snop  }
__scs_overlays_trampoline_lowered:
0x8: {  	[smem:$0x3FA6] =	sst s0  }
0x9: {  	[smem:$0x3FA7] =	sst s1  }
0xa: {  	[smem:$0x3FA8] =	sst s2  }
0xb: {  	[smem:$0x3FA9] =	sst s3  }
0xc: {  	[smem:$0x3FAA] =	sst s4  }
0xd: {  	[smem:$0x3FAB] =	sst s5  }
0xe: {  	[smem:$0x3FAC] =	sst s6  }
0xf: {  	[smem:$0x3FAD] =	sst s7  }
0x10: {  	[smem:$0x3FAE] =	sst s8  }
0x11: {  	[smem:$0x3FAF] =	sst s9;
	s0 =	simm.s32 @!p0 $0x0  }
0x12: {  	s1 =	sld [smem:$0x3F95];
	s0 =	simm.s32 @p0 $0x1  }
0x13: {  	[smem:$0x3FB0] =	sst s0;
	s0 =	simm.s32 @!p1 $0x0  }
0x14: {  	s2 =	sld [smem:$0x3F94];
	s0 =	simm.s32 @p1 $0x1  }
0x15: {  	[smem:$0x3FB1] =	sst s0;
	s0 =	simm.s32 @!p2 $0x0  }
0x16: {  	s3 =	sld [smem:$0x3FDB];
	s0 =	simm.s32 @p2 $0x1  }
0x17: {  	s4 =	simm.s32 $0x1BF5;
	[smem:$0x3FB3] =	sst s0  }
0x18: {  	s0 =	sld [smem:$0x3F96];
	_ =	swait.ge [sflag:s4], $0x0  }
0x19: {  	s7 =	sld [smem:$0x3F97]  }
0x1a: {  	s8 =	sadd.s32 $0xFFFFE003, lr  }
0x1b: {  	s9 =	sadd.s32 $0xFFFFFEF7, lr;
	s5 =	simm.s32 $0xFFFFFFFF;
	p2 =	slt.u32 s8, $0xFFFFF086  }
0x1c: {  	p1 =	slt.u32 s9, $0xF7A;
	s5 =	simm.s32 @!p2 $0x0  }
0x1d: {  	s5 =	simm.s32 @p1 $0x1;
	p0 =	seq.s32 s7, s2  }
0x1e: {  	s7 =	smul.u32 @!p0 $0xF7A, s2;
	p2 =	seq.s32 @!p0 s5, $0x0  }
0x1f: {  	s9 =	smul.u32 $0xF7A, s1;
	s8 =	simm.s32 @!p0 $0x1BF5;
	p2 =	por !p2, p0  }
0x20: {  	[sflag:s8] =	ssyncset.s32 @!p0 $0xFFFFF086;
	s6 =	sadd.s32 @!p0 s3, s7;
	s7 =	simm.s32 @!p0 $0x108  }
0x21: {  	s3 =	sadd.s32 s3, s9;
	s6 =	sadd.s32 @!p0 $0x88, s6;
	s7 =	simm.s32 @p2 $0x1082  }
0x22: {  	[simem:s7], [sflag:s8] =	dma.local @!p0 [hbm:s6], $0xF7A  }
0x23: {  	s9 =	sor.u32 $0xD0000000, s2;
	s6 =	simm.s32 $0x108;
	_ =	swait.ge @!p0 [sflag:s8], $0x0  }
0x24: {  	s3 =	sadd.s32 $0x88, s3;
	s6 =	simm.s32 @!p1 $0x1082;
	[sflag:s4] =	ssyncset.s32 $0xFFFFF086  }
0x25: {  	[simem:s6], [sflag:s4] =	dma.local [hbm:s3], $0xF7A  }
0x26: {  	[smem:$0x3F97] =	sst s1;
	(tag) =	ssettag s2;
	_ =	strace s9  }
0x27: {  	s1 =	sld [smem:$0x3FA7]  }
0x28: {  	s2 =	sld [smem:$0x3FA8]  }
0x29: {  	s4 =	sld [smem:$0x3FAA]  }
0x2a: {  	p0 =	seq.s32 s5, $0x0;
	s5 =	sld [smem:$0x3FAB]  }
0x2b: {  	s6 =	sld [smem:$0x3FAC]  }
0x2c: {  	s7 =	sld [smem:$0x3FAD]  }
0x2d: {  	s3 =	simm.s32 $0x108;
	s8 =	sld [smem:$0x3FAE]  }
0x2e: {  	s3 =	simm.s32 @!p0 $0x1082;
	s9 =	sld [smem:$0x3FAF]  }
0x2f: {  	lr =	sadd.s32 s0, s3;
	s0 =	sld [smem:$0x3FA6]  }
0x30: {  	s3 =	sld [smem:$0x3FA9]  }
0x31: {  	[smem:$0x3FB2] =	sst s10  }
0x32: {  	s10 =	sld [smem:$0x3FB0];
	_ =	sdelay $0x3  }
0x33: {  	p0 =	seq.s32 s10, $0x1;
	s10 =	sld [smem:$0x3FB2];
	_ =	sdelay $0x3  }
0x34: {  	[smem:$0x3FB2] =	sst s10  }
0x35: {  	s10 =	sld [smem:$0x3FB1];
	_ =	sdelay $0x3  }
0x36: {  	p1 =	seq.s32 s10, $0x1;
	s10 =	sld [smem:$0x3FB2];
	_ =	sdelay $0x3  }
0x37: {  	[smem:$0x3FB2] =	sst s10  }
0x38: {  	s10 =	sld [smem:$0x3FB3]  }
0x39: {  	_ = 	snop;
	(pc) =	sbr.ind lr, $3  }
0x3a: {  	_ = 	snop  }
0x3b: {  	_ = 	snop  }
0x3c: {  	p2 =	seq.s32 s10, $0x1;
	s10 =	sld [smem:$0x3FB2]  }
0x3d: {  	_ =	shalt  }
0x3e: {  	_ =	shalt  }
0x3f: {  	_ =	shalt  }
0x40: {  	_ =	shalt  }
0x41: {  	_ =	shalt  }
0x42: {  	_ =	shalt  }
0x43: {  	_ =	shalt  }
0x44: {  	_ =	shalt  }
0x45: {  	_ =	shalt  }
0x46: {  	_ =	shalt  }
0x47: {  	_ =	shalt  }
0x48: {  	_ =	shalt  }
0x49: {  	_ =	shalt  }
0x4a: {  	_ =	shalt  }
0x4b: {  	_ =	shalt  }
0x4c: {  	_ =	shalt  }
0x4d: {  	_ =	shalt  }
0x4e: {  	_ =	shalt  }
0x4f: {  	_ =	shalt  }
0x50: {  	_ =	shalt  }
0x51: {  	_ =	shalt  }
0x52: {  	_ =	shalt  }
0x53: {  	_ =	shalt  }
0x54: {  	_ =	shalt  }
0x55: {  	_ =	shalt  }
0x56: {  	_ =	shalt  }
0x57: {  	_ =	shalt  }
0x58: {  	_ =	shalt  }
0x59: {  	_ =	shalt  }
0x5a: {  	_ =	shalt  }
0x5b: {  	_ =	shalt  }
0x5c: {  	_ =	shalt  }
0x5d: {  	_ =	shalt  }
0x5e: {  	_ =	shalt  }
0x5f: {  	_ =	shalt  }
0x60: {  	_ =	shalt  }
0x61: {  	_ =	shalt  }
0x62: {  	_ =	shalt  }
0x63: {  	_ =	shalt  }
0x64: {  	_ =	shalt  }
0x65: {  	_ =	shalt  }
0x66: {  	_ =	shalt  }
0x67: {  	_ =	shalt  }
0x68: {  	_ =	shalt  }
0x69: {  	_ =	shalt  }
0x6a: {  	_ =	shalt  }
0x6b: {  	_ =	shalt  }
0x6c: {  	_ =	shalt  }
0x6d: {  	_ =	shalt  }
0x6e: {  	_ =	shalt  }
0x6f: {  	_ =	shalt  }
0x70: {  	_ =	shalt  }
0x71: {  	_ =	shalt  }
0x72: {  	_ =	shalt  }
0x73: {  	_ =	shalt  }
0x74: {  	_ =	shalt  }
0x75: {  	_ =	shalt  }
0x76: {  	_ =	shalt  }
0x77: {  	_ =	shalt  }
0x78: {  	_ =	shalt  }
0x79: {  	_ =	shalt  }
0x7a: {  	_ =	shalt  }
0x7b: {  	_ =	shalt  }
0x7c: {  	_ =	shalt  }
0x7d: {  	_ =	shalt  }
0x7e: {  	_ =	shalt  }
0x7f: {  	_ =	shalt  }
0x80: {  	_ =	shalt  }
0x81: {  	_ =	shalt  }
0x82: {  	_ =	shalt  }
0x83: {  	_ =	shalt  }
0x84: {  	_ =	shalt  }
0x85: {  	_ =	shalt  }
0x86: {  	_ =	shalt  }
0x87: {  	_ =	shalt  }
.Lfunc_end0:
.L_simem_size_0:
called_computation_lowered:
.L_overlay_start_0:
0x88: {  	s2 =	sld [smem:$0x3FD9]  }
0x89: {  	s3 =	sld [smem:$0x3FFE];
	_ =	sdelay $0x1  }
0x8a: {  	s1 =	srdreg.scid  }
0x8b: {  	s0 =	sand.u32 $0x1, s1  }
0x8c: {  	s14 =	sshll.u32 s0, $0xA;
	s2 =	sadd.s32 s3, s2  }
0x8d: {  	s2 =	sadd.s32 s2, s14  }
0x8e: {  	[smem:$0x3FBE] =	sst s2  }
0x8f: {  	_ = 	snop  }
0x90: {  	s2 =	sld [smem:$0x3FD0];
	_ =	sdelay $0x2  }
0x91: {  	s15 =	simm.s32 $0xA;
	s4 =	simm.s32 $0x10  }
0x92: {  	[smem:s4], [sflag:s15] =	dma.local [hbm:s2], $0x1  }
0x93: {  	_ =	swait.eq [sflag:s15], $0x1  }
0x94: {  	[sflag:s15] =	ssyncset.done $0x0  }
0x95: {  	[sflag:s15] =	ssyncadd.s32 $0xFFFFFFFF  }
0x96: {  	s16 =	sld [smem:$0x10];
	(tm) =	ssettm $0x1  }
0x97: {  	s17 =	sld [smem:$0x3FFB];
	_ =	sdelay $0x3  }
0x98: {  	_ =	strace s17  }
0x99: {  	s3 =	sld [smem:$0x3FFC];
	_ =	sdelay $0x3  }
0x9a: {  	_ =	strace s3  }
0x9b: {  	s3 =	sld [smem:$0x3FFD];
	_ =	sdelay $0x3  }
0x9c: {  	_ =	strace s3  }
0x9d: {  	_ =	strace $0x8FFFFFFF  }
0x9e: {  	s18 =	sld [smem:$0x3FDB];
	_ =	sdelay $0x1  }
0x9f: {  	s19 =	simm.s32 $_scs_section_size  }
0xa0: {  	s5 =	simm.s32 $_size__tile_overlayer_lowered;
	s6 =	simm.s32 $_tile_overlayer_lowered  }
0xa1: {  	s22 =	simm.s32 $0x1BFF;
	s21 =	sshll.u32 s6, $0x1;
	s3 =	sadd.s32 s19, s18  }
0xa2: {  	s7 =	simm.s32 $0x0;
	s20 =	sshll.u32 s5, $0x1;
	s5 =	sadd.s32 s21, s3  }
0xa3: {  	[timem:s7], [sflag:s22] =	dma.local [hbm:s5], s20  }
0xa4: {  	_ =	swait.ge [sflag:s22], s20  }
0xa5: {  	s4 =	ssub.s32 $0x0, s20;
	[sflag:s22] =	ssyncset.done $0x0  }
0xa6: {  	[sflag:s22] =	ssyncadd.s32 s4;
	_ =	sdelay $0x1  }
0xa7: {  	s23 =	simm.s32 $0x1B8B  }
0xa8: {  	_ =	swait.ge [sflag:s23], $0x1  }
0xa9: {  	[sflag:s23] =	ssyncset.done $0x0  }
0xaa: {  	s25 =	simm.s32 $0x1B8E;
	s24 =	sld [smem:$0x3FFE];
	[sflag:s23] =	ssyncadd.s32 $0xFFFFFFFF  }
0xab: {  	s26 =	simm.s32 $execute0_lowered;
	[smem:$0x3FD2] =	sst s25  }
0xac: {  	s5 =	sshll.u32 s26, $0x1;
	_ =	strace $0x80000046;
	[dreg:$0x1] =	wrdreg $0xFFFFFFFF  }
0xad: {  	s28 =	simm.s32 $_size_execute0_lowered;
	s3 =	sadd.s32 s3, s5;
	[dreg:$0x0] =	wrdreg $0x0  }
0xae: {  	s5 =	sshll.u32 s28, $0x1;
	[dreg:$0x2] =	wrdreg s3  }
0xaf: {  	[dreg:$0x3] =	wrdreg s5  }
0xb0: {  	[dreg:$0x4] =	wrdreg $0xC0  }
0xb1: {  	_ =	task [dreg:s7], $0x5FFFF  }
0xb2: {  	[dreg:$0x1] =	wrdreg $0xFFFFFFFF  }
0xb3: {  	[dreg:$0x0] =	wrdreg $0x60  }
0xb4: {  	[dreg:$0x2] =	wrdreg s24  }
0xb5: {  	[dreg:$0x3] =	wrdreg s16  }
0xb6: {  	[dreg:$0x4] =	wrdreg $0xAA800  }
0xb7: {  	[dreg:$0x5] =	wrdreg $0xA8000  }
0xb8: {  	[dreg:$0x6] =	wrdreg $0x9  }
0xb9: {  	_ =	task.clear_ibuf [dreg:s7], $0x7FFFF;
	_ =	strace $0x90000046  }
0xba: {  	s29 =	simm.s32 $0x9;
	_ =	strace $0x80000048  }
0xbb: {  	_ =	swait.ge [sflag:s29], $0x1  }
0xbc: {  	[sflag:s29] =	ssyncadd.s32 $0xFFFFFFFF  }
0xbd: {  	_ =	strace $0x90000048  }
0xbe: {  	_ =	sfence  }
0xbf: {  	s30 =	sld [smem:$0x0];
	_ =	sdelay $0x2  }
0xc0: {  	s31 =	sshll.u32 s1, $0xD;
	s1 =	sshrl.u32 s1, $0x2  }
0xc1: {  	s3 =	sand.u32 $0x4000, s31;
	s1 =	sadd.s32 s1, s30  }
0xc2: {  	s0 =	sor.u32 s3, s0;
	s1 =	sshll.u32 s1, $0x11  }
0xc3: {  	s0 =	sor.u32 s1, s0  }
0xc4: {  	s0 =	sadd.s32 $0x8F2B, s0  }
0xc5: {  	[sflag:s0] =	ssyncadd.remote.s32 $0x1  }
0xc6: {  	_ =	sfence.sel $0xFFFF  }
0xc7: {  	[dreg:$0x0] =	wrdreg $0xFFFFFFFF;
	(pc) =	sbr.abs _section_cstart, $3  }
0xc8: {  	[dreg:$0x1] =	wrdreg $0xFFFFFFFF  }
0xc9: {  	_ =	task.clear_ibuf [dreg:s7], $0x2FFFF;
	_ =	strace $0x9FFFFFFF  }
0xca: {  	(tm) =	ssettm $0x7FFFFFFF  }
0xcb: {  	_ =	shalt  }
tec
execute0_lowered:
.L_overlay_start_1:
0x0: {  	(tag) =	ssettag $0x1  }
0x1: {  	s2 =	rddreg [dreg:$0x0]  }
0x2: {  	s1 =	rddreg [dreg:$0x1]  }
0x3: {  	s3 =	rddreg [dreg:$0x2]  }
0x4: {  	s0 =	srdreg.scid;
	s4 =	rddreg [dreg:$0x3];
	s8 =	simm.s32 $0x0  }
0x5: {  	s14 =	simm.s32 $0xA580;
	s28 =	simm.s32 $0xA500;
	s5 =	sand.u32 $0x1, s0  }
0x6: {  	s29 =	simm.s32 $0x6400;
	s0 =	stileid.u32;
	s6 =	smul.u32 $0x14000, s5  }
0x7: {  	s30 =	simm.s32 $0x1;
	s31 =	simm.s32 $0x6480;
	s7 =	smul.u32 $0x1400, s0  }
0x8: {  	[smem:$0x7FF] =	sst s8;
	s8 =	sadd.s32 $0x32800, s2;
	s23 =	smul.u32 $0xA00, s0  }
0x9: {  	s9 =	sadd.s32 $0x3AC00, s2;
	_ =	strace $0x80000047;
	s25 =	smul.u32 $0x28000, s0  }
0xa: {  	s11 =	ssub.s32 $0x2, s5;
	s24 =	sshll.u32 s0, $0xE;
	s16 =	smul.u32 $0x280000, s5  }
0xb: {  	s18 =	smul.u32 $0x140, s0;
	p0 =	sgt.u32 s0, $0x8;
	s21 =	sshrl.u32 s11, $0x1  }
0xc: {  	s13 =	sadd.s32 s24, s3;
	s6 =	sadd.s32 s7, s6;
	s7 =	sadd.s32 $0x34200, s2  }
0xd: {  	s15 =	sadd.s32 $0x40000, s13;
	s17 =	sadd.s32 $0x80000, s13;
	s6 =	sshrl.u32 s6, $0x3  }
0xe: {  	s26 =	sshrl.u32 s25, $0x2;
	s20 =	sadd.s32 $0x140000, s16;
	s10 =	sadd.s32 s6, s2  }
0xf: {  	s19 =	sadd.s32 s26, s3;
	s26 =	simm.s32 $0x80;
	s22 =	sadd.s32 $0x2D800, s10  }
0x10: {  	s6 =	sadd.s32 $0x1600, s2;
	s12 =	sadd.s32 $0x28800, s10;
	[dreg:$0x5] =	wrdreg s22  }
0x11: {  	s2 =	ssub.s32 s11, s21;
	s10 =	sadd.s32 $0x35C00, s10;
	[dreg:$0x6] =	wrdreg s12  }
0x12: {  	s11 =	sshrl.u32 s23, $0x2;
	s2 =	smax.u32 s2, $0x1;
	[dreg:$0x7] =	wrdreg s10  }
0x13: {  	s23 =	simm.s32 $0x0;
	s11 =	sadd.s32 s11, s4;
	[dreg:$0x9] =	wrdreg s2  }
0x14: {  	v0 =	vimm.f32 $1.000000000e+00;
	v1 =	vimm.f32 $0.0e+00;
	s22 =	simm.s32 $0x2;
	s2 =	simm.s32 $0x6500;
	[dreg:$0x8] =	wrdreg s11  }
.LBB2_1:
0x15: {  	[tilespmem:$0xA500] =	vst v0  }
0x16: {  	[tilespmem:$0xA510] =	vst v0  }
0x17: {  	[tilespmem:$0xA520] =	vst v0  }
0x18: {  	[tilespmem:$0xA530] =	vst v0  }
0x19: {  	[tilespmem:$0xA540] =	vst v0  }
0x1a: {  	[tilespmem:$0xA550] =	vst v0  }
0x1b: {  	[tilespmem:$0xA560] =	vst v0  }
0x1c: {  	[tilespmem:$0xA570] =	vst v0;
	s5 =	simm.s32 $0x0;
	s10 =	rddreg [dreg:$0x5]  }
0x1d: {  	[tilespmem:s5], [sflag:$0x2] =	stream.linear.gather [hbm4b:s10+s5], $0x1400, $0x38;
	[tilespmem:$0x14E80] =	vst v63  }
0x1e: {  	_ =	swait.ge [sflag:s22], $0x1400  }
0x1f: {  	[sflag:s22] =	ssyncset.done $0x0  }
0x20: {  	s12 =	simm.s32 $0x1400;
	s25 =	rddreg [dreg:$0x6];
	[sflag:s22] =	ssyncadd.s32 $0xFFFFEC00  }
0x21: {  	[tilespmem:s12], [sflag:$0x2] =	stream.linear.gather [hbm4b:s25+s5], $0x1400, $0x38;
	[tilespmem:$0x14E80] =	vst v63  }
0x22: {  	_ =	swait.ge [sflag:s22], $0x1400  }
0x23: {  	[sflag:s22] =	ssyncset.done $0x0  }
0x24: {  	s24 =	simm.s32 $0x2800;
	s21 =	rddreg [dreg:$0x7];
	[sflag:s22] =	ssyncadd.s32 $0xFFFFEC00  }
0x25: {  	[tilespmem:s24], [sflag:$0x2] =	stream.linear.gather [hbm4b:s21+s5], $0x1400, $0x38;
	[tilespmem:$0x14E80] =	vst v63  }
0x26: {  	_ =	swait.ge [sflag:s22], $0x1400  }
0x27: {  	[sflag:s22] =	ssyncset.done $0x0  }
0x28: {  	[sflag:s22] =	ssyncadd.s32 $0xFFFFEC00  }
0x29: {  	[tilespmem:$0xA580] =	vst v1  }
0x2a: {  	[tilespmem:$0xA590] =	vst v1  }
0x2b: {  	[tilespmem:$0xA5A0] =	vst v1  }
0x2c: {  	[tilespmem:$0xA5B0] =	vst v1  }
0x2d: {  	[tilespmem:$0xA5C0] =	vst v1  }
0x2e: {  	[tilespmem:$0xA5D0] =	vst v1  }
0x2f: {  	[tilespmem:$0xA5E0] =	vst v1  }
0x30: {  	[tilespmem:$0xA5F0] =	vst v1  }
0x31: {  	[tilespmem:$0xA600] =	vst v1  }
0x32: {  	[tilespmem:$0xA610] =	vst v1  }
0x33: {  	[tilespmem:$0xA620] =	vst v1  }
0x34: {  	[tilespmem:$0xA630] =	vst v1  }
0x35: {  	[tilespmem:$0xA640] =	vst v1  }
0x36: {  	[tilespmem:$0xA650] =	vst v1  }
0x37: {  	[tilespmem:$0xA660] =	vst v1  }
0x38: {  	[tilespmem:$0xA670] =	vst v1  }
0x39: {  	[tilespmem:$0xA680] =	vst v1  }
0x3a: {  	[tilespmem:$0xA690] =	vst v1  }
0x3b: {  	[tilespmem:$0xA6A0] =	vst v1  }
0x3c: {  	[tilespmem:$0xA6B0] =	vst v1  }
0x3d: {  	[tilespmem:$0xA6C0] =	vst v1  }
0x3e: {  	[tilespmem:$0xA6D0] =	vst v1  }
0x3f: {  	[tilespmem:$0xA6E0] =	vst v1  }
0x40: {  	[tilespmem:$0xA6F0] =	vst v1  }
0x41: {  	[tilespmem:$0xA700] =	vst v1  }
0x42: {  	[tilespmem:$0xA710] =	vst v1  }
0x43: {  	[tilespmem:$0xA720] =	vst v1  }
0x44: {  	[tilespmem:$0xA730] =	vst v1  }
0x45: {  	[tilespmem:$0xA740] =	vst v1  }
0x46: {  	[tilespmem:$0xA750] =	vst v1  }
0x47: {  	[tilespmem:$0xA760] =	vst v1  }
0x48: {  	[tilespmem:$0xA770] =	vst v1  }
0x49: {  	[tilespmem:$0xA780] =	vst v1  }
0x4a: {  	[tilespmem:$0xA790] =	vst v1  }
0x4b: {  	[tilespmem:$0xA7A0] =	vst v1  }
0x4c: {  	[tilespmem:$0xA7B0] =	vst v1  }
0x4d: {  	[tilespmem:$0xA7C0] =	vst v1  }
0x4e: {  	[tilespmem:$0xA7D0] =	vst v1  }
0x4f: {  	[tilespmem:$0xA7E0] =	vst v1  }
0x50: {  	[tilespmem:$0xA7F0] =	vst v1  }
0x51: {  	[spmem:s11] =	stream.linear.scatter [tilespmem:s14], [sflag:$0x2], $0x280, $0x38;
	[tilespmem:$0x14E80] =	vst v63  }
0x52: {  	_ =	swait.ge [sflag:s22], $0x280  }
0x53: {  	[sflag:s22] =	ssyncset.done $0x0  }
0x54: {  	[sflag:s22] =	ssyncadd.s32 $0xFFFFFD80  }
0x55: {  	s25 =	simm.s32 $0x1400;
	[bflag:$0x0] =	sbarrier.arrive $0xFFFF  }
0x56: {  	[spmem:s4] =	stream.indirect.scatter.add.f32 [tilespmem:s28], [sflag:$0x2], $0x1, s25, s26, $0xb8;
	[tilespmem:$0x14E80] =	vst v63  }
0x57: {  	s5 =	simm.s32 $0x200;
	_ =	swait.ge [sflag:s22], $0x80  }
.LBB2_2:
0x58: {  	s10 =	sshra.s32 s5, $0x2;
	[sflag:s22] =	ssyncset.done $0x0;
	p1 =	sne.s32 s5, $0x4E00  }
.Ltmp0:
0x59: {  	s10 =	sadd.s32 $0x1400, s10;
	[sflag:s22] =	ssyncadd.s32 $0xFFFFFF80;
	(pc) =	sbr.rel @p1 .LBB2_2-.Ltmp0, $3  }
0x5a: {  	[spmem:s4] =	stream.indirect.scatter.add.f32 [tilespmem:s28], [sflag:$0x2], $0x1, s10, s26, $0xb8;
	[tilespmem:$0x14E80] =	vst v63  }
0x5b: {  	s5 =	sadd.s32 $0x200, s5;
	_ =	sdelay $0x1  }
0x5c: {  	_ =	swait.ge [sflag:s22], $0x80  }
0x5d: {  	[sflag:s22] =	ssyncset.done $0x0  }
0x5e: {  	[sflag:s22] =	ssyncadd.s32 $0xFFFFFF80  }
0x5f: {  	[bflag:$0x0] =	sbarrier.arrive $0xFFFF  }
0x60: {  	[tilespmem:s14], [sflag:$0x2] =	stream.linear.gather [spmem:s11], $0x280, $0x38;
	[tilespmem:$0x14E80] =	vst v63  }
0x61: {  	_ =	swait.ge [sflag:s22], $0x280  }
0x62: {  	[sflag:s22] =	ssyncset.done $0x0  }
0x63: {  	[sflag:s22] =	ssyncadd.s32 $0xFFFFFD80  }
0x64: {  	s5 =	simm.s32 $0x0;
	s10 =	simm.s32 $0x40;
	[bflag:$0x0] =	sbarrier.arrive $0xFFFF  }
.LBB2_4:
0x65: {  	p1 =	sne.s32 s10, $0x9C0;
	v2 =	vld [tilespmem:s5+$0xA580];
	_ =	sdelay $0x4  }
0x66: {  	v3 =	vmax.f32 v2, $1.000000000e+00  }
0x67: {  	v4 =	vshra.s32 v3, $0x1;
	v3 =	vmul.f32 $5.000000000e-01, v3  }
0x68: {  	v4 =	vsub.s32 $0x5F3759DF, v4  }
0x69: {  	v5 =	vmul.f32 v4, v3;
	_ =	sdelay $0x1  }
0x6a: {  	v5 =	vmul.f32 v4, v5;
	_ =	sdelay $0x1  }
0x6b: {  	v5 =	vsub.f32 $1.500000000e+00, v5;
	_ =	sdelay $0x1  }
0x6c: {  	v4 =	vmul.f32 v4, v5;
	_ =	sdelay $0x1  }
0x6d: {  	v5 =	vmul.f32 v4, v3;
	_ =	sdelay $0x1  }
0x6e: {  	v5 =	vmul.f32 v5, v4;
	_ =	sdelay $0x1  }
0x6f: {  	v5 =	vsub.f32 $1.500000000e+00, v5;
	_ =	sdelay $0x1  }
0x70: {  	v4 =	vmul.f32 v5, v4;
	_ =	sdelay $0x1  }
0x71: {  	v3 =	vmul.f32 v4, v3;
	_ =	sdelay $0x1  }
0x72: {  	v3 =	vmul.f32 v3, v4;
	_ =	sdelay $0x1  }
0x73: {  	v3 =	vsub.f32 $1.500000000e+00, v3  }
.Ltmp1:
0x74: {  	(pc) =	sbr.rel @p1 .LBB2_4-.Ltmp1, $4  }
0x75: {  	v3 =	vmul.f32 v3, v4  }
0x76: {  	vm0 =	vge.f32 v2, $5.000000000e-01  }
0x77: {  	v2 =	vnsel vm0, $0x0, v3  }
0x78: {  	[tilespmem:s5+$0xA580] =	vst v2;
	s5 =	sshra.s32 s10, $0x2;
	s10 =	sadd.s32 $0x40, s10  }
0x79: {  	v2 =	vld [tilespmem:s5+$0xA580];
	_ =	sdelay $0x4  }
0x7a: {  	v3 =	vmax.f32 v2, $1.000000000e+00  }
0x7b: {  	v4 =	vshra.s32 v3, $0x1;
	v3 =	vmul.f32 $5.000000000e-01, v3  }
0x7c: {  	v4 =	vsub.s32 $0x5F3759DF, v4  }
0x7d: {  	v5 =	vmul.f32 v4, v3;
	_ =	sdelay $0x1  }
0x7e: {  	v5 =	vmul.f32 v4, v5;
	_ =	sdelay $0x1  }
0x7f: {  	v5 =	vsub.f32 $1.500000000e+00, v5;
	_ =	sdelay $0x1  }
0x80: {  	v4 =	vmul.f32 v4, v5;
	_ =	sdelay $0x1  }
0x81: {  	v5 =	vmul.f32 v4, v3;
	_ =	sdelay $0x1  }
0x82: {  	v5 =	vmul.f32 v5, v4;
	_ =	sdelay $0x1  }
0x83: {  	v5 =	vsub.f32 $1.500000000e+00, v5;
	_ =	sdelay $0x1  }
0x84: {  	v4 =	vmul.f32 v5, v4;
	_ =	sdelay $0x1  }
0x85: {  	v3 =	vmul.f32 v4, v3;
	_ =	sdelay $0x1  }
0x86: {  	v3 =	vmul.f32 v3, v4;
	_ =	sdelay $0x1  }
0x87: {  	v3 =	vsub.f32 $1.500000000e+00, v3;
	_ =	sdelay $0x1  }
0x88: {  	v3 =	vmul.f32 v3, v4  }
0x89: {  	vm0 =	vge.f32 v2, $5.000000000e-01  }
0x8a: {  	v2 =	vnsel vm0, $0x0, v3  }
0x8b: {  	[tilespmem:s5+$0xA580] =	vst v2  }
0x8c: {  	[spmem:s11] =	stream.linear.scatter [tilespmem:s14], [sflag:$0x2], $0x280, $0x38;
	[tilespmem:$0x14E80] =	vst v63  }
0x8d: {  	_ =	swait.ge [sflag:s22], $0x280  }
0x8e: {  	[sflag:s22] =	ssyncset.done $0x0  }
0x8f: {  	[sflag:s22] =	ssyncadd.s32 $0xFFFFFD80  }
0x90: {  	s5 =	simm.s32 $0x0;
	[bflag:$0x0] =	sbarrier.arrive $0xFFFF  }
0x91: {  	[tilespmem:s29], [sflag:$0x1] =	stream.indirect.gather [spmem:s4], $0x1, s5, s26, $0xb8;
	[tilespmem:$0x14E80] =	vst v63  }
0x92: {  	_ =	swait.ge [sflag:s30], $0x80  }
0x93: {  	[sflag:s30] =	ssyncset.done $0x0  }
0x94: {  	s10 =	simm.s32 $0x1400;
	[sflag:s30] =	ssyncadd.s32 $0xFFFFFF80  }
0x95: {  	[tilespmem:s31], [sflag:$0x1] =	stream.indirect.gather [spmem:s4], $0x1, s10, s26, $0xb8;
	[tilespmem:$0x14E80] =	vst v63  }
0x96: {  	_ =	swait.ge [sflag:s30], $0x80  }
0x97: {  	[sflag:s30] =	ssyncset.done $0x0  }
0x98: {  	[sflag:s30] =	ssyncadd.s32 $0xFFFFFF80  }
0x99: {  	v2 =	vld [tilespmem:$0x6400]  }
0x9a: {  	v3 =	vld [tilespmem:$0x6480];
	_ =	sdelay $0x4  }
0x9b: {  	v2 =	vmul.f32 v3, v2;
	_ =	sdelay $0x1  }
0x9c: {  	[tilespmem:s5+$0x5000] =	vst v2  }
0x9d: {  	v2 =	vld [tilespmem:$0x6410]  }
0x9e: {  	v3 =	vld [tilespmem:$0x6490];
	_ =	sdelay $0x4  }
0x9f: {  	v2 =	vmul.f32 v3, v2;
	_ =	sdelay $0x1  }
0xa0: {  	[tilespmem:s5+$0x5010] =	vst v2  }
0xa1: {  	v2 =	vld [tilespmem:$0x6420]  }
0xa2: {  	v3 =	vld [tilespmem:$0x64A0];
	_ =	sdelay $0x4  }
0xa3: {  	v2 =	vmul.f32 v3, v2;
	_ =	sdelay $0x1  }
0xa4: {  	[tilespmem:s5+$0x5020] =	vst v2  }
0xa5: {  	v2 =	vld [tilespmem:$0x6430]  }
0xa6: {  	v3 =	vld [tilespmem:$0x64B0];
	_ =	sdelay $0x4  }
0xa7: {  	v2 =	vmul.f32 v3, v2;
	_ =	sdelay $0x1  }
0xa8: {  	[tilespmem:s5+$0x5030] =	vst v2  }
0xa9: {  	v2 =	vld [tilespmem:$0x6440]  }
0xaa: {  	v3 =	vld [tilespmem:$0x64C0];
	_ =	sdelay $0x4  }
0xab: {  	v2 =	vmul.f32 v3, v2;
	_ =	sdelay $0x1  }
0xac: {  	[tilespmem:s5+$0x5040] =	vst v2  }
0xad: {  	v2 =	vld [tilespmem:$0x6450]  }
0xae: {  	v3 =	vld [tilespmem:$0x64D0];
	_ =	sdelay $0x4  }
0xaf: {  	v2 =	vmul.f32 v3, v2;
	_ =	sdelay $0x1  }
0xb0: {  	[tilespmem:s5+$0x5050] =	vst v2  }
0xb1: {  	v2 =	vld [tilespmem:$0x6460]  }
0xb2: {  	v3 =	vld [tilespmem:$0x64E0];
	_ =	sdelay $0x4  }
0xb3: {  	v2 =	vmul.f32 v3, v2;
	_ =	sdelay $0x1  }
0xb4: {  	s24 =	simm.s32 $0x0;
	s10 =	simm.s32 $0x200;
	[tilespmem:s5+$0x5060] =	vst v2  }
.LBB2_6:
0xb5: {  	p1 =	sne.s32 s10, $0x4E00;
	v2 =	vld [tilespmem:$0x6470];
	s11 =	smov.u32 s10;
	s10 =	sadd.s32 $0x200, s10  }
0xb6: {  	v3 =	vld [tilespmem:$0x64F0];
	_ =	sdelay $0x4  }
0xb7: {  	v2 =	vmul.f32 v3, v2;
	_ =	sdelay $0x1  }
0xb8: {  	[tilespmem:s5+$0x5070] =	vst v2;
	s5 =	sshra.s32 s11, $0x2  }
0xb9: {  	[tilespmem:s29], [sflag:$0x1] =	stream.indirect.gather [spmem:s4], $0x1, s5, s26, $0xb8;
	[tilespmem:$0x14E80] =	vst v63  }
0xba: {  	_ =	swait.ge [sflag:s30], $0x80  }
0xbb: {  	[sflag:s30] =	ssyncset.done $0x0  }
0xbc: {  	s11 =	sadd.s32 $0x1400, s5;
	[sflag:s30] =	ssyncadd.s32 $0xFFFFFF80  }
0xbd: {  	[tilespmem:s31], [sflag:$0x1] =	stream.indirect.gather [spmem:s4], $0x1, s11, s26, $0xb8;
	[tilespmem:$0x14E80] =	vst v63  }
0xbe: {  	_ =	swait.ge [sflag:s30], $0x80  }
0xbf: {  	[sflag:s30] =	ssyncset.done $0x0  }
0xc0: {  	[sflag:s30] =	ssyncadd.s32 $0xFFFFFF80  }
0xc1: {  	v2 =	vld [tilespmem:$0x6400]  }
0xc2: {  	v3 =	vld [tilespmem:$0x6480];
	_ =	sdelay $0x4  }
0xc3: {  	v2 =	vmul.f32 v3, v2;
	_ =	sdelay $0x1  }
0xc4: {  	[tilespmem:s5+$0x5000] =	vst v2  }
0xc5: {  	v2 =	vld [tilespmem:$0x6410]  }
0xc6: {  	v3 =	vld [tilespmem:$0x6490];
	_ =	sdelay $0x4  }
0xc7: {  	v2 =	vmul.f32 v3, v2;
	_ =	sdelay $0x1  }
0xc8: {  	[tilespmem:s5+$0x5010] =	vst v2  }
0xc9: {  	v2 =	vld [tilespmem:$0x6420]  }
0xca: {  	v3 =	vld [tilespmem:$0x64A0];
	_ =	sdelay $0x4  }
0xcb: {  	v2 =	vmul.f32 v3, v2;
	_ =	sdelay $0x1  }
0xcc: {  	[tilespmem:s5+$0x5020] =	vst v2  }
0xcd: {  	v2 =	vld [tilespmem:$0x6430]  }
0xce: {  	v3 =	vld [tilespmem:$0x64B0];
	_ =	sdelay $0x4  }
0xcf: {  	v2 =	vmul.f32 v3, v2;
	_ =	sdelay $0x1  }
0xd0: {  	[tilespmem:s5+$0x5030] =	vst v2  }
0xd1: {  	v2 =	vld [tilespmem:$0x6440]  }
0xd2: {  	v3 =	vld [tilespmem:$0x64C0];
	_ =	sdelay $0x4  }
0xd3: {  	v2 =	vmul.f32 v3, v2;
	_ =	sdelay $0x1  }
0xd4: {  	[tilespmem:s5+$0x5040] =	vst v2  }
0xd5: {  	v2 =	vld [tilespmem:$0x6450]  }
0xd6: {  	v3 =	vld [tilespmem:$0x64D0];
	_ =	sdelay $0x4  }
0xd7: {  	v2 =	vmul.f32 v3, v2;
	_ =	sdelay $0x1  }
0xd8: {  	[tilespmem:s5+$0x5050] =	vst v2  }
0xd9: {  	v2 =	vld [tilespmem:$0x6460]  }
0xda: {  	v3 =	vld [tilespmem:$0x64E0];
	_ =	sdelay $0x2  }
.Ltmp2:
0xdb: {  	(pc) =	sbr.rel @p1 .LBB2_6-.Ltmp2, $3  }
0xdc: {  	_ = 	snop  }
0xdd: {  	v2 =	vmul.f32 v3, v2;
	_ =	sdelay $0x1  }
0xde: {  	[tilespmem:s5+$0x5060] =	vst v2  }
0xdf: {  	v2 =	vld [tilespmem:$0x6470]  }
0xe0: {  	v3 =	vld [tilespmem:$0x64F0];
	_ =	sdelay $0x4  }
0xe1: {  	v2 =	vmul.f32 v3, v2;
	_ =	sdelay $0x1  }
0xe2: {  	p3 =	por $0x1, $0x1;
	[tilespmem:s5+$0x5070] =	vst v2  }
.LBB2_8:
0xe3: {  	s10 =	simm.s32 $0x0  }
0xe4: {  	v3 =	vld [tilespmem:s10+$0x1400]  }
0xe5: {  	p1 =	por p3, p3;
	v2 =	vmov s24;
	s5 =	simm.s32 $0x0;
	s11 =	simm.s32 $0x40  }
.LBB2_9:
0xe6: {  	p2 =	sne.s32 s11, $0x4FC0  }
.Ltmp3:
0xe7: {  	_ = 	snop;
	(pc) =	sbr.rel @p2 .LBB2_9-.Ltmp3, $4  }
0xe8: {  	_ = 	snop  }
0xe9: {  	s12 =	sshra.s32 s11, $0x2;
	s11 =	sadd.s32 $0x40, s11;
	v4 =	vsub.s32 v3, v2  }
0xea: {  	v3 =	vld [tilespmem:s12+$0x1400];
	v4 =	vmin.u32 v4, $0x1400  }
0xeb: {  	[tilespmem:s10+$0x3C00] =	vst v4;
	s10 =	smov.u32 s12  }
0xec: {  	_ =	sdelay $0x2  }
0xed: {  	s11 =	sand.u32 $0xFE00, s5;
	v2 =	vsub.s32 v3, v2  }
0xee: {  	s12 =	sand.u32 $0x70, s5;
	s11 =	sshrl.u32 s11, $0x2;
	v2 =	vmin.u32 v2, $0x1400  }
0xef: {  	s11 =	sor.u32 s12, s11;
	[tilespmem:s10+$0x3C00] =	vst v2;
	s10 =	simm.s32 $0x40  }
.LBB2_11:
0xf0: {  	p2 =	sne.s32 s10, $0xFFC0  }
0xf1: {  	[tilespmem:s11+$0x6500] =	vst v1;
	s5 =	sadd.s32 $0x10, s5;
	s11 =	smov.u32 s10;
	s10 =	sadd.s32 $0x40, s10  }
.Ltmp4:
0xf2: {  	(pc) =	sbr.rel @p2 .LBB2_11-.Ltmp4, $4  }
0xf3: {  	_ = 	snop  }
0xf4: {  	s11 =	sand.u32 $0xFE00, s11  }
0xf5: {  	s12 =	sand.u32 $0x70, s5;
	s11 =	sshrl.u32 s11, $0x2  }
0xf6: {  	s11 =	sor.u32 s12, s11  }
0xf7: {  	[tilespmem:s11+$0x6500] =	vst v1  }
0xf8: {  	[spmem:s13] =	stream.linear.scatter [tilespmem:s2], [sflag:$0x2], $0x4000, $0x38;
	[tilespmem:$0x14E80] =	vst v63  }
0xf9: {  	_ =	swait.ge [sflag:s22], $0x4000  }
0xfa: {  	[sflag:s22] =	ssyncset.done $0x0  }
0xfb: {  	[sflag:s22] =	ssyncadd.s32 $0xFFFFC000  }
0xfc: {  	[spmem:s15] =	stream.linear.scatter [tilespmem:s2], [sflag:$0x2], $0x4000, $0x38;
	[tilespmem:$0x14E80] =	vst v63  }
0xfd: {  	_ =	swait.ge [sflag:s22], $0x4000  }
0xfe: {  	[sflag:s22] =	ssyncset.done $0x0  }
0xff: {  	s5 =	simm.s32 @!p0 $0x6500;
	[sflag:s22] =	ssyncadd.s32 $0xFFFFC000  }
0x100: {  	[spmem:s17] =	stream.linear.scatter @!p0 [tilespmem:s5], [sflag:$0x2], $0x4000, $0x38;
	[tilespmem:$0x14E80] =	vst v63  }
0x101: {  	s5 =	simm.s32 @!p0 $0x2  }
0x102: {  	_ =	swait.ge @!p0 [sflag:s5], $0x4000  }
0x103: {  	[sflag:s5] =	ssyncset.done @!p0 $0x0  }
0x104: {  	[sflag:s5] =	ssyncadd.s32 @!p0 $0xFFFFC000  }
0x105: {  	s10 =	simm.s32 $0x0;
	[bflag:$0x0] =	sbarrier.arrive $0xFFFF  }
.LBB2_13:
0x106: {  	s11 =	sshll.u32 s10, $0x7  }
0x107: {  	[tilespmem:s2], [sflag:$0x1] =	stream.indirect.gather [hbm4b:s6+s26], $0x80, s11, s26, $0xb8;
	[tilespmem:$0x14E80] =	vst v63  }
0x108: {  	_ =	swait.ge [sflag:s30], $0x4000  }
0x109: {  	s5 =	sadd.s32 $0x5000, s11;
	[sflag:s30] =	ssyncset.done $0x0  }
0x10a: {  	s12 =	sadd.s32 $0x2800, s11;
	v2 =	vmov s5;
	[sflag:s30] =	ssyncadd.s32 $0xFFFFC000  }
0x10b: {  	[tilespmem:s2], [sflag:$0x1] =	stream.indirect.gather.add.f32 [hbm:s7], $0x80, s12, s26, $0xb8;
	[tilespmem:$0x14E80] =	vst v63  }
0x10c: {  	_ =	swait.ge [sflag:s30], $0x4000  }
0x10d: {  	s21 =	simm.s32 $0x0;
	[sflag:s30] =	ssyncset.done $0x0  }
0x10e: {  	s25 =	simm.s32 $0x0;
	s5 =	sand.u32 $0x3FFFFFF0, s21;
	[sflag:s30] =	ssyncadd.s32 $0xFFFFC000  }
0x10f: {  	s12 =	sand.u32 $0x3FFFF800, s25;
	v3 =	vld.idx.msk [tilespmem:v2+s5+$0x0 ss:$0x1], $0xffff  }
0x110: {  	v9 =	vld [tilespmem:s12+$0x65C0]  }
0x111: {  	v10 =	vld [tilespmem:s12+$0x65D0]  }
0x112: {  	v11 =	vld [tilespmem:s12+$0x65B0]  }
0x113: {  	v5 =	vld [tilespmem:s12+$0x6520]  }
0x114: {  	v6 =	vld [tilespmem:s12+$0x6530]  }
0x115: {  	v12 =	vld [tilespmem:s12+$0x6560]  }
0x116: {  	v13 =	vld [tilespmem:s12+$0x6570];
	v4 =	vbroadcast v3, $0x0  }
0x117: {  	v14 =	vld [tilespmem:s12+$0x6580]  }
0x118: {  	v15 =	vld [tilespmem:s12+$0x6590];
	v5 =	vmul.f32 v5, v4  }
0x119: {  	v16 =	vld [tilespmem:s12+$0x65A0];
	v6 =	vmul.f32 v6, v4  }
0x11a: {  	v8 =	vld [tilespmem:s12+$0x6A70];
	v27 =	vbroadcast v3, $0x1;
	v26 =	vmul.f32 v12, v4;
	[tilespmem:s12+$0x6520] =	vst v5  }
0x11b: {  	v28 =	vld [tilespmem:s12+$0x65E0];
	v13 =	vmul.f32 v13, v4;
	[tilespmem:s12+$0x6530] =	vst v6  }
0x11c: {  	v29 =	vld [tilespmem:s12+$0x65F0];
	v14 =	vmul.f32 v14, v27;
	[tilespmem:s12+$0x6560] =	vst v26  }
0x11d: {  	v30 =	vld [tilespmem:s12+$0x6600];
	v15 =	vmul.f32 v15, v27;
	[tilespmem:s12+$0x6570] =	vst v13  }
0x11e: {  	v31 =	vld [tilespmem:s12+$0x6610];
	v16 =	vmul.f32 v16, v27;
	[tilespmem:s12+$0x6580] =	vst v14  }
0x11f: {  	v32 =	vld [tilespmem:s12+$0x6620];
	v11 =	vmul.f32 v11, v27;
	[tilespmem:s12+$0x6590] =	vst v15  }
0x120: {  	v33 =	vld [tilespmem:s12+$0x6630];
	v9 =	vmul.f32 v9, v27;
	[tilespmem:s12+$0x65A0] =	vst v16  }
0x121: {  	v34 =	vld [tilespmem:s12+$0x6640];
	v17 =	vbroadcast v3, $0x2;
	v10 =	vmul.f32 v10, v27;
	[tilespmem:s12+$0x65B0] =	vst v11  }
0x122: {  	v35 =	vld [tilespmem:s12+$0x6650];
	v12 =	vmul.f32 v29, v27;
	[tilespmem:s12+$0x65C0] =	vst v9  }
0x123: {  	v37 =	vld [tilespmem:s12+$0x6660];
	v7 =	vbroadcast v3, $0xA;
	v36 =	vmul.f32 v30, v17;
	[tilespmem:s12+$0x65D0] =	vst v10  }
0x124: {  	v39 =	vld [tilespmem:s12+$0x6670];
	v38 =	vmul.f32 v31, v17;
	[tilespmem:s12+$0x65F0] =	vst v12  }
0x125: {  	v40 =	vld [tilespmem:s12+$0x6680];
	v5 =	vmul.f32 v8, v7;
	[tilespmem:s12+$0x6600] =	vst v36  }
0x126: {  	v41 =	vld [tilespmem:s12+$0x6690];
	v13 =	vmul.f32 v28, v27;
	[tilespmem:s12+$0x6610] =	vst v38  }
0x127: {  	v42 =	vld [tilespmem:s12+$0x66A0];
	v11 =	vmul.f32 v32, v17;
	[tilespmem:s12+$0x6A70] =	vst v5  }
0x128: {  	v43 =	vld [tilespmem:s12+$0x66B0];
	v9 =	vmul.f32 v33, v17;
	[tilespmem:s12+$0x65E0] =	vst v13  }
0x129: {  	v44 =	vld [tilespmem:s12+$0x66C0];
	v10 =	vmul.f32 v34, v17;
	[tilespmem:s12+$0x6620] =	vst v11  }
0x12a: {  	v46 =	vld [tilespmem:s12+$0x66D0];
	v45 =	vbroadcast v3, $0x3;
	v12 =	vmul.f32 v37, v17;
	[tilespmem:s12+$0x6630] =	vst v9  }
0x12b: {  	v47 =	vld [tilespmem:s12+$0x66E0];
	v14 =	vmul.f32 v39, v17;
	[tilespmem:s12+$0x6640] =	vst v10  }
0x12c: {  	v48 =	vld [tilespmem:s12+$0x66F0];
	v15 =	vmul.f32 v40, v45;
	[tilespmem:s12+$0x6660] =	vst v12  }
0x12d: {  	v49 =	vld [tilespmem:s12+$0x6700];
	v13 =	vmul.f32 v35, v17;
	[tilespmem:s12+$0x6670] =	vst v14  }
0x12e: {  	v50 =	vld [tilespmem:s12+$0x6710];
	v11 =	vmul.f32 v41, v45;
	[tilespmem:s12+$0x6680] =	vst v15  }
0x12f: {  	v51 =	vld [tilespmem:s12+$0x6720];
	v9 =	vmul.f32 v42, v45;
	[tilespmem:s12+$0x6650] =	vst v13  }
0x130: {  	v52 =	vld [tilespmem:s12+$0x6730];
	v10 =	vmul.f32 v43, v45;
	[tilespmem:s12+$0x6690] =	vst v11  }
0x131: {  	v53 =	vld [tilespmem:s12+$0x6740];
	v12 =	vmul.f32 v46, v45;
	[tilespmem:s12+$0x66A0] =	vst v9  }
0x132: {  	v55 =	vld [tilespmem:s12+$0x6750];
	v14 =	vmul.f32 v47, v45;
	[tilespmem:s12+$0x66B0] =	vst v10  }
0x133: {  	v56 =	vld [tilespmem:s12+$0x6760];
	v54 =	vbroadcast v3, $0x4;
	v15 =	vmul.f32 v48, v45;
	[tilespmem:s12+$0x66D0] =	vst v12  }
0x134: {  	v57 =	vld [tilespmem:s12+$0x6770];
	v13 =	vmul.f32 v44, v45;
	[tilespmem:s12+$0x66E0] =	vst v14  }
0x135: {  	v58 =	vld [tilespmem:s12+$0x6780];
	v11 =	vmul.f32 v49, v54;
	[tilespmem:s12+$0x66F0] =	vst v15  }
0x136: {  	v59 =	vld [tilespmem:s12+$0x6790];
	v9 =	vmul.f32 v50, v54;
	[tilespmem:s12+$0x66C0] =	vst v13  }
0x137: {  	v60 =	vld [tilespmem:s12+$0x67A0];
	v10 =	vmul.f32 v51, v54;
	[tilespmem:s12+$0x6700] =	vst v11  }
0x138: {  	v61 =	vld [tilespmem:s12+$0x67B0];
	v12 =	vmul.f32 v53, v54;
	[tilespmem:s12+$0x6710] =	vst v9  }
0x139: {  	v62 =	vld [tilespmem:s12+$0x67C0];
	v14 =	vmul.f32 v55, v54;
	[tilespmem:s12+$0x6720] =	vst v10  }
0x13a: {  	v20 =	vld [tilespmem:s12+$0x67D0];
	v15 =	vmul.f32 v56, v54;
	[tilespmem:s12+$0x6740] =	vst v12  }
0x13b: {  	v21 =	vld [tilespmem:s12+$0x67E0];
	v63 =	vbroadcast v3, $0x5;
	v13 =	vmul.f32 v52, v54;
	[tilespmem:s12+$0x6750] =	vst v14  }
0x13c: {  	v22 =	vld [tilespmem:s12+$0x67F0];
	v11 =	vmul.f32 v57, v54;
	[tilespmem:s12+$0x6760] =	vst v15  }
0x13d: {  	v23 =	vld [tilespmem:s12+$0x6800];
	v9 =	vmul.f32 v58, v63;
	[tilespmem:s12+$0x6730] =	vst v13  }
0x13e: {  	v24 =	vld [tilespmem:s12+$0x6810];
	v10 =	vmul.f32 v59, v63;
	[tilespmem:s12+$0x6770] =	vst v11  }
0x13f: {  	v25 =	vld [tilespmem:s12+$0x6820];
	v12 =	vmul.f32 v61, v63;
	[tilespmem:s12+$0x6780] =	vst v9  }
0x140: {  	v29 =	vld [tilespmem:s12+$0x6850];
	v14 =	vmul.f32 v62, v63;
	[tilespmem:s12+$0x6790] =	vst v10  }
0x141: {  	v30 =	vld [tilespmem:s12+$0x6860];
	v15 =	vmul.f32 v20, v63;
	[tilespmem:s12+$0x67B0] =	vst v12  }
0x142: {  	v26 =	vld [tilespmem:s12+$0x6830];
	v13 =	vmul.f32 v60, v63;
	[tilespmem:s12+$0x67C0] =	vst v14  }
0x143: {  	v27 =	vld [tilespmem:s12+$0x6840];
	v28 =	vbroadcast v3, $0x6;
	v11 =	vmul.f32 v21, v63;
	[tilespmem:s12+$0x67D0] =	vst v15  }
0x144: {  	v31 =	vld [tilespmem:s12+$0x6870];
	v9 =	vmul.f32 v22, v63;
	[tilespmem:s12+$0x67A0] =	vst v13  }
0x145: {  	v6 =	vld [tilespmem:s12+$0x6A80];
	v10 =	vmul.f32 v23, v28;
	[tilespmem:s12+$0x67E0] =	vst v11  }
0x146: {  	v8 =	vld [tilespmem:s12+$0x6A90];
	v12 =	vmul.f32 v25, v28;
	[tilespmem:s12+$0x67F0] =	vst v9  }
0x147: {  	v32 =	vld [tilespmem:s12+$0x6880];
	v14 =	vmul.f32 v26, v28;
	[tilespmem:s12+$0x6800] =	vst v10  }
0x148: {  	v33 =	vld [tilespmem:s12+$0x6890];
	v15 =	vmul.f32 v27, v28;
	[tilespmem:s12+$0x6820] =	vst v12  }
0x149: {  	v34 =	vld [tilespmem:s12+$0x68A0];
	v13 =	vmul.f32 v24, v28;
	[tilespmem:s12+$0x6830] =	vst v14  }
0x14a: {  	v35 =	vld [tilespmem:s12+$0x68B0];
	v11 =	vmul.f32 v29, v28;
	[tilespmem:s12+$0x6840] =	vst v15  }
0x14b: {  	v37 =	vbroadcast v3, $0x7;
	v59 =	vld [tilespmem:s12+$0x6A00];
	v9 =	vmul.f32 v30, v28;
	[tilespmem:s12+$0x6810] =	vst v13  }
0x14c: {  	v20 =	vld [tilespmem:s12+$0x6A50];
	v10 =	vmul.f32 v31, v28;
	[tilespmem:s12+$0x6850] =	vst v11  }
0x14d: {  	v36 =	vld [tilespmem:s12+$0x68C0];
	v12 =	vmul.f32 v33, v37;
	[tilespmem:s12+$0x6860] =	vst v9  }
0x14e: {  	v38 =	vld [tilespmem:s12+$0x68D0];
	v14 =	vmul.f32 v34, v37;
	[tilespmem:s12+$0x6870] =	vst v10  }
0x14f: {  	v39 =	vld [tilespmem:s12+$0x68E0];
	v15 =	vmul.f32 v35, v37;
	[tilespmem:s12+$0x6890] =	vst v12  }
0x150: {  	v40 =	vld [tilespmem:s12+$0x68F0];
	v21 =	vmul.f32 v59, v7;
	[tilespmem:s12+$0x68A0] =	vst v14  }
0x151: {  	v41 =	vld [tilespmem:s12+$0x6900];
	v28 =	vmul.f32 v20, v7;
	[tilespmem:s12+$0x68B0] =	vst v15  }
0x152: {  	v42 =	vld [tilespmem:s12+$0x6910];
	v13 =	vmul.f32 v32, v37;
	[tilespmem:s12+$0x6A00] =	vst v21  }
0x153: {  	v43 =	vld [tilespmem:s12+$0x6920];
	v11 =	vmul.f32 v36, v37;
	[tilespmem:s12+$0x6A50] =	vst v28  }
0x154: {  	v5 =	vld [tilespmem:s12+$0x6CD0];
	v46 =	vbroadcast v3, $0x8;
	v9 =	vmul.f32 v38, v37;
	[tilespmem:s12+$0x6880] =	vst v13  }
0x155: {  	v47 =	vld [tilespmem:s12+$0x6950];
	v10 =	vmul.f32 v39, v37;
	[tilespmem:s12+$0x68C0] =	vst v11  }
0x156: {  	v63 =	vld [tilespmem:s12+$0x6A40];
	v12 =	vmul.f32 v41, v46;
	[tilespmem:s12+$0x68D0] =	vst v9  }
0x157: {  	v23 =	vld [tilespmem:s12+$0x6500];
	v31 =	vbroadcast v3, $0xB;
	v14 =	vmul.f32 v42, v46;
	[tilespmem:s12+$0x68E0] =	vst v10  }
0x158: {  	v48 =	vld [tilespmem:s12+$0x6960];
	v15 =	vmul.f32 v43, v46;
	[tilespmem:s12+$0x6900] =	vst v12  }
0x159: {  	v44 =	vld [tilespmem:s12+$0x6930];
	v6 =	vmul.f32 v6, v31;
	[tilespmem:s12+$0x6910] =	vst v14  }
0x15a: {  	v45 =	vld [tilespmem:s12+$0x6940];
	v8 =	vmul.f32 v8, v31;
	[tilespmem:s12+$0x6920] =	vst v15  }
0x15b: {  	v49 =	vld [tilespmem:s12+$0x6970];
	v26 =	vmul.f32 v63, v7;
	[tilespmem:s12+$0x6A80] =	vst v6  }
0x15c: {  	v50 =	vld [tilespmem:s12+$0x6980];
	v32 =	vmul.f32 v4, v23;
	[tilespmem:s12+$0x6A90] =	vst v8  }
0x15d: {  	v51 =	vld [tilespmem:s12+$0x6990];
	v13 =	vmul.f32 v40, v37;
	[tilespmem:s12+$0x6A40] =	vst v26  }
0x15e: {  	v53 =	vld [tilespmem:s12+$0x69B0];
	v11 =	vmul.f32 v44, v46;
	[tilespmem:s12+$0x6500] =	vst v32  }
0x15f: {  	v33 =	vld [tilespmem:s12+$0x6AD0];
	v9 =	vmul.f32 v45, v46;
	[tilespmem:s12+$0x68F0] =	vst v13  }
0x160: {  	v55 =	vbroadcast v3, $0x9;
	v34 =	vld [tilespmem:s12+$0x6AE0];
	v10 =	vmul.f32 v47, v46;
	[tilespmem:s12+$0x6930] =	vst v11  }
0x161: {  	v35 =	vld [tilespmem:s12+$0x6AF0];
	v12 =	vmul.f32 v49, v46;
	[tilespmem:s12+$0x6940] =	vst v9  }
0x162: {  	v52 =	vld [tilespmem:s12+$0x69A0];
	v14 =	vmul.f32 v50, v55;
	[tilespmem:s12+$0x6950] =	vst v10  }
0x163: {  	v54 =	vld [tilespmem:s12+$0x69C0];
	v15 =	vmul.f32 v51, v55;
	[tilespmem:s12+$0x6970] =	vst v12  }
0x164: {  	v57 =	vld [tilespmem:s12+$0x69E0];
	v38 =	vmul.f32 v33, v31;
	[tilespmem:s12+$0x6980] =	vst v14  }
0x165: {  	v58 =	vld [tilespmem:s12+$0x69F0];
	v45 =	vmul.f32 v34, v31;
	[tilespmem:s12+$0x6990] =	vst v15  }
0x166: {  	v61 =	vld [tilespmem:s12+$0x6A20];
	v8 =	vmul.f32 v35, v31;
	[tilespmem:s12+$0x6AD0] =	vst v38  }
0x167: {  	v62 =	vld [tilespmem:s12+$0x6A30];
	v13 =	vmul.f32 v48, v46;
	[tilespmem:s12+$0x6AE0] =	vst v45  }
0x168: {  	v36 =	vld [tilespmem:s12+$0x6B00];
	v11 =	vmul.f32 v52, v55;
	[tilespmem:s12+$0x6AF0] =	vst v8  }
0x169: {  	v60 =	vld [tilespmem:s12+$0x6A10];
	v9 =	vmul.f32 v53, v55;
	[tilespmem:s12+$0x6960] =	vst v13  }
0x16a: {  	v22 =	vld [tilespmem:s12+$0x6A60];
	v41 =	vbroadcast v3, $0xC;
	v10 =	vmul.f32 v54, v55;
	[tilespmem:s12+$0x69A0] =	vst v11  }
0x16b: {  	v56 =	vld [tilespmem:s12+$0x69D0];
	v6 =	vbroadcast v3, $0xF;
	v12 =	vmul.f32 v57, v55;
	[tilespmem:s12+$0x69B0] =	vst v9  }
0x16c: {  	v14 =	vmul.f32 v58, v55;
	[tilespmem:s12+$0x69C0] =	vst v10  }
0x16d: {  	v5 =	vmul.f32 v5, v6;
	v17 =	vmul.f32 v36, v41;
	[tilespmem:s12+$0x69E0] =	vst v12  }
0x16e: {  	[tilespmem:s12+$0x69F0] =	vst v14;
	v11 =	vmul.f32 v60, v7;
	v9 =	vmul.f32 v61, v7  }
0x16f: {  	v24 =	vld [tilespmem:s12+$0x6510];
	v10 =	vmul.f32 v62, v7;
	v7 =	vmul.f32 v22, v7;
	[tilespmem:s12+$0x6CD0] =	vst v5  }
0x170: {  	v25 =	vld [tilespmem:s12+$0x6540];
	v13 =	vmul.f32 v56, v55;
	[tilespmem:s12+$0x6B00] =	vst v17  }
0x171: {  	[tilespmem:s12+$0x6A60] =	vst v7;
	v7 =	vld [tilespmem:s12+$0x6AC0]  }
0x172: {  	v27 =	vld [tilespmem:s12+$0x6550];
	[tilespmem:s12+$0x69D0] =	vst v13  }
0x173: {  	v43 =	vld [tilespmem:s12+$0x6B70];
	[tilespmem:s12+$0x6A10] =	vst v11  }
0x174: {  	v50 =	vld [tilespmem:s12+$0x6BE0];
	v14 =	vmul.f32 v24, v4;
	[tilespmem:s12+$0x6A20] =	vst v9  }
0x175: {  	v29 =	vld [tilespmem:s12+$0x6AA0];
	v5 =	vmul.f32 v25, v4;
	[tilespmem:s12+$0x6A30] =	vst v10  }
0x176: {  	v30 =	vld [tilespmem:s12+$0x6AB0];
	[tilespmem:s12+$0x6510] =	vst v14;
	v7 =	vmul.f32 v7, v31  }
0x177: {  	v37 =	vld [tilespmem:s12+$0x6B10];
	v49 =	vbroadcast v3, $0xD;
	v4 =	vmul.f32 v27, v4;
	[tilespmem:s12+$0x6540] =	vst v5  }
0x178: {  	v17 =	vmul.f32 v43, v41;
	[tilespmem:s12+$0x6AC0] =	vst v7;
	v7 =	vld [tilespmem:s12+$0x6B60]  }
0x179: {  	v40 =	vld [tilespmem:s12+$0x6B40];
	v55 =	vmul.f32 v50, v49;
	[tilespmem:s12+$0x6550] =	vst v4  }
0x17a: {  	v46 =	vld [tilespmem:s12+$0x6BA0];
	v9 =	vmul.f32 v29, v31;
	[tilespmem:s12+$0x6B70] =	vst v17  }
0x17b: {  	v10 =	vmul.f32 v30, v31;
	v4 =	vld [tilespmem:s12+$0x6B90];
	[tilespmem:s12+$0x6BE0] =	vst v55  }
0x17c: {  	v53 =	vld [tilespmem:s12+$0x6C20];
	v11 =	vmul.f32 v37, v41;
	[tilespmem:s12+$0x6AA0] =	vst v9  }
0x17d: {  	v54 =	vld [tilespmem:s12+$0x6C30];
	[tilespmem:s12+$0x6AB0] =	vst v10;
	v7 =	vmul.f32 v7, v41  }
0x17e: {  	v42 =	vld [tilespmem:s12+$0x6B50];
	v14 =	vmul.f32 v40, v41;
	[tilespmem:s12+$0x6B10] =	vst v11  }
0x17f: {  	v3 =	vbroadcast v3, $0xE;
	v13 =	vmul.f32 v46, v49;
	[tilespmem:s12+$0x6B60] =	vst v7;
	v7 =	vld [tilespmem:s12+$0x6BD0]  }
0x180: {  	v44 =	vld [tilespmem:s12+$0x6B80];
	[tilespmem:s12+$0x6B40] =	vst v14;
	v4 =	vmul.f32 v4, v49  }
0x181: {  	v47 =	vld [tilespmem:s12+$0x6BB0];
	v12 =	vmul.f32 v53, v3;
	[tilespmem:s12+$0x6BA0] =	vst v13  }
0x182: {  	v8 =	vmul.f32 v54, v3;
	[tilespmem:s12+$0x6B90] =	vst v4;
	v4 =	vld [tilespmem:s12+$0x6C00]  }
0x183: {  	v52 =	vld [tilespmem:s12+$0x6C10];
	v10 =	vmul.f32 v42, v41;
	[tilespmem:s12+$0x6C20] =	vst v12  }
0x184: {  	v60 =	vld [tilespmem:s12+$0x6CA0];
	[tilespmem:s12+$0x6C30] =	vst v8;
	v7 =	vmul.f32 v7, v49  }
0x185: {  	v51 =	vld [tilespmem:s12+$0x6BF0];
	v11 =	vmul.f32 v44, v49;
	[tilespmem:s12+$0x6B50] =	vst v10  }
0x186: {  	v14 =	vmul.f32 v47, v49;
	[tilespmem:s12+$0x6BD0] =	vst v7;
	v7 =	vld [tilespmem:s12+$0x6C40]  }
0x187: {  	v48 =	vld [tilespmem:s12+$0x6BC0];
	[tilespmem:s12+$0x6B80] =	vst v11;
	v4 =	vmul.f32 v4, v3  }
0x188: {  	v58 =	vld [tilespmem:s12+$0x6C80];
	v13 =	vmul.f32 v52, v3;
	[tilespmem:s12+$0x6BB0] =	vst v14  }
0x189: {  	v8 =	vmul.f32 v60, v6;
	[tilespmem:s12+$0x6C00] =	vst v4;
	v4 =	vld [tilespmem:s12+$0x6C70]  }
0x18a: {  	v57 =	vld [tilespmem:s12+$0x6C60];
	v11 =	vmul.f32 v51, v49;
	[tilespmem:s12+$0x6C10] =	vst v13  }
0x18b: {  	v59 =	vld [tilespmem:s12+$0x6C90];
	[tilespmem:s12+$0x6CA0] =	vst v8;
	v7 =	vmul.f32 v7, v3  }
0x18c: {  	v56 =	vld [tilespmem:s12+$0x6C50];
	v10 =	vmul.f32 v48, v49;
	[tilespmem:s12+$0x6BF0] =	vst v11  }
0x18d: {  	v13 =	vmul.f32 v58, v6;
	[tilespmem:s12+$0x6C40] =	vst v7;
	v7 =	vld [tilespmem:s12+$0x6CB0]  }
0x18e: {  	v39 =	vld [tilespmem:s12+$0x6B30];
	[tilespmem:s12+$0x6BC0] =	vst v10;
	v4 =	vmul.f32 v4, v3  }
0x18f: {  	v61 =	vld [tilespmem:s12+$0x6CC0];
	v11 =	vmul.f32 v57, v3;
	[tilespmem:s12+$0x6C80] =	vst v13  }
0x190: {  	v63 =	vld [tilespmem:s12+$0x6CF0];
	[tilespmem:s12+$0x6C70] =	vst v4;
	v4 =	vmul.f32 v59, v6  }
0x191: {  	v62 =	vld [tilespmem:s12+$0x6CE0];
	[tilespmem:s12+$0x6C60] =	vst v11;
	v3 =	vmul.f32 v56, v3  }
0x192: {  	[tilespmem:s12+$0x6C90] =	vst v4;
	v4 =	vmul.f32 v7, v6  }
0x193: {  	v5 =	vld [tilespmem:s12+$0x6B20];
	[tilespmem:s12+$0x6C50] =	vst v3;
	v7 =	vmul.f32 v39, v41  }
0x194: {  	[tilespmem:s12+$0x6CB0] =	vst v4;
	v4 =	vmul.f32 v61, v6  }
0x195: {  	[tilespmem:s12+$0x6B30] =	vst v7;
	v7 =	vmul.f32 v63, v6  }
0x196: {  	v6 =	vmul.f32 v62, v6;
	[tilespmem:s12+$0x6CC0] =	vst v4  }
0x197: {  	[tilespmem:s12+$0x6CF0] =	vst v7  }
0x198: {  	s5 =	simm.s32 $0x1;
	v4 =	vmul.f32 v5, v41;
	[tilespmem:s12+$0x6CE0] =	vst v6  }
.LBB2_14:
0x199: {  	s21 =	sshll.u32 s5, $0x4  }
0x19a: {  	p2 =	sne.s32 s5, $0x7;
	[tilespmem:s12+$0x6B20] =	vst v4;
	s12 =	smov.u32 s5;
	s5 =	sadd.s32 $0x1, s5  }
0x19b: {  	s21 =	sand.u32 $0x3FFFFFF0, s21  }
0x19c: {  	v3 =	vld.idx.msk [tilespmem:v2+s21+$0x0 ss:$0x1], $0xffff  }
0x19d: {  	s12 =	sshll.u32 s12, $0xB  }
0x19e: {  	s12 =	sand.u32 $0x3FFFF800, s12  }
0x19f: {  	v10 =	vld [tilespmem:s12+$0x65C0]  }
0x1a0: {  	v11 =	vld [tilespmem:s12+$0x65D0]  }
0x1a1: {  	v12 =	vld [tilespmem:s12+$0x65B0]  }
0x1a2: {  	v4 =	vbroadcast v3, $0x0;
	v9 =	vbroadcast v3, $0x4;
	v5 =	vld [tilespmem:s12+$0x6520]  }
0x1a3: {  	v7 =	vld [tilespmem:s12+$0x6530]  }
0x1a4: {  	v8 =	vld [tilespmem:s12+$0x6A70]  }
0x1a5: {  	v13 =	vld [tilespmem:s12+$0x6560]  }
0x1a6: {  	v14 =	vld [tilespmem:s12+$0x6570]  }
0x1a7: {  	v6 =	vbroadcast v3, $0xA;
	v5 =	vmul.f32 v5, v4;
	v15 =	vld [tilespmem:s12+$0x6580]  }
0x1a8: {  	v7 =	vmul.f32 v7, v4;
	v16 =	vld [tilespmem:s12+$0x6590]  }
0x1a9: {  	[tilespmem:s12+$0x6520] =	vst v5;
	v17 =	vld [tilespmem:s12+$0x65A0];
	v5 =	vmul.f32 v8, v6  }
0x1aa: {  	[tilespmem:s12+$0x6530] =	vst v7;
	v8 =	vmul.f32 v13, v4;
	v13 =	vbroadcast v3, $0x1;
	v7 =	vld [tilespmem:s12+$0x6A80]  }
0x1ab: {  	v14 =	vmul.f32 v14, v4;
	[tilespmem:s12+$0x6A70] =	vst v5;
	v5 =	vld [tilespmem:s12+$0x6CD0]  }
0x1ac: {  	[tilespmem:s12+$0x6560] =	vst v8;
	v15 =	vmul.f32 v15, v13;
	v8 =	vld [tilespmem:s12+$0x6A90]  }
0x1ad: {  	[tilespmem:s12+$0x6570] =	vst v14;
	v14 =	vmul.f32 v16, v13;
	v16 =	vld [tilespmem:s12+$0x65E0]  }
0x1ae: {  	[tilespmem:s12+$0x6580] =	vst v15;
	v15 =	vmul.f32 v17, v13;
	v17 =	vld [tilespmem:s12+$0x65F0]  }
0x1af: {  	v12 =	vmul.f32 v12, v13;
	[tilespmem:s12+$0x6590] =	vst v14;
	v14 =	vld [tilespmem:s12+$0x6600]  }
0x1b0: {  	v10 =	vmul.f32 v10, v13;
	[tilespmem:s12+$0x65A0] =	vst v15;
	v15 =	vld [tilespmem:s12+$0x6610]  }
0x1b1: {  	v11 =	vmul.f32 v11, v13;
	[tilespmem:s12+$0x65B0] =	vst v12;
	v12 =	vld [tilespmem:s12+$0x6620]  }
0x1b2: {  	[tilespmem:s12+$0x65C0] =	vst v10;
	v10 =	vmul.f32 v16, v13;
	v16 =	vbroadcast v3, $0x2;
	v18 =	vld [tilespmem:s12+$0x6630]  }
0x1b3: {  	[tilespmem:s12+$0x65D0] =	vst v11;
	v11 =	vmul.f32 v17, v13;
	v13 =	vld [tilespmem:s12+$0x6640]  }
0x1b4: {  	[tilespmem:s12+$0x65E0] =	vst v10;
	v10 =	vmul.f32 v14, v16;
	v14 =	vld [tilespmem:s12+$0x6650]  }
0x1b5: {  	[tilespmem:s12+$0x65F0] =	vst v11;
	v11 =	vmul.f32 v15, v16;
	v15 =	vld [tilespmem:s12+$0x6660]  }
0x1b6: {  	[tilespmem:s12+$0x6600] =	vst v10;
	v10 =	vmul.f32 v12, v16;
	v12 =	vld [tilespmem:s12+$0x6670]  }
0x1b7: {  	[tilespmem:s12+$0x6610] =	vst v11;
	v11 =	vmul.f32 v18, v16;
	v17 =	vld [tilespmem:s12+$0x6680]  }
0x1b8: {  	[tilespmem:s12+$0x6620] =	vst v10;
	v10 =	vmul.f32 v13, v16;
	v13 =	vld [tilespmem:s12+$0x6690]  }
0x1b9: {  	[tilespmem:s12+$0x6630] =	vst v11;
	v11 =	vmul.f32 v14, v16;
	v14 =	vld [tilespmem:s12+$0x66A0]  }
0x1ba: {  	[tilespmem:s12+$0x6640] =	vst v10;
	v10 =	vmul.f32 v15, v16;
	v15 =	vbroadcast v3, $0x3;
	v18 =	vld [tilespmem:s12+$0x66B0]  }
0x1bb: {  	[tilespmem:s12+$0x6650] =	vst v11;
	v11 =	vmul.f32 v12, v16;
	v12 =	vld [tilespmem:s12+$0x66C0]  }
0x1bc: {  	[tilespmem:s12+$0x6660] =	vst v10;
	v10 =	vmul.f32 v17, v15;
	v16 =	vld [tilespmem:s12+$0x66D0]  }
0x1bd: {  	[tilespmem:s12+$0x6670] =	vst v11;
	v11 =	vmul.f32 v13, v15;
	v13 =	vld [tilespmem:s12+$0x66E0]  }
0x1be: {  	[tilespmem:s12+$0x6680] =	vst v10;
	v10 =	vmul.f32 v14, v15;
	v14 =	vld [tilespmem:s12+$0x66F0]  }
0x1bf: {  	[tilespmem:s12+$0x6690] =	vst v11;
	v11 =	vmul.f32 v18, v15;
	v17 =	vld [tilespmem:s12+$0x6700]  }
0x1c0: {  	[tilespmem:s12+$0x66A0] =	vst v10;
	v10 =	vmul.f32 v12, v15;
	v12 =	vld [tilespmem:s12+$0x6710]  }
0x1c1: {  	[tilespmem:s12+$0x66B0] =	vst v11;
	v11 =	vmul.f32 v16, v15;
	v16 =	vld [tilespmem:s12+$0x6720]  }
0x1c2: {  	[tilespmem:s12+$0x66C0] =	vst v10;
	v10 =	vmul.f32 v13, v15;
	v13 =	vld [tilespmem:s12+$0x6730]  }
0x1c3: {  	[tilespmem:s12+$0x66D0] =	vst v11;
	v11 =	vmul.f32 v14, v15;
	v14 =	vld [tilespmem:s12+$0x6740]  }
0x1c4: {  	[tilespmem:s12+$0x66E0] =	vst v10;
	v10 =	vmul.f32 v17, v9;
	v15 =	vld [tilespmem:s12+$0x6750]  }
0x1c5: {  	[tilespmem:s12+$0x66F0] =	vst v11;
	v11 =	vmul.f32 v12, v9;
	v12 =	vld [tilespmem:s12+$0x6760]  }
0x1c6: {  	[tilespmem:s12+$0x6700] =	vst v10;
	v10 =	vmul.f32 v16, v9;
	v16 =	vld [tilespmem:s12+$0x6770]  }
0x1c7: {  	[tilespmem:s12+$0x6710] =	vst v11;
	v11 =	vmul.f32 v13, v9;
	v13 =	vld [tilespmem:s12+$0x6780]  }
0x1c8: {  	[tilespmem:s12+$0x6720] =	vst v10;
	v10 =	vmul.f32 v14, v9;
	v14 =	vld [tilespmem:s12+$0x6790]  }
0x1c9: {  	[tilespmem:s12+$0x6730] =	vst v11;
	v11 =	vmul.f32 v15, v9;
	v15 =	vld [tilespmem:s12+$0x67A0]  }
0x1ca: {  	[tilespmem:s12+$0x6740] =	vst v10;
	v10 =	vmul.f32 v12, v9;
	v12 =	vbroadcast v3, $0x5;
	v17 =	vld [tilespmem:s12+$0x67B0]  }
0x1cb: {  	[tilespmem:s12+$0x6750] =	vst v11;
	v9 =	vmul.f32 v16, v9;
	v11 =	vld [tilespmem:s12+$0x67C0]  }
0x1cc: {  	[tilespmem:s12+$0x6760] =	vst v10;
	v10 =	vmul.f32 v13, v12;
	v13 =	vld [tilespmem:s12+$0x67D0]  }
0x1cd: {  	[tilespmem:s12+$0x6770] =	vst v9;
	v9 =	vmul.f32 v14, v12;
	v14 =	vld [tilespmem:s12+$0x67E0]  }
0x1ce: {  	[tilespmem:s12+$0x6780] =	vst v10;
	v10 =	vmul.f32 v15, v12;
	v15 =	vld [tilespmem:s12+$0x67F0]  }
0x1cf: {  	[tilespmem:s12+$0x6790] =	vst v9;
	v9 =	vmul.f32 v17, v12;
	v16 =	vld [tilespmem:s12+$0x6800]  }
0x1d0: {  	[tilespmem:s12+$0x67A0] =	vst v10;
	v10 =	vmul.f32 v11, v12;
	v11 =	vld [tilespmem:s12+$0x6810]  }
0x1d1: {  	[tilespmem:s12+$0x67B0] =	vst v9;
	v9 =	vmul.f32 v13, v12;
	v13 =	vld [tilespmem:s12+$0x6820]  }
0x1d2: {  	[tilespmem:s12+$0x67C0] =	vst v10;
	v10 =	vmul.f32 v14, v12;
	v14 =	vbroadcast v3, $0x6;
	v17 =	vld [tilespmem:s12+$0x6830]  }
0x1d3: {  	[tilespmem:s12+$0x67D0] =	vst v9;
	v9 =	vmul.f32 v15, v12;
	v12 =	vld [tilespmem:s12+$0x6840]  }
0x1d4: {  	[tilespmem:s12+$0x67E0] =	vst v10;
	v10 =	vmul.f32 v16, v14;
	v15 =	vld [tilespmem:s12+$0x6850]  }
0x1d5: {  	[tilespmem:s12+$0x67F0] =	vst v9;
	v9 =	vmul.f32 v11, v14;
	v11 =	vld [tilespmem:s12+$0x6860]  }
0x1d6: {  	[tilespmem:s12+$0x6800] =	vst v10;
	v10 =	vmul.f32 v13, v14;
	v13 =	vld [tilespmem:s12+$0x6870]  }
0x1d7: {  	[tilespmem:s12+$0x6810] =	vst v9;
	v9 =	vmul.f32 v17, v14;
	v16 =	vld [tilespmem:s12+$0x6880]  }
0x1d8: {  	[tilespmem:s12+$0x6820] =	vst v10;
	v10 =	vmul.f32 v12, v14;
	v12 =	vld [tilespmem:s12+$0x6890]  }
0x1d9: {  	[tilespmem:s12+$0x6830] =	vst v9;
	v9 =	vmul.f32 v15, v14;
	v15 =	vld [tilespmem:s12+$0x68A0]  }
0x1da: {  	[tilespmem:s12+$0x6840] =	vst v10;
	v10 =	vmul.f32 v11, v14;
	v11 =	vbroadcast v3, $0x7;
	v17 =	vld [tilespmem:s12+$0x68B0]  }
0x1db: {  	[tilespmem:s12+$0x6850] =	vst v9;
	v9 =	vmul.f32 v13, v14;
	v13 =	vld [tilespmem:s12+$0x68C0]  }
0x1dc: {  	[tilespmem:s12+$0x6860] =	vst v10;
	v10 =	vmul.f32 v16, v11;
	v14 =	vld [tilespmem:s12+$0x68D0]  }
0x1dd: {  	[tilespmem:s12+$0x6870] =	vst v9;
	v9 =	vmul.f32 v12, v11;
	v12 =	vld [tilespmem:s12+$0x68E0]  }
0x1de: {  	[tilespmem:s12+$0x6880] =	vst v10;
	v10 =	vmul.f32 v15, v11;
	v15 =	vld [tilespmem:s12+$0x68F0]  }
0x1df: {  	[tilespmem:s12+$0x6890] =	vst v9;
	v9 =	vmul.f32 v17, v11;
	v16 =	vld [tilespmem:s12+$0x6900]  }
0x1e0: {  	[tilespmem:s12+$0x68A0] =	vst v10;
	v10 =	vmul.f32 v13, v11;
	v13 =	vld [tilespmem:s12+$0x6910]  }
0x1e1: {  	[tilespmem:s12+$0x68B0] =	vst v9;
	v9 =	vmul.f32 v14, v11;
	v14 =	vld [tilespmem:s12+$0x6920]  }
0x1e2: {  	[tilespmem:s12+$0x68C0] =	vst v10;
	v10 =	vmul.f32 v12, v11;
	v12 =	vbroadcast v3, $0x8;
	v17 =	vld [tilespmem:s12+$0x6930]  }
0x1e3: {  	[tilespmem:s12+$0x68D0] =	vst v9;
	v9 =	vmul.f32 v15, v11;
	v11 =	vld [tilespmem:s12+$0x6940]  }
0x1e4: {  	[tilespmem:s12+$0x68E0] =	vst v10;
	v10 =	vmul.f32 v16, v12;
	v15 =	vld [tilespmem:s12+$0x6950]  }
0x1e5: {  	[tilespmem:s12+$0x68F0] =	vst v9;
	v9 =	vmul.f32 v13, v12;
	v13 =	vld [tilespmem:s12+$0x6960]  }
0x1e6: {  	[tilespmem:s12+$0x6900] =	vst v10;
	v10 =	vmul.f32 v14, v12;
	v14 =	vld [tilespmem:s12+$0x6970]  }
0x1e7: {  	[tilespmem:s12+$0x6910] =	vst v9;
	v9 =	vmul.f32 v17, v12;
	v16 =	vld [tilespmem:s12+$0x6980]  }
0x1e8: {  	[tilespmem:s12+$0x6920] =	vst v10;
	v10 =	vmul.f32 v11, v12;
	v11 =	vld [tilespmem:s12+$0x6990]  }
0x1e9: {  	[tilespmem:s12+$0x6930] =	vst v9;
	v9 =	vmul.f32 v15, v12;
	v15 =	vld [tilespmem:s12+$0x69A0]  }
0x1ea: {  	[tilespmem:s12+$0x6940] =	vst v10;
	v10 =	vmul.f32 v13, v12;
	v13 =	vbroadcast v3, $0x9;
	v17 =	vld [tilespmem:s12+$0x69B0]  }
0x1eb: {  	[tilespmem:s12+$0x6950] =	vst v9;
	v9 =	vmul.f32 v14, v12;
	v12 =	vld [tilespmem:s12+$0x69C0]  }
0x1ec: {  	[tilespmem:s12+$0x6960] =	vst v10;
	v10 =	vmul.f32 v16, v13;
	v14 =	vld [tilespmem:s12+$0x69D0]  }
0x1ed: {  	[tilespmem:s12+$0x6970] =	vst v9;
	v9 =	vmul.f32 v11, v13;
	v11 =	vld [tilespmem:s12+$0x69E0]  }
0x1ee: {  	[tilespmem:s12+$0x6980] =	vst v10;
	v10 =	vmul.f32 v15, v13;
	v15 =	vld [tilespmem:s12+$0x69F0]  }
0x1ef: {  	[tilespmem:s12+$0x6990] =	vst v9;
	v9 =	vmul.f32 v17, v13;
	v16 =	vld [tilespmem:s12+$0x6A00]  }
0x1f0: {  	[tilespmem:s12+$0x69A0] =	vst v10;
	v10 =	vmul.f32 v12, v13;
	v12 =	vld [tilespmem:s12+$0x6A10]  }
0x1f1: {  	[tilespmem:s12+$0x69B0] =	vst v9;
	v9 =	vmul.f32 v14, v13;
	v14 =	vld [tilespmem:s12+$0x6A20]  }
0x1f2: {  	[tilespmem:s12+$0x69C0] =	vst v10;
	v10 =	vmul.f32 v11, v13;
	v11 =	vld [tilespmem:s12+$0x6A30]  }
0x1f3: {  	[tilespmem:s12+$0x69D0] =	vst v9;
	v9 =	vmul.f32 v15, v13;
	v13 =	vld [tilespmem:s12+$0x6A40]  }
0x1f4: {  	[tilespmem:s12+$0x69E0] =	vst v10;
	v10 =	vmul.f32 v16, v6;
	v15 =	vld [tilespmem:s12+$0x6A50]  }
0x1f5: {  	[tilespmem:s12+$0x69F0] =	vst v9;
	v9 =	vmul.f32 v12, v6;
	v12 =	vld [tilespmem:s12+$0x6A60]  }
0x1f6: {  	v16 =	vld [tilespmem:s12+$0x6500];
	[tilespmem:s12+$0x6A00] =	vst v10;
	v10 =	vmul.f32 v14, v6  }
0x1f7: {  	v14 =	vld [tilespmem:s12+$0x6510];
	[tilespmem:s12+$0x6A10] =	vst v9;
	v9 =	vmul.f32 v11, v6  }
0x1f8: {  	v11 =	vld [tilespmem:s12+$0x6540];
	[tilespmem:s12+$0x6A20] =	vst v10;
	v10 =	vmul.f32 v13, v6  }
0x1f9: {  	v13 =	vld [tilespmem:s12+$0x6550];
	[tilespmem:s12+$0x6A30] =	vst v9;
	v9 =	vmul.f32 v15, v6  }
0x1fa: {  	[tilespmem:s12+$0x6A40] =	vst v10;
	v10 =	vmul.f32 v12, v6;
	v12 =	vbroadcast v3, $0xB;
	v15 =	vld [tilespmem:s12+$0x6AA0]  }
0x1fb: {  	v6 =	vbroadcast v3, $0xF;
	v16 =	vmul.f32 v4, v16;
	[tilespmem:s12+$0x6A50] =	vst v9;
	v9 =	vld [tilespmem:s12+$0x6AB0]  }
0x1fc: {  	v14 =	vmul.f32 v14, v4;
	[tilespmem:s12+$0x6A60] =	vst v10;
	v7 =	vmul.f32 v7, v12;
	v10 =	vld [tilespmem:s12+$0x6AC0]  }
0x1fd: {  	v8 =	vmul.f32 v8, v12;
	[tilespmem:s12+$0x6500] =	vst v16;
	v11 =	vmul.f32 v11, v4;
	v16 =	vld [tilespmem:s12+$0x6AD0]  }
0x1fe: {  	v5 =	vmul.f32 v5, v6;
	v13 =	vmul.f32 v13, v4;
	[tilespmem:s12+$0x6A80] =	vst v7;
	v4 =	vld [tilespmem:s12+$0x6AE0]  }
0x1ff: {  	[tilespmem:s12+$0x6A90] =	vst v8;
	v7 =	vmul.f32 v15, v12;
	v8 =	vld [tilespmem:s12+$0x6AF0]  }
0x200: {  	v9 =	vmul.f32 v9, v12;
	v15 =	vld [tilespmem:s12+$0x6B00];
	[tilespmem:s12+$0x6CD0] =	vst v5  }
0x201: {  	[tilespmem:s12+$0x6510] =	vst v14;
	v5 =	vmul.f32 v10, v12;
	v10 =	vld [tilespmem:s12+$0x6B10]  }
0x202: {  	[tilespmem:s12+$0x6540] =	vst v11;
	v11 =	vmul.f32 v16, v12;
	v14 =	vld [tilespmem:s12+$0x6B20]  }
0x203: {  	v16 =	vbroadcast v3, $0xC;
	[tilespmem:s12+$0x6AA0] =	vst v7;
	v7 =	vmul.f32 v4, v12;
	v17 =	vld [tilespmem:s12+$0x6B30]  }
0x204: {  	[tilespmem:s12+$0x6AD0] =	vst v11;
	v8 =	vmul.f32 v8, v12;
	v11 =	vld [tilespmem:s12+$0x6B40]  }
0x205: {  	[tilespmem:s12+$0x6AB0] =	vst v9;
	v4 =	vmul.f32 v15, v16;
	v9 =	vld [tilespmem:s12+$0x6B50]  }
0x206: {  	[tilespmem:s12+$0x6AC0] =	vst v5;
	v5 =	vmul.f32 v10, v16;
	v10 =	vld [tilespmem:s12+$0x6B60]  }
0x207: {  	[tilespmem:s12+$0x6B00] =	vst v4;
	v4 =	vmul.f32 v14, v16;
	v12 =	vld [tilespmem:s12+$0x6B70]  }
0x208: {  	[tilespmem:s12+$0x6B10] =	vst v5;
	v5 =	vld [tilespmem:s12+$0x6B80]  }
0x209: {  	[tilespmem:s12+$0x6550] =	vst v13;
	v11 =	vmul.f32 v11, v16;
	v13 =	vld [tilespmem:s12+$0x6B90]  }
0x20a: {  	[tilespmem:s12+$0x6AE0] =	vst v7;
	v7 =	vmul.f32 v9, v16;
	v9 =	vld [tilespmem:s12+$0x6BA0]  }
0x20b: {  	[tilespmem:s12+$0x6B40] =	vst v11;
	v10 =	vmul.f32 v10, v16;
	v11 =	vbroadcast v3, $0xD;
	v14 =	vld [tilespmem:s12+$0x6BB0]  }
0x20c: {  	[tilespmem:s12+$0x6B50] =	vst v7;
	v7 =	vmul.f32 v12, v16;
	v12 =	vld [tilespmem:s12+$0x6BC0]  }
0x20d: {  	[tilespmem:s12+$0x6B60] =	vst v10;
	v5 =	vmul.f32 v5, v11;
	v10 =	vld [tilespmem:s12+$0x6BD0]  }
0x20e: {  	[tilespmem:s12+$0x6B70] =	vst v7;
	v7 =	vmul.f32 v13, v11;
	v13 =	vld [tilespmem:s12+$0x6BE0]  }
0x20f: {  	[tilespmem:s12+$0x6B80] =	vst v5;
	v5 =	vmul.f32 v9, v11;
	v9 =	vld [tilespmem:s12+$0x6BF0]  }
0x210: {  	[tilespmem:s12+$0x6B90] =	vst v7;
	v7 =	vmul.f32 v14, v11;
	v14 =	vld [tilespmem:s12+$0x6C00]  }
0x211: {  	[tilespmem:s12+$0x6BA0] =	vst v5;
	v5 =	vmul.f32 v12, v11;
	v12 =	vld [tilespmem:s12+$0x6C10]  }
0x212: {  	[tilespmem:s12+$0x6BB0] =	vst v7;
	v7 =	vmul.f32 v10, v11;
	v10 =	vld [tilespmem:s12+$0x6C20]  }
0x213: {  	v3 =	vbroadcast v3, $0xE;
	[tilespmem:s12+$0x6AF0] =	vst v8;
	v8 =	vmul.f32 v13, v11;
	v13 =	vld [tilespmem:s12+$0x6C30]  }
0x214: {  	[tilespmem:s12+$0x6BD0] =	vst v7;
	v7 =	vmul.f32 v9, v11;
	v9 =	vld [tilespmem:s12+$0x6C40]  }
0x215: {  	[tilespmem:s12+$0x6BE0] =	vst v8;
	v8 =	vmul.f32 v14, v3;
	v11 =	vld [tilespmem:s12+$0x6C50]  }
0x216: {  	[tilespmem:s12+$0x6BF0] =	vst v7;
	v7 =	vmul.f32 v12, v3;
	v12 =	vld [tilespmem:s12+$0x6C60]  }
0x217: {  	[tilespmem:s12+$0x6C00] =	vst v8;
	v8 =	vmul.f32 v10, v3;
	v10 =	vld [tilespmem:s12+$0x6C70]  }
0x218: {  	[tilespmem:s12+$0x6C10] =	vst v7;
	v7 =	vmul.f32 v13, v3;
	v13 =	vld [tilespmem:s12+$0x6C80]  }
0x219: {  	[tilespmem:s12+$0x6C20] =	vst v8;
	v8 =	vmul.f32 v9, v3;
	v9 =	vld [tilespmem:s12+$0x6C90]  }
0x21a: {  	[tilespmem:s12+$0x6C30] =	vst v7;
	v7 =	vmul.f32 v11, v3;
	v11 =	vld [tilespmem:s12+$0x6CA0]  }
0x21b: {  	[tilespmem:s12+$0x6C40] =	vst v8;
	v8 =	vmul.f32 v12, v3;
	v12 =	vld [tilespmem:s12+$0x6CB0]  }
0x21c: {  	[tilespmem:s12+$0x6BC0] =	vst v5;
	v3 =	vmul.f32 v10, v3;
	v5 =	vld [tilespmem:s12+$0x6CC0]  }
0x21d: {  	[tilespmem:s12+$0x6C60] =	vst v8;
	v8 =	vmul.f32 v13, v6;
	v10 =	vld [tilespmem:s12+$0x6CE0]  }
0x21e: {  	[tilespmem:s12+$0x6C70] =	vst v3;
	v3 =	vmul.f32 v9, v6;
	v9 =	vld [tilespmem:s12+$0x6CF0]  }
0x21f: {  	[tilespmem:s12+$0x6C80] =	vst v8;
	v8 =	vmul.f32 v11, v6  }
0x220: {  	[tilespmem:s12+$0x6C90] =	vst v3;
	v3 =	vmul.f32 v12, v6  }
0x221: {  	v11 =	vmul.f32 v17, v16;
	[tilespmem:s12+$0x6CA0] =	vst v8  }
0x222: {  	[tilespmem:s12+$0x6CB0] =	vst v3;
	v3 =	vmul.f32 v5, v6  }
.Ltmp5:
0x223: {  	[tilespmem:s12+$0x6B30] =	vst v11;
	v5 =	vmul.f32 v9, v6;
	(pc) =	sbr.rel @p2 .LBB2_14-.Ltmp5, $4  }
0x224: {  	[tilespmem:s12+$0x6CC0] =	vst v3  }
0x225: {  	v3 =	vmul.f32 v10, v6;
	[tilespmem:s12+$0x6CF0] =	vst v5  }
0x226: {  	[tilespmem:s12+$0x6C50] =	vst v7  }
0x227: {  	[tilespmem:s12+$0x6CE0] =	vst v3  }
0x228: {  	s10 =	sadd.s32 $0x1, s10  }
0x229: {  	p2 =	sne.s32 s10, $0x28  }
.Ltmp6:
0x22a: {  	[tilespmem:s12+$0x6B20] =	vst v4;
	s5 =	sadd.s32 $0x3C00, s11;
	(pc) =	sbr.rel @p2 .LBB2_13-.Ltmp6, $4  }
0x22b: {  	[spmem:s3] =	stream.indirect.scatter.add.f32 [tilespmem:s2], [sflag:$0x2], $0x80, s5, s26, $0xb8;
	[tilespmem:$0x14E80] =	vst v63  }
0x22c: {  	_ =	swait.ge [sflag:s22], $0x4000  }
0x22d: {  	[sflag:s22] =	ssyncset.done $0x0  }
0x22e: {  	[sflag:s22] =	ssyncadd.s32 $0xFFFFC000  }
0x22f: {  	s5 =	sadd.s32 s18, s24  }
0x230: {  	s5 =	sshll.u32 s5, $0x7  }
0x231: {  	s5 =	sadd.s32 s16, s5  }
0x232: {  	[bflag:$0x0] =	sbarrier.arrive $0xFFFF;
	s10 =	sshll.u32 s0, $0x6;
	s5 =	sshrl.u32 s5, $0x3  }
0x233: {  	s11 =	sshrl.u32 s19, $0x3;
	s10 =	sor.u32 $0x1C02, s10;
	s5 =	sadd.s32 s9, s5  }
0x234: {  	[hbm:s5], [sflag:s10] =	dma.local [spmem:s11], $0x1400  }
.Ltmp7:
0x235: {  	_ =	swait.ge [sflag:s22], $0x1400;
	(pc) =	sbr.rel @p1 .LBB2_8-.Ltmp7, $4  }
0x236: {  	[sflag:s22] =	ssyncset.done $0x0  }
0x237: {  	[sflag:s22] =	ssyncadd.s32 $0xFFFFEC00  }
0x238: {  	s12 =	simm.s32 $0x0;
	[bflag:$0x0] =	sbarrier.arrive $0xFFFF  }
0x239: {  	p2 =	por $0x1, $0x1;
	s24 =	simm.s32 $0x1400;
	p3 =	por $0x0, $0x0  }
.LBB2_17:
0x23a: {  	s21 =	simm.s32 $0x0  }
0x23b: {  	v3 =	vld [tilespmem:s21+$0x1400]  }
0x23c: {  	p1 =	por p2, p2;
	v2 =	vmov s12;
	s5 =	simm.s32 $0x40  }
.LBB2_18:
0x23d: {  	p2 =	sne.s32 s5, $0x4FC0  }
.Ltmp8:
0x23e: {  	_ = 	snop;
	(pc) =	sbr.rel @p2 .LBB2_18-.Ltmp8, $4  }
0x23f: {  	_ = 	snop  }
0x240: {  	s24 =	sshra.s32 s5, $0x2;
	s5 =	sadd.s32 $0x40, s5;
	v4 =	vsub.s32 v3, v2  }
0x241: {  	v3 =	vld [tilespmem:s24+$0x1400];
	v4 =	vmin.u32 v4, $0x1400  }
0x242: {  	[tilespmem:s21+$0x3C00] =	vst v4;
	s21 =	smov.u32 s24  }
0x243: {  	_ =	sdelay $0x1  }
0x244: {  	s5 =	simm.s32 $0x0  }
0x245: {  	s24 =	sand.u32 $0xFE00, s5;
	v2 =	vsub.s32 v3, v2  }
0x246: {  	s25 =	sand.u32 $0x70, s5;
	s24 =	sshrl.u32 s24, $0x2;
	v2 =	vmin.u32 v2, $0x1400  }
0x247: {  	s24 =	sor.u32 s25, s24;
	[tilespmem:s21+$0x3C00] =	vst v2;
	s21 =	simm.s32 $0x40  }
.LBB2_20:
0x248: {  	p2 =	sne.s32 s21, $0xFFC0  }
0x249: {  	[tilespmem:s24+$0x6500] =	vst v1;
	s5 =	sadd.s32 $0x10, s5;
	s24 =	smov.u32 s21;
	s21 =	sadd.s32 $0x40, s21  }
.Ltmp9:
0x24a: {  	(pc) =	sbr.rel @p2 .LBB2_20-.Ltmp9, $4  }
0x24b: {  	_ = 	snop  }
0x24c: {  	s24 =	sand.u32 $0xFE00, s24  }
0x24d: {  	s25 =	sand.u32 $0x70, s5;
	s24 =	sshrl.u32 s24, $0x2  }
0x24e: {  	s24 =	sor.u32 s25, s24  }
0x24f: {  	[tilespmem:s24+$0x6500] =	vst v1  }
0x250: {  	[spmem:s13] =	stream.linear.scatter [tilespmem:s2], [sflag:$0x2], $0x4000, $0x38;
	[tilespmem:$0x14E80] =	vst v63  }
0x251: {  	_ =	swait.ge [sflag:s22], $0x4000  }
0x252: {  	[sflag:s22] =	ssyncset.done $0x0  }
0x253: {  	[sflag:s22] =	ssyncadd.s32 $0xFFFFC000  }
0x254: {  	[spmem:s15] =	stream.linear.scatter [tilespmem:s2], [sflag:$0x2], $0x4000, $0x38;
	[tilespmem:$0x14E80] =	vst v63  }
0x255: {  	_ =	swait.ge [sflag:s22], $0x4000  }
0x256: {  	[sflag:s22] =	ssyncset.done $0x0  }
0x257: {  	s5 =	simm.s32 @!p0 $0x6500;
	[sflag:s22] =	ssyncadd.s32 $0xFFFFC000  }
0x258: {  	[spmem:s17] =	stream.linear.scatter @!p0 [tilespmem:s5], [sflag:$0x2], $0x4000, $0x38;
	[tilespmem:$0x14E80] =	vst v63  }
0x259: {  	s5 =	simm.s32 @!p0 $0x2  }
0x25a: {  	_ =	swait.ge @!p0 [sflag:s5], $0x4000  }
0x25b: {  	[sflag:s5] =	ssyncset.done @!p0 $0x0  }
0x25c: {  	[sflag:s5] =	ssyncadd.s32 @!p0 $0xFFFFC000  }
0x25d: {  	s24 =	simm.s32 $0x0;
	[bflag:$0x0] =	sbarrier.arrive $0xFFFF  }
.LBB2_22:
0x25e: {  	s21 =	sshll.u32 s24, $0x7  }
0x25f: {  	[tilespmem:s2], [sflag:$0x1] =	stream.indirect.gather [hbm4b:s1+s26], $0x80, s21, s26, $0xb8;
	[tilespmem:$0x14E80] =	vst v63  }
0x260: {  	_ =	swait.ge [sflag:s30], $0x4000  }
0x261: {  	s5 =	sadd.s32 $0x5000, s21;
	[sflag:s30] =	ssyncset.done $0x0  }
0x262: {  	s25 =	sadd.s32 $0x2800, s21;
	v2 =	vmov s5;
	[sflag:s30] =	ssyncadd.s32 $0xFFFFC000  }
0x263: {  	[tilespmem:s2], [sflag:$0x1] =	stream.indirect.gather.add.f32 [hbm:s8], $0x80, s25, s26, $0xb8;
	[tilespmem:$0x14E80] =	vst v63  }
0x264: {  	_ =	swait.ge [sflag:s30], $0x4000  }
0x265: {  	s25 =	simm.s32 $0x0;
	[sflag:s30] =	ssyncset.done $0x0  }
0x266: {  	s14 =	simm.s32 $0x0;
	s5 =	sand.u32 $0x3FFFFFF0, s25;
	[sflag:s30] =	ssyncadd.s32 $0xFFFFC000  }
0x267: {  	v3 =	vld.idx.msk [tilespmem:v2+s5+$0x0 ss:$0x1], $0xffff;
	s5 =	sand.u32 $0x3FFFF800, s14  }
0x268: {  	v9 =	vld [tilespmem:s5+$0x65C0]  }
0x269: {  	v10 =	vld [tilespmem:s5+$0x65D0]  }
0x26a: {  	v11 =	vld [tilespmem:s5+$0x65B0]  }
0x26b: {  	v5 =	vld [tilespmem:s5+$0x6520]  }
0x26c: {  	v6 =	vld [tilespmem:s5+$0x6530]  }
0x26d: {  	v12 =	vld [tilespmem:s5+$0x6560]  }
0x26e: {  	v13 =	vld [tilespmem:s5+$0x6570];
	v4 =	vbroadcast v3, $0x0  }
0x26f: {  	v14 =	vld [tilespmem:s5+$0x6580]  }
0x270: {  	v15 =	vld [tilespmem:s5+$0x6590];
	v5 =	vmul.f32 v5, v4  }
0x271: {  	v16 =	vld [tilespmem:s5+$0x65A0];
	v6 =	vmul.f32 v6, v4  }
0x272: {  	v8 =	vld [tilespmem:s5+$0x6A70];
	v27 =	vbroadcast v3, $0x1;
	v26 =	vmul.f32 v12, v4;
	[tilespmem:s5+$0x6520] =	vst v5  }
0x273: {  	v28 =	vld [tilespmem:s5+$0x65E0];
	v13 =	vmul.f32 v13, v4;
	[tilespmem:s5+$0x6530] =	vst v6  }
0x274: {  	v29 =	vld [tilespmem:s5+$0x65F0];
	v14 =	vmul.f32 v14, v27;
	[tilespmem:s5+$0x6560] =	vst v26  }
0x275: {  	v30 =	vld [tilespmem:s5+$0x6600];
	v15 =	vmul.f32 v15, v27;
	[tilespmem:s5+$0x6570] =	vst v13  }
0x276: {  	v31 =	vld [tilespmem:s5+$0x6610];
	v16 =	vmul.f32 v16, v27;
	[tilespmem:s5+$0x6580] =	vst v14  }
0x277: {  	v32 =	vld [tilespmem:s5+$0x6620];
	v11 =	vmul.f32 v11, v27;
	[tilespmem:s5+$0x6590] =	vst v15  }
0x278: {  	v33 =	vld [tilespmem:s5+$0x6630];
	v9 =	vmul.f32 v9, v27;
	[tilespmem:s5+$0x65A0] =	vst v16  }
0x279: {  	v34 =	vld [tilespmem:s5+$0x6640];
	v17 =	vbroadcast v3, $0x2;
	v10 =	vmul.f32 v10, v27;
	[tilespmem:s5+$0x65B0] =	vst v11  }
0x27a: {  	v35 =	vld [tilespmem:s5+$0x6650];
	v12 =	vmul.f32 v29, v27;
	[tilespmem:s5+$0x65C0] =	vst v9  }
0x27b: {  	v37 =	vld [tilespmem:s5+$0x6660];
	v7 =	vbroadcast v3, $0xA;
	v36 =	vmul.f32 v30, v17;
	[tilespmem:s5+$0x65D0] =	vst v10  }
0x27c: {  	v39 =	vld [tilespmem:s5+$0x6670];
	v38 =	vmul.f32 v31, v17;
	[tilespmem:s5+$0x65F0] =	vst v12  }
0x27d: {  	v40 =	vld [tilespmem:s5+$0x6680];
	v5 =	vmul.f32 v8, v7;
	[tilespmem:s5+$0x6600] =	vst v36  }
0x27e: {  	v41 =	vld [tilespmem:s5+$0x6690];
	v13 =	vmul.f32 v28, v27;
	[tilespmem:s5+$0x6610] =	vst v38  }
0x27f: {  	v42 =	vld [tilespmem:s5+$0x66A0];
	v11 =	vmul.f32 v32, v17;
	[tilespmem:s5+$0x6A70] =	vst v5  }
0x280: {  	v43 =	vld [tilespmem:s5+$0x66B0];
	v9 =	vmul.f32 v33, v17;
	[tilespmem:s5+$0x65E0] =	vst v13  }
0x281: {  	v44 =	vld [tilespmem:s5+$0x66C0];
	v10 =	vmul.f32 v34, v17;
	[tilespmem:s5+$0x6620] =	vst v11  }
0x282: {  	v46 =	vld [tilespmem:s5+$0x66D0];
	v45 =	vbroadcast v3, $0x3;
	v12 =	vmul.f32 v37, v17;
	[tilespmem:s5+$0x6630] =	vst v9  }
0x283: {  	v47 =	vld [tilespmem:s5+$0x66E0];
	v14 =	vmul.f32 v39, v17;
	[tilespmem:s5+$0x6640] =	vst v10  }
0x284: {  	v48 =	vld [tilespmem:s5+$0x66F0];
	v15 =	vmul.f32 v40, v45;
	[tilespmem:s5+$0x6660] =	vst v12  }
0x285: {  	v49 =	vld [tilespmem:s5+$0x6700];
	v13 =	vmul.f32 v35, v17;
	[tilespmem:s5+$0x6670] =	vst v14  }
0x286: {  	v50 =	vld [tilespmem:s5+$0x6710];
	v11 =	vmul.f32 v41, v45;
	[tilespmem:s5+$0x6680] =	vst v15  }
0x287: {  	v51 =	vld [tilespmem:s5+$0x6720];
	v9 =	vmul.f32 v42, v45;
	[tilespmem:s5+$0x6650] =	vst v13  }
0x288: {  	v52 =	vld [tilespmem:s5+$0x6730];
	v10 =	vmul.f32 v43, v45;
	[tilespmem:s5+$0x6690] =	vst v11  }
0x289: {  	v53 =	vld [tilespmem:s5+$0x6740];
	v12 =	vmul.f32 v46, v45;
	[tilespmem:s5+$0x66A0] =	vst v9  }
0x28a: {  	v55 =	vld [tilespmem:s5+$0x6750];
	v14 =	vmul.f32 v47, v45;
	[tilespmem:s5+$0x66B0] =	vst v10  }
0x28b: {  	v56 =	vld [tilespmem:s5+$0x6760];
	v54 =	vbroadcast v3, $0x4;
	v15 =	vmul.f32 v48, v45;
	[tilespmem:s5+$0x66D0] =	vst v12  }
0x28c: {  	v57 =	vld [tilespmem:s5+$0x6770];
	v13 =	vmul.f32 v44, v45;
	[tilespmem:s5+$0x66E0] =	vst v14  }
0x28d: {  	v58 =	vld [tilespmem:s5+$0x6780];
	v11 =	vmul.f32 v49, v54;
	[tilespmem:s5+$0x66F0] =	vst v15  }
0x28e: {  	v59 =	vld [tilespmem:s5+$0x6790];
	v9 =	vmul.f32 v50, v54;
	[tilespmem:s5+$0x66C0] =	vst v13  }
0x28f: {  	v60 =	vld [tilespmem:s5+$0x67A0];
	v10 =	vmul.f32 v51, v54;
	[tilespmem:s5+$0x6700] =	vst v11  }
0x290: {  	v61 =	vld [tilespmem:s5+$0x67B0];
	v12 =	vmul.f32 v53, v54;
	[tilespmem:s5+$0x6710] =	vst v9  }
0x291: {  	v62 =	vld [tilespmem:s5+$0x67C0];
	v14 =	vmul.f32 v55, v54;
	[tilespmem:s5+$0x6720] =	vst v10  }
0x292: {  	v20 =	vld [tilespmem:s5+$0x67D0];
	v15 =	vmul.f32 v56, v54;
	[tilespmem:s5+$0x6740] =	vst v12  }
0x293: {  	v21 =	vld [tilespmem:s5+$0x67E0];
	v63 =	vbroadcast v3, $0x5;
	v13 =	vmul.f32 v52, v54;
	[tilespmem:s5+$0x6750] =	vst v14  }
0x294: {  	v22 =	vld [tilespmem:s5+$0x67F0];
	v11 =	vmul.f32 v57, v54;
	[tilespmem:s5+$0x6760] =	vst v15  }
0x295: {  	v23 =	vld [tilespmem:s5+$0x6800];
	v9 =	vmul.f32 v58, v63;
	[tilespmem:s5+$0x6730] =	vst v13  }
0x296: {  	v24 =	vld [tilespmem:s5+$0x6810];
	v10 =	vmul.f32 v59, v63;
	[tilespmem:s5+$0x6770] =	vst v11  }
0x297: {  	v25 =	vld [tilespmem:s5+$0x6820];
	v12 =	vmul.f32 v61, v63;
	[tilespmem:s5+$0x6780] =	vst v9  }
0x298: {  	v29 =	vld [tilespmem:s5+$0x6850];
	v14 =	vmul.f32 v62, v63;
	[tilespmem:s5+$0x6790] =	vst v10  }
0x299: {  	v30 =	vld [tilespmem:s5+$0x6860];
	v15 =	vmul.f32 v20, v63;
	[tilespmem:s5+$0x67B0] =	vst v12  }
0x29a: {  	v26 =	vld [tilespmem:s5+$0x6830];
	v13 =	vmul.f32 v60, v63;
	[tilespmem:s5+$0x67C0] =	vst v14  }
0x29b: {  	v27 =	vld [tilespmem:s5+$0x6840];
	v28 =	vbroadcast v3, $0x6;
	v11 =	vmul.f32 v21, v63;
	[tilespmem:s5+$0x67D0] =	vst v15  }
0x29c: {  	v31 =	vld [tilespmem:s5+$0x6870];
	v9 =	vmul.f32 v22, v63;
	[tilespmem:s5+$0x67A0] =	vst v13  }
0x29d: {  	v6 =	vld [tilespmem:s5+$0x6A80];
	v10 =	vmul.f32 v23, v28;
	[tilespmem:s5+$0x67E0] =	vst v11  }
0x29e: {  	v8 =	vld [tilespmem:s5+$0x6A90];
	v12 =	vmul.f32 v25, v28;
	[tilespmem:s5+$0x67F0] =	vst v9  }
0x29f: {  	v32 =	vld [tilespmem:s5+$0x6880];
	v14 =	vmul.f32 v26, v28;
	[tilespmem:s5+$0x6800] =	vst v10  }
0x2a0: {  	v33 =	vld [tilespmem:s5+$0x6890];
	v15 =	vmul.f32 v27, v28;
	[tilespmem:s5+$0x6820] =	vst v12  }
0x2a1: {  	v34 =	vld [tilespmem:s5+$0x68A0];
	v13 =	vmul.f32 v24, v28;
	[tilespmem:s5+$0x6830] =	vst v14  }
0x2a2: {  	v35 =	vld [tilespmem:s5+$0x68B0];
	v11 =	vmul.f32 v29, v28;
	[tilespmem:s5+$0x6840] =	vst v15  }
0x2a3: {  	v37 =	vbroadcast v3, $0x7;
	v59 =	vld [tilespmem:s5+$0x6A00];
	v9 =	vmul.f32 v30, v28;
	[tilespmem:s5+$0x6810] =	vst v13  }
0x2a4: {  	v20 =	vld [tilespmem:s5+$0x6A50];
	v10 =	vmul.f32 v31, v28;
	[tilespmem:s5+$0x6850] =	vst v11  }
0x2a5: {  	v36 =	vld [tilespmem:s5+$0x68C0];
	v12 =	vmul.f32 v33, v37;
	[tilespmem:s5+$0x6860] =	vst v9  }
0x2a6: {  	v38 =	vld [tilespmem:s5+$0x68D0];
	v14 =	vmul.f32 v34, v37;
	[tilespmem:s5+$0x6870] =	vst v10  }
0x2a7: {  	v39 =	vld [tilespmem:s5+$0x68E0];
	v15 =	vmul.f32 v35, v37;
	[tilespmem:s5+$0x6890] =	vst v12  }
0x2a8: {  	v40 =	vld [tilespmem:s5+$0x68F0];
	v21 =	vmul.f32 v59, v7;
	[tilespmem:s5+$0x68A0] =	vst v14  }
0x2a9: {  	v41 =	vld [tilespmem:s5+$0x6900];
	v28 =	vmul.f32 v20, v7;
	[tilespmem:s5+$0x68B0] =	vst v15  }
0x2aa: {  	v42 =	vld [tilespmem:s5+$0x6910];
	v13 =	vmul.f32 v32, v37;
	[tilespmem:s5+$0x6A00] =	vst v21  }
0x2ab: {  	v43 =	vld [tilespmem:s5+$0x6920];
	v11 =	vmul.f32 v36, v37;
	[tilespmem:s5+$0x6A50] =	vst v28  }
0x2ac: {  	v5 =	vld [tilespmem:s5+$0x6CD0];
	v46 =	vbroadcast v3, $0x8;
	v9 =	vmul.f32 v38, v37;
	[tilespmem:s5+$0x6880] =	vst v13  }
0x2ad: {  	v47 =	vld [tilespmem:s5+$0x6950];
	v10 =	vmul.f32 v39, v37;
	[tilespmem:s5+$0x68C0] =	vst v11  }
0x2ae: {  	v63 =	vld [tilespmem:s5+$0x6A40];
	v12 =	vmul.f32 v41, v46;
	[tilespmem:s5+$0x68D0] =	vst v9  }
0x2af: {  	v23 =	vld [tilespmem:s5+$0x6500];
	v31 =	vbroadcast v3, $0xB;
	v14 =	vmul.f32 v42, v46;
	[tilespmem:s5+$0x68E0] =	vst v10  }
0x2b0: {  	v48 =	vld [tilespmem:s5+$0x6960];
	v15 =	vmul.f32 v43, v46;
	[tilespmem:s5+$0x6900] =	vst v12  }
0x2b1: {  	v44 =	vld [tilespmem:s5+$0x6930];
	v6 =	vmul.f32 v6, v31;
	[tilespmem:s5+$0x6910] =	vst v14  }
0x2b2: {  	v45 =	vld [tilespmem:s5+$0x6940];
	v8 =	vmul.f32 v8, v31;
	[tilespmem:s5+$0x6920] =	vst v15  }
0x2b3: {  	v49 =	vld [tilespmem:s5+$0x6970];
	v26 =	vmul.f32 v63, v7;
	[tilespmem:s5+$0x6A80] =	vst v6  }
0x2b4: {  	v50 =	vld [tilespmem:s5+$0x6980];
	v32 =	vmul.f32 v4, v23;
	[tilespmem:s5+$0x6A90] =	vst v8  }
0x2b5: {  	v51 =	vld [tilespmem:s5+$0x6990];
	v13 =	vmul.f32 v40, v37;
	[tilespmem:s5+$0x6A40] =	vst v26  }
0x2b6: {  	v53 =	vld [tilespmem:s5+$0x69B0];
	v11 =	vmul.f32 v44, v46;
	[tilespmem:s5+$0x6500] =	vst v32  }
0x2b7: {  	v33 =	vld [tilespmem:s5+$0x6AD0];
	v9 =	vmul.f32 v45, v46;
	[tilespmem:s5+$0x68F0] =	vst v13  }
0x2b8: {  	v55 =	vbroadcast v3, $0x9;
	v34 =	vld [tilespmem:s5+$0x6AE0];
	v10 =	vmul.f32 v47, v46;
	[tilespmem:s5+$0x6930] =	vst v11  }
0x2b9: {  	v35 =	vld [tilespmem:s5+$0x6AF0];
	v12 =	vmul.f32 v49, v46;
	[tilespmem:s5+$0x6940] =	vst v9  }
0x2ba: {  	v52 =	vld [tilespmem:s5+$0x69A0];
	v14 =	vmul.f32 v50, v55;
	[tilespmem:s5+$0x6950] =	vst v10  }
0x2bb: {  	v54 =	vld [tilespmem:s5+$0x69C0];
	v15 =	vmul.f32 v51, v55;
	[tilespmem:s5+$0x6970] =	vst v12  }
0x2bc: {  	v57 =	vld [tilespmem:s5+$0x69E0];
	v38 =	vmul.f32 v33, v31;
	[tilespmem:s5+$0x6980] =	vst v14  }
0x2bd: {  	v58 =	vld [tilespmem:s5+$0x69F0];
	v45 =	vmul.f32 v34, v31;
	[tilespmem:s5+$0x6990] =	vst v15  }
0x2be: {  	v61 =	vld [tilespmem:s5+$0x6A20];
	v8 =	vmul.f32 v35, v31;
	[tilespmem:s5+$0x6AD0] =	vst v38  }
0x2bf: {  	v62 =	vld [tilespmem:s5+$0x6A30];
	v13 =	vmul.f32 v48, v46;
	[tilespmem:s5+$0x6AE0] =	vst v45  }
0x2c0: {  	v36 =	vld [tilespmem:s5+$0x6B00];
	v11 =	vmul.f32 v52, v55;
	[tilespmem:s5+$0x6AF0] =	vst v8  }
0x2c1: {  	v60 =	vld [tilespmem:s5+$0x6A10];
	v9 =	vmul.f32 v53, v55;
	[tilespmem:s5+$0x6960] =	vst v13  }
0x2c2: {  	v22 =	vld [tilespmem:s5+$0x6A60];
	v41 =	vbroadcast v3, $0xC;
	v10 =	vmul.f32 v54, v55;
	[tilespmem:s5+$0x69A0] =	vst v11  }
0x2c3: {  	v56 =	vld [tilespmem:s5+$0x69D0];
	v6 =	vbroadcast v3, $0xF;
	v12 =	vmul.f32 v57, v55;
	[tilespmem:s5+$0x69B0] =	vst v9  }
0x2c4: {  	v14 =	vmul.f32 v58, v55;
	[tilespmem:s5+$0x69C0] =	vst v10  }
0x2c5: {  	v5 =	vmul.f32 v5, v6;
	v17 =	vmul.f32 v36, v41;
	[tilespmem:s5+$0x69E0] =	vst v12  }
0x2c6: {  	[tilespmem:s5+$0x69F0] =	vst v14;
	v11 =	vmul.f32 v60, v7;
	v9 =	vmul.f32 v61, v7  }
0x2c7: {  	v24 =	vld [tilespmem:s5+$0x6510];
	v10 =	vmul.f32 v62, v7;
	v7 =	vmul.f32 v22, v7;
	[tilespmem:s5+$0x6CD0] =	vst v5  }
0x2c8: {  	v25 =	vld [tilespmem:s5+$0x6540];
	v13 =	vmul.f32 v56, v55;
	[tilespmem:s5+$0x6B00] =	vst v17  }
0x2c9: {  	[tilespmem:s5+$0x6A60] =	vst v7;
	v7 =	vld [tilespmem:s5+$0x6AC0]  }
0x2ca: {  	v27 =	vld [tilespmem:s5+$0x6550];
	[tilespmem:s5+$0x69D0] =	vst v13  }
0x2cb: {  	v43 =	vld [tilespmem:s5+$0x6B70];
	[tilespmem:s5+$0x6A10] =	vst v11  }
0x2cc: {  	v50 =	vld [tilespmem:s5+$0x6BE0];
	v14 =	vmul.f32 v24, v4;
	[tilespmem:s5+$0x6A20] =	vst v9  }
0x2cd: {  	v29 =	vld [tilespmem:s5+$0x6AA0];
	v5 =	vmul.f32 v25, v4;
	[tilespmem:s5+$0x6A30] =	vst v10  }
0x2ce: {  	v30 =	vld [tilespmem:s5+$0x6AB0];
	[tilespmem:s5+$0x6510] =	vst v14;
	v7 =	vmul.f32 v7, v31  }
0x2cf: {  	v37 =	vld [tilespmem:s5+$0x6B10];
	v49 =	vbroadcast v3, $0xD;
	v4 =	vmul.f32 v27, v4;
	[tilespmem:s5+$0x6540] =	vst v5  }
0x2d0: {  	v17 =	vmul.f32 v43, v41;
	[tilespmem:s5+$0x6AC0] =	vst v7;
	v7 =	vld [tilespmem:s5+$0x6B60]  }
0x2d1: {  	v40 =	vld [tilespmem:s5+$0x6B40];
	v55 =	vmul.f32 v50, v49;
	[tilespmem:s5+$0x6550] =	vst v4  }
0x2d2: {  	v46 =	vld [tilespmem:s5+$0x6BA0];
	v9 =	vmul.f32 v29, v31;
	[tilespmem:s5+$0x6B70] =	vst v17  }
0x2d3: {  	v10 =	vmul.f32 v30, v31;
	v4 =	vld [tilespmem:s5+$0x6B90];
	[tilespmem:s5+$0x6BE0] =	vst v55  }
0x2d4: {  	v53 =	vld [tilespmem:s5+$0x6C20];
	v11 =	vmul.f32 v37, v41;
	[tilespmem:s5+$0x6AA0] =	vst v9  }
0x2d5: {  	v54 =	vld [tilespmem:s5+$0x6C30];
	[tilespmem:s5+$0x6AB0] =	vst v10;
	v7 =	vmul.f32 v7, v41  }
0x2d6: {  	v42 =	vld [tilespmem:s5+$0x6B50];
	v14 =	vmul.f32 v40, v41;
	[tilespmem:s5+$0x6B10] =	vst v11  }
0x2d7: {  	v3 =	vbroadcast v3, $0xE;
	v13 =	vmul.f32 v46, v49;
	[tilespmem:s5+$0x6B60] =	vst v7;
	v7 =	vld [tilespmem:s5+$0x6BD0]  }
0x2d8: {  	v44 =	vld [tilespmem:s5+$0x6B80];
	[tilespmem:s5+$0x6B40] =	vst v14;
	v4 =	vmul.f32 v4, v49  }
0x2d9: {  	v47 =	vld [tilespmem:s5+$0x6BB0];
	v12 =	vmul.f32 v53, v3;
	[tilespmem:s5+$0x6BA0] =	vst v13  }
0x2da: {  	v8 =	vmul.f32 v54, v3;
	[tilespmem:s5+$0x6B90] =	vst v4;
	v4 =	vld [tilespmem:s5+$0x6C00]  }
0x2db: {  	v52 =	vld [tilespmem:s5+$0x6C10];
	v10 =	vmul.f32 v42, v41;
	[tilespmem:s5+$0x6C20] =	vst v12  }
0x2dc: {  	v60 =	vld [tilespmem:s5+$0x6CA0];
	[tilespmem:s5+$0x6C30] =	vst v8;
	v7 =	vmul.f32 v7, v49  }
0x2dd: {  	v51 =	vld [tilespmem:s5+$0x6BF0];
	v11 =	vmul.f32 v44, v49;
	[tilespmem:s5+$0x6B50] =	vst v10  }
0x2de: {  	v14 =	vmul.f32 v47, v49;
	[tilespmem:s5+$0x6BD0] =	vst v7;
	v7 =	vld [tilespmem:s5+$0x6C40]  }
0x2df: {  	v48 =	vld [tilespmem:s5+$0x6BC0];
	[tilespmem:s5+$0x6B80] =	vst v11;
	v4 =	vmul.f32 v4, v3  }
0x2e0: {  	v58 =	vld [tilespmem:s5+$0x6C80];
	v13 =	vmul.f32 v52, v3;
	[tilespmem:s5+$0x6BB0] =	vst v14  }
0x2e1: {  	v8 =	vmul.f32 v60, v6;
	[tilespmem:s5+$0x6C00] =	vst v4;
	v4 =	vld [tilespmem:s5+$0x6C70]  }
0x2e2: {  	v57 =	vld [tilespmem:s5+$0x6C60];
	v11 =	vmul.f32 v51, v49;
	[tilespmem:s5+$0x6C10] =	vst v13  }
0x2e3: {  	v59 =	vld [tilespmem:s5+$0x6C90];
	[tilespmem:s5+$0x6CA0] =	vst v8;
	v7 =	vmul.f32 v7, v3  }
0x2e4: {  	v56 =	vld [tilespmem:s5+$0x6C50];
	v10 =	vmul.f32 v48, v49;
	[tilespmem:s5+$0x6BF0] =	vst v11  }
0x2e5: {  	v13 =	vmul.f32 v58, v6;
	[tilespmem:s5+$0x6C40] =	vst v7;
	v7 =	vld [tilespmem:s5+$0x6CB0]  }
0x2e6: {  	v39 =	vld [tilespmem:s5+$0x6B30];
	[tilespmem:s5+$0x6BC0] =	vst v10;
	v4 =	vmul.f32 v4, v3  }
0x2e7: {  	v61 =	vld [tilespmem:s5+$0x6CC0];
	v11 =	vmul.f32 v57, v3;
	[tilespmem:s5+$0x6C80] =	vst v13  }
0x2e8: {  	v63 =	vld [tilespmem:s5+$0x6CF0];
	[tilespmem:s5+$0x6C70] =	vst v4;
	v4 =	vmul.f32 v59, v6  }
0x2e9: {  	v62 =	vld [tilespmem:s5+$0x6CE0];
	[tilespmem:s5+$0x6C60] =	vst v11;
	v3 =	vmul.f32 v56, v3  }
0x2ea: {  	[tilespmem:s5+$0x6C90] =	vst v4;
	v4 =	vmul.f32 v7, v6  }
0x2eb: {  	v5 =	vld [tilespmem:s5+$0x6B20];
	[tilespmem:s5+$0x6C50] =	vst v3;
	v7 =	vmul.f32 v39, v41  }
0x2ec: {  	[tilespmem:s5+$0x6CB0] =	vst v4;
	v4 =	vmul.f32 v61, v6  }
0x2ed: {  	[tilespmem:s5+$0x6B30] =	vst v7;
	v7 =	vmul.f32 v63, v6  }
0x2ee: {  	v6 =	vmul.f32 v62, v6;
	[tilespmem:s5+$0x6CC0] =	vst v4  }
0x2ef: {  	[tilespmem:s5+$0x6CF0] =	vst v7  }
0x2f0: {  	s25 =	simm.s32 $0x1;
	v4 =	vmul.f32 v5, v41;
	[tilespmem:s5+$0x6CE0] =	vst v6  }
.LBB2_23:
0x2f1: {  	s14 =	sshll.u32 s25, $0x4  }
0x2f2: {  	p2 =	sne.s32 s25, $0x7;
	[tilespmem:s5+$0x6B20] =	vst v4;
	s5 =	smov.u32 s25;
	s25 =	sadd.s32 $0x1, s25  }
0x2f3: {  	s14 =	sand.u32 $0x3FFFFFF0, s14  }
0x2f4: {  	v3 =	vld.idx.msk [tilespmem:v2+s14+$0x0 ss:$0x1], $0xffff  }
0x2f5: {  	s5 =	sshll.u32 s5, $0xB  }
0x2f6: {  	s5 =	sand.u32 $0x3FFFF800, s5  }
0x2f7: {  	v10 =	vld [tilespmem:s5+$0x65C0]  }
0x2f8: {  	v11 =	vld [tilespmem:s5+$0x65D0]  }
0x2f9: {  	v12 =	vld [tilespmem:s5+$0x65B0]  }
0x2fa: {  	v4 =	vbroadcast v3, $0x0;
	v9 =	vbroadcast v3, $0x4;
	v5 =	vld [tilespmem:s5+$0x6520]  }
0x2fb: {  	v7 =	vld [tilespmem:s5+$0x6530]  }
0x2fc: {  	v8 =	vld [tilespmem:s5+$0x6A70]  }
0x2fd: {  	v13 =	vld [tilespmem:s5+$0x6560]  }
0x2fe: {  	v14 =	vld [tilespmem:s5+$0x6570]  }
0x2ff: {  	v6 =	vbroadcast v3, $0xA;
	v5 =	vmul.f32 v5, v4;
	v15 =	vld [tilespmem:s5+$0x6580]  }
0x300: {  	v7 =	vmul.f32 v7, v4;
	v16 =	vld [tilespmem:s5+$0x6590]  }
0x301: {  	[tilespmem:s5+$0x6520] =	vst v5;
	v17 =	vld [tilespmem:s5+$0x65A0];
	v5 =	vmul.f32 v8, v6  }
0x302: {  	[tilespmem:s5+$0x6530] =	vst v7;
	v8 =	vmul.f32 v13, v4;
	v13 =	vbroadcast v3, $0x1;
	v7 =	vld [tilespmem:s5+$0x6A80]  }
0x303: {  	v14 =	vmul.f32 v14, v4;
	[tilespmem:s5+$0x6A70] =	vst v5;
	v5 =	vld [tilespmem:s5+$0x6CD0]  }
0x304: {  	[tilespmem:s5+$0x6560] =	vst v8;
	v15 =	vmul.f32 v15, v13;
	v8 =	vld [tilespmem:s5+$0x6A90]  }
0x305: {  	[tilespmem:s5+$0x6570] =	vst v14;
	v14 =	vmul.f32 v16, v13;
	v16 =	vld [tilespmem:s5+$0x65E0]  }
0x306: {  	[tilespmem:s5+$0x6580] =	vst v15;
	v15 =	vmul.f32 v17, v13;
	v17 =	vld [tilespmem:s5+$0x65F0]  }
0x307: {  	v12 =	vmul.f32 v12, v13;
	[tilespmem:s5+$0x6590] =	vst v14;
	v14 =	vld [tilespmem:s5+$0x6600]  }
0x308: {  	v10 =	vmul.f32 v10, v13;
	[tilespmem:s5+$0x65A0] =	vst v15;
	v15 =	vld [tilespmem:s5+$0x6610]  }
0x309: {  	v11 =	vmul.f32 v11, v13;
	[tilespmem:s5+$0x65B0] =	vst v12;
	v12 =	vld [tilespmem:s5+$0x6620]  }
0x30a: {  	[tilespmem:s5+$0x65C0] =	vst v10;
	v10 =	vmul.f32 v16, v13;
	v16 =	vbroadcast v3, $0x2;
	v18 =	vld [tilespmem:s5+$0x6630]  }
0x30b: {  	[tilespmem:s5+$0x65D0] =	vst v11;
	v11 =	vmul.f32 v17, v13;
	v13 =	vld [tilespmem:s5+$0x6640]  }
0x30c: {  	[tilespmem:s5+$0x65E0] =	vst v10;
	v10 =	vmul.f32 v14, v16;
	v14 =	vld [tilespmem:s5+$0x6650]  }
0x30d: {  	[tilespmem:s5+$0x65F0] =	vst v11;
	v11 =	vmul.f32 v15, v16;
	v15 =	vld [tilespmem:s5+$0x6660]  }
0x30e: {  	[tilespmem:s5+$0x6600] =	vst v10;
	v10 =	vmul.f32 v12, v16;
	v12 =	vld [tilespmem:s5+$0x6670]  }
0x30f: {  	[tilespmem:s5+$0x6610] =	vst v11;
	v11 =	vmul.f32 v18, v16;
	v17 =	vld [tilespmem:s5+$0x6680]  }
0x310: {  	[tilespmem:s5+$0x6620] =	vst v10;
	v10 =	vmul.f32 v13, v16;
	v13 =	vld [tilespmem:s5+$0x6690]  }
0x311: {  	[tilespmem:s5+$0x6630] =	vst v11;
	v11 =	vmul.f32 v14, v16;
	v14 =	vld [tilespmem:s5+$0x66A0]  }
0x312: {  	[tilespmem:s5+$0x6640] =	vst v10;
	v10 =	vmul.f32 v15, v16;
	v15 =	vbroadcast v3, $0x3;
	v18 =	vld [tilespmem:s5+$0x66B0]  }
0x313: {  	[tilespmem:s5+$0x6650] =	vst v11;
	v11 =	vmul.f32 v12, v16;
	v12 =	vld [tilespmem:s5+$0x66C0]  }
0x314: {  	[tilespmem:s5+$0x6660] =	vst v10;
	v10 =	vmul.f32 v17, v15;
	v16 =	vld [tilespmem:s5+$0x66D0]  }
0x315: {  	[tilespmem:s5+$0x6670] =	vst v11;
	v11 =	vmul.f32 v13, v15;
	v13 =	vld [tilespmem:s5+$0x66E0]  }
0x316: {  	[tilespmem:s5+$0x6680] =	vst v10;
	v10 =	vmul.f32 v14, v15;
	v14 =	vld [tilespmem:s5+$0x66F0]  }
0x317: {  	[tilespmem:s5+$0x6690] =	vst v11;
	v11 =	vmul.f32 v18, v15;
	v17 =	vld [tilespmem:s5+$0x6700]  }
0x318: {  	[tilespmem:s5+$0x66A0] =	vst v10;
	v10 =	vmul.f32 v12, v15;
	v12 =	vld [tilespmem:s5+$0x6710]  }
0x319: {  	[tilespmem:s5+$0x66B0] =	vst v11;
	v11 =	vmul.f32 v16, v15;
	v16 =	vld [tilespmem:s5+$0x6720]  }
0x31a: {  	[tilespmem:s5+$0x66C0] =	vst v10;
	v10 =	vmul.f32 v13, v15;
	v13 =	vld [tilespmem:s5+$0x6730]  }
0x31b: {  	[tilespmem:s5+$0x66D0] =	vst v11;
	v11 =	vmul.f32 v14, v15;
	v14 =	vld [tilespmem:s5+$0x6740]  }
0x31c: {  	[tilespmem:s5+$0x66E0] =	vst v10;
	v10 =	vmul.f32 v17, v9;
	v15 =	vld [tilespmem:s5+$0x6750]  }
0x31d: {  	[tilespmem:s5+$0x66F0] =	vst v11;
	v11 =	vmul.f32 v12, v9;
	v12 =	vld [tilespmem:s5+$0x6760]  }
0x31e: {  	[tilespmem:s5+$0x6700] =	vst v10;
	v10 =	vmul.f32 v16, v9;
	v16 =	vld [tilespmem:s5+$0x6770]  }
0x31f: {  	[tilespmem:s5+$0x6710] =	vst v11;
	v11 =	vmul.f32 v13, v9;
	v13 =	vld [tilespmem:s5+$0x6780]  }
0x320: {  	[tilespmem:s5+$0x6720] =	vst v10;
	v10 =	vmul.f32 v14, v9;
	v14 =	vld [tilespmem:s5+$0x6790]  }
0x321: {  	[tilespmem:s5+$0x6730] =	vst v11;
	v11 =	vmul.f32 v15, v9;
	v15 =	vld [tilespmem:s5+$0x67A0]  }
0x322: {  	[tilespmem:s5+$0x6740] =	vst v10;
	v10 =	vmul.f32 v12, v9;
	v12 =	vbroadcast v3, $0x5;
	v17 =	vld [tilespmem:s5+$0x67B0]  }
0x323: {  	[tilespmem:s5+$0x6750] =	vst v11;
	v9 =	vmul.f32 v16, v9;
	v11 =	vld [tilespmem:s5+$0x67C0]  }
0x324: {  	[tilespmem:s5+$0x6760] =	vst v10;
	v10 =	vmul.f32 v13, v12;
	v13 =	vld [tilespmem:s5+$0x67D0]  }
0x325: {  	[tilespmem:s5+$0x6770] =	vst v9;
	v9 =	vmul.f32 v14, v12;
	v14 =	vld [tilespmem:s5+$0x67E0]  }
0x326: {  	[tilespmem:s5+$0x6780] =	vst v10;
	v10 =	vmul.f32 v15, v12;
	v15 =	vld [tilespmem:s5+$0x67F0]  }
0x327: {  	[tilespmem:s5+$0x6790] =	vst v9;
	v9 =	vmul.f32 v17, v12;
	v16 =	vld [tilespmem:s5+$0x6800]  }
0x328: {  	[tilespmem:s5+$0x67A0] =	vst v10;
	v10 =	vmul.f32 v11, v12;
	v11 =	vld [tilespmem:s5+$0x6810]  }
0x329: {  	[tilespmem:s5+$0x67B0] =	vst v9;
	v9 =	vmul.f32 v13, v12;
	v13 =	vld [tilespmem:s5+$0x6820]  }
0x32a: {  	[tilespmem:s5+$0x67C0] =	vst v10;
	v10 =	vmul.f32 v14, v12;
	v14 =	vbroadcast v3, $0x6;
	v17 =	vld [tilespmem:s5+$0x6830]  }
0x32b: {  	[tilespmem:s5+$0x67D0] =	vst v9;
	v9 =	vmul.f32 v15, v12;
	v12 =	vld [tilespmem:s5+$0x6840]  }
0x32c: {  	[tilespmem:s5+$0x67E0] =	vst v10;
	v10 =	vmul.f32 v16, v14;
	v15 =	vld [tilespmem:s5+$0x6850]  }
0x32d: {  	[tilespmem:s5+$0x67F0] =	vst v9;
	v9 =	vmul.f32 v11, v14;
	v11 =	vld [tilespmem:s5+$0x6860]  }
0x32e: {  	[tilespmem:s5+$0x6800] =	vst v10;
	v10 =	vmul.f32 v13, v14;
	v13 =	vld [tilespmem:s5+$0x6870]  }
0x32f: {  	[tilespmem:s5+$0x6810] =	vst v9;
	v9 =	vmul.f32 v17, v14;
	v16 =	vld [tilespmem:s5+$0x6880]  }
0x330: {  	[tilespmem:s5+$0x6820] =	vst v10;
	v10 =	vmul.f32 v12, v14;
	v12 =	vld [tilespmem:s5+$0x6890]  }
0x331: {  	[tilespmem:s5+$0x6830] =	vst v9;
	v9 =	vmul.f32 v15, v14;
	v15 =	vld [tilespmem:s5+$0x68A0]  }
0x332: {  	[tilespmem:s5+$0x6840] =	vst v10;
	v10 =	vmul.f32 v11, v14;
	v11 =	vbroadcast v3, $0x7;
	v17 =	vld [tilespmem:s5+$0x68B0]  }
0x333: {  	[tilespmem:s5+$0x6850] =	vst v9;
	v9 =	vmul.f32 v13, v14;
	v13 =	vld [tilespmem:s5+$0x68C0]  }
0x334: {  	[tilespmem:s5+$0x6860] =	vst v10;
	v10 =	vmul.f32 v16, v11;
	v14 =	vld [tilespmem:s5+$0x68D0]  }
0x335: {  	[tilespmem:s5+$0x6870] =	vst v9;
	v9 =	vmul.f32 v12, v11;
	v12 =	vld [tilespmem:s5+$0x68E0]  }
0x336: {  	[tilespmem:s5+$0x6880] =	vst v10;
	v10 =	vmul.f32 v15, v11;
	v15 =	vld [tilespmem:s5+$0x68F0]  }
0x337: {  	[tilespmem:s5+$0x6890] =	vst v9;
	v9 =	vmul.f32 v17, v11;
	v16 =	vld [tilespmem:s5+$0x6900]  }
0x338: {  	[tilespmem:s5+$0x68A0] =	vst v10;
	v10 =	vmul.f32 v13, v11;
	v13 =	vld [tilespmem:s5+$0x6910]  }
0x339: {  	[tilespmem:s5+$0x68B0] =	vst v9;
	v9 =	vmul.f32 v14, v11;
	v14 =	vld [tilespmem:s5+$0x6920]  }
0x33a: {  	[tilespmem:s5+$0x68C0] =	vst v10;
	v10 =	vmul.f32 v12, v11;
	v12 =	vbroadcast v3, $0x8;
	v17 =	vld [tilespmem:s5+$0x6930]  }
0x33b: {  	[tilespmem:s5+$0x68D0] =	vst v9;
	v9 =	vmul.f32 v15, v11;
	v11 =	vld [tilespmem:s5+$0x6940]  }
0x33c: {  	[tilespmem:s5+$0x68E0] =	vst v10;
	v10 =	vmul.f32 v16, v12;
	v15 =	vld [tilespmem:s5+$0x6950]  }
0x33d: {  	[tilespmem:s5+$0x68F0] =	vst v9;
	v9 =	vmul.f32 v13, v12;
	v13 =	vld [tilespmem:s5+$0x6960]  }
0x33e: {  	[tilespmem:s5+$0x6900] =	vst v10;
	v10 =	vmul.f32 v14, v12;
	v14 =	vld [tilespmem:s5+$0x6970]  }
0x33f: {  	[tilespmem:s5+$0x6910] =	vst v9;
	v9 =	vmul.f32 v17, v12;
	v16 =	vld [tilespmem:s5+$0x6980]  }
0x340: {  	[tilespmem:s5+$0x6920] =	vst v10;
	v10 =	vmul.f32 v11, v12;
	v11 =	vld [tilespmem:s5+$0x6990]  }
0x341: {  	[tilespmem:s5+$0x6930] =	vst v9;
	v9 =	vmul.f32 v15, v12;
	v15 =	vld [tilespmem:s5+$0x69A0]  }
0x342: {  	[tilespmem:s5+$0x6940] =	vst v10;
	v10 =	vmul.f32 v13, v12;
	v13 =	vbroadcast v3, $0x9;
	v17 =	vld [tilespmem:s5+$0x69B0]  }
0x343: {  	[tilespmem:s5+$0x6950] =	vst v9;
	v9 =	vmul.f32 v14, v12;
	v12 =	vld [tilespmem:s5+$0x69C0]  }
0x344: {  	[tilespmem:s5+$0x6960] =	vst v10;
	v10 =	vmul.f32 v16, v13;
	v14 =	vld [tilespmem:s5+$0x69D0]  }
0x345: {  	[tilespmem:s5+$0x6970] =	vst v9;
	v9 =	vmul.f32 v11, v13;
	v11 =	vld [tilespmem:s5+$0x69E0]  }
0x346: {  	[tilespmem:s5+$0x6980] =	vst v10;
	v10 =	vmul.f32 v15, v13;
	v15 =	vld [tilespmem:s5+$0x69F0]  }
0x347: {  	[tilespmem:s5+$0x6990] =	vst v9;
	v9 =	vmul.f32 v17, v13;
	v16 =	vld [tilespmem:s5+$0x6A00]  }
0x348: {  	[tilespmem:s5+$0x69A0] =	vst v10;
	v10 =	vmul.f32 v12, v13;
	v12 =	vld [tilespmem:s5+$0x6A10]  }
0x349: {  	[tilespmem:s5+$0x69B0] =	vst v9;
	v9 =	vmul.f32 v14, v13;
	v14 =	vld [tilespmem:s5+$0x6A20]  }
0x34a: {  	[tilespmem:s5+$0x69C0] =	vst v10;
	v10 =	vmul.f32 v11, v13;
	v11 =	vld [tilespmem:s5+$0x6A30]  }
0x34b: {  	[tilespmem:s5+$0x69D0] =	vst v9;
	v9 =	vmul.f32 v15, v13;
	v13 =	vld [tilespmem:s5+$0x6A40]  }
0x34c: {  	[tilespmem:s5+$0x69E0] =	vst v10;
	v10 =	vmul.f32 v16, v6;
	v15 =	vld [tilespmem:s5+$0x6A50]  }
0x34d: {  	[tilespmem:s5+$0x69F0] =	vst v9;
	v9 =	vmul.f32 v12, v6;
	v12 =	vld [tilespmem:s5+$0x6A60]  }
0x34e: {  	v16 =	vld [tilespmem:s5+$0x6500];
	[tilespmem:s5+$0x6A00] =	vst v10;
	v10 =	vmul.f32 v14, v6  }
0x34f: {  	v14 =	vld [tilespmem:s5+$0x6510];
	[tilespmem:s5+$0x6A10] =	vst v9;
	v9 =	vmul.f32 v11, v6  }
0x350: {  	v11 =	vld [tilespmem:s5+$0x6540];
	[tilespmem:s5+$0x6A20] =	vst v10;
	v10 =	vmul.f32 v13, v6  }
0x351: {  	v13 =	vld [tilespmem:s5+$0x6550];
	[tilespmem:s5+$0x6A30] =	vst v9;
	v9 =	vmul.f32 v15, v6  }
0x352: {  	[tilespmem:s5+$0x6A40] =	vst v10;
	v10 =	vmul.f32 v12, v6;
	v12 =	vbroadcast v3, $0xB;
	v15 =	vld [tilespmem:s5+$0x6AA0]  }
0x353: {  	v6 =	vbroadcast v3, $0xF;
	v16 =	vmul.f32 v4, v16;
	[tilespmem:s5+$0x6A50] =	vst v9;
	v9 =	vld [tilespmem:s5+$0x6AB0]  }
0x354: {  	v14 =	vmul.f32 v14, v4;
	[tilespmem:s5+$0x6A60] =	vst v10;
	v7 =	vmul.f32 v7, v12;
	v10 =	vld [tilespmem:s5+$0x6AC0]  }
0x355: {  	v8 =	vmul.f32 v8, v12;
	[tilespmem:s5+$0x6500] =	vst v16;
	v11 =	vmul.f32 v11, v4;
	v16 =	vld [tilespmem:s5+$0x6AD0]  }
0x356: {  	v5 =	vmul.f32 v5, v6;
	v13 =	vmul.f32 v13, v4;
	[tilespmem:s5+$0x6A80] =	vst v7;
	v4 =	vld [tilespmem:s5+$0x6AE0]  }
0x357: {  	[tilespmem:s5+$0x6A90] =	vst v8;
	v7 =	vmul.f32 v15, v12;
	v8 =	vld [tilespmem:s5+$0x6AF0]  }
0x358: {  	v9 =	vmul.f32 v9, v12;
	v15 =	vld [tilespmem:s5+$0x6B00];
	[tilespmem:s5+$0x6CD0] =	vst v5  }
0x359: {  	[tilespmem:s5+$0x6510] =	vst v14;
	v5 =	vmul.f32 v10, v12;
	v10 =	vld [tilespmem:s5+$0x6B10]  }
0x35a: {  	[tilespmem:s5+$0x6540] =	vst v11;
	v11 =	vmul.f32 v16, v12;
	v14 =	vld [tilespmem:s5+$0x6B20]  }
0x35b: {  	v16 =	vbroadcast v3, $0xC;
	[tilespmem:s5+$0x6AA0] =	vst v7;
	v7 =	vmul.f32 v4, v12;
	v17 =	vld [tilespmem:s5+$0x6B30]  }
0x35c: {  	[tilespmem:s5+$0x6AD0] =	vst v11;
	v8 =	vmul.f32 v8, v12;
	v11 =	vld [tilespmem:s5+$0x6B40]  }
0x35d: {  	[tilespmem:s5+$0x6AB0] =	vst v9;
	v4 =	vmul.f32 v15, v16;
	v9 =	vld [tilespmem:s5+$0x6B50]  }
0x35e: {  	[tilespmem:s5+$0x6AC0] =	vst v5;
	v5 =	vmul.f32 v10, v16;
	v10 =	vld [tilespmem:s5+$0x6B60]  }
0x35f: {  	[tilespmem:s5+$0x6B00] =	vst v4;
	v4 =	vmul.f32 v14, v16;
	v12 =	vld [tilespmem:s5+$0x6B70]  }
0x360: {  	[tilespmem:s5+$0x6B10] =	vst v5;
	v5 =	vld [tilespmem:s5+$0x6B80]  }
0x361: {  	[tilespmem:s5+$0x6550] =	vst v13;
	v11 =	vmul.f32 v11, v16;
	v13 =	vld [tilespmem:s5+$0x6B90]  }
0x362: {  	[tilespmem:s5+$0x6AE0] =	vst v7;
	v7 =	vmul.f32 v9, v16;
	v9 =	vld [tilespmem:s5+$0x6BA0]  }
0x363: {  	[tilespmem:s5+$0x6B40] =	vst v11;
	v10 =	vmul.f32 v10, v16;
	v11 =	vbroadcast v3, $0xD;
	v14 =	vld [tilespmem:s5+$0x6BB0]  }
0x364: {  	[tilespmem:s5+$0x6B50] =	vst v7;
	v7 =	vmul.f32 v12, v16;
	v12 =	vld [tilespmem:s5+$0x6BC0]  }
0x365: {  	[tilespmem:s5+$0x6B60] =	vst v10;
	v5 =	vmul.f32 v5, v11;
	v10 =	vld [tilespmem:s5+$0x6BD0]  }
0x366: {  	[tilespmem:s5+$0x6B70] =	vst v7;
	v7 =	vmul.f32 v13, v11;
	v13 =	vld [tilespmem:s5+$0x6BE0]  }
0x367: {  	[tilespmem:s5+$0x6B80] =	vst v5;
	v5 =	vmul.f32 v9, v11;
	v9 =	vld [tilespmem:s5+$0x6BF0]  }
0x368: {  	[tilespmem:s5+$0x6B90] =	vst v7;
	v7 =	vmul.f32 v14, v11;
	v14 =	vld [tilespmem:s5+$0x6C00]  }
0x369: {  	[tilespmem:s5+$0x6BA0] =	vst v5;
	v5 =	vmul.f32 v12, v11;
	v12 =	vld [tilespmem:s5+$0x6C10]  }
0x36a: {  	[tilespmem:s5+$0x6BB0] =	vst v7;
	v7 =	vmul.f32 v10, v11;
	v10 =	vld [tilespmem:s5+$0x6C20]  }
0x36b: {  	v3 =	vbroadcast v3, $0xE;
	[tilespmem:s5+$0x6AF0] =	vst v8;
	v8 =	vmul.f32 v13, v11;
	v13 =	vld [tilespmem:s5+$0x6C30]  }
0x36c: {  	[tilespmem:s5+$0x6BD0] =	vst v7;
	v7 =	vmul.f32 v9, v11;
	v9 =	vld [tilespmem:s5+$0x6C40]  }
0x36d: {  	[tilespmem:s5+$0x6BE0] =	vst v8;
	v8 =	vmul.f32 v14, v3;
	v11 =	vld [tilespmem:s5+$0x6C50]  }
0x36e: {  	[tilespmem:s5+$0x6BF0] =	vst v7;
	v7 =	vmul.f32 v12, v3;
	v12 =	vld [tilespmem:s5+$0x6C60]  }
0x36f: {  	[tilespmem:s5+$0x6C00] =	vst v8;
	v8 =	vmul.f32 v10, v3;
	v10 =	vld [tilespmem:s5+$0x6C70]  }
0x370: {  	[tilespmem:s5+$0x6C10] =	vst v7;
	v7 =	vmul.f32 v13, v3;
	v13 =	vld [tilespmem:s5+$0x6C80]  }
0x371: {  	[tilespmem:s5+$0x6C20] =	vst v8;
	v8 =	vmul.f32 v9, v3;
	v9 =	vld [tilespmem:s5+$0x6C90]  }
0x372: {  	[tilespmem:s5+$0x6C30] =	vst v7;
	v7 =	vmul.f32 v11, v3;
	v11 =	vld [tilespmem:s5+$0x6CA0]  }
0x373: {  	[tilespmem:s5+$0x6C40] =	vst v8;
	v8 =	vmul.f32 v12, v3;
	v12 =	vld [tilespmem:s5+$0x6CB0]  }
0x374: {  	[tilespmem:s5+$0x6BC0] =	vst v5;
	v3 =	vmul.f32 v10, v3;
	v5 =	vld [tilespmem:s5+$0x6CC0]  }
0x375: {  	[tilespmem:s5+$0x6C60] =	vst v8;
	v8 =	vmul.f32 v13, v6;
	v10 =	vld [tilespmem:s5+$0x6CE0]  }
0x376: {  	[tilespmem:s5+$0x6C70] =	vst v3;
	v3 =	vmul.f32 v9, v6;
	v9 =	vld [tilespmem:s5+$0x6CF0]  }
0x377: {  	[tilespmem:s5+$0x6C80] =	vst v8;
	v8 =	vmul.f32 v11, v6  }
0x378: {  	[tilespmem:s5+$0x6C90] =	vst v3;
	v3 =	vmul.f32 v12, v6  }
0x379: {  	v11 =	vmul.f32 v17, v16;
	[tilespmem:s5+$0x6CA0] =	vst v8  }
0x37a: {  	[tilespmem:s5+$0x6CB0] =	vst v3;
	v3 =	vmul.f32 v5, v6  }
.Ltmp10:
0x37b: {  	[tilespmem:s5+$0x6B30] =	vst v11;
	v5 =	vmul.f32 v9, v6;
	(pc) =	sbr.rel @p2 .LBB2_23-.Ltmp10, $4  }
0x37c: {  	[tilespmem:s5+$0x6CC0] =	vst v3  }
0x37d: {  	v3 =	vmul.f32 v10, v6;
	[tilespmem:s5+$0x6CF0] =	vst v5  }
0x37e: {  	[tilespmem:s5+$0x6C50] =	vst v7  }
0x37f: {  	[tilespmem:s5+$0x6CE0] =	vst v3  }
0x380: {  	s24 =	sadd.s32 $0x1, s24  }
0x381: {  	p2 =	sne.s32 s24, $0x28  }
.Ltmp11:
0x382: {  	[tilespmem:s5+$0x6B20] =	vst v4;
	s25 =	sadd.s32 $0x3C00, s21;
	(pc) =	sbr.rel @p2 .LBB2_22-.Ltmp11, $4  }
0x383: {  	[spmem:s3] =	stream.indirect.scatter.add.f32 [tilespmem:s2], [sflag:$0x2], $0x80, s25, s26, $0xb8;
	[tilespmem:$0x14E80] =	vst v63  }
0x384: {  	_ =	swait.ge [sflag:s22], $0x4000  }
0x385: {  	[sflag:s22] =	ssyncset.done $0x0  }
0x386: {  	[sflag:s22] =	ssyncadd.s32 $0xFFFFC000  }
0x387: {  	s5 =	sadd.s32 s18, s12  }
0x388: {  	s5 =	sshll.u32 s5, $0x7  }
0x389: {  	s5 =	sadd.s32 s5, s20  }
0x38a: {  	s5 =	sshrl.u32 s5, $0x3  }
0x38b: {  	[bflag:$0x0] =	sbarrier.arrive $0xFFFF;
	s5 =	sadd.s32 s9, s5  }
0x38c: {  	[hbm:s5], [sflag:s10] =	dma.local [spmem:s11], $0x1400  }
.Ltmp12:
0x38d: {  	_ =	swait.ge [sflag:s22], $0x1400;
	(pc) =	sbr.rel @p1 .LBB2_17-.Ltmp12, $4  }
0x38e: {  	[sflag:s22] =	ssyncset.done $0x0  }
0x38f: {  	[sflag:s22] =	ssyncadd.s32 $0xFFFFEC00  }
0x390: {  	[bflag:$0x0] =	sbarrier.arrive $0xFFFF  }
0x391: {  	s12 =	simm.s32 $0x1400;
	p2 =	por $0x0, $0x0  }
0x392: {  	s23 =	sadd.s32 $0x1, s23;
	s5 =	rddreg [dreg:$0x9]  }
0x393: {  	p1 =	sne.s32 s23, s5  }
.Ltmp13:
0x394: {  	_ = 	snop;
	(pc) =	sbr.rel @p1 .LBB2_1-.Ltmp13, $2  }
0x395: {  	_ =	sdelay $0x2  }
0x396: {  	s11 =	rddreg [dreg:$0x8];
	s14 =	simm.s32 $0xA580  }
0x397: {  	_ =	sfence.sel $0x180000  }
0x398: {  	[bflag:$0x0] =	sbarrier.arrive $0xFFFF  }
0x399: {  	_ =	strace $0x90000047  }
0x39a: {  	[bflag:$0x2] =	sbarrier.arrive $0xFFFF  }
0x39b: {  	p0 =	sne.s32 s0, $0x0;
	s0 =	rddreg [dreg:$0x4]  }
0x39c: {  	s0 =	sadd.s32 @!p0 $0x100000, s0  }
0x39d: {  	[sflag:s0] =	ssyncadd.tile.s32 @!p0 $0x1;
	_ =	shalt  }
.Lfunc_end2:
_tile_overlayer_lowered:
.L_overlay_start_2:
0x39e: {  	(tag) =	ssettag $0x2  }
0x39f: {  	s0 =	rddreg [dreg:$0x0];
	s2 =	stileid.u32  }
0x3a0: {  	s1 =	rddreg [dreg:$0x1];
	p0 =	sne.s32 s2, $0x0  }
0x3a1: {  	s3 =	rddreg [dreg:$0x2];
	[bflag:$0x3] =	sbarrier.arrive $0xFFFF;
	s2 =	simm.s32 @!p0 $0x1C02  }
0x3a2: {  	[timem:s3], [sflag:s2] =	dma.local @!p0 [hbm:s0], s1  }
0x3a3: {  	s0 =	simm.s32 @!p0 $0x2  }
0x3a4: {  	_ =	swait.ge @!p0 [sflag:s0], s1  }
0x3a5: {  	s1 =	ssub.s32 @!p0 $0x0, s1;
	[sflag:s0] =	ssyncset.done @!p0 $0x0  }
0x3a6: {  	[sflag:s0] =	ssyncadd.s32 @!p0 s1  }
0x3a7: {  	[bflag:$0x3] =	sbarrier.arrive $0xFFFF  }
0x3a8: {  	_ =	shalt  }

</sc_bundles>
